<compile_context>
chip_gen: v7x
topology: tpu7x:2x2x1
jax: 0.10.2.dev20260603
libtpu: 0.0.44.dev20260713+nightly
codegen_flags: <defaults>
</compile_context>

<pallas_src>
import functools
import math

import jax
import jax.numpy as jnp
from jax import lax
from jax.experimental import pallas as pl
from jax.experimental.pallas import tpu as pltpu
from jax.experimental.pallas import tpu_sc as plsc

D_MODEL = 64
SCALE = 8.0
LANES = 16
CT = 128
NB = 4


def _make_sc_gather(BATCH, HIST, V):
    info = plsc.get_sparse_core_info()
    NC, NS = info.num_cores, info.num_subcores
    NW = NC * NS
    assert BATCH % (CT * NW) == 0
    nch = HIST
    tg = CT // LANES

    mesh = plsc.VectorSubcoreMesh(core_axis_name="c", subcore_axis_name="s")

    @functools.partial(
        pl.kernel,
        out_type=jax.ShapeDtypeStruct((HIST, D_MODEL, BATCH), jnp.float32),
        mesh=mesh,
        scratch_types=[
            pltpu.VMEM((nch, CT), jnp.int32),
            [pltpu.VMEM((CT,), jnp.int32) for _ in range(NB)],
            [pltpu.VMEM((CT,), jnp.int32) for _ in range(NB)],
            [pltpu.VMEM((CT, 2 * D_MODEL), jnp.float32) for _ in range(NB)],
            [pltpu.VMEM((D_MODEL, CT), jnp.float32) for _ in range(NB)],
            [pltpu.SemaphoreType.DMA for _ in range(NB)],
            [pltpu.SemaphoreType.DMA for _ in range(NB)],
        ],
        compiler_params=pltpu.CompilerParams(needs_layout_passes=False),
    )
    def body(tab_hbm, idx_hbm, out_hbm, idx_all, pvs, hvs, bufs, tbufs,
             gsems, ssems):
        wid = lax.axis_index("s") * NC + lax.axis_index("c")
        bcol = wid * CT

        pltpu.sync_copy(idx_hbm.at[:, pl.ds(bcol, CT)], idx_all)

        def gather_desc(s):
            return pltpu.make_async_copy(tab_hbm.at[pvs[s]], bufs[s], gsems[s])

        def scatter_descs(h, s):
            return [
                pltpu.make_async_copy(
                    tbufs[s],
                    out_hbm.at[h, :, pl.ds(bcol, CT)],
                    ssems[s],
                )
            ]

        def pre(h, s):
            @pl.when(h >= NB)
            def _():
                for d in scatter_descs(h - NB, s):
                    d.wait()

            for g in range(tg):
                sl = pl.ds(g * LANES, LANES)
                v = idx_all[h, sl]
                pvs[s][sl] = v >> 1
                hvs[s][sl] = (v & 1) << 6
            gather_desc(s).start()

        def post(h, s):
            gather_desc(s).wait()
            buf, tbuf, hv_ref = bufs[s], tbufs[s], hvs[s]
            ci = lax.iota(jnp.int32, LANES)
            rowvs = [lax.iota(jnp.int32, LANES) + (g * LANES) for g in range(tg)]
            hvv = [hv_ref[pl.ds(g * LANES, LANES)] for g in range(tg)]

            @plsc.parallel_loop(0, LANES, unroll=1)
            def _sel(k):
                w = (ci + jnp.full((LANES,), k, jnp.int32)) & (LANES - 1)
                for j in range(D_MODEL // LANES):
                    colv = w + (j * LANES)
                    for g in range(tg):
                        v = plsc.load_gather(buf, [rowvs[g], hvv[g] + colv])
                        plsc.store_scatter(tbuf, [colv, rowvs[g]], v * SCALE)

            for d in scatter_descs(h, s):
                d.start()

        def step(h, s_pre, s_post):
            @pl.when(h < nch)
            def _():
                pre(h, s_pre)

            h2 = h - 2

            @pl.when(jnp.logical_and(h2 >= 0, h2 < nch))
            def _():
                post(h2, s_post)

        n_steps = nch + 2
        n_rounds = (n_steps + NB - 1) // NB

        def round_body(k, carry):
            for t in range(NB):
                step(k * NB + t, t, (t + 2) % NB)
            return carry

        lax.fori_loop(0, n_rounds, round_body, 0)

        for h in range(nch - NB, nch):
            for d in scatter_descs(h, h % NB):
                d.wait()

    return body


def kernel(token_ids, embedding_weights):
    BATCH, HIST = token_ids.shape
    V = embedding_weights.shape[0]
    tab2 = embedding_weights.reshape(V // 2, 2 * D_MODEL)
    idxT = token_ids.T
    out3 = _make_sc_gather(BATCH, HIST, V)(tab2, idxT)
    return out3.transpose(2, 0, 1)

# --- scband reference (transcript-rebuilt; emitter-appended) ---
"""Pipeline reference for scband-token-embedding-68058051772457 (READ-ONLY COPY).

The authoritative reference and input builder live on the scoring server;
editing this copy changes nothing except your own understanding.
"""

import jax, jax.numpy as jnp
import numpy as np
import math

VOCAB_SIZE = 1000000
D_MODEL = 64
BATCH = 4096
HIST_LEN = 200


def setup_inputs(seed: int = 0) -> dict:
    key = jax.random.key(seed)
    k1, k2 = jax.random.split(key)
    token_ids = jax.random.randint(k1, (BATCH, HIST_LEN), 0, VOCAB_SIZE, dtype=jnp.int64 if jax.config.jax_enable_x64 else jnp.int32)
    limit = math.sqrt(6 / (VOCAB_SIZE + D_MODEL))
    embedding_weights = (jax.random.uniform(k2, (VOCAB_SIZE, D_MODEL), dtype=jnp.float32) * 2.0 - 1.0) * limit
    return {"token_ids": token_ids, "embedding_weights": embedding_weights}


def reference(token_ids, embedding_weights):
    embedded = jnp.take(embedding_weights, token_ids, axis=0)
    return embedded * math.sqrt(D_MODEL)

if __name__ == "__main__":
    import jax
    _d = setup_inputs()
    print(jax.jit(kernel)(*tuple(_d.values())))

</pallas_src>

<mosaic_0001>
#map = affine_map<(d0, d1) -> (0, 0)>
#map1 = affine_map<(d0, d1) -> (0, 0, 0)>
module attributes {stable_mosaic.version = 14 : i64} {
  func.func @body(%arg0: i32, %arg1: i32, %arg2: memref<500000x128xf32, #tpu.memory_space<hbm>>, %arg3: memref<200x4096xi32, #tpu.memory_space<hbm>>, %arg4: memref<200x64x4096xf32, #tpu.memory_space<hbm>>, %arg5: memref<200x128xi32, #tpu.memory_space<vmem>>, %arg6: memref<128xi32, #tpu.memory_space<vmem>>, %arg7: memref<128xi32, #tpu.memory_space<vmem>>, %arg8: memref<128xi32, #tpu.memory_space<vmem>>, %arg9: memref<128xi32, #tpu.memory_space<vmem>>, %arg10: memref<128xi32, #tpu.memory_space<vmem>>, %arg11: memref<128xi32, #tpu.memory_space<vmem>>, %arg12: memref<128xi32, #tpu.memory_space<vmem>>, %arg13: memref<128xi32, #tpu.memory_space<vmem>>, %arg14: memref<128x128xf32, #tpu.memory_space<vmem>>, %arg15: memref<128x128xf32, #tpu.memory_space<vmem>>, %arg16: memref<128x128xf32, #tpu.memory_space<vmem>>, %arg17: memref<128x128xf32, #tpu.memory_space<vmem>>, %arg18: memref<64x128xf32, #tpu.memory_space<vmem>>, %arg19: memref<64x128xf32, #tpu.memory_space<vmem>>, %arg20: memref<64x128xf32, #tpu.memory_space<vmem>>, %arg21: memref<64x128xf32, #tpu.memory_space<vmem>>, %arg22: memref<!tpu.dma_semaphore, #tpu.memory_space<semaphore_mem>>, %arg23: memref<!tpu.dma_semaphore, #tpu.memory_space<semaphore_mem>>, %arg24: memref<!tpu.dma_semaphore, #tpu.memory_space<semaphore_mem>>, %arg25: memref<!tpu.dma_semaphore, #tpu.memory_space<semaphore_mem>>, %arg26: memref<!tpu.dma_semaphore, #tpu.memory_space<semaphore_mem>>, %arg27: memref<!tpu.dma_semaphore, #tpu.memory_space<semaphore_mem>>, %arg28: memref<!tpu.dma_semaphore, #tpu.memory_space<semaphore_mem>>, %arg29: memref<!tpu.dma_semaphore, #tpu.memory_space<semaphore_mem>>) attributes {dimension_semantics = [#tpu.dimension_semantics<core_parallel>, #tpu.dimension_semantics<subcore_parallel>], iteration_bounds = array<i64: 2, 16>, scalar_prefetch = 0 : i64, scratch_operands = 25 : i64, tpu.core_type = #tpu.core_type<sc_vector_subcore>, window_params = [{transform_indices = #map}, {transform_indices = #map}, {transform_indices = #map1}]} {
    %mul3A = arith.constant 2 : i32
    %mul3A_0 = arith.muli %arg1, %mul3A : i32
    %add3A = arith.addi %mul3A_0, %arg0 : i32
    %mul3A_1 = arith.constant 128 : i32
    %mul3A_2 = arith.muli %add3A, %mul3A_1 : i32
    "tpu.region"() ({
      %run_scoped3A = tpu.sem_alloc : memref<!tpu.dma_semaphore, #tpu.memory_space<semaphore_mem>>
      %dma_start3A = arith.constant 0 : i32
      %dma_start3A_35 = tpu.memref_slice %arg3[%dma_start3A, %mul3A_2] : memref<200x4096xi32, #tpu.memory_space<hbm>> -> memref<200x128xi32, #tpu.memory_space<hbm>>
      %dma_start3A_36 = arith.constant 0 : i32
      %dma_start3A_37 = tpu.memref_slice %arg3[%dma_start3A_36, %mul3A_2] : memref<200x4096xi32, #tpu.memory_space<hbm>> -> memref<200x128xi32, #tpu.memory_space<hbm>>
      tpu.enqueue_dma source(%dma_start3A_37 : memref<200x128xi32, #tpu.memory_space<hbm>>) target(%arg5 : memref<200x128xi32, #tpu.memory_space<vmem>>) target_semaphore(%run_scoped3A : memref<!tpu.dma_semaphore, #tpu.memory_space<semaphore_mem>>)
      %dma_wait3A_38 = arith.constant 0 : i32
      %dma_wait3A_39 = tpu.memref_slice %arg3[%dma_wait3A_38, %mul3A_2] : memref<200x4096xi32, #tpu.memory_space<hbm>> -> memref<200x128xi32, #tpu.memory_space<hbm>>
      %dma_wait3A_40 = arith.constant 0 : i32
      %dma_wait3A_41 = tpu.memref_slice %arg3[%dma_wait3A_40, %mul3A_2] : memref<200x4096xi32, #tpu.memory_space<hbm>> -> memref<200x128xi32, #tpu.memory_space<hbm>>
      tpu.wait_dma2 semaphore(%run_scoped3A : memref<!tpu.dma_semaphore, #tpu.memory_space<semaphore_mem>>) src(%dma_wait3A_41 : memref<200x128xi32, #tpu.memory_space<hbm>>) dst(%arg5 : memref<200x128xi32, #tpu.memory_space<vmem>>)
      tpu.yield
    }) : () -> ()
    %scan3A = arith.constant 0 : i32
    %scan3A_3 = arith.constant 0 : i32
    %scan3A_4 = arith.constant 51 : i32
    %scan3A_5 = arith.addi %scan3A_3, %scan3A_4 : i32
    %scan3A_6 = arith.constant 1 : i32
    scf.for %scan3A_35 = %scan3A_3 to %scan3A_5 step %scan3A_6  : i32 {
      %mul3A_36 = arith.constant 4 : i32
      %mul3A_37 = arith.muli %scan3A_35, %mul3A_36 : i32
      %add3A_38 = arith.constant 0 : i32
      %add3A_39 = arith.addi %mul3A_37, %add3A_38 : i32
      %lt3A = arith.constant 200 : i32
      %lt3A_40 = arith.cmpi slt, %add3A_39, %lt3A : i32
      %convert_element_type3A = arith.extui %lt3A_40 : i1 to i32
      %cond3A = arith.constant 0 : i32
      %cond3A_41 = arith.cmpi ne, %convert_element_type3A, %cond3A : i32
      scf.if %cond3A_41 {
        %ge3A_106 = arith.constant 4 : i32
        %ge3A_107 = arith.cmpi sge, %add3A_39, %ge3A_106 : i32
        %convert_element_type3A_108 = arith.extui %ge3A_107 : i1 to i32
        %cond3A_109 = arith.constant 0 : i32
        %cond3A_110 = arith.cmpi ne, %convert_element_type3A_108, %cond3A_109 : i32
        scf.if %cond3A_110 {
          %sub3A_237 = arith.constant 4 : i32
          %sub3A_238 = arith.subi %add3A_39, %sub3A_237 : i32
          %dma_wait3A_239 = arith.constant 0 : i32
          %dma_wait3A_240 = tpu.memref_slice %arg4[%sub3A_238, %dma_wait3A_239, %mul3A_2] : memref<200x64x4096xf32, #tpu.memory_space<hbm>> -> memref<1x64x128xf32, #tpu.memory_space<hbm>>
          %dma_wait3A_241 = tpu.memref_squeeze %dma_wait3A_240 : memref<1x64x128xf32, #tpu.memory_space<hbm>> -> memref<64x128xf32, #tpu.memory_space<hbm>>
          %dma_wait3A_242 = arith.constant 0 : i32
          %dma_wait3A_243 = tpu.memref_slice %arg4[%sub3A_238, %dma_wait3A_242, %mul3A_2] : memref<200x64x4096xf32, #tpu.memory_space<hbm>> -> memref<1x64x128xf32, #tpu.memory_space<hbm>>
          %dma_wait3A_244 = tpu.memref_squeeze %dma_wait3A_243 : memref<1x64x128xf32, #tpu.memory_space<hbm>> -> memref<64x128xf32, #tpu.memory_space<hbm>>
          tpu.wait_dma2 semaphore(%arg26 : memref<!tpu.dma_semaphore, #tpu.memory_space<semaphore_mem>>) src(%arg18 : memref<64x128xf32, #tpu.memory_space<vmem>>) dst(%dma_wait3A_244 : memref<64x128xf32, #tpu.memory_space<hbm>>)
        } else {
        }
        %get3A = arith.index_cast %add3A_39 : i32 to index
        %get3A_111 = arith.constant 0 : index
        %get3A_112 = tpu.vector_load %arg5[%get3A, %get3A_111] {strides = array<i32>} : memref<200x128xi32, #tpu.memory_space<vmem>>, vector<16xi32>,
        %shift_right_arithmetic3A = arith.constant 1 : i32
        %shift_right_arithmetic3A_113 = vector.broadcast %shift_right_arithmetic3A : i32 to vector<16xi32>
        %shift_right_arithmetic3A_114 = arith.shrsi %get3A_112, %shift_right_arithmetic3A_113 : vector<16xi32>
        %swap3A = arith.constant 0 : index
        %swap3A_115 = tpu.vector_load %arg6[%swap3A] {strides = array<i32>} : memref<128xi32, #tpu.memory_space<vmem>>, vector<16xi32>,
        tpu.vector_store %arg6[%swap3A], %shift_right_arithmetic3A_114 {strides = array<i32>} : memref<128xi32, #tpu.memory_space<vmem>>, vector<16xi32>,
        %and3A_116 = arith.constant 1 : i32
        %and3A_117 = vector.broadcast %and3A_116 : i32 to vector<16xi32>
        %and3A_118 = arith.andi %get3A_112, %and3A_117 : vector<16xi32>
        %shift_left3A = arith.constant 6 : i32
        %shift_left3A_119 = vector.broadcast %shift_left3A : i32 to vector<16xi32>
        %shift_left3A_120 = arith.shli %and3A_118, %shift_left3A_119 : vector<16xi32>
        %swap3A_121 = arith.constant 0 : index
        %swap3A_122 = tpu.vector_load %arg10[%swap3A_121] {strides = array<i32>} : memref<128xi32, #tpu.memory_space<vmem>>, vector<16xi32>,
        tpu.vector_store %arg10[%swap3A_121], %shift_left3A_120 {strides = array<i32>} : memref<128xi32, #tpu.memory_space<vmem>>, vector<16xi32>,
        %get3A_123 = arith.index_cast %add3A_39 : i32 to index
        %get3A_124 = arith.constant 16 : index
        %get3A_125 = tpu.vector_load %arg5[%get3A_123, %get3A_124] {strides = array<i32>} : memref<200x128xi32, #tpu.memory_space<vmem>>, vector<16xi32>,
        %shift_right_arithmetic3A_126 = arith.constant 1 : i32
        %shift_right_arithmetic3A_127 = vector.broadcast %shift_right_arithmetic3A_126 : i32 to vector<16xi32>
        %shift_right_arithmetic3A_128 = arith.shrsi %get3A_125, %shift_right_arithmetic3A_127 : vector<16xi32>
        %swap3A_129 = arith.constant 16 : index
        %swap3A_130 = tpu.vector_load %arg6[%swap3A_129] {strides = array<i32>} : memref<128xi32, #tpu.memory_space<vmem>>, vector<16xi32>,
        tpu.vector_store %arg6[%swap3A_129], %shift_right_arithmetic3A_128 {strides = array<i32>} : memref<128xi32, #tpu.memory_space<vmem>>, vector<16xi32>,
        %and3A_131 = arith.constant 1 : i32
        %and3A_132 = vector.broadcast %and3A_131 : i32 to vector<16xi32>
        %and3A_133 = arith.andi %get3A_125, %and3A_132 : vector<16xi32>
        %shift_left3A_134 = arith.constant 6 : i32
        %shift_left3A_135 = vector.broadcast %shift_left3A_134 : i32 to vector<16xi32>
        %shift_left3A_136 = arith.shli %and3A_133, %shift_left3A_135 : vector<16xi32>
        %swap3A_137 = arith.constant 16 : index
        %swap3A_138 = tpu.vector_load %arg10[%swap3A_137] {strides = array<i32>} : memref<128xi32, #tpu.memory_space<vmem>>, vector<16xi32>,
        tpu.vector_store %arg10[%swap3A_137], %shift_left3A_136 {strides = array<i32>} : memref<128xi32, #tpu.memory_space<vmem>>, vector<16xi32>,
        %get3A_139 = arith.index_cast %add3A_39 : i32 to index
        %get3A_140 = arith.constant 32 : index
        %get3A_141 = tpu.vector_load %arg5[%get3A_139, %get3A_140] {strides = array<i32>} : memref<200x128xi32, #tpu.memory_space<vmem>>, vector<16xi32>,
        %shift_right_arithmetic3A_142 = arith.constant 1 : i32
        %shift_right_arithmetic3A_143 = vector.broadcast %shift_right_arithmetic3A_142 : i32 to vector<16xi32>
        %shift_right_arithmetic3A_144 = arith.shrsi %get3A_141, %shift_right_arithmetic3A_143 : vector<16xi32>
        %swap3A_145 = arith.constant 32 : index
        %swap3A_146 = tpu.vector_load %arg6[%swap3A_145] {strides = array<i32>} : memref<128xi32, #tpu.memory_space<vmem>>, vector<16xi32>,
        tpu.vector_store %arg6[%swap3A_145], %shift_right_arithmetic3A_144 {strides = array<i32>} : memref<128xi32, #tpu.memory_space<vmem>>, vector<16xi32>,
        %and3A_147 = arith.constant 1 : i32
        %and3A_148 = vector.broadcast %and3A_147 : i32 to vector<16xi32>
        %and3A_149 = arith.andi %get3A_141, %and3A_148 : vector<16xi32>
        %shift_left3A_150 = arith.constant 6 : i32
        %shift_left3A_151 = vector.broadcast %shift_left3A_150 : i32 to vector<16xi32>
        %shift_left3A_152 = arith.shli %and3A_149, %shift_left3A_151 : vector<16xi32>
        %swap3A_153 = arith.constant 32 : index
        %swap3A_154 = tpu.vector_load %arg10[%swap3A_153] {strides = array<i32>} : memref<128xi32, #tpu.memory_space<vmem>>, vector<16xi32>,
        tpu.vector_store %arg10[%swap3A_153], %shift_left3A_152 {strides = array<i32>} : memref<128xi32, #tpu.memory_space<vmem>>, vector<16xi32>,
        %get3A_155 = arith.index_cast %add3A_39 : i32 to index
        %get3A_156 = arith.constant 48 : index
        %get3A_157 = tpu.vector_load %arg5[%get3A_155, %get3A_156] {strides = array<i32>} : memref<200x128xi32, #tpu.memory_space<vmem>>, vector<16xi32>,
        %shift_right_arithmetic3A_158 = arith.constant 1 : i32
        %shift_right_arithmetic3A_159 = vector.broadcast %shift_right_arithmetic3A_158 : i32 to vector<16xi32>
        %shift_right_arithmetic3A_160 = arith.shrsi %get3A_157, %shift_right_arithmetic3A_159 : vector<16xi32>
        %swap3A_161 = arith.constant 48 : index
        %swap3A_162 = tpu.vector_load %arg6[%swap3A_161] {strides = array<i32>} : memref<128xi32, #tpu.memory_space<vmem>>, vector<16xi32>,
        tpu.vector_store %arg6[%swap3A_161], %shift_right_arithmetic3A_160 {strides = array<i32>} : memref<128xi32, #tpu.memory_space<vmem>>, vector<16xi32>,
        %and3A_163 = arith.constant 1 : i32
        %and3A_164 = vector.broadcast %and3A_163 : i32 to vector<16xi32>
        %and3A_165 = arith.andi %get3A_157, %and3A_164 : vector<16xi32>
        %shift_left3A_166 = arith.constant 6 : i32
        %shift_left3A_167 = vector.broadcast %shift_left3A_166 : i32 to vector<16xi32>
        %shift_left3A_168 = arith.shli %and3A_165, %shift_left3A_167 : vector<16xi32>
        %swap3A_169 = arith.constant 48 : index
        %swap3A_170 = tpu.vector_load %arg10[%swap3A_169] {strides = array<i32>} : memref<128xi32, #tpu.memory_space<vmem>>, vector<16xi32>,
        tpu.vector_store %arg10[%swap3A_169], %shift_left3A_168 {strides = array<i32>} : memref<128xi32, #tpu.memory_space<vmem>>, vector<16xi32>,
        %get3A_171 = arith.index_cast %add3A_39 : i32 to index
        %get3A_172 = arith.constant 64 : index
        %get3A_173 = tpu.vector_load %arg5[%get3A_171, %get3A_172] {strides = array<i32>} : memref<200x128xi32, #tpu.memory_space<vmem>>, vector<16xi32>,
        %shift_right_arithmetic3A_174 = arith.constant 1 : i32
        %shift_right_arithmetic3A_175 = vector.broadcast %shift_right_arithmetic3A_174 : i32 to vector<16xi32>
        %shift_right_arithmetic3A_176 = arith.shrsi %get3A_173, %shift_right_arithmetic3A_175 : vector<16xi32>
        %swap3A_177 = arith.constant 64 : index
        %swap3A_178 = tpu.vector_load %arg6[%swap3A_177] {strides = array<i32>} : memref<128xi32, #tpu.memory_space<vmem>>, vector<16xi32>,
        tpu.vector_store %arg6[%swap3A_177], %shift_right_arithmetic3A_176 {strides = array<i32>} : memref<128xi32, #tpu.memory_space<vmem>>, vector<16xi32>,
        %and3A_179 = arith.constant 1 : i32
        %and3A_180 = vector.broadcast %and3A_179 : i32 to vector<16xi32>
        %and3A_181 = arith.andi %get3A_173, %and3A_180 : vector<16xi32>
        %shift_left3A_182 = arith.constant 6 : i32
        %shift_left3A_183 = vector.broadcast %shift_left3A_182 : i32 to vector<16xi32>
        %shift_left3A_184 = arith.shli %and3A_181, %shift_left3A_183 : vector<16xi32>
        %swap3A_185 = arith.constant 64 : index
        %swap3A_186 = tpu.vector_load %arg10[%swap3A_185] {strides = array<i32>} : memref<128xi32, #tpu.memory_space<vmem>>, vector<16xi32>,
        tpu.vector_store %arg10[%swap3A_185], %shift_left3A_184 {strides = array<i32>} : memref<128xi32, #tpu.memory_space<vmem>>, vector<16xi32>,
        %get3A_187 = arith.index_cast %add3A_39 : i32 to index
        %get3A_188 = arith.constant 80 : index
        %get3A_189 = tpu.vector_load %arg5[%get3A_187, %get3A_188] {strides = array<i32>} : memref<200x128xi32, #tpu.memory_space<vmem>>, vector<16xi32>,
        %shift_right_arithmetic3A_190 = arith.constant 1 : i32
        %shift_right_arithmetic3A_191 = vector.broadcast %shift_right_arithmetic3A_190 : i32 to vector<16xi32>
        %shift_right_arithmetic3A_192 = arith.shrsi %get3A_189, %shift_right_arithmetic3A_191 : vector<16xi32>
        %swap3A_193 = arith.constant 80 : index
        %swap3A_194 = tpu.vector_load %arg6[%swap3A_193] {strides = array<i32>} : memref<128xi32, #tpu.memory_space<vmem>>, vector<16xi32>,
        tpu.vector_store %arg6[%swap3A_193], %shift_right_arithmetic3A_192 {strides = array<i32>} : memref<128xi32, #tpu.memory_space<vmem>>, vector<16xi32>,
        %and3A_195 = arith.constant 1 : i32
        %and3A_196 = vector.broadcast %and3A_195 : i32 to vector<16xi32>
        %and3A_197 = arith.andi %get3A_189, %and3A_196 : vector<16xi32>
        %shift_left3A_198 = arith.constant 6 : i32
        %shift_left3A_199 = vector.broadcast %shift_left3A_198 : i32 to vector<16xi32>
        %shift_left3A_200 = arith.shli %and3A_197, %shift_left3A_199 : vector<16xi32>
        %swap3A_201 = arith.constant 80 : index
        %swap3A_202 = tpu.vector_load %arg10[%swap3A_201] {strides = array<i32>} : memref<128xi32, #tpu.memory_space<vmem>>, vector<16xi32>,
        tpu.vector_store %arg10[%swap3A_201], %shift_left3A_200 {strides = array<i32>} : memref<128xi32, #tpu.memory_space<vmem>>, vector<16xi32>,
        %get3A_203 = arith.index_cast %add3A_39 : i32 to index
        %get3A_204 = arith.constant 96 : index
        %get3A_205 = tpu.vector_load %arg5[%get3A_203, %get3A_204] {strides = array<i32>} : memref<200x128xi32, #tpu.memory_space<vmem>>, vector<16xi32>,
        %shift_right_arithmetic3A_206 = arith.constant 1 : i32
        %shift_right_arithmetic3A_207 = vector.broadcast %shift_right_arithmetic3A_206 : i32 to vector<16xi32>
        %shift_right_arithmetic3A_208 = arith.shrsi %get3A_205, %shift_right_arithmetic3A_207 : vector<16xi32>
        %swap3A_209 = arith.constant 96 : index
        %swap3A_210 = tpu.vector_load %arg6[%swap3A_209] {strides = array<i32>} : memref<128xi32, #tpu.memory_space<vmem>>, vector<16xi32>,
        tpu.vector_store %arg6[%swap3A_209], %shift_right_arithmetic3A_208 {strides = array<i32>} : memref<128xi32, #tpu.memory_space<vmem>>, vector<16xi32>,
        %and3A_211 = arith.constant 1 : i32
        %and3A_212 = vector.broadcast %and3A_211 : i32 to vector<16xi32>
        %and3A_213 = arith.andi %get3A_205, %and3A_212 : vector<16xi32>
        %shift_left3A_214 = arith.constant 6 : i32
        %shift_left3A_215 = vector.broadcast %shift_left3A_214 : i32 to vector<16xi32>
        %shift_left3A_216 = arith.shli %and3A_213, %shift_left3A_215 : vector<16xi32>
        %swap3A_217 = arith.constant 96 : index
        %swap3A_218 = tpu.vector_load %arg10[%swap3A_217] {strides = array<i32>} : memref<128xi32, #tpu.memory_space<vmem>>, vector<16xi32>,
        tpu.vector_store %arg10[%swap3A_217], %shift_left3A_216 {strides = array<i32>} : memref<128xi32, #tpu.memory_space<vmem>>, vector<16xi32>,
        %get3A_219 = arith.index_cast %add3A_39 : i32 to index
        %get3A_220 = arith.constant 112 : index
        %get3A_221 = tpu.vector_load %arg5[%get3A_219, %get3A_220] {strides = array<i32>} : memref<200x128xi32, #tpu.memory_space<vmem>>, vector<16xi32>,
        %shift_right_arithmetic3A_222 = arith.constant 1 : i32
        %shift_right_arithmetic3A_223 = vector.broadcast %shift_right_arithmetic3A_222 : i32 to vector<16xi32>
        %shift_right_arithmetic3A_224 = arith.shrsi %get3A_221, %shift_right_arithmetic3A_223 : vector<16xi32>
        %swap3A_225 = arith.constant 112 : index
        %swap3A_226 = tpu.vector_load %arg6[%swap3A_225] {strides = array<i32>} : memref<128xi32, #tpu.memory_space<vmem>>, vector<16xi32>,
        tpu.vector_store %arg6[%swap3A_225], %shift_right_arithmetic3A_224 {strides = array<i32>} : memref<128xi32, #tpu.memory_space<vmem>>, vector<16xi32>,
        %and3A_227 = arith.constant 1 : i32
        %and3A_228 = vector.broadcast %and3A_227 : i32 to vector<16xi32>
        %and3A_229 = arith.andi %get3A_221, %and3A_228 : vector<16xi32>
        %shift_left3A_230 = arith.constant 6 : i32
        %shift_left3A_231 = vector.broadcast %shift_left3A_230 : i32 to vector<16xi32>
        %shift_left3A_232 = arith.shli %and3A_229, %shift_left3A_231 : vector<16xi32>
        %swap3A_233 = arith.constant 112 : index
        %swap3A_234 = tpu.vector_load %arg10[%swap3A_233] {strides = array<i32>} : memref<128xi32, #tpu.memory_space<vmem>>, vector<16xi32>,
        tpu.vector_store %arg10[%swap3A_233], %shift_left3A_232 {strides = array<i32>} : memref<128xi32, #tpu.memory_space<vmem>>, vector<16xi32>,
        %dma_start3A = arith.constant 0 : i32
        %dma_start3A_235 = arith.constant 0 : i32
        %dma_start3A_236 = tpu.memref_slice %arg2[%dma_start3A, %dma_start3A_235] : memref<500000x128xf32, #tpu.memory_space<hbm>> -> memref<500000x128xf32, #tpu.memory_space<hbm>>
        tpu.enqueue_indirect_dma source(%dma_start3A_236 : memref<500000x128xf32, #tpu.memory_space<hbm>>) target(%arg14 : memref<128x128xf32, #tpu.memory_space<vmem>>) offsets(%arg6 : memref<128xi32, #tpu.memory_space<vmem>>) semaphore(%arg22 : memref<!tpu.dma_semaphore, #tpu.memory_space<semaphore_mem>>)
      } else {
      }
      %sub3A = arith.constant 2 : i32
      %sub3A_42 = arith.subi %add3A_39, %sub3A : i32
      %ge3A = arith.constant 0 : i32
      %ge3A_43 = arith.cmpi sge, %sub3A_42, %ge3A : i32
      %lt3A_44 = arith.constant 200 : i32
      %lt3A_45 = arith.cmpi slt, %sub3A_42, %lt3A_44 : i32
      %and3A = arith.andi %ge3A_43, %lt3A_45 : i1
      %convert_element_type3A_46 = arith.extui %and3A : i1 to i32
      %cond3A_47 = arith.constant 0 : i32
      %cond3A_48 = arith.cmpi ne, %convert_element_type3A_46, %cond3A_47 : i32
      scf.if %cond3A_48 {
        %dma_wait3A_106 = arith.constant 0 : i32
        %dma_wait3A_107 = arith.constant 0 : i32
        %dma_wait3A_108 = tpu.memref_slice %arg2[%dma_wait3A_106, %dma_wait3A_107] : memref<500000x128xf32, #tpu.memory_space<hbm>> -> memref<500000x128xf32, #tpu.memory_space<hbm>>
        tpu.wait_indirect_dma semaphore(%arg24 : memref<!tpu.dma_semaphore, #tpu.memory_space<semaphore_mem>>) src(%dma_wait3A_108 : memref<500000x128xf32, #tpu.memory_space<hbm>>) dst(%arg16 : memref<128x128xf32, #tpu.memory_space<vmem>>)
        %iota3A = tpu.iota {dimensions = array<i32: 0>} : vector<16xi32>
        %iota3A_109 = tpu.iota {dimensions = array<i32: 0>} : vector<16xi32>
        %add3A_110 = arith.constant 0 : i32
        %add3A_111 = vector.broadcast %add3A_110 : i32 to vector<16xi32>
        %add3A_112 = arith.addi %iota3A_109, %add3A_111 : vector<16xi32>
        %iota3A_113 = tpu.iota {dimensions = array<i32: 0>} : vector<16xi32>
        %add3A_114 = arith.constant 16 : i32
        %add3A_115 = vector.broadcast %add3A_114 : i32 to vector<16xi32>
        %add3A_116 = arith.addi %iota3A_113, %add3A_115 : vector<16xi32>
        %iota3A_117 = tpu.iota {dimensions = array<i32: 0>} : vector<16xi32>
        %add3A_118 = arith.constant 32 : i32
        %add3A_119 = vector.broadcast %add3A_118 : i32 to vector<16xi32>
        %add3A_120 = arith.addi %iota3A_117, %add3A_119 : vector<16xi32>
        %iota3A_121 = tpu.iota {dimensions = array<i32: 0>} : vector<16xi32>
        %add3A_122 = arith.constant 48 : i32
        %add3A_123 = vector.broadcast %add3A_122 : i32 to vector<16xi32>
        %add3A_124 = arith.addi %iota3A_121, %add3A_123 : vector<16xi32>
        %iota3A_125 = tpu.iota {dimensions = array<i32: 0>} : vector<16xi32>
        %add3A_126 = arith.constant 64 : i32
        %add3A_127 = vector.broadcast %add3A_126 : i32 to vector<16xi32>
        %add3A_128 = arith.addi %iota3A_125, %add3A_127 : vector<16xi32>
        %iota3A_129 = tpu.iota {dimensions = array<i32: 0>} : vector<16xi32>
        %add3A_130 = arith.constant 80 : i32
        %add3A_131 = vector.broadcast %add3A_130 : i32 to vector<16xi32>
        %add3A_132 = arith.addi %iota3A_129, %add3A_131 : vector<16xi32>
        %iota3A_133 = tpu.iota {dimensions = array<i32: 0>} : vector<16xi32>
        %add3A_134 = arith.constant 96 : i32
        %add3A_135 = vector.broadcast %add3A_134 : i32 to vector<16xi32>
        %add3A_136 = arith.addi %iota3A_133, %add3A_135 : vector<16xi32>
        %iota3A_137 = tpu.iota {dimensions = array<i32: 0>} : vector<16xi32>
        %add3A_138 = arith.constant 112 : i32
        %add3A_139 = vector.broadcast %add3A_138 : i32 to vector<16xi32>
        %add3A_140 = arith.addi %iota3A_137, %add3A_139 : vector<16xi32>
        %get3A = arith.constant 0 : index
        %get3A_141 = tpu.vector_load %arg12[%get3A] {strides = array<i32>} : memref<128xi32, #tpu.memory_space<vmem>>, vector<16xi32>,
        %get3A_142 = arith.constant 16 : index
        %get3A_143 = tpu.vector_load %arg12[%get3A_142] {strides = array<i32>} : memref<128xi32, #tpu.memory_space<vmem>>, vector<16xi32>,
        %get3A_144 = arith.constant 32 : index
        %get3A_145 = tpu.vector_load %arg12[%get3A_144] {strides = array<i32>} : memref<128xi32, #tpu.memory_space<vmem>>, vector<16xi32>,
        %get3A_146 = arith.constant 48 : index
        %get3A_147 = tpu.vector_load %arg12[%get3A_146] {strides = array<i32>} : memref<128xi32, #tpu.memory_space<vmem>>, vector<16xi32>,
        %get3A_148 = arith.constant 64 : index
        %get3A_149 = tpu.vector_load %arg12[%get3A_148] {strides = array<i32>} : memref<128xi32, #tpu.memory_space<vmem>>, vector<16xi32>,
        %get3A_150 = arith.constant 80 : index
        %get3A_151 = tpu.vector_load %arg12[%get3A_150] {strides = array<i32>} : memref<128xi32, #tpu.memory_space<vmem>>, vector<16xi32>,
        %get3A_152 = arith.constant 96 : index
        %get3A_153 = tpu.vector_load %arg12[%get3A_152] {strides = array<i32>} : memref<128xi32, #tpu.memory_space<vmem>>, vector<16xi32>,
        %get3A_154 = arith.constant 112 : index
        %get3A_155 = tpu.vector_load %arg12[%get3A_154] {strides = array<i32>} : memref<128xi32, #tpu.memory_space<vmem>>, vector<16xi32>,
        %parallel_loop3A = arith.constant 0 : i32
        %parallel_loop3A_156 = arith.constant 16 : i32
        %parallel_loop3A_157 = arith.constant 1 : i32
        scf.for %parallel_loop3A_163 = %parallel_loop3A to %parallel_loop3A_156 step %parallel_loop3A_157  : i32 {
          %parallel_loop3A_164 = vector.broadcast %parallel_loop3A_163 : i32 to vector<16xi32>
          %parallel_loop3A_165 = arith.addi %iota3A, %parallel_loop3A_164 : vector<16xi32>
          %parallel_loop3A_166 = arith.constant 15 : i32
          %parallel_loop3A_167 = vector.broadcast %parallel_loop3A_166 : i32 to vector<16xi32>
          %parallel_loop3A_168 = arith.andi %parallel_loop3A_165, %parallel_loop3A_167 : vector<16xi32>
          %parallel_loop3A_169 = arith.constant 0 : i32
          %parallel_loop3A_170 = vector.broadcast %parallel_loop3A_169 : i32 to vector<16xi32>
          %parallel_loop3A_171 = arith.addi %parallel_loop3A_168, %parallel_loop3A_170 : vector<16xi32>
          %parallel_loop3A_172 = arith.addi %get3A_141, %parallel_loop3A_171 : vector<16xi32>
          %parallel_loop3A_173 = tpu.vector_load_idx %arg16[%add3A_112, %parallel_loop3A_172] : memref<128x128xf32, #tpu.memory_space<vmem>>[vector<16xi32>, vector<16xi32>], vector<16xf32>,
          %parallel_loop3A_174 = arith.constant 8.000000e+00 : f32
          %parallel_loop3A_175 = vector.broadcast %parallel_loop3A_174 : f32 to vector<16xf32>
          %parallel_loop3A_176 = arith.mulf %parallel_loop3A_173, %parallel_loop3A_175 : vector<16xf32>
          tpu.vector_store_idx %arg20[%parallel_loop3A_171, %add3A_112], %parallel_loop3A_176 : memref<64x128xf32, #tpu.memory_space<vmem>>[vector<16xi32>, vector<16xi32>], vector<16xf32>,
          %parallel_loop3A_177 = arith.addi %get3A_143, %parallel_loop3A_171 : vector<16xi32>
          %parallel_loop3A_178 = tpu.vector_load_idx %arg16[%add3A_116, %parallel_loop3A_177] : memref<128x128xf32, #tpu.memory_space<vmem>>[vector<16xi32>, vector<16xi32>], vector<16xf32>,
          %parallel_loop3A_179 = arith.constant 8.000000e+00 : f32
          %parallel_loop3A_180 = vector.broadcast %parallel_loop3A_179 : f32 to vector<16xf32>
          %parallel_loop3A_181 = arith.mulf %parallel_loop3A_178, %parallel_loop3A_180 : vector<16xf32>
          tpu.vector_store_idx %arg20[%parallel_loop3A_171, %add3A_116], %parallel_loop3A_181 : memref<64x128xf32, #tpu.memory_space<vmem>>[vector<16xi32>, vector<16xi32>], vector<16xf32>,
          %parallel_loop3A_182 = arith.addi %get3A_145, %parallel_loop3A_171 : vector<16xi32>
          %parallel_loop3A_183 = tpu.vector_load_idx %arg16[%add3A_120, %parallel_loop3A_182] : memref<128x128xf32, #tpu.memory_space<vmem>>[vector<16xi32>, vector<16xi32>], vector<16xf32>,
          %parallel_loop3A_184 = arith.constant 8.000000e+00 : f32
          %parallel_loop3A_185 = vector.broadcast %parallel_loop3A_184 : f32 to vector<16xf32>
          %parallel_loop3A_186 = arith.mulf %parallel_loop3A_183, %parallel_loop3A_185 : vector<16xf32>
          tpu.vector_store_idx %arg20[%parallel_loop3A_171, %add3A_120], %parallel_loop3A_186 : memref<64x128xf32, #tpu.memory_space<vmem>>[vector<16xi32>, vector<16xi32>], vector<16xf32>,
          %parallel_loop3A_187 = arith.addi %get3A_147, %parallel_loop3A_171 : vector<16xi32>
          %parallel_loop3A_188 = tpu.vector_load_idx %arg16[%add3A_124, %parallel_loop3A_187] : memref<128x128xf32, #tpu.memory_space<vmem>>[vector<16xi32>, vector<16xi32>], vector<16xf32>,
          %parallel_loop3A_189 = arith.constant 8.000000e+00 : f32
          %parallel_loop3A_190 = vector.broadcast %parallel_loop3A_189 : f32 to vector<16xf32>
          %parallel_loop3A_191 = arith.mulf %parallel_loop3A_188, %parallel_loop3A_190 : vector<16xf32>
          tpu.vector_store_idx %arg20[%parallel_loop3A_171, %add3A_124], %parallel_loop3A_191 : memref<64x128xf32, #tpu.memory_space<vmem>>[vector<16xi32>, vector<16xi32>], vector<16xf32>,
          %parallel_loop3A_192 = arith.addi %get3A_149, %parallel_loop3A_171 : vector<16xi32>
          %parallel_loop3A_193 = tpu.vector_load_idx %arg16[%add3A_128, %parallel_loop3A_192] : memref<128x128xf32, #tpu.memory_space<vmem>>[vector<16xi32>, vector<16xi32>], vector<16xf32>,
          %parallel_loop3A_194 = arith.constant 8.000000e+00 : f32
          %parallel_loop3A_195 = vector.broadcast %parallel_loop3A_194 : f32 to vector<16xf32>
          %parallel_loop3A_196 = arith.mulf %parallel_loop3A_193, %parallel_loop3A_195 : vector<16xf32>
          tpu.vector_store_idx %arg20[%parallel_loop3A_171, %add3A_128], %parallel_loop3A_196 : memref<64x128xf32, #tpu.memory_space<vmem>>[vector<16xi32>, vector<16xi32>], vector<16xf32>,
          %parallel_loop3A_197 = arith.addi %get3A_151, %parallel_loop3A_171 : vector<16xi32>
          %parallel_loop3A_198 = tpu.vector_load_idx %arg16[%add3A_132, %parallel_loop3A_197] : memref<128x128xf32, #tpu.memory_space<vmem>>[vector<16xi32>, vector<16xi32>], vector<16xf32>,
          %parallel_loop3A_199 = arith.constant 8.000000e+00 : f32
          %parallel_loop3A_200 = vector.broadcast %parallel_loop3A_199 : f32 to vector<16xf32>
          %parallel_loop3A_201 = arith.mulf %parallel_loop3A_198, %parallel_loop3A_200 : vector<16xf32>
          tpu.vector_store_idx %arg20[%parallel_loop3A_171, %add3A_132], %parallel_loop3A_201 : memref<64x128xf32, #tpu.memory_space<vmem>>[vector<16xi32>, vector<16xi32>], vector<16xf32>,
          %parallel_loop3A_202 = arith.addi %get3A_153, %parallel_loop3A_171 : vector<16xi32>
          %parallel_loop3A_203 = tpu.vector_load_idx %arg16[%add3A_136, %parallel_loop3A_202] : memref<128x128xf32, #tpu.memory_space<vmem>>[vector<16xi32>, vector<16xi32>], vector<16xf32>,
          %parallel_loop3A_204 = arith.constant 8.000000e+00 : f32
          %parallel_loop3A_205 = vector.broadcast %parallel_loop3A_204 : f32 to vector<16xf32>
          %parallel_loop3A_206 = arith.mulf %parallel_loop3A_203, %parallel_loop3A_205 : vector<16xf32>
          tpu.vector_store_idx %arg20[%parallel_loop3A_171, %add3A_136], %parallel_loop3A_206 : memref<64x128xf32, #tpu.memory_space<vmem>>[vector<16xi32>, vector<16xi32>], vector<16xf32>,
          %parallel_loop3A_207 = arith.addi %get3A_155, %parallel_loop3A_171 : vector<16xi32>
          %parallel_loop3A_208 = tpu.vector_load_idx %arg16[%add3A_140, %parallel_loop3A_207] : memref<128x128xf32, #tpu.memory_space<vmem>>[vector<16xi32>, vector<16xi32>], vector<16xf32>,
          %parallel_loop3A_209 = arith.constant 8.000000e+00 : f32
          %parallel_loop3A_210 = vector.broadcast %parallel_loop3A_209 : f32 to vector<16xf32>
          %parallel_loop3A_211 = arith.mulf %parallel_loop3A_208, %parallel_loop3A_210 : vector<16xf32>
          tpu.vector_store_idx %arg20[%parallel_loop3A_171, %add3A_140], %parallel_loop3A_211 : memref<64x128xf32, #tpu.memory_space<vmem>>[vector<16xi32>, vector<16xi32>], vector<16xf32>,
          %parallel_loop3A_212 = arith.constant 16 : i32
          %parallel_loop3A_213 = vector.broadcast %parallel_loop3A_212 : i32 to vector<16xi32>
          %parallel_loop3A_214 = arith.addi %parallel_loop3A_168, %parallel_loop3A_213 : vector<16xi32>
          %parallel_loop3A_215 = arith.addi %get3A_141, %parallel_loop3A_214 : vector<16xi32>
          %parallel_loop3A_216 = tpu.vector_load_idx %arg16[%add3A_112, %parallel_loop3A_215] : memref<128x128xf32, #tpu.memory_space<vmem>>[vector<16xi32>, vector<16xi32>], vector<16xf32>,
          %parallel_loop3A_217 = arith.constant 8.000000e+00 : f32
          %parallel_loop3A_218 = vector.broadcast %parallel_loop3A_217 : f32 to vector<16xf32>
          %parallel_loop3A_219 = arith.mulf %parallel_loop3A_216, %parallel_loop3A_218 : vector<16xf32>
          tpu.vector_store_idx %arg20[%parallel_loop3A_214, %add3A_112], %parallel_loop3A_219 : memref<64x128xf32, #tpu.memory_space<vmem>>[vector<16xi32>, vector<16xi32>], vector<16xf32>,
          %parallel_loop3A_220 = arith.addi %get3A_143, %parallel_loop3A_214 : vector<16xi32>
          %parallel_loop3A_221 = tpu.vector_load_idx %arg16[%add3A_116, %parallel_loop3A_220] : memref<128x128xf32, #tpu.memory_space<vmem>>[vector<16xi32>, vector<16xi32>], vector<16xf32>,
          %parallel_loop3A_222 = arith.constant 8.000000e+00 : f32
          %parallel_loop3A_223 = vector.broadcast %parallel_loop3A_222 : f32 to vector<16xf32>
          %parallel_loop3A_224 = arith.mulf %parallel_loop3A_221, %parallel_loop3A_223 : vector<16xf32>
          tpu.vector_store_idx %arg20[%parallel_loop3A_214, %add3A_116], %parallel_loop3A_224 : memref<64x128xf32, #tpu.memory_space<vmem>>[vector<16xi32>, vector<16xi32>], vector<16xf32>,
          %parallel_loop3A_225 = arith.addi %get3A_145, %parallel_loop3A_214 : vector<16xi32>
          %parallel_loop3A_226 = tpu.vector_load_idx %arg16[%add3A_120, %parallel_loop3A_225] : memref<128x128xf32, #tpu.memory_space<vmem>>[vector<16xi32>, vector<16xi32>], vector<16xf32>,
          %parallel_loop3A_227 = arith.constant 8.000000e+00 : f32
          %parallel_loop3A_228 = vector.broadcast %parallel_loop3A_227 : f32 to vector<16xf32>
          %parallel_loop3A_229 = arith.mulf %parallel_loop3A_226, %parallel_loop3A_228 : vector<16xf32>
          tpu.vector_store_idx %arg20[%parallel_loop3A_214, %add3A_120], %parallel_loop3A_229 : memref<64x128xf32, #tpu.memory_space<vmem>>[vector<16xi32>, vector<16xi32>], vector<16xf32>,
          %parallel_loop3A_230 = arith.addi %get3A_147, %parallel_loop3A_214 : vector<16xi32>
          %parallel_loop3A_231 = tpu.vector_load_idx %arg16[%add3A_124, %parallel_loop3A_230] : memref<128x128xf32, #tpu.memory_space<vmem>>[vector<16xi32>, vector<16xi32>], vector<16xf32>,
          %parallel_loop3A_232 = arith.constant 8.000000e+00 : f32
          %parallel_loop3A_233 = vector.broadcast %parallel_loop3A_232 : f32 to vector<16xf32>
          %parallel_loop3A_234 = arith.mulf %parallel_loop3A_231, %parallel_loop3A_233 : vector<16xf32>
          tpu.vector_store_idx %arg20[%parallel_loop3A_214, %add3A_124], %parallel_loop3A_234 : memref<64x128xf32, #tpu.memory_space<vmem>>[vector<16xi32>, vector<16xi32>], vector<16xf32>,
          %parallel_loop3A_235 = arith.addi %get3A_149, %parallel_loop3A_214 : vector<16xi32>
          %parallel_loop3A_236 = tpu.vector_load_idx %arg16[%add3A_128, %parallel_loop3A_235] : memref<128x128xf32, #tpu.memory_space<vmem>>[vector<16xi32>, vector<16xi32>], vector<16xf32>,
          %parallel_loop3A_237 = arith.constant 8.000000e+00 : f32
          %parallel_loop3A_238 = vector.broadcast %parallel_loop3A_237 : f32 to vector<16xf32>
          %parallel_loop3A_239 = arith.mulf %parallel_loop3A_236, %parallel_loop3A_238 : vector<16xf32>
          tpu.vector_store_idx %arg20[%parallel_loop3A_214, %add3A_128], %parallel_loop3A_239 : memref<64x128xf32, #tpu.memory_space<vmem>>[vector<16xi32>, vector<16xi32>], vector<16xf32>,
          %parallel_loop3A_240 = arith.addi %get3A_151, %parallel_loop3A_214 : vector<16xi32>
          %parallel_loop3A_241 = tpu.vector_load_idx %arg16[%add3A_132, %parallel_loop3A_240] : memref<128x128xf32, #tpu.memory_space<vmem>>[vector<16xi32>, vector<16xi32>], vector<16xf32>,
          %parallel_loop3A_242 = arith.constant 8.000000e+00 : f32
          %parallel_loop3A_243 = vector.broadcast %parallel_loop3A_242 : f32 to vector<16xf32>
          %parallel_loop3A_244 = arith.mulf %parallel_loop3A_241, %parallel_loop3A_243 : vector<16xf32>
          tpu.vector_store_idx %arg20[%parallel_loop3A_214, %add3A_132], %parallel_loop3A_244 : memref<64x128xf32, #tpu.memory_space<vmem>>[vector<16xi32>, vector<16xi32>], vector<16xf32>,
          %parallel_loop3A_245 = arith.addi %get3A_153, %parallel_loop3A_214 : vector<16xi32>
          %parallel_loop3A_246 = tpu.vector_load_idx %arg16[%add3A_136, %parallel_loop3A_245] : memref<128x128xf32, #tpu.memory_space<vmem>>[vector<16xi32>, vector<16xi32>], vector<16xf32>,
          %parallel_loop3A_247 = arith.constant 8.000000e+00 : f32
          %parallel_loop3A_248 = vector.broadcast %parallel_loop3A_247 : f32 to vector<16xf32>
          %parallel_loop3A_249 = arith.mulf %parallel_loop3A_246, %parallel_loop3A_248 : vector<16xf32>
          tpu.vector_store_idx %arg20[%parallel_loop3A_214, %add3A_136], %parallel_loop3A_249 : memref<64x128xf32, #tpu.memory_space<vmem>>[vector<16xi32>, vector<16xi32>], vector<16xf32>,
          %parallel_loop3A_250 = arith.addi %get3A_155, %parallel_loop3A_214 : vector<16xi32>
          %parallel_loop3A_251 = tpu.vector_load_idx %arg16[%add3A_140, %parallel_loop3A_250] : memref<128x128xf32, #tpu.memory_space<vmem>>[vector<16xi32>, vector<16xi32>], vector<16xf32>,
          %parallel_loop3A_252 = arith.constant 8.000000e+00 : f32
          %parallel_loop3A_253 = vector.broadcast %parallel_loop3A_252 : f32 to vector<16xf32>
          %parallel_loop3A_254 = arith.mulf %parallel_loop3A_251, %parallel_loop3A_253 : vector<16xf32>
          tpu.vector_store_idx %arg20[%parallel_loop3A_214, %add3A_140], %parallel_loop3A_254 : memref<64x128xf32, #tpu.memory_space<vmem>>[vector<16xi32>, vector<16xi32>], vector<16xf32>,
          %parallel_loop3A_255 = arith.constant 32 : i32
          %parallel_loop3A_256 = vector.broadcast %parallel_loop3A_255 : i32 to vector<16xi32>
          %parallel_loop3A_257 = arith.addi %parallel_loop3A_168, %parallel_loop3A_256 : vector<16xi32>
          %parallel_loop3A_258 = arith.addi %get3A_141, %parallel_loop3A_257 : vector<16xi32>
          %parallel_loop3A_259 = tpu.vector_load_idx %arg16[%add3A_112, %parallel_loop3A_258] : memref<128x128xf32, #tpu.memory_space<vmem>>[vector<16xi32>, vector<16xi32>], vector<16xf32>,
          %parallel_loop3A_260 = arith.constant 8.000000e+00 : f32
          %parallel_loop3A_261 = vector.broadcast %parallel_loop3A_260 : f32 to vector<16xf32>
          %parallel_loop3A_262 = arith.mulf %parallel_loop3A_259, %parallel_loop3A_261 : vector<16xf32>
          tpu.vector_store_idx %arg20[%parallel_loop3A_257, %add3A_112], %parallel_loop3A_262 : memref<64x128xf32, #tpu.memory_space<vmem>>[vector<16xi32>, vector<16xi32>], vector<16xf32>,
          %parallel_loop3A_263 = arith.addi %get3A_143, %parallel_loop3A_257 : vector<16xi32>
          %parallel_loop3A_264 = tpu.vector_load_idx %arg16[%add3A_116, %parallel_loop3A_263] : memref<128x128xf32, #tpu.memory_space<vmem>>[vector<16xi32>, vector<16xi32>], vector<16xf32>,
          %parallel_loop3A_265 = arith.constant 8.000000e+00 : f32
          %parallel_loop3A_266 = vector.broadcast %parallel_loop3A_265 : f32 to vector<16xf32>
          %parallel_loop3A_267 = arith.mulf %parallel_loop3A_264, %parallel_loop3A_266 : vector<16xf32>
          tpu.vector_store_idx %arg20[%parallel_loop3A_257, %add3A_116], %parallel_loop3A_267 : memref<64x128xf32, #tpu.memory_space<vmem>>[vector<16xi32>, vector<16xi32>], vector<16xf32>,
          %parallel_loop3A_268 = arith.addi %get3A_145, %parallel_loop3A_257 : vector<16xi32>
          %parallel_loop3A_269 = tpu.vector_load_idx %arg16[%add3A_120, %parallel_loop3A_268] : memref<128x128xf32, #tpu.memory_space<vmem>>[vector<16xi32>, vector<16xi32>], vector<16xf32>,
          %parallel_loop3A_270 = arith.constant 8.000000e+00 : f32
          %parallel_loop3A_271 = vector.broadcast %parallel_loop3A_270 : f32 to vector<16xf32>
          %parallel_loop3A_272 = arith.mulf %parallel_loop3A_269, %parallel_loop3A_271 : vector<16xf32>
          tpu.vector_store_idx %arg20[%parallel_loop3A_257, %add3A_120], %parallel_loop3A_272 : memref<64x128xf32, #tpu.memory_space<vmem>>[vector<16xi32>, vector<16xi32>], vector<16xf32>,
          %parallel_loop3A_273 = arith.addi %get3A_147, %parallel_loop3A_257 : vector<16xi32>
          %parallel_loop3A_274 = tpu.vector_load_idx %arg16[%add3A_124, %parallel_loop3A_273] : memref<128x128xf32, #tpu.memory_space<vmem>>[vector<16xi32>, vector<16xi32>], vector<16xf32>,
          %parallel_loop3A_275 = arith.constant 8.000000e+00 : f32
          %parallel_loop3A_276 = vector.broadcast %parallel_loop3A_275 : f32 to vector<16xf32>
          %parallel_loop3A_277 = arith.mulf %parallel_loop3A_274, %parallel_loop3A_276 : vector<16xf32>
          tpu.vector_store_idx %arg20[%parallel_loop3A_257, %add3A_124], %parallel_loop3A_277 : memref<64x128xf32, #tpu.memory_space<vmem>>[vector<16xi32>, vector<16xi32>], vector<16xf32>,
          %parallel_loop3A_278 = arith.addi %get3A_149, %parallel_loop3A_257 : vector<16xi32>
          %parallel_loop3A_279 = tpu.vector_load_idx %arg16[%add3A_128, %parallel_loop3A_278] : memref<128x128xf32, #tpu.memory_space<vmem>>[vector<16xi32>, vector<16xi32>], vector<16xf32>,
          %parallel_loop3A_280 = arith.constant 8.000000e+00 : f32
          %parallel_loop3A_281 = vector.broadcast %parallel_loop3A_280 : f32 to vector<16xf32>
          %parallel_loop3A_282 = arith.mulf %parallel_loop3A_279, %parallel_loop3A_281 : vector<16xf32>
          tpu.vector_store_idx %arg20[%parallel_loop3A_257, %add3A_128], %parallel_loop3A_282 : memref<64x128xf32, #tpu.memory_space<vmem>>[vector<16xi32>, vector<16xi32>], vector<16xf32>,
          %parallel_loop3A_283 = arith.addi %get3A_151, %parallel_loop3A_257 : vector<16xi32>
          %parallel_loop3A_284 = tpu.vector_load_idx %arg16[%add3A_132, %parallel_loop3A_283] : memref<128x128xf32, #tpu.memory_space<vmem>>[vector<16xi32>, vector<16xi32>], vector<16xf32>,
          %parallel_loop3A_285 = arith.constant 8.000000e+00 : f32
          %parallel_loop3A_286 = vector.broadcast %parallel_loop3A_285 : f32 to vector<16xf32>
          %parallel_loop3A_287 = arith.mulf %parallel_loop3A_284, %parallel_loop3A_286 : vector<16xf32>
          tpu.vector_store_idx %arg20[%parallel_loop3A_257, %add3A_132], %parallel_loop3A_287 : memref<64x128xf32, #tpu.memory_space<vmem>>[vector<16xi32>, vector<16xi32>], vector<16xf32>,
          %parallel_loop3A_288 = arith.addi %get3A_153, %parallel_loop3A_257 : vector<16xi32>
          %parallel_loop3A_289 = tpu.vector_load_idx %arg16[%add3A_136, %parallel_loop3A_288] : memref<128x128xf32, #tpu.memory_space<vmem>>[vector<16xi32>, vector<16xi32>], vector<16xf32>,
          %parallel_loop3A_290 = arith.constant 8.000000e+00 : f32
          %parallel_loop3A_291 = vector.broadcast %parallel_loop3A_290 : f32 to vector<16xf32>
          %parallel_loop3A_292 = arith.mulf %parallel_loop3A_289, %parallel_loop3A_291 : vector<16xf32>
          tpu.vector_store_idx %arg20[%parallel_loop3A_257, %add3A_136], %parallel_loop3A_292 : memref<64x128xf32, #tpu.memory_space<vmem>>[vector<16xi32>, vector<16xi32>], vector<16xf32>,
          %parallel_loop3A_293 = arith.addi %get3A_155, %parallel_loop3A_257 : vector<16xi32>
          %parallel_loop3A_294 = tpu.vector_load_idx %arg16[%add3A_140, %parallel_loop3A_293] : memref<128x128xf32, #tpu.memory_space<vmem>>[vector<16xi32>, vector<16xi32>], vector<16xf32>,
          %parallel_loop3A_295 = arith.constant 8.000000e+00 : f32
          %parallel_loop3A_296 = vector.broadcast %parallel_loop3A_295 : f32 to vector<16xf32>
          %parallel_loop3A_297 = arith.mulf %parallel_loop3A_294, %parallel_loop3A_296 : vector<16xf32>
          tpu.vector_store_idx %arg20[%parallel_loop3A_257, %add3A_140], %parallel_loop3A_297 : memref<64x128xf32, #tpu.memory_space<vmem>>[vector<16xi32>, vector<16xi32>], vector<16xf32>,
          %parallel_loop3A_298 = arith.constant 48 : i32
          %parallel_loop3A_299 = vector.broadcast %parallel_loop3A_298 : i32 to vector<16xi32>
          %parallel_loop3A_300 = arith.addi %parallel_loop3A_168, %parallel_loop3A_299 : vector<16xi32>
          %parallel_loop3A_301 = arith.addi %get3A_141, %parallel_loop3A_300 : vector<16xi32>
          %parallel_loop3A_302 = tpu.vector_load_idx %arg16[%add3A_112, %parallel_loop3A_301] : memref<128x128xf32, #tpu.memory_space<vmem>>[vector<16xi32>, vector<16xi32>], vector<16xf32>,
          %parallel_loop3A_303 = arith.constant 8.000000e+00 : f32
          %parallel_loop3A_304 = vector.broadcast %parallel_loop3A_303 : f32 to vector<16xf32>
          %parallel_loop3A_305 = arith.mulf %parallel_loop3A_302, %parallel_loop3A_304 : vector<16xf32>
          tpu.vector_store_idx %arg20[%parallel_loop3A_300, %add3A_112], %parallel_loop3A_305 : memref<64x128xf32, #tpu.memory_space<vmem>>[vector<16xi32>, vector<16xi32>], vector<16xf32>,
          %parallel_loop3A_306 = arith.addi %get3A_143, %parallel_loop3A_300 : vector<16xi32>
          %parallel_loop3A_307 = tpu.vector_load_idx %arg16[%add3A_116, %parallel_loop3A_306] : memref<128x128xf32, #tpu.memory_space<vmem>>[vector<16xi32>, vector<16xi32>], vector<16xf32>,
          %parallel_loop3A_308 = arith.constant 8.000000e+00 : f32
          %parallel_loop3A_309 = vector.broadcast %parallel_loop3A_308 : f32 to vector<16xf32>
          %parallel_loop3A_310 = arith.mulf %parallel_loop3A_307, %parallel_loop3A_309 : vector<16xf32>
          tpu.vector_store_idx %arg20[%parallel_loop3A_300, %add3A_116], %parallel_loop3A_310 : memref<64x128xf32, #tpu.memory_space<vmem>>[vector<16xi32>, vector<16xi32>], vector<16xf32>,
          %parallel_loop3A_311 = arith.addi %get3A_145, %parallel_loop3A_300 : vector<16xi32>
          %parallel_loop3A_312 = tpu.vector_load_idx %arg16[%add3A_120, %parallel_loop3A_311] : memref<128x128xf32, #tpu.memory_space<vmem>>[vector<16xi32>, vector<16xi32>], vector<16xf32>,
          %parallel_loop3A_313 = arith.constant 8.000000e+00 : f32
          %parallel_loop3A_314 = vector.broadcast %parallel_loop3A_313 : f32 to vector<16xf32>
          %parallel_loop3A_315 = arith.mulf %parallel_loop3A_312, %parallel_loop3A_314 : vector<16xf32>
          tpu.vector_store_idx %arg20[%parallel_loop3A_300, %add3A_120], %parallel_loop3A_315 : memref<64x128xf32, #tpu.memory_space<vmem>>[vector<16xi32>, vector<16xi32>], vector<16xf32>,
          %parallel_loop3A_316 = arith.addi %get3A_147, %parallel_loop3A_300 : vector<16xi32>
          %parallel_loop3A_317 = tpu.vector_load_idx %arg16[%add3A_124, %parallel_loop3A_316] : memref<128x128xf32, #tpu.memory_space<vmem>>[vector<16xi32>, vector<16xi32>], vector<16xf32>,
          %parallel_loop3A_318 = arith.constant 8.000000e+00 : f32
          %parallel_loop3A_319 = vector.broadcast %parallel_loop3A_318 : f32 to vector<16xf32>
          %parallel_loop3A_320 = arith.mulf %parallel_loop3A_317, %parallel_loop3A_319 : vector<16xf32>
          tpu.vector_store_idx %arg20[%parallel_loop3A_300, %add3A_124], %parallel_loop3A_320 : memref<64x128xf32, #tpu.memory_space<vmem>>[vector<16xi32>, vector<16xi32>], vector<16xf32>,
          %parallel_loop3A_321 = arith.addi %get3A_149, %parallel_loop3A_300 : vector<16xi32>
          %parallel_loop3A_322 = tpu.vector_load_idx %arg16[%add3A_128, %parallel_loop3A_321] : memref<128x128xf32, #tpu.memory_space<vmem>>[vector<16xi32>, vector<16xi32>], vector<16xf32>,
          %parallel_loop3A_323 = arith.constant 8.000000e+00 : f32
          %parallel_loop3A_324 = vector.broadcast %parallel_loop3A_323 : f32 to vector<16xf32>
          %parallel_loop3A_325 = arith.mulf %parallel_loop3A_322, %parallel_loop3A_324 : vector<16xf32>
          tpu.vector_store_idx %arg20[%parallel_loop3A_300, %add3A_128], %parallel_loop3A_325 : memref<64x128xf32, #tpu.memory_space<vmem>>[vector<16xi32>, vector<16xi32>], vector<16xf32>,
          %parallel_loop3A_326 = arith.addi %get3A_151, %parallel_loop3A_300 : vector<16xi32>
          %parallel_loop3A_327 = tpu.vector_load_idx %arg16[%add3A_132, %parallel_loop3A_326] : memref<128x128xf32, #tpu.memory_space<vmem>>[vector<16xi32>, vector<16xi32>], vector<16xf32>,
          %parallel_loop3A_328 = arith.constant 8.000000e+00 : f32
          %parallel_loop3A_329 = vector.broadcast %parallel_loop3A_328 : f32 to vector<16xf32>
          %parallel_loop3A_330 = arith.mulf %parallel_loop3A_327, %parallel_loop3A_329 : vector<16xf32>
          tpu.vector_store_idx %arg20[%parallel_loop3A_300, %add3A_132], %parallel_loop3A_330 : memref<64x128xf32, #tpu.memory_space<vmem>>[vector<16xi32>, vector<16xi32>], vector<16xf32>,
          %parallel_loop3A_331 = arith.addi %get3A_153, %parallel_loop3A_300 : vector<16xi32>
          %parallel_loop3A_332 = tpu.vector_load_idx %arg16[%add3A_136, %parallel_loop3A_331] : memref<128x128xf32, #tpu.memory_space<vmem>>[vector<16xi32>, vector<16xi32>], vector<16xf32>,
          %parallel_loop3A_333 = arith.constant 8.000000e+00 : f32
          %parallel_loop3A_334 = vector.broadcast %parallel_loop3A_333 : f32 to vector<16xf32>
          %parallel_loop3A_335 = arith.mulf %parallel_loop3A_332, %parallel_loop3A_334 : vector<16xf32>
          tpu.vector_store_idx %arg20[%parallel_loop3A_300, %add3A_136], %parallel_loop3A_335 : memref<64x128xf32, #tpu.memory_space<vmem>>[vector<16xi32>, vector<16xi32>], vector<16xf32>,
          %parallel_loop3A_336 = arith.addi %get3A_155, %parallel_loop3A_300 : vector<16xi32>
          %parallel_loop3A_337 = tpu.vector_load_idx %arg16[%add3A_140, %parallel_loop3A_336] : memref<128x128xf32, #tpu.memory_space<vmem>>[vector<16xi32>, vector<16xi32>], vector<16xf32>,
          %parallel_loop3A_338 = arith.constant 8.000000e+00 : f32
          %parallel_loop3A_339 = vector.broadcast %parallel_loop3A_338 : f32 to vector<16xf32>
          %parallel_loop3A_340 = arith.mulf %parallel_loop3A_337, %parallel_loop3A_339 : vector<16xf32>
          tpu.vector_store_idx %arg20[%parallel_loop3A_300, %add3A_140], %parallel_loop3A_340 : memref<64x128xf32, #tpu.memory_space<vmem>>[vector<16xi32>, vector<16xi32>], vector<16xf32>,
        } {sc.loop_unroll_factor = 1 : i64, sc.parallel_access}
        %dma_start3A = arith.constant 0 : i32
        %dma_start3A_158 = tpu.memref_slice %arg4[%sub3A_42, %dma_start3A, %mul3A_2] : memref<200x64x4096xf32, #tpu.memory_space<hbm>> -> memref<1x64x128xf32, #tpu.memory_space<hbm>>
        %dma_start3A_159 = tpu.memref_squeeze %dma_start3A_158 : memref<1x64x128xf32, #tpu.memory_space<hbm>> -> memref<64x128xf32, #tpu.memory_space<hbm>>
        %dma_start3A_160 = arith.constant 0 : i32
        %dma_start3A_161 = tpu.memref_slice %arg4[%sub3A_42, %dma_start3A_160, %mul3A_2] : memref<200x64x4096xf32, #tpu.memory_space<hbm>> -> memref<1x64x128xf32, #tpu.memory_space<hbm>>
        %dma_start3A_162 = tpu.memref_squeeze %dma_start3A_161 : memref<1x64x128xf32, #tpu.memory_space<hbm>> -> memref<64x128xf32, #tpu.memory_space<hbm>>
        tpu.enqueue_dma source(%arg20 : memref<64x128xf32, #tpu.memory_space<vmem>>) target(%dma_start3A_162 : memref<64x128xf32, #tpu.memory_space<hbm>>) target_semaphore(%arg28 : memref<!tpu.dma_semaphore, #tpu.memory_space<semaphore_mem>>)
      } else {
      }
      %mul3A_49 = arith.constant 4 : i32
      %mul3A_50 = arith.muli %scan3A_35, %mul3A_49 : i32
      %add3A_51 = arith.constant 1 : i32
      %add3A_52 = arith.addi %mul3A_50, %add3A_51 : i32
      %lt3A_53 = arith.constant 200 : i32
      %lt3A_54 = arith.cmpi slt, %add3A_52, %lt3A_53 : i32
      %convert_element_type3A_55 = arith.extui %lt3A_54 : i1 to i32
      %cond3A_56 = arith.constant 0 : i32
      %cond3A_57 = arith.cmpi ne, %convert_element_type3A_55, %cond3A_56 : i32
      scf.if %cond3A_57 {
        %ge3A_106 = arith.constant 4 : i32
        %ge3A_107 = arith.cmpi sge, %add3A_52, %ge3A_106 : i32
        %convert_element_type3A_108 = arith.extui %ge3A_107 : i1 to i32
        %cond3A_109 = arith.constant 0 : i32
        %cond3A_110 = arith.cmpi ne, %convert_element_type3A_108, %cond3A_109 : i32
        scf.if %cond3A_110 {
          %sub3A_237 = arith.constant 4 : i32
          %sub3A_238 = arith.subi %add3A_52, %sub3A_237 : i32
          %dma_wait3A_239 = arith.constant 0 : i32
          %dma_wait3A_240 = tpu.memref_slice %arg4[%sub3A_238, %dma_wait3A_239, %mul3A_2] : memref<200x64x4096xf32, #tpu.memory_space<hbm>> -> memref<1x64x128xf32, #tpu.memory_space<hbm>>
          %dma_wait3A_241 = tpu.memref_squeeze %dma_wait3A_240 : memref<1x64x128xf32, #tpu.memory_space<hbm>> -> memref<64x128xf32, #tpu.memory_space<hbm>>
          %dma_wait3A_242 = arith.constant 0 : i32
          %dma_wait3A_243 = tpu.memref_slice %arg4[%sub3A_238, %dma_wait3A_242, %mul3A_2] : memref<200x64x4096xf32, #tpu.memory_space<hbm>> -> memref<1x64x128xf32, #tpu.memory_space<hbm>>
          %dma_wait3A_244 = tpu.memref_squeeze %dma_wait3A_243 : memref<1x64x128xf32, #tpu.memory_space<hbm>> -> memref<64x128xf32, #tpu.memory_space<hbm>>
          tpu.wait_dma2 semaphore(%arg27 : memref<!tpu.dma_semaphore, #tpu.memory_space<semaphore_mem>>) src(%arg19 : memref<64x128xf32, #tpu.memory_space<vmem>>) dst(%dma_wait3A_244 : memref<64x128xf32, #tpu.memory_space<hbm>>)
        } else {
        }
        %get3A = arith.index_cast %add3A_52 : i32 to index
        %get3A_111 = arith.constant 0 : index
        %get3A_112 = tpu.vector_load %arg5[%get3A, %get3A_111] {strides = array<i32>} : memref<200x128xi32, #tpu.memory_space<vmem>>, vector<16xi32>,
        %shift_right_arithmetic3A = arith.constant 1 : i32
        %shift_right_arithmetic3A_113 = vector.broadcast %shift_right_arithmetic3A : i32 to vector<16xi32>
        %shift_right_arithmetic3A_114 = arith.shrsi %get3A_112, %shift_right_arithmetic3A_113 : vector<16xi32>
        %swap3A = arith.constant 0 : index
        %swap3A_115 = tpu.vector_load %arg7[%swap3A] {strides = array<i32>} : memref<128xi32, #tpu.memory_space<vmem>>, vector<16xi32>,
        tpu.vector_store %arg7[%swap3A], %shift_right_arithmetic3A_114 {strides = array<i32>} : memref<128xi32, #tpu.memory_space<vmem>>, vector<16xi32>,
        %and3A_116 = arith.constant 1 : i32
        %and3A_117 = vector.broadcast %and3A_116 : i32 to vector<16xi32>
        %and3A_118 = arith.andi %get3A_112, %and3A_117 : vector<16xi32>
        %shift_left3A = arith.constant 6 : i32
        %shift_left3A_119 = vector.broadcast %shift_left3A : i32 to vector<16xi32>
        %shift_left3A_120 = arith.shli %and3A_118, %shift_left3A_119 : vector<16xi32>
        %swap3A_121 = arith.constant 0 : index
        %swap3A_122 = tpu.vector_load %arg11[%swap3A_121] {strides = array<i32>} : memref<128xi32, #tpu.memory_space<vmem>>, vector<16xi32>,
        tpu.vector_store %arg11[%swap3A_121], %shift_left3A_120 {strides = array<i32>} : memref<128xi32, #tpu.memory_space<vmem>>, vector<16xi32>,
        %get3A_123 = arith.index_cast %add3A_52 : i32 to index
        %get3A_124 = arith.constant 16 : index
        %get3A_125 = tpu.vector_load %arg5[%get3A_123, %get3A_124] {strides = array<i32>} : memref<200x128xi32, #tpu.memory_space<vmem>>, vector<16xi32>,
        %shift_right_arithmetic3A_126 = arith.constant 1 : i32
        %shift_right_arithmetic3A_127 = vector.broadcast %shift_right_arithmetic3A_126 : i32 to vector<16xi32>
        %shift_right_arithmetic3A_128 = arith.shrsi %get3A_125, %shift_right_arithmetic3A_127 : vector<16xi32>
        %swap3A_129 = arith.constant 16 : index
        %swap3A_130 = tpu.vector_load %arg7[%swap3A_129] {strides = array<i32>} : memref<128xi32, #tpu.memory_space<vmem>>, vector<16xi32>,
        tpu.vector_store %arg7[%swap3A_129], %shift_right_arithmetic3A_128 {strides = array<i32>} : memref<128xi32, #tpu.memory_space<vmem>>, vector<16xi32>,
        %and3A_131 = arith.constant 1 : i32
        %and3A_132 = vector.broadcast %and3A_131 : i32 to vector<16xi32>
        %and3A_133 = arith.andi %get3A_125, %and3A_132 : vector<16xi32>
        %shift_left3A_134 = arith.constant 6 : i32
        %shift_left3A_135 = vector.broadcast %shift_left3A_134 : i32 to vector<16xi32>
        %shift_left3A_136 = arith.shli %and3A_133, %shift_left3A_135 : vector<16xi32>
        %swap3A_137 = arith.constant 16 : index
        %swap3A_138 = tpu.vector_load %arg11[%swap3A_137] {strides = array<i32>} : memref<128xi32, #tpu.memory_space<vmem>>, vector<16xi32>,
        tpu.vector_store %arg11[%swap3A_137], %shift_left3A_136 {strides = array<i32>} : memref<128xi32, #tpu.memory_space<vmem>>, vector<16xi32>,
        %get3A_139 = arith.index_cast %add3A_52 : i32 to index
        %get3A_140 = arith.constant 32 : index
        %get3A_141 = tpu.vector_load %arg5[%get3A_139, %get3A_140] {strides = array<i32>} : memref<200x128xi32, #tpu.memory_space<vmem>>, vector<16xi32>,
        %shift_right_arithmetic3A_142 = arith.constant 1 : i32
        %shift_right_arithmetic3A_143 = vector.broadcast %shift_right_arithmetic3A_142 : i32 to vector<16xi32>
        %shift_right_arithmetic3A_144 = arith.shrsi %get3A_141, %shift_right_arithmetic3A_143 : vector<16xi32>
        %swap3A_145 = arith.constant 32 : index
        %swap3A_146 = tpu.vector_load %arg7[%swap3A_145] {strides = array<i32>} : memref<128xi32, #tpu.memory_space<vmem>>, vector<16xi32>,
        tpu.vector_store %arg7[%swap3A_145], %shift_right_arithmetic3A_144 {strides = array<i32>} : memref<128xi32, #tpu.memory_space<vmem>>, vector<16xi32>,
        %and3A_147 = arith.constant 1 : i32
        %and3A_148 = vector.broadcast %and3A_147 : i32 to vector<16xi32>
        %and3A_149 = arith.andi %get3A_141, %and3A_148 : vector<16xi32>
        %shift_left3A_150 = arith.constant 6 : i32
        %shift_left3A_151 = vector.broadcast %shift_left3A_150 : i32 to vector<16xi32>
        %shift_left3A_152 = arith.shli %and3A_149, %shift_left3A_151 : vector<16xi32>
        %swap3A_153 = arith.constant 32 : index
        %swap3A_154 = tpu.vector_load %arg11[%swap3A_153] {strides = array<i32>} : memref<128xi32, #tpu.memory_space<vmem>>, vector<16xi32>,
        tpu.vector_store %arg11[%swap3A_153], %shift_left3A_152 {strides = array<i32>} : memref<128xi32, #tpu.memory_space<vmem>>, vector<16xi32>,
        %get3A_155 = arith.index_cast %add3A_52 : i32 to index
        %get3A_156 = arith.constant 48 : index
        %get3A_157 = tpu.vector_load %arg5[%get3A_155, %get3A_156] {strides = array<i32>} : memref<200x128xi32, #tpu.memory_space<vmem>>, vector<16xi32>,
        %shift_right_arithmetic3A_158 = arith.constant 1 : i32
        %shift_right_arithmetic3A_159 = vector.broadcast %shift_right_arithmetic3A_158 : i32 to vector<16xi32>
        %shift_right_arithmetic3A_160 = arith.shrsi %get3A_157, %shift_right_arithmetic3A_159 : vector<16xi32>
        %swap3A_161 = arith.constant 48 : index
        %swap3A_162 = tpu.vector_load %arg7[%swap3A_161] {strides = array<i32>} : memref<128xi32, #tpu.memory_space<vmem>>, vector<16xi32>,
        tpu.vector_store %arg7[%swap3A_161], %shift_right_arithmetic3A_160 {strides = array<i32>} : memref<128xi32, #tpu.memory_space<vmem>>, vector<16xi32>,
        %and3A_163 = arith.constant 1 : i32
        %and3A_164 = vector.broadcast %and3A_163 : i32 to vector<16xi32>
        %and3A_165 = arith.andi %get3A_157, %and3A_164 : vector<16xi32>
        %shift_left3A_166 = arith.constant 6 : i32
        %shift_left3A_167 = vector.broadcast %shift_left3A_166 : i32 to vector<16xi32>
        %shift_left3A_168 = arith.shli %and3A_165, %shift_left3A_167 : vector<16xi32>
        %swap3A_169 = arith.constant 48 : index
        %swap3A_170 = tpu.vector_load %arg11[%swap3A_169] {strides = array<i32>} : memref<128xi32, #tpu.memory_space<vmem>>, vector<16xi32>,
        tpu.vector_store %arg11[%swap3A_169], %shift_left3A_168 {strides = array<i32>} : memref<128xi32, #tpu.memory_space<vmem>>, vector<16xi32>,
        %get3A_171 = arith.index_cast %add3A_52 : i32 to index
        %get3A_172 = arith.constant 64 : index
        %get3A_173 = tpu.vector_load %arg5[%get3A_171, %get3A_172] {strides = array<i32>} : memref<200x128xi32, #tpu.memory_space<vmem>>, vector<16xi32>,
        %shift_right_arithmetic3A_174 = arith.constant 1 : i32
        %shift_right_arithmetic3A_175 = vector.broadcast %shift_right_arithmetic3A_174 : i32 to vector<16xi32>
        %shift_right_arithmetic3A_176 = arith.shrsi %get3A_173, %shift_right_arithmetic3A_175 : vector<16xi32>
        %swap3A_177 = arith.constant 64 : index
        %swap3A_178 = tpu.vector_load %arg7[%swap3A_177] {strides = array<i32>} : memref<128xi32, #tpu.memory_space<vmem>>, vector<16xi32>,
        tpu.vector_store %arg7[%swap3A_177], %shift_right_arithmetic3A_176 {strides = array<i32>} : memref<128xi32, #tpu.memory_space<vmem>>, vector<16xi32>,
        %and3A_179 = arith.constant 1 : i32
        %and3A_180 = vector.broadcast %and3A_179 : i32 to vector<16xi32>
        %and3A_181 = arith.andi %get3A_173, %and3A_180 : vector<16xi32>
        %shift_left3A_182 = arith.constant 6 : i32
        %shift_left3A_183 = vector.broadcast %shift_left3A_182 : i32 to vector<16xi32>
        %shift_left3A_184 = arith.shli %and3A_181, %shift_left3A_183 : vector<16xi32>
        %swap3A_185 = arith.constant 64 : index
        %swap3A_186 = tpu.vector_load %arg11[%swap3A_185] {strides = array<i32>} : memref<128xi32, #tpu.memory_space<vmem>>, vector<16xi32>,
        tpu.vector_store %arg11[%swap3A_185], %shift_left3A_184 {strides = array<i32>} : memref<128xi32, #tpu.memory_space<vmem>>, vector<16xi32>,
        %get3A_187 = arith.index_cast %add3A_52 : i32 to index
        %get3A_188 = arith.constant 80 : index
        %get3A_189 = tpu.vector_load %arg5[%get3A_187, %get3A_188] {strides = array<i32>} : memref<200x128xi32, #tpu.memory_space<vmem>>, vector<16xi32>,
        %shift_right_arithmetic3A_190 = arith.constant 1 : i32
        %shift_right_arithmetic3A_191 = vector.broadcast %shift_right_arithmetic3A_190 : i32 to vector<16xi32>
        %shift_right_arithmetic3A_192 = arith.shrsi %get3A_189, %shift_right_arithmetic3A_191 : vector<16xi32>
        %swap3A_193 = arith.constant 80 : index
        %swap3A_194 = tpu.vector_load %arg7[%swap3A_193] {strides = array<i32>} : memref<128xi32, #tpu.memory_space<vmem>>, vector<16xi32>,
        tpu.vector_store %arg7[%swap3A_193], %shift_right_arithmetic3A_192 {strides = array<i32>} : memref<128xi32, #tpu.memory_space<vmem>>, vector<16xi32>,
        %and3A_195 = arith.constant 1 : i32
        %and3A_196 = vector.broadcast %and3A_195 : i32 to vector<16xi32>
        %and3A_197 = arith.andi %get3A_189, %and3A_196 : vector<16xi32>
        %shift_left3A_198 = arith.constant 6 : i32
        %shift_left3A_199 = vector.broadcast %shift_left3A_198 : i32 to vector<16xi32>
        %shift_left3A_200 = arith.shli %and3A_197, %shift_left3A_199 : vector<16xi32>
        %swap3A_201 = arith.constant 80 : index
        %swap3A_202 = tpu.vector_load %arg11[%swap3A_201] {strides = array<i32>} : memref<128xi32, #tpu.memory_space<vmem>>, vector<16xi32>,
        tpu.vector_store %arg11[%swap3A_201], %shift_left3A_200 {strides = array<i32>} : memref<128xi32, #tpu.memory_space<vmem>>, vector<16xi32>,
        %get3A_203 = arith.index_cast %add3A_52 : i32 to index
        %get3A_204 = arith.constant 96 : index
        %get3A_205 = tpu.vector_load %arg5[%get3A_203, %get3A_204] {strides = array<i32>} : memref<200x128xi32, #tpu.memory_space<vmem>>, vector<16xi32>,
        %shift_right_arithmetic3A_206 = arith.constant 1 : i32
        %shift_right_arithmetic3A_207 = vector.broadcast %shift_right_arithmetic3A_206 : i32 to vector<16xi32>
        %shift_right_arithmetic3A_208 = arith.shrsi %get3A_205, %shift_right_arithmetic3A_207 : vector<16xi32>
        %swap3A_209 = arith.constant 96 : index
        %swap3A_210 = tpu.vector_load %arg7[%swap3A_209] {strides = array<i32>} : memref<128xi32, #tpu.memory_space<vmem>>, vector<16xi32>,
        tpu.vector_store %arg7[%swap3A_209], %shift_right_arithmetic3A_208 {strides = array<i32>} : memref<128xi32, #tpu.memory_space<vmem>>, vector<16xi32>,
        %and3A_211 = arith.constant 1 : i32
        %and3A_212 = vector.broadcast %and3A_211 : i32 to vector<16xi32>
        %and3A_213 = arith.andi %get3A_205, %and3A_212 : vector<16xi32>
        %shift_left3A_214 = arith.constant 6 : i32
        %shift_left3A_215 = vector.broadcast %shift_left3A_214 : i32 to vector<16xi32>
        %shift_left3A_216 = arith.shli %and3A_213, %shift_left3A_215 : vector<16xi32>
        %swap3A_217 = arith.constant 96 : index
        %swap3A_218 = tpu.vector_load %arg11[%swap3A_217] {strides = array<i32>} : memref<128xi32, #tpu.memory_space<vmem>>, vector<16xi32>,
        tpu.vector_store %arg11[%swap3A_217], %shift_left3A_216 {strides = array<i32>} : memref<128xi32, #tpu.memory_space<vmem>>, vector<16xi32>,
        %get3A_219 = arith.index_cast %add3A_52 : i32 to index
        %get3A_220 = arith.constant 112 : index
        %get3A_221 = tpu.vector_load %arg5[%get3A_219, %get3A_220] {strides = array<i32>} : memref<200x128xi32, #tpu.memory_space<vmem>>, vector<16xi32>,
        %shift_right_arithmetic3A_222 = arith.constant 1 : i32
        %shift_right_arithmetic3A_223 = vector.broadcast %shift_right_arithmetic3A_222 : i32 to vector<16xi32>
        %shift_right_arithmetic3A_224 = arith.shrsi %get3A_221, %shift_right_arithmetic3A_223 : vector<16xi32>
        %swap3A_225 = arith.constant 112 : index
        %swap3A_226 = tpu.vector_load %arg7[%swap3A_225] {strides = array<i32>} : memref<128xi32, #tpu.memory_space<vmem>>, vector<16xi32>,
        tpu.vector_store %arg7[%swap3A_225], %shift_right_arithmetic3A_224 {strides = array<i32>} : memref<128xi32, #tpu.memory_space<vmem>>, vector<16xi32>,
        %and3A_227 = arith.constant 1 : i32
        %and3A_228 = vector.broadcast %and3A_227 : i32 to vector<16xi32>
        %and3A_229 = arith.andi %get3A_221, %and3A_228 : vector<16xi32>
        %shift_left3A_230 = arith.constant 6 : i32
        %shift_left3A_231 = vector.broadcast %shift_left3A_230 : i32 to vector<16xi32>
        %shift_left3A_232 = arith.shli %and3A_229, %shift_left3A_231 : vector<16xi32>
        %swap3A_233 = arith.constant 112 : index
        %swap3A_234 = tpu.vector_load %arg11[%swap3A_233] {strides = array<i32>} : memref<128xi32, #tpu.memory_space<vmem>>, vector<16xi32>,
        tpu.vector_store %arg11[%swap3A_233], %shift_left3A_232 {strides = array<i32>} : memref<128xi32, #tpu.memory_space<vmem>>, vector<16xi32>,
        %dma_start3A = arith.constant 0 : i32
        %dma_start3A_235 = arith.constant 0 : i32
        %dma_start3A_236 = tpu.memref_slice %arg2[%dma_start3A, %dma_start3A_235] : memref<500000x128xf32, #tpu.memory_space<hbm>> -> memref<500000x128xf32, #tpu.memory_space<hbm>>
        tpu.enqueue_indirect_dma source(%dma_start3A_236 : memref<500000x128xf32, #tpu.memory_space<hbm>>) target(%arg15 : memref<128x128xf32, #tpu.memory_space<vmem>>) offsets(%arg7 : memref<128xi32, #tpu.memory_space<vmem>>) semaphore(%arg23 : memref<!tpu.dma_semaphore, #tpu.memory_space<semaphore_mem>>)
      } else {
      }
      %sub3A_58 = arith.constant 2 : i32
      %sub3A_59 = arith.subi %add3A_52, %sub3A_58 : i32
      %ge3A_60 = arith.constant 0 : i32
      %ge3A_61 = arith.cmpi sge, %sub3A_59, %ge3A_60 : i32
      %lt3A_62 = arith.constant 200 : i32
      %lt3A_63 = arith.cmpi slt, %sub3A_59, %lt3A_62 : i32
      %and3A_64 = arith.andi %ge3A_61, %lt3A_63 : i1
      %convert_element_type3A_65 = arith.extui %and3A_64 : i1 to i32
      %cond3A_66 = arith.constant 0 : i32
      %cond3A_67 = arith.cmpi ne, %convert_element_type3A_65, %cond3A_66 : i32
      scf.if %cond3A_67 {
        %dma_wait3A_106 = arith.constant 0 : i32
        %dma_wait3A_107 = arith.constant 0 : i32
        %dma_wait3A_108 = tpu.memref_slice %arg2[%dma_wait3A_106, %dma_wait3A_107] : memref<500000x128xf32, #tpu.memory_space<hbm>> -> memref<500000x128xf32, #tpu.memory_space<hbm>>
        tpu.wait_indirect_dma semaphore(%arg25 : memref<!tpu.dma_semaphore, #tpu.memory_space<semaphore_mem>>) src(%dma_wait3A_108 : memref<500000x128xf32, #tpu.memory_space<hbm>>) dst(%arg17 : memref<128x128xf32, #tpu.memory_space<vmem>>)
        %iota3A = tpu.iota {dimensions = array<i32: 0>} : vector<16xi32>
        %iota3A_109 = tpu.iota {dimensions = array<i32: 0>} : vector<16xi32>
        %add3A_110 = arith.constant 0 : i32
        %add3A_111 = vector.broadcast %add3A_110 : i32 to vector<16xi32>
        %add3A_112 = arith.addi %iota3A_109, %add3A_111 : vector<16xi32>
        %iota3A_113 = tpu.iota {dimensions = array<i32: 0>} : vector<16xi32>
        %add3A_114 = arith.constant 16 : i32
        %add3A_115 = vector.broadcast %add3A_114 : i32 to vector<16xi32>
        %add3A_116 = arith.addi %iota3A_113, %add3A_115 : vector<16xi32>
        %iota3A_117 = tpu.iota {dimensions = array<i32: 0>} : vector<16xi32>
        %add3A_118 = arith.constant 32 : i32
        %add3A_119 = vector.broadcast %add3A_118 : i32 to vector<16xi32>
        %add3A_120 = arith.addi %iota3A_117, %add3A_119 : vector<16xi32>
        %iota3A_121 = tpu.iota {dimensions = array<i32: 0>} : vector<16xi32>
        %add3A_122 = arith.constant 48 : i32
        %add3A_123 = vector.broadcast %add3A_122 : i32 to vector<16xi32>
        %add3A_124 = arith.addi %iota3A_121, %add3A_123 : vector<16xi32>
        %iota3A_125 = tpu.iota {dimensions = array<i32: 0>} : vector<16xi32>
        %add3A_126 = arith.constant 64 : i32
        %add3A_127 = vector.broadcast %add3A_126 : i32 to vector<16xi32>
        %add3A_128 = arith.addi %iota3A_125, %add3A_127 : vector<16xi32>
        %iota3A_129 = tpu.iota {dimensions = array<i32: 0>} : vector<16xi32>
        %add3A_130 = arith.constant 80 : i32
        %add3A_131 = vector.broadcast %add3A_130 : i32 to vector<16xi32>
        %add3A_132 = arith.addi %iota3A_129, %add3A_131 : vector<16xi32>
        %iota3A_133 = tpu.iota {dimensions = array<i32: 0>} : vector<16xi32>
        %add3A_134 = arith.constant 96 : i32
        %add3A_135 = vector.broadcast %add3A_134 : i32 to vector<16xi32>
        %add3A_136 = arith.addi %iota3A_133, %add3A_135 : vector<16xi32>
        %iota3A_137 = tpu.iota {dimensions = array<i32: 0>} : vector<16xi32>
        %add3A_138 = arith.constant 112 : i32
        %add3A_139 = vector.broadcast %add3A_138 : i32 to vector<16xi32>
        %add3A_140 = arith.addi %iota3A_137, %add3A_139 : vector<16xi32>
        %get3A = arith.constant 0 : index
        %get3A_141 = tpu.vector_load %arg13[%get3A] {strides = array<i32>} : memref<128xi32, #tpu.memory_space<vmem>>, vector<16xi32>,
        %get3A_142 = arith.constant 16 : index
        %get3A_143 = tpu.vector_load %arg13[%get3A_142] {strides = array<i32>} : memref<128xi32, #tpu.memory_space<vmem>>, vector<16xi32>,
        %get3A_144 = arith.constant 32 : index
        %get3A_145 = tpu.vector_load %arg13[%get3A_144] {strides = array<i32>} : memref<128xi32, #tpu.memory_space<vmem>>, vector<16xi32>,
        %get3A_146 = arith.constant 48 : index
        %get3A_147 = tpu.vector_load %arg13[%get3A_146] {strides = array<i32>} : memref<128xi32, #tpu.memory_space<vmem>>, vector<16xi32>,
        %get3A_148 = arith.constant 64 : index
        %get3A_149 = tpu.vector_load %arg13[%get3A_148] {strides = array<i32>} : memref<128xi32, #tpu.memory_space<vmem>>, vector<16xi32>,
        %get3A_150 = arith.constant 80 : index
        %get3A_151 = tpu.vector_load %arg13[%get3A_150] {strides = array<i32>} : memref<128xi32, #tpu.memory_space<vmem>>, vector<16xi32>,
        %get3A_152 = arith.constant 96 : index
        %get3A_153 = tpu.vector_load %arg13[%get3A_152] {strides = array<i32>} : memref<128xi32, #tpu.memory_space<vmem>>, vector<16xi32>,
        %get3A_154 = arith.constant 112 : index
        %get3A_155 = tpu.vector_load %arg13[%get3A_154] {strides = array<i32>} : memref<128xi32, #tpu.memory_space<vmem>>, vector<16xi32>,
        %parallel_loop3A = arith.constant 0 : i32
        %parallel_loop3A_156 = arith.constant 16 : i32
        %parallel_loop3A_157 = arith.constant 1 : i32
        scf.for %parallel_loop3A_163 = %parallel_loop3A to %parallel_loop3A_156 step %parallel_loop3A_157  : i32 {
          %parallel_loop3A_164 = vector.broadcast %parallel_loop3A_163 : i32 to vector<16xi32>
          %parallel_loop3A_165 = arith.addi %iota3A, %parallel_loop3A_164 : vector<16xi32>
          %parallel_loop3A_166 = arith.constant 15 : i32
          %parallel_loop3A_167 = vector.broadcast %parallel_loop3A_166 : i32 to vector<16xi32>
          %parallel_loop3A_168 = arith.andi %parallel_loop3A_165, %parallel_loop3A_167 : vector<16xi32>
          %parallel_loop3A_169 = arith.constant 0 : i32
          %parallel_loop3A_170 = vector.broadcast %parallel_loop3A_169 : i32 to vector<16xi32>
          %parallel_loop3A_171 = arith.addi %parallel_loop3A_168, %parallel_loop3A_170 : vector<16xi32>
          %parallel_loop3A_172 = arith.addi %get3A_141, %parallel_loop3A_171 : vector<16xi32>
          %parallel_loop3A_173 = tpu.vector_load_idx %arg17[%add3A_112, %parallel_loop3A_172] : memref<128x128xf32, #tpu.memory_space<vmem>>[vector<16xi32>, vector<16xi32>], vector<16xf32>,
          %parallel_loop3A_174 = arith.constant 8.000000e+00 : f32
          %parallel_loop3A_175 = vector.broadcast %parallel_loop3A_174 : f32 to vector<16xf32>
          %parallel_loop3A_176 = arith.mulf %parallel_loop3A_173, %parallel_loop3A_175 : vector<16xf32>
          tpu.vector_store_idx %arg21[%parallel_loop3A_171, %add3A_112], %parallel_loop3A_176 : memref<64x128xf32, #tpu.memory_space<vmem>>[vector<16xi32>, vector<16xi32>], vector<16xf32>,
          %parallel_loop3A_177 = arith.addi %get3A_143, %parallel_loop3A_171 : vector<16xi32>
          %parallel_loop3A_178 = tpu.vector_load_idx %arg17[%add3A_116, %parallel_loop3A_177] : memref<128x128xf32, #tpu.memory_space<vmem>>[vector<16xi32>, vector<16xi32>], vector<16xf32>,
          %parallel_loop3A_179 = arith.constant 8.000000e+00 : f32
          %parallel_loop3A_180 = vector.broadcast %parallel_loop3A_179 : f32 to vector<16xf32>
          %parallel_loop3A_181 = arith.mulf %parallel_loop3A_178, %parallel_loop3A_180 : vector<16xf32>
          tpu.vector_store_idx %arg21[%parallel_loop3A_171, %add3A_116], %parallel_loop3A_181 : memref<64x128xf32, #tpu.memory_space<vmem>>[vector<16xi32>, vector<16xi32>], vector<16xf32>,
          %parallel_loop3A_182 = arith.addi %get3A_145, %parallel_loop3A_171 : vector<16xi32>
          %parallel_loop3A_183 = tpu.vector_load_idx %arg17[%add3A_120, %parallel_loop3A_182] : memref<128x128xf32, #tpu.memory_space<vmem>>[vector<16xi32>, vector<16xi32>], vector<16xf32>,
          %parallel_loop3A_184 = arith.constant 8.000000e+00 : f32
          %parallel_loop3A_185 = vector.broadcast %parallel_loop3A_184 : f32 to vector<16xf32>
          %parallel_loop3A_186 = arith.mulf %parallel_loop3A_183, %parallel_loop3A_185 : vector<16xf32>
          tpu.vector_store_idx %arg21[%parallel_loop3A_171, %add3A_120], %parallel_loop3A_186 : memref<64x128xf32, #tpu.memory_space<vmem>>[vector<16xi32>, vector<16xi32>], vector<16xf32>,
          %parallel_loop3A_187 = arith.addi %get3A_147, %parallel_loop3A_171 : vector<16xi32>
          %parallel_loop3A_188 = tpu.vector_load_idx %arg17[%add3A_124, %parallel_loop3A_187] : memref<128x128xf32, #tpu.memory_space<vmem>>[vector<16xi32>, vector<16xi32>], vector<16xf32>,
          %parallel_loop3A_189 = arith.constant 8.000000e+00 : f32
          %parallel_loop3A_190 = vector.broadcast %parallel_loop3A_189 : f32 to vector<16xf32>
          %parallel_loop3A_191 = arith.mulf %parallel_loop3A_188, %parallel_loop3A_190 : vector<16xf32>
          tpu.vector_store_idx %arg21[%parallel_loop3A_171, %add3A_124], %parallel_loop3A_191 : memref<64x128xf32, #tpu.memory_space<vmem>>[vector<16xi32>, vector<16xi32>], vector<16xf32>,
          %parallel_loop3A_192 = arith.addi %get3A_149, %parallel_loop3A_171 : vector<16xi32>
          %parallel_loop3A_193 = tpu.vector_load_idx %arg17[%add3A_128, %parallel_loop3A_192] : memref<128x128xf32, #tpu.memory_space<vmem>>[vector<16xi32>, vector<16xi32>], vector<16xf32>,
          %parallel_loop3A_194 = arith.constant 8.000000e+00 : f32
          %parallel_loop3A_195 = vector.broadcast %parallel_loop3A_194 : f32 to vector<16xf32>
          %parallel_loop3A_196 = arith.mulf %parallel_loop3A_193, %parallel_loop3A_195 : vector<16xf32>
          tpu.vector_store_idx %arg21[%parallel_loop3A_171, %add3A_128], %parallel_loop3A_196 : memref<64x128xf32, #tpu.memory_space<vmem>>[vector<16xi32>, vector<16xi32>], vector<16xf32>,
          %parallel_loop3A_197 = arith.addi %get3A_151, %parallel_loop3A_171 : vector<16xi32>
          %parallel_loop3A_198 = tpu.vector_load_idx %arg17[%add3A_132, %parallel_loop3A_197] : memref<128x128xf32, #tpu.memory_space<vmem>>[vector<16xi32>, vector<16xi32>], vector<16xf32>,
          %parallel_loop3A_199 = arith.constant 8.000000e+00 : f32
          %parallel_loop3A_200 = vector.broadcast %parallel_loop3A_199 : f32 to vector<16xf32>
          %parallel_loop3A_201 = arith.mulf %parallel_loop3A_198, %parallel_loop3A_200 : vector<16xf32>
          tpu.vector_store_idx %arg21[%parallel_loop3A_171, %add3A_132], %parallel_loop3A_201 : memref<64x128xf32, #tpu.memory_space<vmem>>[vector<16xi32>, vector<16xi32>], vector<16xf32>,
          %parallel_loop3A_202 = arith.addi %get3A_153, %parallel_loop3A_171 : vector<16xi32>
          %parallel_loop3A_203 = tpu.vector_load_idx %arg17[%add3A_136, %parallel_loop3A_202] : memref<128x128xf32, #tpu.memory_space<vmem>>[vector<16xi32>, vector<16xi32>], vector<16xf32>,
          %parallel_loop3A_204 = arith.constant 8.000000e+00 : f32
          %parallel_loop3A_205 = vector.broadcast %parallel_loop3A_204 : f32 to vector<16xf32>
          %parallel_loop3A_206 = arith.mulf %parallel_loop3A_203, %parallel_loop3A_205 : vector<16xf32>
          tpu.vector_store_idx %arg21[%parallel_loop3A_171, %add3A_136], %parallel_loop3A_206 : memref<64x128xf32, #tpu.memory_space<vmem>>[vector<16xi32>, vector<16xi32>], vector<16xf32>,
          %parallel_loop3A_207 = arith.addi %get3A_155, %parallel_loop3A_171 : vector<16xi32>
          %parallel_loop3A_208 = tpu.vector_load_idx %arg17[%add3A_140, %parallel_loop3A_207] : memref<128x128xf32, #tpu.memory_space<vmem>>[vector<16xi32>, vector<16xi32>], vector<16xf32>,
          %parallel_loop3A_209 = arith.constant 8.000000e+00 : f32
          %parallel_loop3A_210 = vector.broadcast %parallel_loop3A_209 : f32 to vector<16xf32>
          %parallel_loop3A_211 = arith.mulf %parallel_loop3A_208, %parallel_loop3A_210 : vector<16xf32>
          tpu.vector_store_idx %arg21[%parallel_loop3A_171, %add3A_140], %parallel_loop3A_211 : memref<64x128xf32, #tpu.memory_space<vmem>>[vector<16xi32>, vector<16xi32>], vector<16xf32>,
          %parallel_loop3A_212 = arith.constant 16 : i32
          %parallel_loop3A_213 = vector.broadcast %parallel_loop3A_212 : i32 to vector<16xi32>
          %parallel_loop3A_214 = arith.addi %parallel_loop3A_168, %parallel_loop3A_213 : vector<16xi32>
          %parallel_loop3A_215 = arith.addi %get3A_141, %parallel_loop3A_214 : vector<16xi32>
          %parallel_loop3A_216 = tpu.vector_load_idx %arg17[%add3A_112, %parallel_loop3A_215] : memref<128x128xf32, #tpu.memory_space<vmem>>[vector<16xi32>, vector<16xi32>], vector<16xf32>,
          %parallel_loop3A_217 = arith.constant 8.000000e+00 : f32
          %parallel_loop3A_218 = vector.broadcast %parallel_loop3A_217 : f32 to vector<16xf32>
          %parallel_loop3A_219 = arith.mulf %parallel_loop3A_216, %parallel_loop3A_218 : vector<16xf32>
          tpu.vector_store_idx %arg21[%parallel_loop3A_214, %add3A_112], %parallel_loop3A_219 : memref<64x128xf32, #tpu.memory_space<vmem>>[vector<16xi32>, vector<16xi32>], vector<16xf32>,
          %parallel_loop3A_220 = arith.addi %get3A_143, %parallel_loop3A_214 : vector<16xi32>
          %parallel_loop3A_221 = tpu.vector_load_idx %arg17[%add3A_116, %parallel_loop3A_220] : memref<128x128xf32, #tpu.memory_space<vmem>>[vector<16xi32>, vector<16xi32>], vector<16xf32>,
          %parallel_loop3A_222 = arith.constant 8.000000e+00 : f32
          %parallel_loop3A_223 = vector.broadcast %parallel_loop3A_222 : f32 to vector<16xf32>
          %parallel_loop3A_224 = arith.mulf %parallel_loop3A_221, %parallel_loop3A_223 : vector<16xf32>
          tpu.vector_store_idx %arg21[%parallel_loop3A_214, %add3A_116], %parallel_loop3A_224 : memref<64x128xf32, #tpu.memory_space<vmem>>[vector<16xi32>, vector<16xi32>], vector<16xf32>,
          %parallel_loop3A_225 = arith.addi %get3A_145, %parallel_loop3A_214 : vector<16xi32>
          %parallel_loop3A_226 = tpu.vector_load_idx %arg17[%add3A_120, %parallel_loop3A_225] : memref<128x128xf32, #tpu.memory_space<vmem>>[vector<16xi32>, vector<16xi32>], vector<16xf32>,
          %parallel_loop3A_227 = arith.constant 8.000000e+00 : f32
          %parallel_loop3A_228 = vector.broadcast %parallel_loop3A_227 : f32 to vector<16xf32>
          %parallel_loop3A_229 = arith.mulf %parallel_loop3A_226, %parallel_loop3A_228 : vector<16xf32>
          tpu.vector_store_idx %arg21[%parallel_loop3A_214, %add3A_120], %parallel_loop3A_229 : memref<64x128xf32, #tpu.memory_space<vmem>>[vector<16xi32>, vector<16xi32>], vector<16xf32>,
          %parallel_loop3A_230 = arith.addi %get3A_147, %parallel_loop3A_214 : vector<16xi32>
          %parallel_loop3A_231 = tpu.vector_load_idx %arg17[%add3A_124, %parallel_loop3A_230] : memref<128x128xf32, #tpu.memory_space<vmem>>[vector<16xi32>, vector<16xi32>], vector<16xf32>,
          %parallel_loop3A_232 = arith.constant 8.000000e+00 : f32
          %parallel_loop3A_233 = vector.broadcast %parallel_loop3A_232 : f32 to vector<16xf32>
          %parallel_loop3A_234 = arith.mulf %parallel_loop3A_231, %parallel_loop3A_233 : vector<16xf32>
          tpu.vector_store_idx %arg21[%parallel_loop3A_214, %add3A_124], %parallel_loop3A_234 : memref<64x128xf32, #tpu.memory_space<vmem>>[vector<16xi32>, vector<16xi32>], vector<16xf32>,
          %parallel_loop3A_235 = arith.addi %get3A_149, %parallel_loop3A_214 : vector<16xi32>
          %parallel_loop3A_236 = tpu.vector_load_idx %arg17[%add3A_128, %parallel_loop3A_235] : memref<128x128xf32, #tpu.memory_space<vmem>>[vector<16xi32>, vector<16xi32>], vector<16xf32>,
          %parallel_loop3A_237 = arith.constant 8.000000e+00 : f32
          %parallel_loop3A_238 = vector.broadcast %parallel_loop3A_237 : f32 to vector<16xf32>
          %parallel_loop3A_239 = arith.mulf %parallel_loop3A_236, %parallel_loop3A_238 : vector<16xf32>
          tpu.vector_store_idx %arg21[%parallel_loop3A_214, %add3A_128], %parallel_loop3A_239 : memref<64x128xf32, #tpu.memory_space<vmem>>[vector<16xi32>, vector<16xi32>], vector<16xf32>,
          %parallel_loop3A_240 = arith.addi %get3A_151, %parallel_loop3A_214 : vector<16xi32>
          %parallel_loop3A_241 = tpu.vector_load_idx %arg17[%add3A_132, %parallel_loop3A_240] : memref<128x128xf32, #tpu.memory_space<vmem>>[vector<16xi32>, vector<16xi32>], vector<16xf32>,
          %parallel_loop3A_242 = arith.constant 8.000000e+00 : f32
          %parallel_loop3A_243 = vector.broadcast %parallel_loop3A_242 : f32 to vector<16xf32>
          %parallel_loop3A_244 = arith.mulf %parallel_loop3A_241, %parallel_loop3A_243 : vector<16xf32>
          tpu.vector_store_idx %arg21[%parallel_loop3A_214, %add3A_132], %parallel_loop3A_244 : memref<64x128xf32, #tpu.memory_space<vmem>>[vector<16xi32>, vector<16xi32>], vector<16xf32>,
          %parallel_loop3A_245 = arith.addi %get3A_153, %parallel_loop3A_214 : vector<16xi32>
          %parallel_loop3A_246 = tpu.vector_load_idx %arg17[%add3A_136, %parallel_loop3A_245] : memref<128x128xf32, #tpu.memory_space<vmem>>[vector<16xi32>, vector<16xi32>], vector<16xf32>,
          %parallel_loop3A_247 = arith.constant 8.000000e+00 : f32
          %parallel_loop3A_248 = vector.broadcast %parallel_loop3A_247 : f32 to vector<16xf32>
          %parallel_loop3A_249 = arith.mulf %parallel_loop3A_246, %parallel_loop3A_248 : vector<16xf32>
          tpu.vector_store_idx %arg21[%parallel_loop3A_214, %add3A_136], %parallel_loop3A_249 : memref<64x128xf32, #tpu.memory_space<vmem>>[vector<16xi32>, vector<16xi32>], vector<16xf32>,
          %parallel_loop3A_250 = arith.addi %get3A_155, %parallel_loop3A_214 : vector<16xi32>
          %parallel_loop3A_251 = tpu.vector_load_idx %arg17[%add3A_140, %parallel_loop3A_250] : memref<128x128xf32, #tpu.memory_space<vmem>>[vector<16xi32>, vector<16xi32>], vector<16xf32>,
          %parallel_loop3A_252 = arith.constant 8.000000e+00 : f32
          %parallel_loop3A_253 = vector.broadcast %parallel_loop3A_252 : f32 to vector<16xf32>
          %parallel_loop3A_254 = arith.mulf %parallel_loop3A_251, %parallel_loop3A_253 : vector<16xf32>
          tpu.vector_store_idx %arg21[%parallel_loop3A_214, %add3A_140], %parallel_loop3A_254 : memref<64x128xf32, #tpu.memory_space<vmem>>[vector<16xi32>, vector<16xi32>], vector<16xf32>,
          %parallel_loop3A_255 = arith.constant 32 : i32
          %parallel_loop3A_256 = vector.broadcast %parallel_loop3A_255 : i32 to vector<16xi32>
          %parallel_loop3A_257 = arith.addi %parallel_loop3A_168, %parallel_loop3A_256 : vector<16xi32>
          %parallel_loop3A_258 = arith.addi %get3A_141, %parallel_loop3A_257 : vector<16xi32>
          %parallel_loop3A_259 = tpu.vector_load_idx %arg17[%add3A_112, %parallel_loop3A_258] : memref<128x128xf32, #tpu.memory_space<vmem>>[vector<16xi32>, vector<16xi32>], vector<16xf32>,
          %parallel_loop3A_260 = arith.constant 8.000000e+00 : f32
          %parallel_loop3A_261 = vector.broadcast %parallel_loop3A_260 : f32 to vector<16xf32>
          %parallel_loop3A_262 = arith.mulf %parallel_loop3A_259, %parallel_loop3A_261 : vector<16xf32>
          tpu.vector_store_idx %arg21[%parallel_loop3A_257, %add3A_112], %parallel_loop3A_262 : memref<64x128xf32, #tpu.memory_space<vmem>>[vector<16xi32>, vector<16xi32>], vector<16xf32>,
          %parallel_loop3A_263 = arith.addi %get3A_143, %parallel_loop3A_257 : vector<16xi32>
          %parallel_loop3A_264 = tpu.vector_load_idx %arg17[%add3A_116, %parallel_loop3A_263] : memref<128x128xf32, #tpu.memory_space<vmem>>[vector<16xi32>, vector<16xi32>], vector<16xf32>,
          %parallel_loop3A_265 = arith.constant 8.000000e+00 : f32
          %parallel_loop3A_266 = vector.broadcast %parallel_loop3A_265 : f32 to vector<16xf32>
          %parallel_loop3A_267 = arith.mulf %parallel_loop3A_264, %parallel_loop3A_266 : vector<16xf32>
          tpu.vector_store_idx %arg21[%parallel_loop3A_257, %add3A_116], %parallel_loop3A_267 : memref<64x128xf32, #tpu.memory_space<vmem>>[vector<16xi32>, vector<16xi32>], vector<16xf32>,
          %parallel_loop3A_268 = arith.addi %get3A_145, %parallel_loop3A_257 : vector<16xi32>
          %parallel_loop3A_269 = tpu.vector_load_idx %arg17[%add3A_120, %parallel_loop3A_268] : memref<128x128xf32, #tpu.memory_space<vmem>>[vector<16xi32>, vector<16xi32>], vector<16xf32>,
          %parallel_loop3A_270 = arith.constant 8.000000e+00 : f32
          %parallel_loop3A_271 = vector.broadcast %parallel_loop3A_270 : f32 to vector<16xf32>
          %parallel_loop3A_272 = arith.mulf %parallel_loop3A_269, %parallel_loop3A_271 : vector<16xf32>
          tpu.vector_store_idx %arg21[%parallel_loop3A_257, %add3A_120], %parallel_loop3A_272 : memref<64x128xf32, #tpu.memory_space<vmem>>[vector<16xi32>, vector<16xi32>], vector<16xf32>,
          %parallel_loop3A_273 = arith.addi %get3A_147, %parallel_loop3A_257 : vector<16xi32>
          %parallel_loop3A_274 = tpu.vector_load_idx %arg17[%add3A_124, %parallel_loop3A_273] : memref<128x128xf32, #tpu.memory_space<vmem>>[vector<16xi32>, vector<16xi32>], vector<16xf32>,
          %parallel_loop3A_275 = arith.constant 8.000000e+00 : f32
          %parallel_loop3A_276 = vector.broadcast %parallel_loop3A_275 : f32 to vector<16xf32>
          %parallel_loop3A_277 = arith.mulf %parallel_loop3A_274, %parallel_loop3A_276 : vector<16xf32>
          tpu.vector_store_idx %arg21[%parallel_loop3A_257, %add3A_124], %parallel_loop3A_277 : memref<64x128xf32, #tpu.memory_space<vmem>>[vector<16xi32>, vector<16xi32>], vector<16xf32>,
          %parallel_loop3A_278 = arith.addi %get3A_149, %parallel_loop3A_257 : vector<16xi32>
          %parallel_loop3A_279 = tpu.vector_load_idx %arg17[%add3A_128, %parallel_loop3A_278] : memref<128x128xf32, #tpu.memory_space<vmem>>[vector<16xi32>, vector<16xi32>], vector<16xf32>,
          %parallel_loop3A_280 = arith.constant 8.000000e+00 : f32
          %parallel_loop3A_281 = vector.broadcast %parallel_loop3A_280 : f32 to vector<16xf32>
          %parallel_loop3A_282 = arith.mulf %parallel_loop3A_279, %parallel_loop3A_281 : vector<16xf32>
          tpu.vector_store_idx %arg21[%parallel_loop3A_257, %add3A_128], %parallel_loop3A_282 : memref<64x128xf32, #tpu.memory_space<vmem>>[vector<16xi32>, vector<16xi32>], vector<16xf32>,
          %parallel_loop3A_283 = arith.addi %get3A_151, %parallel_loop3A_257 : vector<16xi32>
          %parallel_loop3A_284 = tpu.vector_load_idx %arg17[%add3A_132, %parallel_loop3A_283] : memref<128x128xf32, #tpu.memory_space<vmem>>[vector<16xi32>, vector<16xi32>], vector<16xf32>,
          %parallel_loop3A_285 = arith.constant 8.000000e+00 : f32
          %parallel_loop3A_286 = vector.broadcast %parallel_loop3A_285 : f32 to vector<16xf32>
          %parallel_loop3A_287 = arith.mulf %parallel_loop3A_284, %parallel_loop3A_286 : vector<16xf32>
          tpu.vector_store_idx %arg21[%parallel_loop3A_257, %add3A_132], %parallel_loop3A_287 : memref<64x128xf32, #tpu.memory_space<vmem>>[vector<16xi32>, vector<16xi32>], vector<16xf32>,
          %parallel_loop3A_288 = arith.addi %get3A_153, %parallel_loop3A_257 : vector<16xi32>
          %parallel_loop3A_289 = tpu.vector_load_idx %arg17[%add3A_136, %parallel_loop3A_288] : memref<128x128xf32, #tpu.memory_space<vmem>>[vector<16xi32>, vector<16xi32>], vector<16xf32>,
          %parallel_loop3A_290 = arith.constant 8.000000e+00 : f32
          %parallel_loop3A_291 = vector.broadcast %parallel_loop3A_290 : f32 to vector<16xf32>
          %parallel_loop3A_292 = arith.mulf %parallel_loop3A_289, %parallel_loop3A_291 : vector<16xf32>
          tpu.vector_store_idx %arg21[%parallel_loop3A_257, %add3A_136], %parallel_loop3A_292 : memref<64x128xf32, #tpu.memory_space<vmem>>[vector<16xi32>, vector<16xi32>], vector<16xf32>,
          %parallel_loop3A_293 = arith.addi %get3A_155, %parallel_loop3A_257 : vector<16xi32>
          %parallel_loop3A_294 = tpu.vector_load_idx %arg17[%add3A_140, %parallel_loop3A_293] : memref<128x128xf32, #tpu.memory_space<vmem>>[vector<16xi32>, vector<16xi32>], vector<16xf32>,
          %parallel_loop3A_295 = arith.constant 8.000000e+00 : f32
          %parallel_loop3A_296 = vector.broadcast %parallel_loop3A_295 : f32 to vector<16xf32>
          %parallel_loop3A_297 = arith.mulf %parallel_loop3A_294, %parallel_loop3A_296 : vector<16xf32>
          tpu.vector_store_idx %arg21[%parallel_loop3A_257, %add3A_140], %parallel_loop3A_297 : memref<64x128xf32, #tpu.memory_space<vmem>>[vector<16xi32>, vector<16xi32>], vector<16xf32>,
          %parallel_loop3A_298 = arith.constant 48 : i32
          %parallel_loop3A_299 = vector.broadcast %parallel_loop3A_298 : i32 to vector<16xi32>
          %parallel_loop3A_300 = arith.addi %parallel_loop3A_168, %parallel_loop3A_299 : vector<16xi32>
          %parallel_loop3A_301 = arith.addi %get3A_141, %parallel_loop3A_300 : vector<16xi32>
          %parallel_loop3A_302 = tpu.vector_load_idx %arg17[%add3A_112, %parallel_loop3A_301] : memref<128x128xf32, #tpu.memory_space<vmem>>[vector<16xi32>, vector<16xi32>], vector<16xf32>,
          %parallel_loop3A_303 = arith.constant 8.000000e+00 : f32
          %parallel_loop3A_304 = vector.broadcast %parallel_loop3A_303 : f32 to vector<16xf32>
          %parallel_loop3A_305 = arith.mulf %parallel_loop3A_302, %parallel_loop3A_304 : vector<16xf32>
          tpu.vector_store_idx %arg21[%parallel_loop3A_300, %add3A_112], %parallel_loop3A_305 : memref<64x128xf32, #tpu.memory_space<vmem>>[vector<16xi32>, vector<16xi32>], vector<16xf32>,
          %parallel_loop3A_306 = arith.addi %get3A_143, %parallel_loop3A_300 : vector<16xi32>
          %parallel_loop3A_307 = tpu.vector_load_idx %arg17[%add3A_116, %parallel_loop3A_306] : memref<128x128xf32, #tpu.memory_space<vmem>>[vector<16xi32>, vector<16xi32>], vector<16xf32>,
          %parallel_loop3A_308 = arith.constant 8.000000e+00 : f32
          %parallel_loop3A_309 = vector.broadcast %parallel_loop3A_308 : f32 to vector<16xf32>
          %parallel_loop3A_310 = arith.mulf %parallel_loop3A_307, %parallel_loop3A_309 : vector<16xf32>
          tpu.vector_store_idx %arg21[%parallel_loop3A_300, %add3A_116], %parallel_loop3A_310 : memref<64x128xf32, #tpu.memory_space<vmem>>[vector<16xi32>, vector<16xi32>], vector<16xf32>,
          %parallel_loop3A_311 = arith.addi %get3A_145, %parallel_loop3A_300 : vector<16xi32>
          %parallel_loop3A_312 = tpu.vector_load_idx %arg17[%add3A_120, %parallel_loop3A_311] : memref<128x128xf32, #tpu.memory_space<vmem>>[vector<16xi32>, vector<16xi32>], vector<16xf32>,
          %parallel_loop3A_313 = arith.constant 8.000000e+00 : f32
          %parallel_loop3A_314 = vector.broadcast %parallel_loop3A_313 : f32 to vector<16xf32>
          %parallel_loop3A_315 = arith.mulf %parallel_loop3A_312, %parallel_loop3A_314 : vector<16xf32>
          tpu.vector_store_idx %arg21[%parallel_loop3A_300, %add3A_120], %parallel_loop3A_315 : memref<64x128xf32, #tpu.memory_space<vmem>>[vector<16xi32>, vector<16xi32>], vector<16xf32>,
          %parallel_loop3A_316 = arith.addi %get3A_147, %parallel_loop3A_300 : vector<16xi32>
          %parallel_loop3A_317 = tpu.vector_load_idx %arg17[%add3A_124, %parallel_loop3A_316] : memref<128x128xf32, #tpu.memory_space<vmem>>[vector<16xi32>, vector<16xi32>], vector<16xf32>,
          %parallel_loop3A_318 = arith.constant 8.000000e+00 : f32
          %parallel_loop3A_319 = vector.broadcast %parallel_loop3A_318 : f32 to vector<16xf32>
          %parallel_loop3A_320 = arith.mulf %parallel_loop3A_317, %parallel_loop3A_319 : vector<16xf32>
          tpu.vector_store_idx %arg21[%parallel_loop3A_300, %add3A_124], %parallel_loop3A_320 : memref<64x128xf32, #tpu.memory_space<vmem>>[vector<16xi32>, vector<16xi32>], vector<16xf32>,
          %parallel_loop3A_321 = arith.addi %get3A_149, %parallel_loop3A_300 : vector<16xi32>
          %parallel_loop3A_322 = tpu.vector_load_idx %arg17[%add3A_128, %parallel_loop3A_321] : memref<128x128xf32, #tpu.memory_space<vmem>>[vector<16xi32>, vector<16xi32>], vector<16xf32>,
          %parallel_loop3A_323 = arith.constant 8.000000e+00 : f32
          %parallel_loop3A_324 = vector.broadcast %parallel_loop3A_323 : f32 to vector<16xf32>
          %parallel_loop3A_325 = arith.mulf %parallel_loop3A_322, %parallel_loop3A_324 : vector<16xf32>
          tpu.vector_store_idx %arg21[%parallel_loop3A_300, %add3A_128], %parallel_loop3A_325 : memref<64x128xf32, #tpu.memory_space<vmem>>[vector<16xi32>, vector<16xi32>], vector<16xf32>,
          %parallel_loop3A_326 = arith.addi %get3A_151, %parallel_loop3A_300 : vector<16xi32>
          %parallel_loop3A_327 = tpu.vector_load_idx %arg17[%add3A_132, %parallel_loop3A_326] : memref<128x128xf32, #tpu.memory_space<vmem>>[vector<16xi32>, vector<16xi32>], vector<16xf32>,
          %parallel_loop3A_328 = arith.constant 8.000000e+00 : f32
          %parallel_loop3A_329 = vector.broadcast %parallel_loop3A_328 : f32 to vector<16xf32>
          %parallel_loop3A_330 = arith.mulf %parallel_loop3A_327, %parallel_loop3A_329 : vector<16xf32>
          tpu.vector_store_idx %arg21[%parallel_loop3A_300, %add3A_132], %parallel_loop3A_330 : memref<64x128xf32, #tpu.memory_space<vmem>>[vector<16xi32>, vector<16xi32>], vector<16xf32>,
          %parallel_loop3A_331 = arith.addi %get3A_153, %parallel_loop3A_300 : vector<16xi32>
          %parallel_loop3A_332 = tpu.vector_load_idx %arg17[%add3A_136, %parallel_loop3A_331] : memref<128x128xf32, #tpu.memory_space<vmem>>[vector<16xi32>, vector<16xi32>], vector<16xf32>,
          %parallel_loop3A_333 = arith.constant 8.000000e+00 : f32
          %parallel_loop3A_334 = vector.broadcast %parallel_loop3A_333 : f32 to vector<16xf32>
          %parallel_loop3A_335 = arith.mulf %parallel_loop3A_332, %parallel_loop3A_334 : vector<16xf32>
          tpu.vector_store_idx %arg21[%parallel_loop3A_300, %add3A_136], %parallel_loop3A_335 : memref<64x128xf32, #tpu.memory_space<vmem>>[vector<16xi32>, vector<16xi32>], vector<16xf32>,
          %parallel_loop3A_336 = arith.addi %get3A_155, %parallel_loop3A_300 : vector<16xi32>
          %parallel_loop3A_337 = tpu.vector_load_idx %arg17[%add3A_140, %parallel_loop3A_336] : memref<128x128xf32, #tpu.memory_space<vmem>>[vector<16xi32>, vector<16xi32>], vector<16xf32>,
          %parallel_loop3A_338 = arith.constant 8.000000e+00 : f32
          %parallel_loop3A_339 = vector.broadcast %parallel_loop3A_338 : f32 to vector<16xf32>
          %parallel_loop3A_340 = arith.mulf %parallel_loop3A_337, %parallel_loop3A_339 : vector<16xf32>
          tpu.vector_store_idx %arg21[%parallel_loop3A_300, %add3A_140], %parallel_loop3A_340 : memref<64x128xf32, #tpu.memory_space<vmem>>[vector<16xi32>, vector<16xi32>], vector<16xf32>,
        } {sc.loop_unroll_factor = 1 : i64, sc.parallel_access}
        %dma_start3A = arith.constant 0 : i32
        %dma_start3A_158 = tpu.memref_slice %arg4[%sub3A_59, %dma_start3A, %mul3A_2] : memref<200x64x4096xf32, #tpu.memory_space<hbm>> -> memref<1x64x128xf32, #tpu.memory_space<hbm>>
        %dma_start3A_159 = tpu.memref_squeeze %dma_start3A_158 : memref<1x64x128xf32, #tpu.memory_space<hbm>> -> memref<64x128xf32, #tpu.memory_space<hbm>>
        %dma_start3A_160 = arith.constant 0 : i32
        %dma_start3A_161 = tpu.memref_slice %arg4[%sub3A_59, %dma_start3A_160, %mul3A_2] : memref<200x64x4096xf32, #tpu.memory_space<hbm>> -> memref<1x64x128xf32, #tpu.memory_space<hbm>>
        %dma_start3A_162 = tpu.memref_squeeze %dma_start3A_161 : memref<1x64x128xf32, #tpu.memory_space<hbm>> -> memref<64x128xf32, #tpu.memory_space<hbm>>
        tpu.enqueue_dma source(%arg21 : memref<64x128xf32, #tpu.memory_space<vmem>>) target(%dma_start3A_162 : memref<64x128xf32, #tpu.memory_space<hbm>>) target_semaphore(%arg29 : memref<!tpu.dma_semaphore, #tpu.memory_space<semaphore_mem>>)
      } else {
      }
      %mul3A_68 = arith.constant 4 : i32
      %mul3A_69 = arith.muli %scan3A_35, %mul3A_68 : i32
      %add3A_70 = arith.constant 2 : i32
      %add3A_71 = arith.addi %mul3A_69, %add3A_70 : i32
      %lt3A_72 = arith.constant 200 : i32
      %lt3A_73 = arith.cmpi slt, %add3A_71, %lt3A_72 : i32
      %convert_element_type3A_74 = arith.extui %lt3A_73 : i1 to i32
      %cond3A_75 = arith.constant 0 : i32
      %cond3A_76 = arith.cmpi ne, %convert_element_type3A_74, %cond3A_75 : i32
      scf.if %cond3A_76 {
        %ge3A_106 = arith.constant 4 : i32
        %ge3A_107 = arith.cmpi sge, %add3A_71, %ge3A_106 : i32
        %convert_element_type3A_108 = arith.extui %ge3A_107 : i1 to i32
        %cond3A_109 = arith.constant 0 : i32
        %cond3A_110 = arith.cmpi ne, %convert_element_type3A_108, %cond3A_109 : i32
        scf.if %cond3A_110 {
          %sub3A_237 = arith.constant 4 : i32
          %sub3A_238 = arith.subi %add3A_71, %sub3A_237 : i32
          %dma_wait3A_239 = arith.constant 0 : i32
          %dma_wait3A_240 = tpu.memref_slice %arg4[%sub3A_238, %dma_wait3A_239, %mul3A_2] : memref<200x64x4096xf32, #tpu.memory_space<hbm>> -> memref<1x64x128xf32, #tpu.memory_space<hbm>>
          %dma_wait3A_241 = tpu.memref_squeeze %dma_wait3A_240 : memref<1x64x128xf32, #tpu.memory_space<hbm>> -> memref<64x128xf32, #tpu.memory_space<hbm>>
          %dma_wait3A_242 = arith.constant 0 : i32
          %dma_wait3A_243 = tpu.memref_slice %arg4[%sub3A_238, %dma_wait3A_242, %mul3A_2] : memref<200x64x4096xf32, #tpu.memory_space<hbm>> -> memref<1x64x128xf32, #tpu.memory_space<hbm>>
          %dma_wait3A_244 = tpu.memref_squeeze %dma_wait3A_243 : memref<1x64x128xf32, #tpu.memory_space<hbm>> -> memref<64x128xf32, #tpu.memory_space<hbm>>
          tpu.wait_dma2 semaphore(%arg28 : memref<!tpu.dma_semaphore, #tpu.memory_space<semaphore_mem>>) src(%arg20 : memref<64x128xf32, #tpu.memory_space<vmem>>) dst(%dma_wait3A_244 : memref<64x128xf32, #tpu.memory_space<hbm>>)
        } else {
        }
        %get3A = arith.index_cast %add3A_71 : i32 to index
        %get3A_111 = arith.constant 0 : index
        %get3A_112 = tpu.vector_load %arg5[%get3A, %get3A_111] {strides = array<i32>} : memref<200x128xi32, #tpu.memory_space<vmem>>, vector<16xi32>,
        %shift_right_arithmetic3A = arith.constant 1 : i32
        %shift_right_arithmetic3A_113 = vector.broadcast %shift_right_arithmetic3A : i32 to vector<16xi32>
        %shift_right_arithmetic3A_114 = arith.shrsi %get3A_112, %shift_right_arithmetic3A_113 : vector<16xi32>
        %swap3A = arith.constant 0 : index
        %swap3A_115 = tpu.vector_load %arg8[%swap3A] {strides = array<i32>} : memref<128xi32, #tpu.memory_space<vmem>>, vector<16xi32>,
        tpu.vector_store %arg8[%swap3A], %shift_right_arithmetic3A_114 {strides = array<i32>} : memref<128xi32, #tpu.memory_space<vmem>>, vector<16xi32>,
        %and3A_116 = arith.constant 1 : i32
        %and3A_117 = vector.broadcast %and3A_116 : i32 to vector<16xi32>
        %and3A_118 = arith.andi %get3A_112, %and3A_117 : vector<16xi32>
        %shift_left3A = arith.constant 6 : i32
        %shift_left3A_119 = vector.broadcast %shift_left3A : i32 to vector<16xi32>
        %shift_left3A_120 = arith.shli %and3A_118, %shift_left3A_119 : vector<16xi32>
        %swap3A_121 = arith.constant 0 : index
        %swap3A_122 = tpu.vector_load %arg12[%swap3A_121] {strides = array<i32>} : memref<128xi32, #tpu.memory_space<vmem>>, vector<16xi32>,
        tpu.vector_store %arg12[%swap3A_121], %shift_left3A_120 {strides = array<i32>} : memref<128xi32, #tpu.memory_space<vmem>>, vector<16xi32>,
        %get3A_123 = arith.index_cast %add3A_71 : i32 to index
        %get3A_124 = arith.constant 16 : index
        %get3A_125 = tpu.vector_load %arg5[%get3A_123, %get3A_124] {strides = array<i32>} : memref<200x128xi32, #tpu.memory_space<vmem>>, vector<16xi32>,
        %shift_right_arithmetic3A_126 = arith.constant 1 : i32
        %shift_right_arithmetic3A_127 = vector.broadcast %shift_right_arithmetic3A_126 : i32 to vector<16xi32>
        %shift_right_arithmetic3A_128 = arith.shrsi %get3A_125, %shift_right_arithmetic3A_127 : vector<16xi32>
        %swap3A_129 = arith.constant 16 : index
        %swap3A_130 = tpu.vector_load %arg8[%swap3A_129] {strides = array<i32>} : memref<128xi32, #tpu.memory_space<vmem>>, vector<16xi32>,
        tpu.vector_store %arg8[%swap3A_129], %shift_right_arithmetic3A_128 {strides = array<i32>} : memref<128xi32, #tpu.memory_space<vmem>>, vector<16xi32>,
        %and3A_131 = arith.constant 1 : i32
        %and3A_132 = vector.broadcast %and3A_131 : i32 to vector<16xi32>
        %and3A_133 = arith.andi %get3A_125, %and3A_132 : vector<16xi32>
        %shift_left3A_134 = arith.constant 6 : i32
        %shift_left3A_135 = vector.broadcast %shift_left3A_134 : i32 to vector<16xi32>
        %shift_left3A_136 = arith.shli %and3A_133, %shift_left3A_135 : vector<16xi32>
        %swap3A_137 = arith.constant 16 : index
        %swap3A_138 = tpu.vector_load %arg12[%swap3A_137] {strides = array<i32>} : memref<128xi32, #tpu.memory_space<vmem>>, vector<16xi32>,
        tpu.vector_store %arg12[%swap3A_137], %shift_left3A_136 {strides = array<i32>} : memref<128xi32, #tpu.memory_space<vmem>>, vector<16xi32>,
        %get3A_139 = arith.index_cast %add3A_71 : i32 to index
        %get3A_140 = arith.constant 32 : index
        %get3A_141 = tpu.vector_load %arg5[%get3A_139, %get3A_140] {strides = array<i32>} : memref<200x128xi32, #tpu.memory_space<vmem>>, vector<16xi32>,
        %shift_right_arithmetic3A_142 = arith.constant 1 : i32
        %shift_right_arithmetic3A_143 = vector.broadcast %shift_right_arithmetic3A_142 : i32 to vector<16xi32>
        %shift_right_arithmetic3A_144 = arith.shrsi %get3A_141, %shift_right_arithmetic3A_143 : vector<16xi32>
        %swap3A_145 = arith.constant 32 : index
        %swap3A_146 = tpu.vector_load %arg8[%swap3A_145] {strides = array<i32>} : memref<128xi32, #tpu.memory_space<vmem>>, vector<16xi32>,
        tpu.vector_store %arg8[%swap3A_145], %shift_right_arithmetic3A_144 {strides = array<i32>} : memref<128xi32, #tpu.memory_space<vmem>>, vector<16xi32>,
        %and3A_147 = arith.constant 1 : i32
        %and3A_148 = vector.broadcast %and3A_147 : i32 to vector<16xi32>
        %and3A_149 = arith.andi %get3A_141, %and3A_148 : vector<16xi32>
        %shift_left3A_150 = arith.constant 6 : i32
        %shift_left3A_151 = vector.broadcast %shift_left3A_150 : i32 to vector<16xi32>
        %shift_left3A_152 = arith.shli %and3A_149, %shift_left3A_151 : vector<16xi32>
        %swap3A_153 = arith.constant 32 : index
        %swap3A_154 = tpu.vector_load %arg12[%swap3A_153] {strides = array<i32>} : memref<128xi32, #tpu.memory_space<vmem>>, vector<16xi32>,
        tpu.vector_store %arg12[%swap3A_153], %shift_left3A_152 {strides = array<i32>} : memref<128xi32, #tpu.memory_space<vmem>>, vector<16xi32>,
        %get3A_155 = arith.index_cast %add3A_71 : i32 to index
        %get3A_156 = arith.constant 48 : index
        %get3A_157 = tpu.vector_load %arg5[%get3A_155, %get3A_156] {strides = array<i32>} : memref<200x128xi32, #tpu.memory_space<vmem>>, vector<16xi32>,
        %shift_right_arithmetic3A_158 = arith.constant 1 : i32
        %shift_right_arithmetic3A_159 = vector.broadcast %shift_right_arithmetic3A_158 : i32 to vector<16xi32>
        %shift_right_arithmetic3A_160 = arith.shrsi %get3A_157, %shift_right_arithmetic3A_159 : vector<16xi32>
        %swap3A_161 = arith.constant 48 : index
        %swap3A_162 = tpu.vector_load %arg8[%swap3A_161] {strides = array<i32>} : memref<128xi32, #tpu.memory_space<vmem>>, vector<16xi32>,
        tpu.vector_store %arg8[%swap3A_161], %shift_right_arithmetic3A_160 {strides = array<i32>} : memref<128xi32, #tpu.memory_space<vmem>>, vector<16xi32>,
        %and3A_163 = arith.constant 1 : i32
        %and3A_164 = vector.broadcast %and3A_163 : i32 to vector<16xi32>
        %and3A_165 = arith.andi %get3A_157, %and3A_164 : vector<16xi32>
        %shift_left3A_166 = arith.constant 6 : i32
        %shift_left3A_167 = vector.broadcast %shift_left3A_166 : i32 to vector<16xi32>
        %shift_left3A_168 = arith.shli %and3A_165, %shift_left3A_167 : vector<16xi32>
        %swap3A_169 = arith.constant 48 : index
        %swap3A_170 = tpu.vector_load %arg12[%swap3A_169] {strides = array<i32>} : memref<128xi32, #tpu.memory_space<vmem>>, vector<16xi32>,
        tpu.vector_store %arg12[%swap3A_169], %shift_left3A_168 {strides = array<i32>} : memref<128xi32, #tpu.memory_space<vmem>>, vector<16xi32>,
        %get3A_171 = arith.index_cast %add3A_71 : i32 to index
        %get3A_172 = arith.constant 64 : index
        %get3A_173 = tpu.vector_load %arg5[%get3A_171, %get3A_172] {strides = array<i32>} : memref<200x128xi32, #tpu.memory_space<vmem>>, vector<16xi32>,
        %shift_right_arithmetic3A_174 = arith.constant 1 : i32
        %shift_right_arithmetic3A_175 = vector.broadcast %shift_right_arithmetic3A_174 : i32 to vector<16xi32>
        %shift_right_arithmetic3A_176 = arith.shrsi %get3A_173, %shift_right_arithmetic3A_175 : vector<16xi32>
        %swap3A_177 = arith.constant 64 : index
        %swap3A_178 = tpu.vector_load %arg8[%swap3A_177] {strides = array<i32>} : memref<128xi32, #tpu.memory_space<vmem>>, vector<16xi32>,
        tpu.vector_store %arg8[%swap3A_177], %shift_right_arithmetic3A_176 {strides = array<i32>} : memref<128xi32, #tpu.memory_space<vmem>>, vector<16xi32>,
        %and3A_179 = arith.constant 1 : i32
        %and3A_180 = vector.broadcast %and3A_179 : i32 to vector<16xi32>
        %and3A_181 = arith.andi %get3A_173, %and3A_180 : vector<16xi32>
        %shift_left3A_182 = arith.constant 6 : i32
        %shift_left3A_183 = vector.broadcast %shift_left3A_182 : i32 to vector<16xi32>
        %shift_left3A_184 = arith.shli %and3A_181, %shift_left3A_183 : vector<16xi32>
        %swap3A_185 = arith.constant 64 : index
        %swap3A_186 = tpu.vector_load %arg12[%swap3A_185] {strides = array<i32>} : memref<128xi32, #tpu.memory_space<vmem>>, vector<16xi32>,
        tpu.vector_store %arg12[%swap3A_185], %shift_left3A_184 {strides = array<i32>} : memref<128xi32, #tpu.memory_space<vmem>>, vector<16xi32>,
        %get3A_187 = arith.index_cast %add3A_71 : i32 to index
        %get3A_188 = arith.constant 80 : index
        %get3A_189 = tpu.vector_load %arg5[%get3A_187, %get3A_188] {strides = array<i32>} : memref<200x128xi32, #tpu.memory_space<vmem>>, vector<16xi32>,
        %shift_right_arithmetic3A_190 = arith.constant 1 : i32
        %shift_right_arithmetic3A_191 = vector.broadcast %shift_right_arithmetic3A_190 : i32 to vector<16xi32>
        %shift_right_arithmetic3A_192 = arith.shrsi %get3A_189, %shift_right_arithmetic3A_191 : vector<16xi32>
        %swap3A_193 = arith.constant 80 : index
        %swap3A_194 = tpu.vector_load %arg8[%swap3A_193] {strides = array<i32>} : memref<128xi32, #tpu.memory_space<vmem>>, vector<16xi32>,
        tpu.vector_store %arg8[%swap3A_193], %shift_right_arithmetic3A_192 {strides = array<i32>} : memref<128xi32, #tpu.memory_space<vmem>>, vector<16xi32>,
        %and3A_195 = arith.constant 1 : i32
        %and3A_196 = vector.broadcast %and3A_195 : i32 to vector<16xi32>
        %and3A_197 = arith.andi %get3A_189, %and3A_196 : vector<16xi32>
        %shift_left3A_198 = arith.constant 6 : i32
        %shift_left3A_199 = vector.broadcast %shift_left3A_198 : i32 to vector<16xi32>
        %shift_left3A_200 = arith.shli %and3A_197, %shift_left3A_199 : vector<16xi32>
        %swap3A_201 = arith.constant 80 : index
        %swap3A_202 = tpu.vector_load %arg12[%swap3A_201] {strides = array<i32>} : memref<128xi32, #tpu.memory_space<vmem>>, vector<16xi32>,
        tpu.vector_store %arg12[%swap3A_201], %shift_left3A_200 {strides = array<i32>} : memref<128xi32, #tpu.memory_space<vmem>>, vector<16xi32>,
        %get3A_203 = arith.index_cast %add3A_71 : i32 to index
        %get3A_204 = arith.constant 96 : index
        %get3A_205 = tpu.vector_load %arg5[%get3A_203, %get3A_204] {strides = array<i32>} : memref<200x128xi32, #tpu.memory_space<vmem>>, vector<16xi32>,
        %shift_right_arithmetic3A_206 = arith.constant 1 : i32
        %shift_right_arithmetic3A_207 = vector.broadcast %shift_right_arithmetic3A_206 : i32 to vector<16xi32>
        %shift_right_arithmetic3A_208 = arith.shrsi %get3A_205, %shift_right_arithmetic3A_207 : vector<16xi32>
        %swap3A_209 = arith.constant 96 : index
        %swap3A_210 = tpu.vector_load %arg8[%swap3A_209] {strides = array<i32>} : memref<128xi32, #tpu.memory_space<vmem>>, vector<16xi32>,
        tpu.vector_store %arg8[%swap3A_209], %shift_right_arithmetic3A_208 {strides = array<i32>} : memref<128xi32, #tpu.memory_space<vmem>>, vector<16xi32>,
        %and3A_211 = arith.constant 1 : i32
        %and3A_212 = vector.broadcast %and3A_211 : i32 to vector<16xi32>
        %and3A_213 = arith.andi %get3A_205, %and3A_212 : vector<16xi32>
        %shift_left3A_214 = arith.constant 6 : i32
        %shift_left3A_215 = vector.broadcast %shift_left3A_214 : i32 to vector<16xi32>
        %shift_left3A_216 = arith.shli %and3A_213, %shift_left3A_215 : vector<16xi32>
        %swap3A_217 = arith.constant 96 : index
        %swap3A_218 = tpu.vector_load %arg12[%swap3A_217] {strides = array<i32>} : memref<128xi32, #tpu.memory_space<vmem>>, vector<16xi32>,
        tpu.vector_store %arg12[%swap3A_217], %shift_left3A_216 {strides = array<i32>} : memref<128xi32, #tpu.memory_space<vmem>>, vector<16xi32>,
        %get3A_219 = arith.index_cast %add3A_71 : i32 to index
        %get3A_220 = arith.constant 112 : index
        %get3A_221 = tpu.vector_load %arg5[%get3A_219, %get3A_220] {strides = array<i32>} : memref<200x128xi32, #tpu.memory_space<vmem>>, vector<16xi32>,
        %shift_right_arithmetic3A_222 = arith.constant 1 : i32
        %shift_right_arithmetic3A_223 = vector.broadcast %shift_right_arithmetic3A_222 : i32 to vector<16xi32>
        %shift_right_arithmetic3A_224 = arith.shrsi %get3A_221, %shift_right_arithmetic3A_223 : vector<16xi32>
        %swap3A_225 = arith.constant 112 : index
        %swap3A_226 = tpu.vector_load %arg8[%swap3A_225] {strides = array<i32>} : memref<128xi32, #tpu.memory_space<vmem>>, vector<16xi32>,
        tpu.vector_store %arg8[%swap3A_225], %shift_right_arithmetic3A_224 {strides = array<i32>} : memref<128xi32, #tpu.memory_space<vmem>>, vector<16xi32>,
        %and3A_227 = arith.constant 1 : i32
        %and3A_228 = vector.broadcast %and3A_227 : i32 to vector<16xi32>
        %and3A_229 = arith.andi %get3A_221, %and3A_228 : vector<16xi32>
        %shift_left3A_230 = arith.constant 6 : i32
        %shift_left3A_231 = vector.broadcast %shift_left3A_230 : i32 to vector<16xi32>
        %shift_left3A_232 = arith.shli %and3A_229, %shift_left3A_231 : vector<16xi32>
        %swap3A_233 = arith.constant 112 : index
        %swap3A_234 = tpu.vector_load %arg12[%swap3A_233] {strides = array<i32>} : memref<128xi32, #tpu.memory_space<vmem>>, vector<16xi32>,
        tpu.vector_store %arg12[%swap3A_233], %shift_left3A_232 {strides = array<i32>} : memref<128xi32, #tpu.memory_space<vmem>>, vector<16xi32>,
        %dma_start3A = arith.constant 0 : i32
        %dma_start3A_235 = arith.constant 0 : i32
        %dma_start3A_236 = tpu.memref_slice %arg2[%dma_start3A, %dma_start3A_235] : memref<500000x128xf32, #tpu.memory_space<hbm>> -> memref<500000x128xf32, #tpu.memory_space<hbm>>
        tpu.enqueue_indirect_dma source(%dma_start3A_236 : memref<500000x128xf32, #tpu.memory_space<hbm>>) target(%arg16 : memref<128x128xf32, #tpu.memory_space<vmem>>) offsets(%arg8 : memref<128xi32, #tpu.memory_space<vmem>>) semaphore(%arg24 : memref<!tpu.dma_semaphore, #tpu.memory_space<semaphore_mem>>)
      } else {
      }
      %sub3A_77 = arith.constant 2 : i32
      %sub3A_78 = arith.subi %add3A_71, %sub3A_77 : i32
      %ge3A_79 = arith.constant 0 : i32
      %ge3A_80 = arith.cmpi sge, %sub3A_78, %ge3A_79 : i32
      %lt3A_81 = arith.constant 200 : i32
      %lt3A_82 = arith.cmpi slt, %sub3A_78, %lt3A_81 : i32
      %and3A_83 = arith.andi %ge3A_80, %lt3A_82 : i1
      %convert_element_type3A_84 = arith.extui %and3A_83 : i1 to i32
      %cond3A_85 = arith.constant 0 : i32
      %cond3A_86 = arith.cmpi ne, %convert_element_type3A_84, %cond3A_85 : i32
      scf.if %cond3A_86 {
        %dma_wait3A_106 = arith.constant 0 : i32
        %dma_wait3A_107 = arith.constant 0 : i32
        %dma_wait3A_108 = tpu.memref_slice %arg2[%dma_wait3A_106, %dma_wait3A_107] : memref<500000x128xf32, #tpu.memory_space<hbm>> -> memref<500000x128xf32, #tpu.memory_space<hbm>>
        tpu.wait_indirect_dma semaphore(%arg22 : memref<!tpu.dma_semaphore, #tpu.memory_space<semaphore_mem>>) src(%dma_wait3A_108 : memref<500000x128xf32, #tpu.memory_space<hbm>>) dst(%arg14 : memref<128x128xf32, #tpu.memory_space<vmem>>)
        %iota3A = tpu.iota {dimensions = array<i32: 0>} : vector<16xi32>
        %iota3A_109 = tpu.iota {dimensions = array<i32: 0>} : vector<16xi32>
        %add3A_110 = arith.constant 0 : i32
        %add3A_111 = vector.broadcast %add3A_110 : i32 to vector<16xi32>
        %add3A_112 = arith.addi %iota3A_109, %add3A_111 : vector<16xi32>
        %iota3A_113 = tpu.iota {dimensions = array<i32: 0>} : vector<16xi32>
        %add3A_114 = arith.constant 16 : i32
        %add3A_115 = vector.broadcast %add3A_114 : i32 to vector<16xi32>
        %add3A_116 = arith.addi %iota3A_113, %add3A_115 : vector<16xi32>
        %iota3A_117 = tpu.iota {dimensions = array<i32: 0>} : vector<16xi32>
        %add3A_118 = arith.constant 32 : i32
        %add3A_119 = vector.broadcast %add3A_118 : i32 to vector<16xi32>
        %add3A_120 = arith.addi %iota3A_117, %add3A_119 : vector<16xi32>
        %iota3A_121 = tpu.iota {dimensions = array<i32: 0>} : vector<16xi32>
        %add3A_122 = arith.constant 48 : i32
        %add3A_123 = vector.broadcast %add3A_122 : i32 to vector<16xi32>
        %add3A_124 = arith.addi %iota3A_121, %add3A_123 : vector<16xi32>
        %iota3A_125 = tpu.iota {dimensions = array<i32: 0>} : vector<16xi32>
        %add3A_126 = arith.constant 64 : i32
        %add3A_127 = vector.broadcast %add3A_126 : i32 to vector<16xi32>
        %add3A_128 = arith.addi %iota3A_125, %add3A_127 : vector<16xi32>
        %iota3A_129 = tpu.iota {dimensions = array<i32: 0>} : vector<16xi32>
        %add3A_130 = arith.constant 80 : i32
        %add3A_131 = vector.broadcast %add3A_130 : i32 to vector<16xi32>
        %add3A_132 = arith.addi %iota3A_129, %add3A_131 : vector<16xi32>
        %iota3A_133 = tpu.iota {dimensions = array<i32: 0>} : vector<16xi32>
        %add3A_134 = arith.constant 96 : i32
        %add3A_135 = vector.broadcast %add3A_134 : i32 to vector<16xi32>
        %add3A_136 = arith.addi %iota3A_133, %add3A_135 : vector<16xi32>
        %iota3A_137 = tpu.iota {dimensions = array<i32: 0>} : vector<16xi32>
        %add3A_138 = arith.constant 112 : i32
        %add3A_139 = vector.broadcast %add3A_138 : i32 to vector<16xi32>
        %add3A_140 = arith.addi %iota3A_137, %add3A_139 : vector<16xi32>
        %get3A = arith.constant 0 : index
        %get3A_141 = tpu.vector_load %arg10[%get3A] {strides = array<i32>} : memref<128xi32, #tpu.memory_space<vmem>>, vector<16xi32>,
        %get3A_142 = arith.constant 16 : index
        %get3A_143 = tpu.vector_load %arg10[%get3A_142] {strides = array<i32>} : memref<128xi32, #tpu.memory_space<vmem>>, vector<16xi32>,
        %get3A_144 = arith.constant 32 : index
        %get3A_145 = tpu.vector_load %arg10[%get3A_144] {strides = array<i32>} : memref<128xi32, #tpu.memory_space<vmem>>, vector<16xi32>,
        %get3A_146 = arith.constant 48 : index
        %get3A_147 = tpu.vector_load %arg10[%get3A_146] {strides = array<i32>} : memref<128xi32, #tpu.memory_space<vmem>>, vector<16xi32>,
        %get3A_148 = arith.constant 64 : index
        %get3A_149 = tpu.vector_load %arg10[%get3A_148] {strides = array<i32>} : memref<128xi32, #tpu.memory_space<vmem>>, vector<16xi32>,
        %get3A_150 = arith.constant 80 : index
        %get3A_151 = tpu.vector_load %arg10[%get3A_150] {strides = array<i32>} : memref<128xi32, #tpu.memory_space<vmem>>, vector<16xi32>,
        %get3A_152 = arith.constant 96 : index
        %get3A_153 = tpu.vector_load %arg10[%get3A_152] {strides = array<i32>} : memref<128xi32, #tpu.memory_space<vmem>>, vector<16xi32>,
        %get3A_154 = arith.constant 112 : index
        %get3A_155 = tpu.vector_load %arg10[%get3A_154] {strides = array<i32>} : memref<128xi32, #tpu.memory_space<vmem>>, vector<16xi32>,
        %parallel_loop3A = arith.constant 0 : i32
        %parallel_loop3A_156 = arith.constant 16 : i32
        %parallel_loop3A_157 = arith.constant 1 : i32
        scf.for %parallel_loop3A_163 = %parallel_loop3A to %parallel_loop3A_156 step %parallel_loop3A_157  : i32 {
          %parallel_loop3A_164 = vector.broadcast %parallel_loop3A_163 : i32 to vector<16xi32>
          %parallel_loop3A_165 = arith.addi %iota3A, %parallel_loop3A_164 : vector<16xi32>
          %parallel_loop3A_166 = arith.constant 15 : i32
          %parallel_loop3A_167 = vector.broadcast %parallel_loop3A_166 : i32 to vector<16xi32>
          %parallel_loop3A_168 = arith.andi %parallel_loop3A_165, %parallel_loop3A_167 : vector<16xi32>
          %parallel_loop3A_169 = arith.constant 0 : i32
          %parallel_loop3A_170 = vector.broadcast %parallel_loop3A_169 : i32 to vector<16xi32>
          %parallel_loop3A_171 = arith.addi %parallel_loop3A_168, %parallel_loop3A_170 : vector<16xi32>
          %parallel_loop3A_172 = arith.addi %get3A_141, %parallel_loop3A_171 : vector<16xi32>
          %parallel_loop3A_173 = tpu.vector_load_idx %arg14[%add3A_112, %parallel_loop3A_172] : memref<128x128xf32, #tpu.memory_space<vmem>>[vector<16xi32>, vector<16xi32>], vector<16xf32>,
          %parallel_loop3A_174 = arith.constant 8.000000e+00 : f32
          %parallel_loop3A_175 = vector.broadcast %parallel_loop3A_174 : f32 to vector<16xf32>
          %parallel_loop3A_176 = arith.mulf %parallel_loop3A_173, %parallel_loop3A_175 : vector<16xf32>
          tpu.vector_store_idx %arg18[%parallel_loop3A_171, %add3A_112], %parallel_loop3A_176 : memref<64x128xf32, #tpu.memory_space<vmem>>[vector<16xi32>, vector<16xi32>], vector<16xf32>,
          %parallel_loop3A_177 = arith.addi %get3A_143, %parallel_loop3A_171 : vector<16xi32>
          %parallel_loop3A_178 = tpu.vector_load_idx %arg14[%add3A_116, %parallel_loop3A_177] : memref<128x128xf32, #tpu.memory_space<vmem>>[vector<16xi32>, vector<16xi32>], vector<16xf32>,
          %parallel_loop3A_179 = arith.constant 8.000000e+00 : f32
          %parallel_loop3A_180 = vector.broadcast %parallel_loop3A_179 : f32 to vector<16xf32>
          %parallel_loop3A_181 = arith.mulf %parallel_loop3A_178, %parallel_loop3A_180 : vector<16xf32>
          tpu.vector_store_idx %arg18[%parallel_loop3A_171, %add3A_116], %parallel_loop3A_181 : memref<64x128xf32, #tpu.memory_space<vmem>>[vector<16xi32>, vector<16xi32>], vector<16xf32>,
          %parallel_loop3A_182 = arith.addi %get3A_145, %parallel_loop3A_171 : vector<16xi32>
          %parallel_loop3A_183 = tpu.vector_load_idx %arg14[%add3A_120, %parallel_loop3A_182] : memref<128x128xf32, #tpu.memory_space<vmem>>[vector<16xi32>, vector<16xi32>], vector<16xf32>,
          %parallel_loop3A_184 = arith.constant 8.000000e+00 : f32
          %parallel_loop3A_185 = vector.broadcast %parallel_loop3A_184 : f32 to vector<16xf32>
          %parallel_loop3A_186 = arith.mulf %parallel_loop3A_183, %parallel_loop3A_185 : vector<16xf32>
          tpu.vector_store_idx %arg18[%parallel_loop3A_171, %add3A_120], %parallel_loop3A_186 : memref<64x128xf32, #tpu.memory_space<vmem>>[vector<16xi32>, vector<16xi32>], vector<16xf32>,
          %parallel_loop3A_187 = arith.addi %get3A_147, %parallel_loop3A_171 : vector<16xi32>
          %parallel_loop3A_188 = tpu.vector_load_idx %arg14[%add3A_124, %parallel_loop3A_187] : memref<128x128xf32, #tpu.memory_space<vmem>>[vector<16xi32>, vector<16xi32>], vector<16xf32>,
          %parallel_loop3A_189 = arith.constant 8.000000e+00 : f32
          %parallel_loop3A_190 = vector.broadcast %parallel_loop3A_189 : f32 to vector<16xf32>
          %parallel_loop3A_191 = arith.mulf %parallel_loop3A_188, %parallel_loop3A_190 : vector<16xf32>
          tpu.vector_store_idx %arg18[%parallel_loop3A_171, %add3A_124], %parallel_loop3A_191 : memref<64x128xf32, #tpu.memory_space<vmem>>[vector<16xi32>, vector<16xi32>], vector<16xf32>,
          %parallel_loop3A_192 = arith.addi %get3A_149, %parallel_loop3A_171 : vector<16xi32>
          %parallel_loop3A_193 = tpu.vector_load_idx %arg14[%add3A_128, %parallel_loop3A_192] : memref<128x128xf32, #tpu.memory_space<vmem>>[vector<16xi32>, vector<16xi32>], vector<16xf32>,
          %parallel_loop3A_194 = arith.constant 8.000000e+00 : f32
          %parallel_loop3A_195 = vector.broadcast %parallel_loop3A_194 : f32 to vector<16xf32>
          %parallel_loop3A_196 = arith.mulf %parallel_loop3A_193, %parallel_loop3A_195 : vector<16xf32>
          tpu.vector_store_idx %arg18[%parallel_loop3A_171, %add3A_128], %parallel_loop3A_196 : memref<64x128xf32, #tpu.memory_space<vmem>>[vector<16xi32>, vector<16xi32>], vector<16xf32>,
          %parallel_loop3A_197 = arith.addi %get3A_151, %parallel_loop3A_171 : vector<16xi32>
          %parallel_loop3A_198 = tpu.vector_load_idx %arg14[%add3A_132, %parallel_loop3A_197] : memref<128x128xf32, #tpu.memory_space<vmem>>[vector<16xi32>, vector<16xi32>], vector<16xf32>,
          %parallel_loop3A_199 = arith.constant 8.000000e+00 : f32
          %parallel_loop3A_200 = vector.broadcast %parallel_loop3A_199 : f32 to vector<16xf32>
          %parallel_loop3A_201 = arith.mulf %parallel_loop3A_198, %parallel_loop3A_200 : vector<16xf32>
          tpu.vector_store_idx %arg18[%parallel_loop3A_171, %add3A_132], %parallel_loop3A_201 : memref<64x128xf32, #tpu.memory_space<vmem>>[vector<16xi32>, vector<16xi32>], vector<16xf32>,
          %parallel_loop3A_202 = arith.addi %get3A_153, %parallel_loop3A_171 : vector<16xi32>
          %parallel_loop3A_203 = tpu.vector_load_idx %arg14[%add3A_136, %parallel_loop3A_202] : memref<128x128xf32, #tpu.memory_space<vmem>>[vector<16xi32>, vector<16xi32>], vector<16xf32>,
          %parallel_loop3A_204 = arith.constant 8.000000e+00 : f32
          %parallel_loop3A_205 = vector.broadcast %parallel_loop3A_204 : f32 to vector<16xf32>
          %parallel_loop3A_206 = arith.mulf %parallel_loop3A_203, %parallel_loop3A_205 : vector<16xf32>
          tpu.vector_store_idx %arg18[%parallel_loop3A_171, %add3A_136], %parallel_loop3A_206 : memref<64x128xf32, #tpu.memory_space<vmem>>[vector<16xi32>, vector<16xi32>], vector<16xf32>,
          %parallel_loop3A_207 = arith.addi %get3A_155, %parallel_loop3A_171 : vector<16xi32>
          %parallel_loop3A_208 = tpu.vector_load_idx %arg14[%add3A_140, %parallel_loop3A_207] : memref<128x128xf32, #tpu.memory_space<vmem>>[vector<16xi32>, vector<16xi32>], vector<16xf32>,
          %parallel_loop3A_209 = arith.constant 8.000000e+00 : f32
          %parallel_loop3A_210 = vector.broadcast %parallel_loop3A_209 : f32 to vector<16xf32>
          %parallel_loop3A_211 = arith.mulf %parallel_loop3A_208, %parallel_loop3A_210 : vector<16xf32>
          tpu.vector_store_idx %arg18[%parallel_loop3A_171, %add3A_140], %parallel_loop3A_211 : memref<64x128xf32, #tpu.memory_space<vmem>>[vector<16xi32>, vector<16xi32>], vector<16xf32>,
          %parallel_loop3A_212 = arith.constant 16 : i32
          %parallel_loop3A_213 = vector.broadcast %parallel_loop3A_212 : i32 to vector<16xi32>
          %parallel_loop3A_214 = arith.addi %parallel_loop3A_168, %parallel_loop3A_213 : vector<16xi32>
          %parallel_loop3A_215 = arith.addi %get3A_141, %parallel_loop3A_214 : vector<16xi32>
          %parallel_loop3A_216 = tpu.vector_load_idx %arg14[%add3A_112, %parallel_loop3A_215] : memref<128x128xf32, #tpu.memory_space<vmem>>[vector<16xi32>, vector<16xi32>], vector<16xf32>,
          %parallel_loop3A_217 = arith.constant 8.000000e+00 : f32
          %parallel_loop3A_218 = vector.broadcast %parallel_loop3A_217 : f32 to vector<16xf32>
          %parallel_loop3A_219 = arith.mulf %parallel_loop3A_216, %parallel_loop3A_218 : vector<16xf32>
          tpu.vector_store_idx %arg18[%parallel_loop3A_214, %add3A_112], %parallel_loop3A_219 : memref<64x128xf32, #tpu.memory_space<vmem>>[vector<16xi32>, vector<16xi32>], vector<16xf32>,
          %parallel_loop3A_220 = arith.addi %get3A_143, %parallel_loop3A_214 : vector<16xi32>
          %parallel_loop3A_221 = tpu.vector_load_idx %arg14[%add3A_116, %parallel_loop3A_220] : memref<128x128xf32, #tpu.memory_space<vmem>>[vector<16xi32>, vector<16xi32>], vector<16xf32>,
          %parallel_loop3A_222 = arith.constant 8.000000e+00 : f32
          %parallel_loop3A_223 = vector.broadcast %parallel_loop3A_222 : f32 to vector<16xf32>
          %parallel_loop3A_224 = arith.mulf %parallel_loop3A_221, %parallel_loop3A_223 : vector<16xf32>
          tpu.vector_store_idx %arg18[%parallel_loop3A_214, %add3A_116], %parallel_loop3A_224 : memref<64x128xf32, #tpu.memory_space<vmem>>[vector<16xi32>, vector<16xi32>], vector<16xf32>,
          %parallel_loop3A_225 = arith.addi %get3A_145, %parallel_loop3A_214 : vector<16xi32>
          %parallel_loop3A_226 = tpu.vector_load_idx %arg14[%add3A_120, %parallel_loop3A_225] : memref<128x128xf32, #tpu.memory_space<vmem>>[vector<16xi32>, vector<16xi32>], vector<16xf32>,
          %parallel_loop3A_227 = arith.constant 8.000000e+00 : f32
          %parallel_loop3A_228 = vector.broadcast %parallel_loop3A_227 : f32 to vector<16xf32>
          %parallel_loop3A_229 = arith.mulf %parallel_loop3A_226, %parallel_loop3A_228 : vector<16xf32>
          tpu.vector_store_idx %arg18[%parallel_loop3A_214, %add3A_120], %parallel_loop3A_229 : memref<64x128xf32, #tpu.memory_space<vmem>>[vector<16xi32>, vector<16xi32>], vector<16xf32>,
          %parallel_loop3A_230 = arith.addi %get3A_147, %parallel_loop3A_214 : vector<16xi32>
          %parallel_loop3A_231 = tpu.vector_load_idx %arg14[%add3A_124, %parallel_loop3A_230] : memref<128x128xf32, #tpu.memory_space<vmem>>[vector<16xi32>, vector<16xi32>], vector<16xf32>,
          %parallel_loop3A_232 = arith.constant 8.000000e+00 : f32
          %parallel_loop3A_233 = vector.broadcast %parallel_loop3A_232 : f32 to vector<16xf32>
          %parallel_loop3A_234 = arith.mulf %parallel_loop3A_231, %parallel_loop3A_233 : vector<16xf32>
          tpu.vector_store_idx %arg18[%parallel_loop3A_214, %add3A_124], %parallel_loop3A_234 : memref<64x128xf32, #tpu.memory_space<vmem>>[vector<16xi32>, vector<16xi32>], vector<16xf32>,
          %parallel_loop3A_235 = arith.addi %get3A_149, %parallel_loop3A_214 : vector<16xi32>
          %parallel_loop3A_236 = tpu.vector_load_idx %arg14[%add3A_128, %parallel_loop3A_235] : memref<128x128xf32, #tpu.memory_space<vmem>>[vector<16xi32>, vector<16xi32>], vector<16xf32>,
          %parallel_loop3A_237 = arith.constant 8.000000e+00 : f32
          %parallel_loop3A_238 = vector.broadcast %parallel_loop3A_237 : f32 to vector<16xf32>
          %parallel_loop3A_239 = arith.mulf %parallel_loop3A_236, %parallel_loop3A_238 : vector<16xf32>
          tpu.vector_store_idx %arg18[%parallel_loop3A_214, %add3A_128], %parallel_loop3A_239 : memref<64x128xf32, #tpu.memory_space<vmem>>[vector<16xi32>, vector<16xi32>], vector<16xf32>,
          %parallel_loop3A_240 = arith.addi %get3A_151, %parallel_loop3A_214 : vector<16xi32>
          %parallel_loop3A_241 = tpu.vector_load_idx %arg14[%add3A_132, %parallel_loop3A_240] : memref<128x128xf32, #tpu.memory_space<vmem>>[vector<16xi32>, vector<16xi32>], vector<16xf32>,
          %parallel_loop3A_242 = arith.constant 8.000000e+00 : f32
          %parallel_loop3A_243 = vector.broadcast %parallel_loop3A_242 : f32 to vector<16xf32>
          %parallel_loop3A_244 = arith.mulf %parallel_loop3A_241, %parallel_loop3A_243 : vector<16xf32>
          tpu.vector_store_idx %arg18[%parallel_loop3A_214, %add3A_132], %parallel_loop3A_244 : memref<64x128xf32, #tpu.memory_space<vmem>>[vector<16xi32>, vector<16xi32>], vector<16xf32>,
          %parallel_loop3A_245 = arith.addi %get3A_153, %parallel_loop3A_214 : vector<16xi32>
          %parallel_loop3A_246 = tpu.vector_load_idx %arg14[%add3A_136, %parallel_loop3A_245] : memref<128x128xf32, #tpu.memory_space<vmem>>[vector<16xi32>, vector<16xi32>], vector<16xf32>,
          %parallel_loop3A_247 = arith.constant 8.000000e+00 : f32
          %parallel_loop3A_248 = vector.broadcast %parallel_loop3A_247 : f32 to vector<16xf32>
          %parallel_loop3A_249 = arith.mulf %parallel_loop3A_246, %parallel_loop3A_248 : vector<16xf32>
          tpu.vector_store_idx %arg18[%parallel_loop3A_214, %add3A_136], %parallel_loop3A_249 : memref<64x128xf32, #tpu.memory_space<vmem>>[vector<16xi32>, vector<16xi32>], vector<16xf32>,
          %parallel_loop3A_250 = arith.addi %get3A_155, %parallel_loop3A_214 : vector<16xi32>
          %parallel_loop3A_251 = tpu.vector_load_idx %arg14[%add3A_140, %parallel_loop3A_250] : memref<128x128xf32, #tpu.memory_space<vmem>>[vector<16xi32>, vector<16xi32>], vector<16xf32>,
          %parallel_loop3A_252 = arith.constant 8.000000e+00 : f32
          %parallel_loop3A_253 = vector.broadcast %parallel_loop3A_252 : f32 to vector<16xf32>
          %parallel_loop3A_254 = arith.mulf %parallel_loop3A_251, %parallel_loop3A_253 : vector<16xf32>
          tpu.vector_store_idx %arg18[%parallel_loop3A_214, %add3A_140], %parallel_loop3A_254 : memref<64x128xf32, #tpu.memory_space<vmem>>[vector<16xi32>, vector<16xi32>], vector<16xf32>,
          %parallel_loop3A_255 = arith.constant 32 : i32
          %parallel_loop3A_256 = vector.broadcast %parallel_loop3A_255 : i32 to vector<16xi32>
          %parallel_loop3A_257 = arith.addi %parallel_loop3A_168, %parallel_loop3A_256 : vector<16xi32>
          %parallel_loop3A_258 = arith.addi %get3A_141, %parallel_loop3A_257 : vector<16xi32>
          %parallel_loop3A_259 = tpu.vector_load_idx %arg14[%add3A_112, %parallel_loop3A_258] : memref<128x128xf32, #tpu.memory_space<vmem>>[vector<16xi32>, vector<16xi32>], vector<16xf32>,
          %parallel_loop3A_260 = arith.constant 8.000000e+00 : f32
          %parallel_loop3A_261 = vector.broadcast %parallel_loop3A_260 : f32 to vector<16xf32>
          %parallel_loop3A_262 = arith.mulf %parallel_loop3A_259, %parallel_loop3A_261 : vector<16xf32>
          tpu.vector_store_idx %arg18[%parallel_loop3A_257, %add3A_112], %parallel_loop3A_262 : memref<64x128xf32, #tpu.memory_space<vmem>>[vector<16xi32>, vector<16xi32>], vector<16xf32>,
          %parallel_loop3A_263 = arith.addi %get3A_143, %parallel_loop3A_257 : vector<16xi32>
          %parallel_loop3A_264 = tpu.vector_load_idx %arg14[%add3A_116, %parallel_loop3A_263] : memref<128x128xf32, #tpu.memory_space<vmem>>[vector<16xi32>, vector<16xi32>], vector<16xf32>,
          %parallel_loop3A_265 = arith.constant 8.000000e+00 : f32
          %parallel_loop3A_266 = vector.broadcast %parallel_loop3A_265 : f32 to vector<16xf32>
          %parallel_loop3A_267 = arith.mulf %parallel_loop3A_264, %parallel_loop3A_266 : vector<16xf32>
          tpu.vector_store_idx %arg18[%parallel_loop3A_257, %add3A_116], %parallel_loop3A_267 : memref<64x128xf32, #tpu.memory_space<vmem>>[vector<16xi32>, vector<16xi32>], vector<16xf32>,
          %parallel_loop3A_268 = arith.addi %get3A_145, %parallel_loop3A_257 : vector<16xi32>
          %parallel_loop3A_269 = tpu.vector_load_idx %arg14[%add3A_120, %parallel_loop3A_268] : memref<128x128xf32, #tpu.memory_space<vmem>>[vector<16xi32>, vector<16xi32>], vector<16xf32>,
          %parallel_loop3A_270 = arith.constant 8.000000e+00 : f32
          %parallel_loop3A_271 = vector.broadcast %parallel_loop3A_270 : f32 to vector<16xf32>
          %parallel_loop3A_272 = arith.mulf %parallel_loop3A_269, %parallel_loop3A_271 : vector<16xf32>
          tpu.vector_store_idx %arg18[%parallel_loop3A_257, %add3A_120], %parallel_loop3A_272 : memref<64x128xf32, #tpu.memory_space<vmem>>[vector<16xi32>, vector<16xi32>], vector<16xf32>,
          %parallel_loop3A_273 = arith.addi %get3A_147, %parallel_loop3A_257 : vector<16xi32>
          %parallel_loop3A_274 = tpu.vector_load_idx %arg14[%add3A_124, %parallel_loop3A_273] : memref<128x128xf32, #tpu.memory_space<vmem>>[vector<16xi32>, vector<16xi32>], vector<16xf32>,
          %parallel_loop3A_275 = arith.constant 8.000000e+00 : f32
          %parallel_loop3A_276 = vector.broadcast %parallel_loop3A_275 : f32 to vector<16xf32>
          %parallel_loop3A_277 = arith.mulf %parallel_loop3A_274, %parallel_loop3A_276 : vector<16xf32>
          tpu.vector_store_idx %arg18[%parallel_loop3A_257, %add3A_124], %parallel_loop3A_277 : memref<64x128xf32, #tpu.memory_space<vmem>>[vector<16xi32>, vector<16xi32>], vector<16xf32>,
          %parallel_loop3A_278 = arith.addi %get3A_149, %parallel_loop3A_257 : vector<16xi32>
          %parallel_loop3A_279 = tpu.vector_load_idx %arg14[%add3A_128, %parallel_loop3A_278] : memref<128x128xf32, #tpu.memory_space<vmem>>[vector<16xi32>, vector<16xi32>], vector<16xf32>,
          %parallel_loop3A_280 = arith.constant 8.000000e+00 : f32
          %parallel_loop3A_281 = vector.broadcast %parallel_loop3A_280 : f32 to vector<16xf32>
          %parallel_loop3A_282 = arith.mulf %parallel_loop3A_279, %parallel_loop3A_281 : vector<16xf32>
          tpu.vector_store_idx %arg18[%parallel_loop3A_257, %add3A_128], %parallel_loop3A_282 : memref<64x128xf32, #tpu.memory_space<vmem>>[vector<16xi32>, vector<16xi32>], vector<16xf32>,
          %parallel_loop3A_283 = arith.addi %get3A_151, %parallel_loop3A_257 : vector<16xi32>
          %parallel_loop3A_284 = tpu.vector_load_idx %arg14[%add3A_132, %parallel_loop3A_283] : memref<128x128xf32, #tpu.memory_space<vmem>>[vector<16xi32>, vector<16xi32>], vector<16xf32>,
          %parallel_loop3A_285 = arith.constant 8.000000e+00 : f32
          %parallel_loop3A_286 = vector.broadcast %parallel_loop3A_285 : f32 to vector<16xf32>
          %parallel_loop3A_287 = arith.mulf %parallel_loop3A_284, %parallel_loop3A_286 : vector<16xf32>
          tpu.vector_store_idx %arg18[%parallel_loop3A_257, %add3A_132], %parallel_loop3A_287 : memref<64x128xf32, #tpu.memory_space<vmem>>[vector<16xi32>, vector<16xi32>], vector<16xf32>,
          %parallel_loop3A_288 = arith.addi %get3A_153, %parallel_loop3A_257 : vector<16xi32>
          %parallel_loop3A_289 = tpu.vector_load_idx %arg14[%add3A_136, %parallel_loop3A_288] : memref<128x128xf32, #tpu.memory_space<vmem>>[vector<16xi32>, vector<16xi32>], vector<16xf32>,
          %parallel_loop3A_290 = arith.constant 8.000000e+00 : f32
          %parallel_loop3A_291 = vector.broadcast %parallel_loop3A_290 : f32 to vector<16xf32>
          %parallel_loop3A_292 = arith.mulf %parallel_loop3A_289, %parallel_loop3A_291 : vector<16xf32>
          tpu.vector_store_idx %arg18[%parallel_loop3A_257, %add3A_136], %parallel_loop3A_292 : memref<64x128xf32, #tpu.memory_space<vmem>>[vector<16xi32>, vector<16xi32>], vector<16xf32>,
          %parallel_loop3A_293 = arith.addi %get3A_155, %parallel_loop3A_257 : vector<16xi32>
          %parallel_loop3A_294 = tpu.vector_load_idx %arg14[%add3A_140, %parallel_loop3A_293] : memref<128x128xf32, #tpu.memory_space<vmem>>[vector<16xi32>, vector<16xi32>], vector<16xf32>,
          %parallel_loop3A_295 = arith.constant 8.000000e+00 : f32
          %parallel_loop3A_296 = vector.broadcast %parallel_loop3A_295 : f32 to vector<16xf32>
          %parallel_loop3A_297 = arith.mulf %parallel_loop3A_294, %parallel_loop3A_296 : vector<16xf32>
          tpu.vector_store_idx %arg18[%parallel_loop3A_257, %add3A_140], %parallel_loop3A_297 : memref<64x128xf32, #tpu.memory_space<vmem>>[vector<16xi32>, vector<16xi32>], vector<16xf32>,
          %parallel_loop3A_298 = arith.constant 48 : i32
          %parallel_loop3A_299 = vector.broadcast %parallel_loop3A_298 : i32 to vector<16xi32>
          %parallel_loop3A_300 = arith.addi %parallel_loop3A_168, %parallel_loop3A_299 : vector<16xi32>
          %parallel_loop3A_301 = arith.addi %get3A_141, %parallel_loop3A_300 : vector<16xi32>
          %parallel_loop3A_302 = tpu.vector_load_idx %arg14[%add3A_112, %parallel_loop3A_301] : memref<128x128xf32, #tpu.memory_space<vmem>>[vector<16xi32>, vector<16xi32>], vector<16xf32>,
          %parallel_loop3A_303 = arith.constant 8.000000e+00 : f32
          %parallel_loop3A_304 = vector.broadcast %parallel_loop3A_303 : f32 to vector<16xf32>
          %parallel_loop3A_305 = arith.mulf %parallel_loop3A_302, %parallel_loop3A_304 : vector<16xf32>
          tpu.vector_store_idx %arg18[%parallel_loop3A_300, %add3A_112], %parallel_loop3A_305 : memref<64x128xf32, #tpu.memory_space<vmem>>[vector<16xi32>, vector<16xi32>], vector<16xf32>,
          %parallel_loop3A_306 = arith.addi %get3A_143, %parallel_loop3A_300 : vector<16xi32>
          %parallel_loop3A_307 = tpu.vector_load_idx %arg14[%add3A_116, %parallel_loop3A_306] : memref<128x128xf32, #tpu.memory_space<vmem>>[vector<16xi32>, vector<16xi32>], vector<16xf32>,
          %parallel_loop3A_308 = arith.constant 8.000000e+00 : f32
          %parallel_loop3A_309 = vector.broadcast %parallel_loop3A_308 : f32 to vector<16xf32>
          %parallel_loop3A_310 = arith.mulf %parallel_loop3A_307, %parallel_loop3A_309 : vector<16xf32>
          tpu.vector_store_idx %arg18[%parallel_loop3A_300, %add3A_116], %parallel_loop3A_310 : memref<64x128xf32, #tpu.memory_space<vmem>>[vector<16xi32>, vector<16xi32>], vector<16xf32>,
          %parallel_loop3A_311 = arith.addi %get3A_145, %parallel_loop3A_300 : vector<16xi32>
          %parallel_loop3A_312 = tpu.vector_load_idx %arg14[%add3A_120, %parallel_loop3A_311] : memref<128x128xf32, #tpu.memory_space<vmem>>[vector<16xi32>, vector<16xi32>], vector<16xf32>,
          %parallel_loop3A_313 = arith.constant 8.000000e+00 : f32
          %parallel_loop3A_314 = vector.broadcast %parallel_loop3A_313 : f32 to vector<16xf32>
          %parallel_loop3A_315 = arith.mulf %parallel_loop3A_312, %parallel_loop3A_314 : vector<16xf32>
          tpu.vector_store_idx %arg18[%parallel_loop3A_300, %add3A_120], %parallel_loop3A_315 : memref<64x128xf32, #tpu.memory_space<vmem>>[vector<16xi32>, vector<16xi32>], vector<16xf32>,
          %parallel_loop3A_316 = arith.addi %get3A_147, %parallel_loop3A_300 : vector<16xi32>
          %parallel_loop3A_317 = tpu.vector_load_idx %arg14[%add3A_124, %parallel_loop3A_316] : memref<128x128xf32, #tpu.memory_space<vmem>>[vector<16xi32>, vector<16xi32>], vector<16xf32>,
          %parallel_loop3A_318 = arith.constant 8.000000e+00 : f32
          %parallel_loop3A_319 = vector.broadcast %parallel_loop3A_318 : f32 to vector<16xf32>
          %parallel_loop3A_320 = arith.mulf %parallel_loop3A_317, %parallel_loop3A_319 : vector<16xf32>
          tpu.vector_store_idx %arg18[%parallel_loop3A_300, %add3A_124], %parallel_loop3A_320 : memref<64x128xf32, #tpu.memory_space<vmem>>[vector<16xi32>, vector<16xi32>], vector<16xf32>,
          %parallel_loop3A_321 = arith.addi %get3A_149, %parallel_loop3A_300 : vector<16xi32>
          %parallel_loop3A_322 = tpu.vector_load_idx %arg14[%add3A_128, %parallel_loop3A_321] : memref<128x128xf32, #tpu.memory_space<vmem>>[vector<16xi32>, vector<16xi32>], vector<16xf32>,
          %parallel_loop3A_323 = arith.constant 8.000000e+00 : f32
          %parallel_loop3A_324 = vector.broadcast %parallel_loop3A_323 : f32 to vector<16xf32>
          %parallel_loop3A_325 = arith.mulf %parallel_loop3A_322, %parallel_loop3A_324 : vector<16xf32>
          tpu.vector_store_idx %arg18[%parallel_loop3A_300, %add3A_128], %parallel_loop3A_325 : memref<64x128xf32, #tpu.memory_space<vmem>>[vector<16xi32>, vector<16xi32>], vector<16xf32>,
          %parallel_loop3A_326 = arith.addi %get3A_151, %parallel_loop3A_300 : vector<16xi32>
          %parallel_loop3A_327 = tpu.vector_load_idx %arg14[%add3A_132, %parallel_loop3A_326] : memref<128x128xf32, #tpu.memory_space<vmem>>[vector<16xi32>, vector<16xi32>], vector<16xf32>,
          %parallel_loop3A_328 = arith.constant 8.000000e+00 : f32
          %parallel_loop3A_329 = vector.broadcast %parallel_loop3A_328 : f32 to vector<16xf32>
          %parallel_loop3A_330 = arith.mulf %parallel_loop3A_327, %parallel_loop3A_329 : vector<16xf32>
          tpu.vector_store_idx %arg18[%parallel_loop3A_300, %add3A_132], %parallel_loop3A_330 : memref<64x128xf32, #tpu.memory_space<vmem>>[vector<16xi32>, vector<16xi32>], vector<16xf32>,
          %parallel_loop3A_331 = arith.addi %get3A_153, %parallel_loop3A_300 : vector<16xi32>
          %parallel_loop3A_332 = tpu.vector_load_idx %arg14[%add3A_136, %parallel_loop3A_331] : memref<128x128xf32, #tpu.memory_space<vmem>>[vector<16xi32>, vector<16xi32>], vector<16xf32>,
          %parallel_loop3A_333 = arith.constant 8.000000e+00 : f32
          %parallel_loop3A_334 = vector.broadcast %parallel_loop3A_333 : f32 to vector<16xf32>
          %parallel_loop3A_335 = arith.mulf %parallel_loop3A_332, %parallel_loop3A_334 : vector<16xf32>
          tpu.vector_store_idx %arg18[%parallel_loop3A_300, %add3A_136], %parallel_loop3A_335 : memref<64x128xf32, #tpu.memory_space<vmem>>[vector<16xi32>, vector<16xi32>], vector<16xf32>,
          %parallel_loop3A_336 = arith.addi %get3A_155, %parallel_loop3A_300 : vector<16xi32>
          %parallel_loop3A_337 = tpu.vector_load_idx %arg14[%add3A_140, %parallel_loop3A_336] : memref<128x128xf32, #tpu.memory_space<vmem>>[vector<16xi32>, vector<16xi32>], vector<16xf32>,
          %parallel_loop3A_338 = arith.constant 8.000000e+00 : f32
          %parallel_loop3A_339 = vector.broadcast %parallel_loop3A_338 : f32 to vector<16xf32>
          %parallel_loop3A_340 = arith.mulf %parallel_loop3A_337, %parallel_loop3A_339 : vector<16xf32>
          tpu.vector_store_idx %arg18[%parallel_loop3A_300, %add3A_140], %parallel_loop3A_340 : memref<64x128xf32, #tpu.memory_space<vmem>>[vector<16xi32>, vector<16xi32>], vector<16xf32>,
        } {sc.loop_unroll_factor = 1 : i64, sc.parallel_access}
        %dma_start3A = arith.constant 0 : i32
        %dma_start3A_158 = tpu.memref_slice %arg4[%sub3A_78, %dma_start3A, %mul3A_2] : memref<200x64x4096xf32, #tpu.memory_space<hbm>> -> memref<1x64x128xf32, #tpu.memory_space<hbm>>
        %dma_start3A_159 = tpu.memref_squeeze %dma_start3A_158 : memref<1x64x128xf32, #tpu.memory_space<hbm>> -> memref<64x128xf32, #tpu.memory_space<hbm>>
        %dma_start3A_160 = arith.constant 0 : i32
        %dma_start3A_161 = tpu.memref_slice %arg4[%sub3A_78, %dma_start3A_160, %mul3A_2] : memref<200x64x4096xf32, #tpu.memory_space<hbm>> -> memref<1x64x128xf32, #tpu.memory_space<hbm>>
        %dma_start3A_162 = tpu.memref_squeeze %dma_start3A_161 : memref<1x64x128xf32, #tpu.memory_space<hbm>> -> memref<64x128xf32, #tpu.memory_space<hbm>>
        tpu.enqueue_dma source(%arg18 : memref<64x128xf32, #tpu.memory_space<vmem>>) target(%dma_start3A_162 : memref<64x128xf32, #tpu.memory_space<hbm>>) target_semaphore(%arg26 : memref<!tpu.dma_semaphore, #tpu.memory_space<semaphore_mem>>)
      } else {
      }
      %mul3A_87 = arith.constant 4 : i32
      %mul3A_88 = arith.muli %scan3A_35, %mul3A_87 : i32
      %add3A_89 = arith.constant 3 : i32
      %add3A_90 = arith.addi %mul3A_88, %add3A_89 : i32
      %lt3A_91 = arith.constant 200 : i32
      %lt3A_92 = arith.cmpi slt, %add3A_90, %lt3A_91 : i32
      %convert_element_type3A_93 = arith.extui %lt3A_92 : i1 to i32
      %cond3A_94 = arith.constant 0 : i32
      %cond3A_95 = arith.cmpi ne, %convert_element_type3A_93, %cond3A_94 : i32
      scf.if %cond3A_95 {
        %ge3A_106 = arith.constant 4 : i32
        %ge3A_107 = arith.cmpi sge, %add3A_90, %ge3A_106 : i32
        %convert_element_type3A_108 = arith.extui %ge3A_107 : i1 to i32
        %cond3A_109 = arith.constant 0 : i32
        %cond3A_110 = arith.cmpi ne, %convert_element_type3A_108, %cond3A_109 : i32
        scf.if %cond3A_110 {
          %sub3A_237 = arith.constant 4 : i32
          %sub3A_238 = arith.subi %add3A_90, %sub3A_237 : i32
          %dma_wait3A_239 = arith.constant 0 : i32
          %dma_wait3A_240 = tpu.memref_slice %arg4[%sub3A_238, %dma_wait3A_239, %mul3A_2] : memref<200x64x4096xf32, #tpu.memory_space<hbm>> -> memref<1x64x128xf32, #tpu.memory_space<hbm>>
          %dma_wait3A_241 = tpu.memref_squeeze %dma_wait3A_240 : memref<1x64x128xf32, #tpu.memory_space<hbm>> -> memref<64x128xf32, #tpu.memory_space<hbm>>
          %dma_wait3A_242 = arith.constant 0 : i32
          %dma_wait3A_243 = tpu.memref_slice %arg4[%sub3A_238, %dma_wait3A_242, %mul3A_2] : memref<200x64x4096xf32, #tpu.memory_space<hbm>> -> memref<1x64x128xf32, #tpu.memory_space<hbm>>
          %dma_wait3A_244 = tpu.memref_squeeze %dma_wait3A_243 : memref<1x64x128xf32, #tpu.memory_space<hbm>> -> memref<64x128xf32, #tpu.memory_space<hbm>>
          tpu.wait_dma2 semaphore(%arg29 : memref<!tpu.dma_semaphore, #tpu.memory_space<semaphore_mem>>) src(%arg21 : memref<64x128xf32, #tpu.memory_space<vmem>>) dst(%dma_wait3A_244 : memref<64x128xf32, #tpu.memory_space<hbm>>)
        } else {
        }
        %get3A = arith.index_cast %add3A_90 : i32 to index
        %get3A_111 = arith.constant 0 : index
        %get3A_112 = tpu.vector_load %arg5[%get3A, %get3A_111] {strides = array<i32>} : memref<200x128xi32, #tpu.memory_space<vmem>>, vector<16xi32>,
        %shift_right_arithmetic3A = arith.constant 1 : i32
        %shift_right_arithmetic3A_113 = vector.broadcast %shift_right_arithmetic3A : i32 to vector<16xi32>
        %shift_right_arithmetic3A_114 = arith.shrsi %get3A_112, %shift_right_arithmetic3A_113 : vector<16xi32>
        %swap3A = arith.constant 0 : index
        %swap3A_115 = tpu.vector_load %arg9[%swap3A] {strides = array<i32>} : memref<128xi32, #tpu.memory_space<vmem>>, vector<16xi32>,
        tpu.vector_store %arg9[%swap3A], %shift_right_arithmetic3A_114 {strides = array<i32>} : memref<128xi32, #tpu.memory_space<vmem>>, vector<16xi32>,
        %and3A_116 = arith.constant 1 : i32
        %and3A_117 = vector.broadcast %and3A_116 : i32 to vector<16xi32>
        %and3A_118 = arith.andi %get3A_112, %and3A_117 : vector<16xi32>
        %shift_left3A = arith.constant 6 : i32
        %shift_left3A_119 = vector.broadcast %shift_left3A : i32 to vector<16xi32>
        %shift_left3A_120 = arith.shli %and3A_118, %shift_left3A_119 : vector<16xi32>
        %swap3A_121 = arith.constant 0 : index
        %swap3A_122 = tpu.vector_load %arg13[%swap3A_121] {strides = array<i32>} : memref<128xi32, #tpu.memory_space<vmem>>, vector<16xi32>,
        tpu.vector_store %arg13[%swap3A_121], %shift_left3A_120 {strides = array<i32>} : memref<128xi32, #tpu.memory_space<vmem>>, vector<16xi32>,
        %get3A_123 = arith.index_cast %add3A_90 : i32 to index
        %get3A_124 = arith.constant 16 : index
        %get3A_125 = tpu.vector_load %arg5[%get3A_123, %get3A_124] {strides = array<i32>} : memref<200x128xi32, #tpu.memory_space<vmem>>, vector<16xi32>,
        %shift_right_arithmetic3A_126 = arith.constant 1 : i32
        %shift_right_arithmetic3A_127 = vector.broadcast %shift_right_arithmetic3A_126 : i32 to vector<16xi32>
        %shift_right_arithmetic3A_128 = arith.shrsi %get3A_125, %shift_right_arithmetic3A_127 : vector<16xi32>
        %swap3A_129 = arith.constant 16 : index
        %swap3A_130 = tpu.vector_load %arg9[%swap3A_129] {strides = array<i32>} : memref<128xi32, #tpu.memory_space<vmem>>, vector<16xi32>,
        tpu.vector_store %arg9[%swap3A_129], %shift_right_arithmetic3A_128 {strides = array<i32>} : memref<128xi32, #tpu.memory_space<vmem>>, vector<16xi32>,
        %and3A_131 = arith.constant 1 : i32
        %and3A_132 = vector.broadcast %and3A_131 : i32 to vector<16xi32>
        %and3A_133 = arith.andi %get3A_125, %and3A_132 : vector<16xi32>
        %shift_left3A_134 = arith.constant 6 : i32
        %shift_left3A_135 = vector.broadcast %shift_left3A_134 : i32 to vector<16xi32>
        %shift_left3A_136 = arith.shli %and3A_133, %shift_left3A_135 : vector<16xi32>
        %swap3A_137 = arith.constant 16 : index
        %swap3A_138 = tpu.vector_load %arg13[%swap3A_137] {strides = array<i32>} : memref<128xi32, #tpu.memory_space<vmem>>, vector<16xi32>,
        tpu.vector_store %arg13[%swap3A_137], %shift_left3A_136 {strides = array<i32>} : memref<128xi32, #tpu.memory_space<vmem>>, vector<16xi32>,
        %get3A_139 = arith.index_cast %add3A_90 : i32 to index
        %get3A_140 = arith.constant 32 : index
        %get3A_141 = tpu.vector_load %arg5[%get3A_139, %get3A_140] {strides = array<i32>} : memref<200x128xi32, #tpu.memory_space<vmem>>, vector<16xi32>,
        %shift_right_arithmetic3A_142 = arith.constant 1 : i32
        %shift_right_arithmetic3A_143 = vector.broadcast %shift_right_arithmetic3A_142 : i32 to vector<16xi32>
        %shift_right_arithmetic3A_144 = arith.shrsi %get3A_141, %shift_right_arithmetic3A_143 : vector<16xi32>
        %swap3A_145 = arith.constant 32 : index
        %swap3A_146 = tpu.vector_load %arg9[%swap3A_145] {strides = array<i32>} : memref<128xi32, #tpu.memory_space<vmem>>, vector<16xi32>,
        tpu.vector_store %arg9[%swap3A_145], %shift_right_arithmetic3A_144 {strides = array<i32>} : memref<128xi32, #tpu.memory_space<vmem>>, vector<16xi32>,
        %and3A_147 = arith.constant 1 : i32
        %and3A_148 = vector.broadcast %and3A_147 : i32 to vector<16xi32>
        %and3A_149 = arith.andi %get3A_141, %and3A_148 : vector<16xi32>
        %shift_left3A_150 = arith.constant 6 : i32
        %shift_left3A_151 = vector.broadcast %shift_left3A_150 : i32 to vector<16xi32>
        %shift_left3A_152 = arith.shli %and3A_149, %shift_left3A_151 : vector<16xi32>
        %swap3A_153 = arith.constant 32 : index
        %swap3A_154 = tpu.vector_load %arg13[%swap3A_153] {strides = array<i32>} : memref<128xi32, #tpu.memory_space<vmem>>, vector<16xi32>,
        tpu.vector_store %arg13[%swap3A_153], %shift_left3A_152 {strides = array<i32>} : memref<128xi32, #tpu.memory_space<vmem>>, vector<16xi32>,
        %get3A_155 = arith.index_cast %add3A_90 : i32 to index
        %get3A_156 = arith.constant 48 : index
        %get3A_157 = tpu.vector_load %arg5[%get3A_155, %get3A_156] {strides = array<i32>} : memref<200x128xi32, #tpu.memory_space<vmem>>, vector<16xi32>,
        %shift_right_arithmetic3A_158 = arith.constant 1 : i32
        %shift_right_arithmetic3A_159 = vector.broadcast %shift_right_arithmetic3A_158 : i32 to vector<16xi32>
        %shift_right_arithmetic3A_160 = arith.shrsi %get3A_157, %shift_right_arithmetic3A_159 : vector<16xi32>
        %swap3A_161 = arith.constant 48 : index
        %swap3A_162 = tpu.vector_load %arg9[%swap3A_161] {strides = array<i32>} : memref<128xi32, #tpu.memory_space<vmem>>, vector<16xi32>,
        tpu.vector_store %arg9[%swap3A_161], %shift_right_arithmetic3A_160 {strides = array<i32>} : memref<128xi32, #tpu.memory_space<vmem>>, vector<16xi32>,
        %and3A_163 = arith.constant 1 : i32
        %and3A_164 = vector.broadcast %and3A_163 : i32 to vector<16xi32>
        %and3A_165 = arith.andi %get3A_157, %and3A_164 : vector<16xi32>
        %shift_left3A_166 = arith.constant 6 : i32
        %shift_left3A_167 = vector.broadcast %shift_left3A_166 : i32 to vector<16xi32>
        %shift_left3A_168 = arith.shli %and3A_165, %shift_left3A_167 : vector<16xi32>
        %swap3A_169 = arith.constant 48 : index
        %swap3A_170 = tpu.vector_load %arg13[%swap3A_169] {strides = array<i32>} : memref<128xi32, #tpu.memory_space<vmem>>, vector<16xi32>,
        tpu.vector_store %arg13[%swap3A_169], %shift_left3A_168 {strides = array<i32>} : memref<128xi32, #tpu.memory_space<vmem>>, vector<16xi32>,
        %get3A_171 = arith.index_cast %add3A_90 : i32 to index
        %get3A_172 = arith.constant 64 : index
        %get3A_173 = tpu.vector_load %arg5[%get3A_171, %get3A_172] {strides = array<i32>} : memref<200x128xi32, #tpu.memory_space<vmem>>, vector<16xi32>,
        %shift_right_arithmetic3A_174 = arith.constant 1 : i32
        %shift_right_arithmetic3A_175 = vector.broadcast %shift_right_arithmetic3A_174 : i32 to vector<16xi32>
        %shift_right_arithmetic3A_176 = arith.shrsi %get3A_173, %shift_right_arithmetic3A_175 : vector<16xi32>
        %swap3A_177 = arith.constant 64 : index
        %swap3A_178 = tpu.vector_load %arg9[%swap3A_177] {strides = array<i32>} : memref<128xi32, #tpu.memory_space<vmem>>, vector<16xi32>,
        tpu.vector_store %arg9[%swap3A_177], %shift_right_arithmetic3A_176 {strides = array<i32>} : memref<128xi32, #tpu.memory_space<vmem>>, vector<16xi32>,
        %and3A_179 = arith.constant 1 : i32
        %and3A_180 = vector.broadcast %and3A_179 : i32 to vector<16xi32>
        %and3A_181 = arith.andi %get3A_173, %and3A_180 : vector<16xi32>
        %shift_left3A_182 = arith.constant 6 : i32
        %shift_left3A_183 = vector.broadcast %shift_left3A_182 : i32 to vector<16xi32>
        %shift_left3A_184 = arith.shli %and3A_181, %shift_left3A_183 : vector<16xi32>
        %swap3A_185 = arith.constant 64 : index
        %swap3A_186 = tpu.vector_load %arg13[%swap3A_185] {strides = array<i32>} : memref<128xi32, #tpu.memory_space<vmem>>, vector<16xi32>,
        tpu.vector_store %arg13[%swap3A_185], %shift_left3A_184 {strides = array<i32>} : memref<128xi32, #tpu.memory_space<vmem>>, vector<16xi32>,
        %get3A_187 = arith.index_cast %add3A_90 : i32 to index
        %get3A_188 = arith.constant 80 : index
        %get3A_189 = tpu.vector_load %arg5[%get3A_187, %get3A_188] {strides = array<i32>} : memref<200x128xi32, #tpu.memory_space<vmem>>, vector<16xi32>,
        %shift_right_arithmetic3A_190 = arith.constant 1 : i32
        %shift_right_arithmetic3A_191 = vector.broadcast %shift_right_arithmetic3A_190 : i32 to vector<16xi32>
        %shift_right_arithmetic3A_192 = arith.shrsi %get3A_189, %shift_right_arithmetic3A_191 : vector<16xi32>
        %swap3A_193 = arith.constant 80 : index
        %swap3A_194 = tpu.vector_load %arg9[%swap3A_193] {strides = array<i32>} : memref<128xi32, #tpu.memory_space<vmem>>, vector<16xi32>,
        tpu.vector_store %arg9[%swap3A_193], %shift_right_arithmetic3A_192 {strides = array<i32>} : memref<128xi32, #tpu.memory_space<vmem>>, vector<16xi32>,
        %and3A_195 = arith.constant 1 : i32
        %and3A_196 = vector.broadcast %and3A_195 : i32 to vector<16xi32>
        %and3A_197 = arith.andi %get3A_189, %and3A_196 : vector<16xi32>
        %shift_left3A_198 = arith.constant 6 : i32
        %shift_left3A_199 = vector.broadcast %shift_left3A_198 : i32 to vector<16xi32>
        %shift_left3A_200 = arith.shli %and3A_197, %shift_left3A_199 : vector<16xi32>
        %swap3A_201 = arith.constant 80 : index
        %swap3A_202 = tpu.vector_load %arg13[%swap3A_201] {strides = array<i32>} : memref<128xi32, #tpu.memory_space<vmem>>, vector<16xi32>,
        tpu.vector_store %arg13[%swap3A_201], %shift_left3A_200 {strides = array<i32>} : memref<128xi32, #tpu.memory_space<vmem>>, vector<16xi32>,
        %get3A_203 = arith.index_cast %add3A_90 : i32 to index
        %get3A_204 = arith.constant 96 : index
        %get3A_205 = tpu.vector_load %arg5[%get3A_203, %get3A_204] {strides = array<i32>} : memref<200x128xi32, #tpu.memory_space<vmem>>, vector<16xi32>,
        %shift_right_arithmetic3A_206 = arith.constant 1 : i32
        %shift_right_arithmetic3A_207 = vector.broadcast %shift_right_arithmetic3A_206 : i32 to vector<16xi32>
        %shift_right_arithmetic3A_208 = arith.shrsi %get3A_205, %shift_right_arithmetic3A_207 : vector<16xi32>
        %swap3A_209 = arith.constant 96 : index
        %swap3A_210 = tpu.vector_load %arg9[%swap3A_209] {strides = array<i32>} : memref<128xi32, #tpu.memory_space<vmem>>, vector<16xi32>,
        tpu.vector_store %arg9[%swap3A_209], %shift_right_arithmetic3A_208 {strides = array<i32>} : memref<128xi32, #tpu.memory_space<vmem>>, vector<16xi32>,
        %and3A_211 = arith.constant 1 : i32
        %and3A_212 = vector.broadcast %and3A_211 : i32 to vector<16xi32>
        %and3A_213 = arith.andi %get3A_205, %and3A_212 : vector<16xi32>
        %shift_left3A_214 = arith.constant 6 : i32
        %shift_left3A_215 = vector.broadcast %shift_left3A_214 : i32 to vector<16xi32>
        %shift_left3A_216 = arith.shli %and3A_213, %shift_left3A_215 : vector<16xi32>
        %swap3A_217 = arith.constant 96 : index
        %swap3A_218 = tpu.vector_load %arg13[%swap3A_217] {strides = array<i32>} : memref<128xi32, #tpu.memory_space<vmem>>, vector<16xi32>,
        tpu.vector_store %arg13[%swap3A_217], %shift_left3A_216 {strides = array<i32>} : memref<128xi32, #tpu.memory_space<vmem>>, vector<16xi32>,
        %get3A_219 = arith.index_cast %add3A_90 : i32 to index
        %get3A_220 = arith.constant 112 : index
        %get3A_221 = tpu.vector_load %arg5[%get3A_219, %get3A_220] {strides = array<i32>} : memref<200x128xi32, #tpu.memory_space<vmem>>, vector<16xi32>,
        %shift_right_arithmetic3A_222 = arith.constant 1 : i32
        %shift_right_arithmetic3A_223 = vector.broadcast %shift_right_arithmetic3A_222 : i32 to vector<16xi32>
        %shift_right_arithmetic3A_224 = arith.shrsi %get3A_221, %shift_right_arithmetic3A_223 : vector<16xi32>
        %swap3A_225 = arith.constant 112 : index
        %swap3A_226 = tpu.vector_load %arg9[%swap3A_225] {strides = array<i32>} : memref<128xi32, #tpu.memory_space<vmem>>, vector<16xi32>,
        tpu.vector_store %arg9[%swap3A_225], %shift_right_arithmetic3A_224 {strides = array<i32>} : memref<128xi32, #tpu.memory_space<vmem>>, vector<16xi32>,
        %and3A_227 = arith.constant 1 : i32
        %and3A_228 = vector.broadcast %and3A_227 : i32 to vector<16xi32>
        %and3A_229 = arith.andi %get3A_221, %and3A_228 : vector<16xi32>
        %shift_left3A_230 = arith.constant 6 : i32
        %shift_left3A_231 = vector.broadcast %shift_left3A_230 : i32 to vector<16xi32>
        %shift_left3A_232 = arith.shli %and3A_229, %shift_left3A_231 : vector<16xi32>
        %swap3A_233 = arith.constant 112 : index
        %swap3A_234 = tpu.vector_load %arg13[%swap3A_233] {strides = array<i32>} : memref<128xi32, #tpu.memory_space<vmem>>, vector<16xi32>,
        tpu.vector_store %arg13[%swap3A_233], %shift_left3A_232 {strides = array<i32>} : memref<128xi32, #tpu.memory_space<vmem>>, vector<16xi32>,
        %dma_start3A = arith.constant 0 : i32
        %dma_start3A_235 = arith.constant 0 : i32
        %dma_start3A_236 = tpu.memref_slice %arg2[%dma_start3A, %dma_start3A_235] : memref<500000x128xf32, #tpu.memory_space<hbm>> -> memref<500000x128xf32, #tpu.memory_space<hbm>>
        tpu.enqueue_indirect_dma source(%dma_start3A_236 : memref<500000x128xf32, #tpu.memory_space<hbm>>) target(%arg17 : memref<128x128xf32, #tpu.memory_space<vmem>>) offsets(%arg9 : memref<128xi32, #tpu.memory_space<vmem>>) semaphore(%arg25 : memref<!tpu.dma_semaphore, #tpu.memory_space<semaphore_mem>>)
      } else {
      }
      %sub3A_96 = arith.constant 2 : i32
      %sub3A_97 = arith.subi %add3A_90, %sub3A_96 : i32
      %ge3A_98 = arith.constant 0 : i32
      %ge3A_99 = arith.cmpi sge, %sub3A_97, %ge3A_98 : i32
      %lt3A_100 = arith.constant 200 : i32
      %lt3A_101 = arith.cmpi slt, %sub3A_97, %lt3A_100 : i32
      %and3A_102 = arith.andi %ge3A_99, %lt3A_101 : i1
      %convert_element_type3A_103 = arith.extui %and3A_102 : i1 to i32
      %cond3A_104 = arith.constant 0 : i32
      %cond3A_105 = arith.cmpi ne, %convert_element_type3A_103, %cond3A_104 : i32
      scf.if %cond3A_105 {
        %dma_wait3A_106 = arith.constant 0 : i32
        %dma_wait3A_107 = arith.constant 0 : i32
        %dma_wait3A_108 = tpu.memref_slice %arg2[%dma_wait3A_106, %dma_wait3A_107] : memref<500000x128xf32, #tpu.memory_space<hbm>> -> memref<500000x128xf32, #tpu.memory_space<hbm>>
        tpu.wait_indirect_dma semaphore(%arg23 : memref<!tpu.dma_semaphore, #tpu.memory_space<semaphore_mem>>) src(%dma_wait3A_108 : memref<500000x128xf32, #tpu.memory_space<hbm>>) dst(%arg15 : memref<128x128xf32, #tpu.memory_space<vmem>>)
        %iota3A = tpu.iota {dimensions = array<i32: 0>} : vector<16xi32>
        %iota3A_109 = tpu.iota {dimensions = array<i32: 0>} : vector<16xi32>
        %add3A_110 = arith.constant 0 : i32
        %add3A_111 = vector.broadcast %add3A_110 : i32 to vector<16xi32>
        %add3A_112 = arith.addi %iota3A_109, %add3A_111 : vector<16xi32>
        %iota3A_113 = tpu.iota {dimensions = array<i32: 0>} : vector<16xi32>
        %add3A_114 = arith.constant 16 : i32
        %add3A_115 = vector.broadcast %add3A_114 : i32 to vector<16xi32>
        %add3A_116 = arith.addi %iota3A_113, %add3A_115 : vector<16xi32>
        %iota3A_117 = tpu.iota {dimensions = array<i32: 0>} : vector<16xi32>
        %add3A_118 = arith.constant 32 : i32
        %add3A_119 = vector.broadcast %add3A_118 : i32 to vector<16xi32>
        %add3A_120 = arith.addi %iota3A_117, %add3A_119 : vector<16xi32>
        %iota3A_121 = tpu.iota {dimensions = array<i32: 0>} : vector<16xi32>
        %add3A_122 = arith.constant 48 : i32
        %add3A_123 = vector.broadcast %add3A_122 : i32 to vector<16xi32>
        %add3A_124 = arith.addi %iota3A_121, %add3A_123 : vector<16xi32>
        %iota3A_125 = tpu.iota {dimensions = array<i32: 0>} : vector<16xi32>
        %add3A_126 = arith.constant 64 : i32
        %add3A_127 = vector.broadcast %add3A_126 : i32 to vector<16xi32>
        %add3A_128 = arith.addi %iota3A_125, %add3A_127 : vector<16xi32>
        %iota3A_129 = tpu.iota {dimensions = array<i32: 0>} : vector<16xi32>
        %add3A_130 = arith.constant 80 : i32
        %add3A_131 = vector.broadcast %add3A_130 : i32 to vector<16xi32>
        %add3A_132 = arith.addi %iota3A_129, %add3A_131 : vector<16xi32>
        %iota3A_133 = tpu.iota {dimensions = array<i32: 0>} : vector<16xi32>
        %add3A_134 = arith.constant 96 : i32
        %add3A_135 = vector.broadcast %add3A_134 : i32 to vector<16xi32>
        %add3A_136 = arith.addi %iota3A_133, %add3A_135 : vector<16xi32>
        %iota3A_137 = tpu.iota {dimensions = array<i32: 0>} : vector<16xi32>
        %add3A_138 = arith.constant 112 : i32
        %add3A_139 = vector.broadcast %add3A_138 : i32 to vector<16xi32>
        %add3A_140 = arith.addi %iota3A_137, %add3A_139 : vector<16xi32>
        %get3A = arith.constant 0 : index
        %get3A_141 = tpu.vector_load %arg11[%get3A] {strides = array<i32>} : memref<128xi32, #tpu.memory_space<vmem>>, vector<16xi32>,
        %get3A_142 = arith.constant 16 : index
        %get3A_143 = tpu.vector_load %arg11[%get3A_142] {strides = array<i32>} : memref<128xi32, #tpu.memory_space<vmem>>, vector<16xi32>,
        %get3A_144 = arith.constant 32 : index
        %get3A_145 = tpu.vector_load %arg11[%get3A_144] {strides = array<i32>} : memref<128xi32, #tpu.memory_space<vmem>>, vector<16xi32>,
        %get3A_146 = arith.constant 48 : index
        %get3A_147 = tpu.vector_load %arg11[%get3A_146] {strides = array<i32>} : memref<128xi32, #tpu.memory_space<vmem>>, vector<16xi32>,
        %get3A_148 = arith.constant 64 : index
        %get3A_149 = tpu.vector_load %arg11[%get3A_148] {strides = array<i32>} : memref<128xi32, #tpu.memory_space<vmem>>, vector<16xi32>,
        %get3A_150 = arith.constant 80 : index
        %get3A_151 = tpu.vector_load %arg11[%get3A_150] {strides = array<i32>} : memref<128xi32, #tpu.memory_space<vmem>>, vector<16xi32>,
        %get3A_152 = arith.constant 96 : index
        %get3A_153 = tpu.vector_load %arg11[%get3A_152] {strides = array<i32>} : memref<128xi32, #tpu.memory_space<vmem>>, vector<16xi32>,
        %get3A_154 = arith.constant 112 : index
        %get3A_155 = tpu.vector_load %arg11[%get3A_154] {strides = array<i32>} : memref<128xi32, #tpu.memory_space<vmem>>, vector<16xi32>,
        %parallel_loop3A = arith.constant 0 : i32
        %parallel_loop3A_156 = arith.constant 16 : i32
        %parallel_loop3A_157 = arith.constant 1 : i32
        scf.for %parallel_loop3A_163 = %parallel_loop3A to %parallel_loop3A_156 step %parallel_loop3A_157  : i32 {
          %parallel_loop3A_164 = vector.broadcast %parallel_loop3A_163 : i32 to vector<16xi32>
          %parallel_loop3A_165 = arith.addi %iota3A, %parallel_loop3A_164 : vector<16xi32>
          %parallel_loop3A_166 = arith.constant 15 : i32
          %parallel_loop3A_167 = vector.broadcast %parallel_loop3A_166 : i32 to vector<16xi32>
          %parallel_loop3A_168 = arith.andi %parallel_loop3A_165, %parallel_loop3A_167 : vector<16xi32>
          %parallel_loop3A_169 = arith.constant 0 : i32
          %parallel_loop3A_170 = vector.broadcast %parallel_loop3A_169 : i32 to vector<16xi32>
          %parallel_loop3A_171 = arith.addi %parallel_loop3A_168, %parallel_loop3A_170 : vector<16xi32>
          %parallel_loop3A_172 = arith.addi %get3A_141, %parallel_loop3A_171 : vector<16xi32>
          %parallel_loop3A_173 = tpu.vector_load_idx %arg15[%add3A_112, %parallel_loop3A_172] : memref<128x128xf32, #tpu.memory_space<vmem>>[vector<16xi32>, vector<16xi32>], vector<16xf32>,
          %parallel_loop3A_174 = arith.constant 8.000000e+00 : f32
          %parallel_loop3A_175 = vector.broadcast %parallel_loop3A_174 : f32 to vector<16xf32>
          %parallel_loop3A_176 = arith.mulf %parallel_loop3A_173, %parallel_loop3A_175 : vector<16xf32>
          tpu.vector_store_idx %arg19[%parallel_loop3A_171, %add3A_112], %parallel_loop3A_176 : memref<64x128xf32, #tpu.memory_space<vmem>>[vector<16xi32>, vector<16xi32>], vector<16xf32>,
          %parallel_loop3A_177 = arith.addi %get3A_143, %parallel_loop3A_171 : vector<16xi32>
          %parallel_loop3A_178 = tpu.vector_load_idx %arg15[%add3A_116, %parallel_loop3A_177] : memref<128x128xf32, #tpu.memory_space<vmem>>[vector<16xi32>, vector<16xi32>], vector<16xf32>,
          %parallel_loop3A_179 = arith.constant 8.000000e+00 : f32
          %parallel_loop3A_180 = vector.broadcast %parallel_loop3A_179 : f32 to vector<16xf32>
          %parallel_loop3A_181 = arith.mulf %parallel_loop3A_178, %parallel_loop3A_180 : vector<16xf32>
          tpu.vector_store_idx %arg19[%parallel_loop3A_171, %add3A_116], %parallel_loop3A_181 : memref<64x128xf32, #tpu.memory_space<vmem>>[vector<16xi32>, vector<16xi32>], vector<16xf32>,
          %parallel_loop3A_182 = arith.addi %get3A_145, %parallel_loop3A_171 : vector<16xi32>
          %parallel_loop3A_183 = tpu.vector_load_idx %arg15[%add3A_120, %parallel_loop3A_182] : memref<128x128xf32, #tpu.memory_space<vmem>>[vector<16xi32>, vector<16xi32>], vector<16xf32>,
          %parallel_loop3A_184 = arith.constant 8.000000e+00 : f32
          %parallel_loop3A_185 = vector.broadcast %parallel_loop3A_184 : f32 to vector<16xf32>
          %parallel_loop3A_186 = arith.mulf %parallel_loop3A_183, %parallel_loop3A_185 : vector<16xf32>
          tpu.vector_store_idx %arg19[%parallel_loop3A_171, %add3A_120], %parallel_loop3A_186 : memref<64x128xf32, #tpu.memory_space<vmem>>[vector<16xi32>, vector<16xi32>], vector<16xf32>,
          %parallel_loop3A_187 = arith.addi %get3A_147, %parallel_loop3A_171 : vector<16xi32>
          %parallel_loop3A_188 = tpu.vector_load_idx %arg15[%add3A_124, %parallel_loop3A_187] : memref<128x128xf32, #tpu.memory_space<vmem>>[vector<16xi32>, vector<16xi32>], vector<16xf32>,
          %parallel_loop3A_189 = arith.constant 8.000000e+00 : f32
          %parallel_loop3A_190 = vector.broadcast %parallel_loop3A_189 : f32 to vector<16xf32>
          %parallel_loop3A_191 = arith.mulf %parallel_loop3A_188, %parallel_loop3A_190 : vector<16xf32>
          tpu.vector_store_idx %arg19[%parallel_loop3A_171, %add3A_124], %parallel_loop3A_191 : memref<64x128xf32, #tpu.memory_space<vmem>>[vector<16xi32>, vector<16xi32>], vector<16xf32>,
          %parallel_loop3A_192 = arith.addi %get3A_149, %parallel_loop3A_171 : vector<16xi32>
          %parallel_loop3A_193 = tpu.vector_load_idx %arg15[%add3A_128, %parallel_loop3A_192] : memref<128x128xf32, #tpu.memory_space<vmem>>[vector<16xi32>, vector<16xi32>], vector<16xf32>,
          %parallel_loop3A_194 = arith.constant 8.000000e+00 : f32
          %parallel_loop3A_195 = vector.broadcast %parallel_loop3A_194 : f32 to vector<16xf32>
          %parallel_loop3A_196 = arith.mulf %parallel_loop3A_193, %parallel_loop3A_195 : vector<16xf32>
          tpu.vector_store_idx %arg19[%parallel_loop3A_171, %add3A_128], %parallel_loop3A_196 : memref<64x128xf32, #tpu.memory_space<vmem>>[vector<16xi32>, vector<16xi32>], vector<16xf32>,
          %parallel_loop3A_197 = arith.addi %get3A_151, %parallel_loop3A_171 : vector<16xi32>
          %parallel_loop3A_198 = tpu.vector_load_idx %arg15[%add3A_132, %parallel_loop3A_197] : memref<128x128xf32, #tpu.memory_space<vmem>>[vector<16xi32>, vector<16xi32>], vector<16xf32>,
          %parallel_loop3A_199 = arith.constant 8.000000e+00 : f32
          %parallel_loop3A_200 = vector.broadcast %parallel_loop3A_199 : f32 to vector<16xf32>
          %parallel_loop3A_201 = arith.mulf %parallel_loop3A_198, %parallel_loop3A_200 : vector<16xf32>
          tpu.vector_store_idx %arg19[%parallel_loop3A_171, %add3A_132], %parallel_loop3A_201 : memref<64x128xf32, #tpu.memory_space<vmem>>[vector<16xi32>, vector<16xi32>], vector<16xf32>,
          %parallel_loop3A_202 = arith.addi %get3A_153, %parallel_loop3A_171 : vector<16xi32>
          %parallel_loop3A_203 = tpu.vector_load_idx %arg15[%add3A_136, %parallel_loop3A_202] : memref<128x128xf32, #tpu.memory_space<vmem>>[vector<16xi32>, vector<16xi32>], vector<16xf32>,
          %parallel_loop3A_204 = arith.constant 8.000000e+00 : f32
          %parallel_loop3A_205 = vector.broadcast %parallel_loop3A_204 : f32 to vector<16xf32>
          %parallel_loop3A_206 = arith.mulf %parallel_loop3A_203, %parallel_loop3A_205 : vector<16xf32>
          tpu.vector_store_idx %arg19[%parallel_loop3A_171, %add3A_136], %parallel_loop3A_206 : memref<64x128xf32, #tpu.memory_space<vmem>>[vector<16xi32>, vector<16xi32>], vector<16xf32>,
          %parallel_loop3A_207 = arith.addi %get3A_155, %parallel_loop3A_171 : vector<16xi32>
          %parallel_loop3A_208 = tpu.vector_load_idx %arg15[%add3A_140, %parallel_loop3A_207] : memref<128x128xf32, #tpu.memory_space<vmem>>[vector<16xi32>, vector<16xi32>], vector<16xf32>,
          %parallel_loop3A_209 = arith.constant 8.000000e+00 : f32
          %parallel_loop3A_210 = vector.broadcast %parallel_loop3A_209 : f32 to vector<16xf32>
          %parallel_loop3A_211 = arith.mulf %parallel_loop3A_208, %parallel_loop3A_210 : vector<16xf32>
          tpu.vector_store_idx %arg19[%parallel_loop3A_171, %add3A_140], %parallel_loop3A_211 : memref<64x128xf32, #tpu.memory_space<vmem>>[vector<16xi32>, vector<16xi32>], vector<16xf32>,
          %parallel_loop3A_212 = arith.constant 16 : i32
          %parallel_loop3A_213 = vector.broadcast %parallel_loop3A_212 : i32 to vector<16xi32>
          %parallel_loop3A_214 = arith.addi %parallel_loop3A_168, %parallel_loop3A_213 : vector<16xi32>
          %parallel_loop3A_215 = arith.addi %get3A_141, %parallel_loop3A_214 : vector<16xi32>
          %parallel_loop3A_216 = tpu.vector_load_idx %arg15[%add3A_112, %parallel_loop3A_215] : memref<128x128xf32, #tpu.memory_space<vmem>>[vector<16xi32>, vector<16xi32>], vector<16xf32>,
          %parallel_loop3A_217 = arith.constant 8.000000e+00 : f32
          %parallel_loop3A_218 = vector.broadcast %parallel_loop3A_217 : f32 to vector<16xf32>
          %parallel_loop3A_219 = arith.mulf %parallel_loop3A_216, %parallel_loop3A_218 : vector<16xf32>
          tpu.vector_store_idx %arg19[%parallel_loop3A_214, %add3A_112], %parallel_loop3A_219 : memref<64x128xf32, #tpu.memory_space<vmem>>[vector<16xi32>, vector<16xi32>], vector<16xf32>,
          %parallel_loop3A_220 = arith.addi %get3A_143, %parallel_loop3A_214 : vector<16xi32>
          %parallel_loop3A_221 = tpu.vector_load_idx %arg15[%add3A_116, %parallel_loop3A_220] : memref<128x128xf32, #tpu.memory_space<vmem>>[vector<16xi32>, vector<16xi32>], vector<16xf32>,
          %parallel_loop3A_222 = arith.constant 8.000000e+00 : f32
          %parallel_loop3A_223 = vector.broadcast %parallel_loop3A_222 : f32 to vector<16xf32>
          %parallel_loop3A_224 = arith.mulf %parallel_loop3A_221, %parallel_loop3A_223 : vector<16xf32>
          tpu.vector_store_idx %arg19[%parallel_loop3A_214, %add3A_116], %parallel_loop3A_224 : memref<64x128xf32, #tpu.memory_space<vmem>>[vector<16xi32>, vector<16xi32>], vector<16xf32>,
          %parallel_loop3A_225 = arith.addi %get3A_145, %parallel_loop3A_214 : vector<16xi32>
          %parallel_loop3A_226 = tpu.vector_load_idx %arg15[%add3A_120, %parallel_loop3A_225] : memref<128x128xf32, #tpu.memory_space<vmem>>[vector<16xi32>, vector<16xi32>], vector<16xf32>,
          %parallel_loop3A_227 = arith.constant 8.000000e+00 : f32
          %parallel_loop3A_228 = vector.broadcast %parallel_loop3A_227 : f32 to vector<16xf32>
          %parallel_loop3A_229 = arith.mulf %parallel_loop3A_226, %parallel_loop3A_228 : vector<16xf32>
          tpu.vector_store_idx %arg19[%parallel_loop3A_214, %add3A_120], %parallel_loop3A_229 : memref<64x128xf32, #tpu.memory_space<vmem>>[vector<16xi32>, vector<16xi32>], vector<16xf32>,
          %parallel_loop3A_230 = arith.addi %get3A_147, %parallel_loop3A_214 : vector<16xi32>
          %parallel_loop3A_231 = tpu.vector_load_idx %arg15[%add3A_124, %parallel_loop3A_230] : memref<128x128xf32, #tpu.memory_space<vmem>>[vector<16xi32>, vector<16xi32>], vector<16xf32>,
          %parallel_loop3A_232 = arith.constant 8.000000e+00 : f32
          %parallel_loop3A_233 = vector.broadcast %parallel_loop3A_232 : f32 to vector<16xf32>
          %parallel_loop3A_234 = arith.mulf %parallel_loop3A_231, %parallel_loop3A_233 : vector<16xf32>
          tpu.vector_store_idx %arg19[%parallel_loop3A_214, %add3A_124], %parallel_loop3A_234 : memref<64x128xf32, #tpu.memory_space<vmem>>[vector<16xi32>, vector<16xi32>], vector<16xf32>,
          %parallel_loop3A_235 = arith.addi %get3A_149, %parallel_loop3A_214 : vector<16xi32>
          %parallel_loop3A_236 = tpu.vector_load_idx %arg15[%add3A_128, %parallel_loop3A_235] : memref<128x128xf32, #tpu.memory_space<vmem>>[vector<16xi32>, vector<16xi32>], vector<16xf32>,
          %parallel_loop3A_237 = arith.constant 8.000000e+00 : f32
          %parallel_loop3A_238 = vector.broadcast %parallel_loop3A_237 : f32 to vector<16xf32>
          %parallel_loop3A_239 = arith.mulf %parallel_loop3A_236, %parallel_loop3A_238 : vector<16xf32>
          tpu.vector_store_idx %arg19[%parallel_loop3A_214, %add3A_128], %parallel_loop3A_239 : memref<64x128xf32, #tpu.memory_space<vmem>>[vector<16xi32>, vector<16xi32>], vector<16xf32>,
          %parallel_loop3A_240 = arith.addi %get3A_151, %parallel_loop3A_214 : vector<16xi32>
          %parallel_loop3A_241 = tpu.vector_load_idx %arg15[%add3A_132, %parallel_loop3A_240] : memref<128x128xf32, #tpu.memory_space<vmem>>[vector<16xi32>, vector<16xi32>], vector<16xf32>,
          %parallel_loop3A_242 = arith.constant 8.000000e+00 : f32
          %parallel_loop3A_243 = vector.broadcast %parallel_loop3A_242 : f32 to vector<16xf32>
          %parallel_loop3A_244 = arith.mulf %parallel_loop3A_241, %parallel_loop3A_243 : vector<16xf32>
          tpu.vector_store_idx %arg19[%parallel_loop3A_214, %add3A_132], %parallel_loop3A_244 : memref<64x128xf32, #tpu.memory_space<vmem>>[vector<16xi32>, vector<16xi32>], vector<16xf32>,
          %parallel_loop3A_245 = arith.addi %get3A_153, %parallel_loop3A_214 : vector<16xi32>
          %parallel_loop3A_246 = tpu.vector_load_idx %arg15[%add3A_136, %parallel_loop3A_245] : memref<128x128xf32, #tpu.memory_space<vmem>>[vector<16xi32>, vector<16xi32>], vector<16xf32>,
          %parallel_loop3A_247 = arith.constant 8.000000e+00 : f32
          %parallel_loop3A_248 = vector.broadcast %parallel_loop3A_247 : f32 to vector<16xf32>
          %parallel_loop3A_249 = arith.mulf %parallel_loop3A_246, %parallel_loop3A_248 : vector<16xf32>
          tpu.vector_store_idx %arg19[%parallel_loop3A_214, %add3A_136], %parallel_loop3A_249 : memref<64x128xf32, #tpu.memory_space<vmem>>[vector<16xi32>, vector<16xi32>], vector<16xf32>,
          %parallel_loop3A_250 = arith.addi %get3A_155, %parallel_loop3A_214 : vector<16xi32>
          %parallel_loop3A_251 = tpu.vector_load_idx %arg15[%add3A_140, %parallel_loop3A_250] : memref<128x128xf32, #tpu.memory_space<vmem>>[vector<16xi32>, vector<16xi32>], vector<16xf32>,
          %parallel_loop3A_252 = arith.constant 8.000000e+00 : f32
          %parallel_loop3A_253 = vector.broadcast %parallel_loop3A_252 : f32 to vector<16xf32>
          %parallel_loop3A_254 = arith.mulf %parallel_loop3A_251, %parallel_loop3A_253 : vector<16xf32>
          tpu.vector_store_idx %arg19[%parallel_loop3A_214, %add3A_140], %parallel_loop3A_254 : memref<64x128xf32, #tpu.memory_space<vmem>>[vector<16xi32>, vector<16xi32>], vector<16xf32>,
          %parallel_loop3A_255 = arith.constant 32 : i32
          %parallel_loop3A_256 = vector.broadcast %parallel_loop3A_255 : i32 to vector<16xi32>
          %parallel_loop3A_257 = arith.addi %parallel_loop3A_168, %parallel_loop3A_256 : vector<16xi32>
          %parallel_loop3A_258 = arith.addi %get3A_141, %parallel_loop3A_257 : vector<16xi32>
          %parallel_loop3A_259 = tpu.vector_load_idx %arg15[%add3A_112, %parallel_loop3A_258] : memref<128x128xf32, #tpu.memory_space<vmem>>[vector<16xi32>, vector<16xi32>], vector<16xf32>,
          %parallel_loop3A_260 = arith.constant 8.000000e+00 : f32
          %parallel_loop3A_261 = vector.broadcast %parallel_loop3A_260 : f32 to vector<16xf32>
          %parallel_loop3A_262 = arith.mulf %parallel_loop3A_259, %parallel_loop3A_261 : vector<16xf32>
          tpu.vector_store_idx %arg19[%parallel_loop3A_257, %add3A_112], %parallel_loop3A_262 : memref<64x128xf32, #tpu.memory_space<vmem>>[vector<16xi32>, vector<16xi32>], vector<16xf32>,
          %parallel_loop3A_263 = arith.addi %get3A_143, %parallel_loop3A_257 : vector<16xi32>
          %parallel_loop3A_264 = tpu.vector_load_idx %arg15[%add3A_116, %parallel_loop3A_263] : memref<128x128xf32, #tpu.memory_space<vmem>>[vector<16xi32>, vector<16xi32>], vector<16xf32>,
          %parallel_loop3A_265 = arith.constant 8.000000e+00 : f32
          %parallel_loop3A_266 = vector.broadcast %parallel_loop3A_265 : f32 to vector<16xf32>
          %parallel_loop3A_267 = arith.mulf %parallel_loop3A_264, %parallel_loop3A_266 : vector<16xf32>
          tpu.vector_store_idx %arg19[%parallel_loop3A_257, %add3A_116], %parallel_loop3A_267 : memref<64x128xf32, #tpu.memory_space<vmem>>[vector<16xi32>, vector<16xi32>], vector<16xf32>,
          %parallel_loop3A_268 = arith.addi %get3A_145, %parallel_loop3A_257 : vector<16xi32>
          %parallel_loop3A_269 = tpu.vector_load_idx %arg15[%add3A_120, %parallel_loop3A_268] : memref<128x128xf32, #tpu.memory_space<vmem>>[vector<16xi32>, vector<16xi32>], vector<16xf32>,
          %parallel_loop3A_270 = arith.constant 8.000000e+00 : f32
          %parallel_loop3A_271 = vector.broadcast %parallel_loop3A_270 : f32 to vector<16xf32>
          %parallel_loop3A_272 = arith.mulf %parallel_loop3A_269, %parallel_loop3A_271 : vector<16xf32>
          tpu.vector_store_idx %arg19[%parallel_loop3A_257, %add3A_120], %parallel_loop3A_272 : memref<64x128xf32, #tpu.memory_space<vmem>>[vector<16xi32>, vector<16xi32>], vector<16xf32>,
          %parallel_loop3A_273 = arith.addi %get3A_147, %parallel_loop3A_257 : vector<16xi32>
          %parallel_loop3A_274 = tpu.vector_load_idx %arg15[%add3A_124, %parallel_loop3A_273] : memref<128x128xf32, #tpu.memory_space<vmem>>[vector<16xi32>, vector<16xi32>], vector<16xf32>,
          %parallel_loop3A_275 = arith.constant 8.000000e+00 : f32
          %parallel_loop3A_276 = vector.broadcast %parallel_loop3A_275 : f32 to vector<16xf32>
          %parallel_loop3A_277 = arith.mulf %parallel_loop3A_274, %parallel_loop3A_276 : vector<16xf32>
          tpu.vector_store_idx %arg19[%parallel_loop3A_257, %add3A_124], %parallel_loop3A_277 : memref<64x128xf32, #tpu.memory_space<vmem>>[vector<16xi32>, vector<16xi32>], vector<16xf32>,
          %parallel_loop3A_278 = arith.addi %get3A_149, %parallel_loop3A_257 : vector<16xi32>
          %parallel_loop3A_279 = tpu.vector_load_idx %arg15[%add3A_128, %parallel_loop3A_278] : memref<128x128xf32, #tpu.memory_space<vmem>>[vector<16xi32>, vector<16xi32>], vector<16xf32>,
          %parallel_loop3A_280 = arith.constant 8.000000e+00 : f32
          %parallel_loop3A_281 = vector.broadcast %parallel_loop3A_280 : f32 to vector<16xf32>
          %parallel_loop3A_282 = arith.mulf %parallel_loop3A_279, %parallel_loop3A_281 : vector<16xf32>
          tpu.vector_store_idx %arg19[%parallel_loop3A_257, %add3A_128], %parallel_loop3A_282 : memref<64x128xf32, #tpu.memory_space<vmem>>[vector<16xi32>, vector<16xi32>], vector<16xf32>,
          %parallel_loop3A_283 = arith.addi %get3A_151, %parallel_loop3A_257 : vector<16xi32>
          %parallel_loop3A_284 = tpu.vector_load_idx %arg15[%add3A_132, %parallel_loop3A_283] : memref<128x128xf32, #tpu.memory_space<vmem>>[vector<16xi32>, vector<16xi32>], vector<16xf32>,
          %parallel_loop3A_285 = arith.constant 8.000000e+00 : f32
          %parallel_loop3A_286 = vector.broadcast %parallel_loop3A_285 : f32 to vector<16xf32>
          %parallel_loop3A_287 = arith.mulf %parallel_loop3A_284, %parallel_loop3A_286 : vector<16xf32>
          tpu.vector_store_idx %arg19[%parallel_loop3A_257, %add3A_132], %parallel_loop3A_287 : memref<64x128xf32, #tpu.memory_space<vmem>>[vector<16xi32>, vector<16xi32>], vector<16xf32>,
          %parallel_loop3A_288 = arith.addi %get3A_153, %parallel_loop3A_257 : vector<16xi32>
          %parallel_loop3A_289 = tpu.vector_load_idx %arg15[%add3A_136, %parallel_loop3A_288] : memref<128x128xf32, #tpu.memory_space<vmem>>[vector<16xi32>, vector<16xi32>], vector<16xf32>,
          %parallel_loop3A_290 = arith.constant 8.000000e+00 : f32
          %parallel_loop3A_291 = vector.broadcast %parallel_loop3A_290 : f32 to vector<16xf32>
          %parallel_loop3A_292 = arith.mulf %parallel_loop3A_289, %parallel_loop3A_291 : vector<16xf32>
          tpu.vector_store_idx %arg19[%parallel_loop3A_257, %add3A_136], %parallel_loop3A_292 : memref<64x128xf32, #tpu.memory_space<vmem>>[vector<16xi32>, vector<16xi32>], vector<16xf32>,
          %parallel_loop3A_293 = arith.addi %get3A_155, %parallel_loop3A_257 : vector<16xi32>
          %parallel_loop3A_294 = tpu.vector_load_idx %arg15[%add3A_140, %parallel_loop3A_293] : memref<128x128xf32, #tpu.memory_space<vmem>>[vector<16xi32>, vector<16xi32>], vector<16xf32>,
          %parallel_loop3A_295 = arith.constant 8.000000e+00 : f32
          %parallel_loop3A_296 = vector.broadcast %parallel_loop3A_295 : f32 to vector<16xf32>
          %parallel_loop3A_297 = arith.mulf %parallel_loop3A_294, %parallel_loop3A_296 : vector<16xf32>
          tpu.vector_store_idx %arg19[%parallel_loop3A_257, %add3A_140], %parallel_loop3A_297 : memref<64x128xf32, #tpu.memory_space<vmem>>[vector<16xi32>, vector<16xi32>], vector<16xf32>,
          %parallel_loop3A_298 = arith.constant 48 : i32
          %parallel_loop3A_299 = vector.broadcast %parallel_loop3A_298 : i32 to vector<16xi32>
          %parallel_loop3A_300 = arith.addi %parallel_loop3A_168, %parallel_loop3A_299 : vector<16xi32>
          %parallel_loop3A_301 = arith.addi %get3A_141, %parallel_loop3A_300 : vector<16xi32>
          %parallel_loop3A_302 = tpu.vector_load_idx %arg15[%add3A_112, %parallel_loop3A_301] : memref<128x128xf32, #tpu.memory_space<vmem>>[vector<16xi32>, vector<16xi32>], vector<16xf32>,
          %parallel_loop3A_303 = arith.constant 8.000000e+00 : f32
          %parallel_loop3A_304 = vector.broadcast %parallel_loop3A_303 : f32 to vector<16xf32>
          %parallel_loop3A_305 = arith.mulf %parallel_loop3A_302, %parallel_loop3A_304 : vector<16xf32>
          tpu.vector_store_idx %arg19[%parallel_loop3A_300, %add3A_112], %parallel_loop3A_305 : memref<64x128xf32, #tpu.memory_space<vmem>>[vector<16xi32>, vector<16xi32>], vector<16xf32>,
          %parallel_loop3A_306 = arith.addi %get3A_143, %parallel_loop3A_300 : vector<16xi32>
          %parallel_loop3A_307 = tpu.vector_load_idx %arg15[%add3A_116, %parallel_loop3A_306] : memref<128x128xf32, #tpu.memory_space<vmem>>[vector<16xi32>, vector<16xi32>], vector<16xf32>,
          %parallel_loop3A_308 = arith.constant 8.000000e+00 : f32
          %parallel_loop3A_309 = vector.broadcast %parallel_loop3A_308 : f32 to vector<16xf32>
          %parallel_loop3A_310 = arith.mulf %parallel_loop3A_307, %parallel_loop3A_309 : vector<16xf32>
          tpu.vector_store_idx %arg19[%parallel_loop3A_300, %add3A_116], %parallel_loop3A_310 : memref<64x128xf32, #tpu.memory_space<vmem>>[vector<16xi32>, vector<16xi32>], vector<16xf32>,
          %parallel_loop3A_311 = arith.addi %get3A_145, %parallel_loop3A_300 : vector<16xi32>
          %parallel_loop3A_312 = tpu.vector_load_idx %arg15[%add3A_120, %parallel_loop3A_311] : memref<128x128xf32, #tpu.memory_space<vmem>>[vector<16xi32>, vector<16xi32>], vector<16xf32>,
          %parallel_loop3A_313 = arith.constant 8.000000e+00 : f32
          %parallel_loop3A_314 = vector.broadcast %parallel_loop3A_313 : f32 to vector<16xf32>
          %parallel_loop3A_315 = arith.mulf %parallel_loop3A_312, %parallel_loop3A_314 : vector<16xf32>
          tpu.vector_store_idx %arg19[%parallel_loop3A_300, %add3A_120], %parallel_loop3A_315 : memref<64x128xf32, #tpu.memory_space<vmem>>[vector<16xi32>, vector<16xi32>], vector<16xf32>,
          %parallel_loop3A_316 = arith.addi %get3A_147, %parallel_loop3A_300 : vector<16xi32>
          %parallel_loop3A_317 = tpu.vector_load_idx %arg15[%add3A_124, %parallel_loop3A_316] : memref<128x128xf32, #tpu.memory_space<vmem>>[vector<16xi32>, vector<16xi32>], vector<16xf32>,
          %parallel_loop3A_318 = arith.constant 8.000000e+00 : f32
          %parallel_loop3A_319 = vector.broadcast %parallel_loop3A_318 : f32 to vector<16xf32>
          %parallel_loop3A_320 = arith.mulf %parallel_loop3A_317, %parallel_loop3A_319 : vector<16xf32>
          tpu.vector_store_idx %arg19[%parallel_loop3A_300, %add3A_124], %parallel_loop3A_320 : memref<64x128xf32, #tpu.memory_space<vmem>>[vector<16xi32>, vector<16xi32>], vector<16xf32>,
          %parallel_loop3A_321 = arith.addi %get3A_149, %parallel_loop3A_300 : vector<16xi32>
          %parallel_loop3A_322 = tpu.vector_load_idx %arg15[%add3A_128, %parallel_loop3A_321] : memref<128x128xf32, #tpu.memory_space<vmem>>[vector<16xi32>, vector<16xi32>], vector<16xf32>,
          %parallel_loop3A_323 = arith.constant 8.000000e+00 : f32
          %parallel_loop3A_324 = vector.broadcast %parallel_loop3A_323 : f32 to vector<16xf32>
          %parallel_loop3A_325 = arith.mulf %parallel_loop3A_322, %parallel_loop3A_324 : vector<16xf32>
          tpu.vector_store_idx %arg19[%parallel_loop3A_300, %add3A_128], %parallel_loop3A_325 : memref<64x128xf32, #tpu.memory_space<vmem>>[vector<16xi32>, vector<16xi32>], vector<16xf32>,
          %parallel_loop3A_326 = arith.addi %get3A_151, %parallel_loop3A_300 : vector<16xi32>
          %parallel_loop3A_327 = tpu.vector_load_idx %arg15[%add3A_132, %parallel_loop3A_326] : memref<128x128xf32, #tpu.memory_space<vmem>>[vector<16xi32>, vector<16xi32>], vector<16xf32>,
          %parallel_loop3A_328 = arith.constant 8.000000e+00 : f32
          %parallel_loop3A_329 = vector.broadcast %parallel_loop3A_328 : f32 to vector<16xf32>
          %parallel_loop3A_330 = arith.mulf %parallel_loop3A_327, %parallel_loop3A_329 : vector<16xf32>
          tpu.vector_store_idx %arg19[%parallel_loop3A_300, %add3A_132], %parallel_loop3A_330 : memref<64x128xf32, #tpu.memory_space<vmem>>[vector<16xi32>, vector<16xi32>], vector<16xf32>,
          %parallel_loop3A_331 = arith.addi %get3A_153, %parallel_loop3A_300 : vector<16xi32>
          %parallel_loop3A_332 = tpu.vector_load_idx %arg15[%add3A_136, %parallel_loop3A_331] : memref<128x128xf32, #tpu.memory_space<vmem>>[vector<16xi32>, vector<16xi32>], vector<16xf32>,
          %parallel_loop3A_333 = arith.constant 8.000000e+00 : f32
          %parallel_loop3A_334 = vector.broadcast %parallel_loop3A_333 : f32 to vector<16xf32>
          %parallel_loop3A_335 = arith.mulf %parallel_loop3A_332, %parallel_loop3A_334 : vector<16xf32>
          tpu.vector_store_idx %arg19[%parallel_loop3A_300, %add3A_136], %parallel_loop3A_335 : memref<64x128xf32, #tpu.memory_space<vmem>>[vector<16xi32>, vector<16xi32>], vector<16xf32>,
          %parallel_loop3A_336 = arith.addi %get3A_155, %parallel_loop3A_300 : vector<16xi32>
          %parallel_loop3A_337 = tpu.vector_load_idx %arg15[%add3A_140, %parallel_loop3A_336] : memref<128x128xf32, #tpu.memory_space<vmem>>[vector<16xi32>, vector<16xi32>], vector<16xf32>,
          %parallel_loop3A_338 = arith.constant 8.000000e+00 : f32
          %parallel_loop3A_339 = vector.broadcast %parallel_loop3A_338 : f32 to vector<16xf32>
          %parallel_loop3A_340 = arith.mulf %parallel_loop3A_337, %parallel_loop3A_339 : vector<16xf32>
          tpu.vector_store_idx %arg19[%parallel_loop3A_300, %add3A_140], %parallel_loop3A_340 : memref<64x128xf32, #tpu.memory_space<vmem>>[vector<16xi32>, vector<16xi32>], vector<16xf32>,
        } {sc.loop_unroll_factor = 1 : i64, sc.parallel_access}
        %dma_start3A = arith.constant 0 : i32
        %dma_start3A_158 = tpu.memref_slice %arg4[%sub3A_97, %dma_start3A, %mul3A_2] : memref<200x64x4096xf32, #tpu.memory_space<hbm>> -> memref<1x64x128xf32, #tpu.memory_space<hbm>>
        %dma_start3A_159 = tpu.memref_squeeze %dma_start3A_158 : memref<1x64x128xf32, #tpu.memory_space<hbm>> -> memref<64x128xf32, #tpu.memory_space<hbm>>
        %dma_start3A_160 = arith.constant 0 : i32
        %dma_start3A_161 = tpu.memref_slice %arg4[%sub3A_97, %dma_start3A_160, %mul3A_2] : memref<200x64x4096xf32, #tpu.memory_space<hbm>> -> memref<1x64x128xf32, #tpu.memory_space<hbm>>
        %dma_start3A_162 = tpu.memref_squeeze %dma_start3A_161 : memref<1x64x128xf32, #tpu.memory_space<hbm>> -> memref<64x128xf32, #tpu.memory_space<hbm>>
        tpu.enqueue_dma source(%arg19 : memref<64x128xf32, #tpu.memory_space<vmem>>) target(%dma_start3A_162 : memref<64x128xf32, #tpu.memory_space<hbm>>) target_semaphore(%arg27 : memref<!tpu.dma_semaphore, #tpu.memory_space<semaphore_mem>>)
      } else {
      }
    }
    %scan3A_7 = arith.constant 51 : i32
    %dma_wait3A = arith.constant 196 : i32
    %dma_wait3A_8 = arith.constant 0 : i32
    %dma_wait3A_9 = tpu.memref_slice %arg4[%dma_wait3A, %dma_wait3A_8, %mul3A_2] : memref<200x64x4096xf32, #tpu.memory_space<hbm>> -> memref<1x64x128xf32, #tpu.memory_space<hbm>>
    %dma_wait3A_10 = tpu.memref_squeeze %dma_wait3A_9 : memref<1x64x128xf32, #tpu.memory_space<hbm>> -> memref<64x128xf32, #tpu.memory_space<hbm>>
    %dma_wait3A_11 = arith.constant 0 : i32
    %dma_wait3A_12 = tpu.memref_slice %arg4[%dma_wait3A, %dma_wait3A_11, %mul3A_2] : memref<200x64x4096xf32, #tpu.memory_space<hbm>> -> memref<1x64x128xf32, #tpu.memory_space<hbm>>
    %dma_wait3A_13 = tpu.memref_squeeze %dma_wait3A_12 : memref<1x64x128xf32, #tpu.memory_space<hbm>> -> memref<64x128xf32, #tpu.memory_space<hbm>>
    tpu.wait_dma2 semaphore(%arg26 : memref<!tpu.dma_semaphore, #tpu.memory_space<semaphore_mem>>) src(%arg18 : memref<64x128xf32, #tpu.memory_space<vmem>>) dst(%dma_wait3A_13 : memref<64x128xf32, #tpu.memory_space<hbm>>)
    %dma_wait3A_14 = arith.constant 197 : i32
    %dma_wait3A_15 = arith.constant 0 : i32
    %dma_wait3A_16 = tpu.memref_slice %arg4[%dma_wait3A_14, %dma_wait3A_15, %mul3A_2] : memref<200x64x4096xf32, #tpu.memory_space<hbm>> -> memref<1x64x128xf32, #tpu.memory_space<hbm>>
    %dma_wait3A_17 = tpu.memref_squeeze %dma_wait3A_16 : memref<1x64x128xf32, #tpu.memory_space<hbm>> -> memref<64x128xf32, #tpu.memory_space<hbm>>
    %dma_wait3A_18 = arith.constant 0 : i32
    %dma_wait3A_19 = tpu.memref_slice %arg4[%dma_wait3A_14, %dma_wait3A_18, %mul3A_2] : memref<200x64x4096xf32, #tpu.memory_space<hbm>> -> memref<1x64x128xf32, #tpu.memory_space<hbm>>
    %dma_wait3A_20 = tpu.memref_squeeze %dma_wait3A_19 : memref<1x64x128xf32, #tpu.memory_space<hbm>> -> memref<64x128xf32, #tpu.memory_space<hbm>>
    tpu.wait_dma2 semaphore(%arg27 : memref<!tpu.dma_semaphore, #tpu.memory_space<semaphore_mem>>) src(%arg19 : memref<64x128xf32, #tpu.memory_space<vmem>>) dst(%dma_wait3A_20 : memref<64x128xf32, #tpu.memory_space<hbm>>)
    %dma_wait3A_21 = arith.constant 198 : i32
    %dma_wait3A_22 = arith.constant 0 : i32
    %dma_wait3A_23 = tpu.memref_slice %arg4[%dma_wait3A_21, %dma_wait3A_22, %mul3A_2] : memref<200x64x4096xf32, #tpu.memory_space<hbm>> -> memref<1x64x128xf32, #tpu.memory_space<hbm>>
    %dma_wait3A_24 = tpu.memref_squeeze %dma_wait3A_23 : memref<1x64x128xf32, #tpu.memory_space<hbm>> -> memref<64x128xf32, #tpu.memory_space<hbm>>
    %dma_wait3A_25 = arith.constant 0 : i32
    %dma_wait3A_26 = tpu.memref_slice %arg4[%dma_wait3A_21, %dma_wait3A_25, %mul3A_2] : memref<200x64x4096xf32, #tpu.memory_space<hbm>> -> memref<1x64x128xf32, #tpu.memory_space<hbm>>
    %dma_wait3A_27 = tpu.memref_squeeze %dma_wait3A_26 : memref<1x64x128xf32, #tpu.memory_space<hbm>> -> memref<64x128xf32, #tpu.memory_space<hbm>>
    tpu.wait_dma2 semaphore(%arg28 : memref<!tpu.dma_semaphore, #tpu.memory_space<semaphore_mem>>) src(%arg20 : memref<64x128xf32, #tpu.memory_space<vmem>>) dst(%dma_wait3A_27 : memref<64x128xf32, #tpu.memory_space<hbm>>)
    %dma_wait3A_28 = arith.constant 199 : i32
    %dma_wait3A_29 = arith.constant 0 : i32
    %dma_wait3A_30 = tpu.memref_slice %arg4[%dma_wait3A_28, %dma_wait3A_29, %mul3A_2] : memref<200x64x4096xf32, #tpu.memory_space<hbm>> -> memref<1x64x128xf32, #tpu.memory_space<hbm>>
    %dma_wait3A_31 = tpu.memref_squeeze %dma_wait3A_30 : memref<1x64x128xf32, #tpu.memory_space<hbm>> -> memref<64x128xf32, #tpu.memory_space<hbm>>
    %dma_wait3A_32 = arith.constant 0 : i32
    %dma_wait3A_33 = tpu.memref_slice %arg4[%dma_wait3A_28, %dma_wait3A_32, %mul3A_2] : memref<200x64x4096xf32, #tpu.memory_space<hbm>> -> memref<1x64x128xf32, #tpu.memory_space<hbm>>
    %dma_wait3A_34 = tpu.memref_squeeze %dma_wait3A_33 : memref<1x64x128xf32, #tpu.memory_space<hbm>> -> memref<64x128xf32, #tpu.memory_space<hbm>>
    tpu.wait_dma2 semaphore(%arg29 : memref<!tpu.dma_semaphore, #tpu.memory_space<semaphore_mem>>) src(%arg21 : memref<64x128xf32, #tpu.memory_space<vmem>>) dst(%dma_wait3A_34 : memref<64x128xf32, #tpu.memory_space<hbm>>)
    return
  }
}

</mosaic_0001>

<sc_bundles>
// kernel: kernel.3.cloned.1.call-start
scs
__scs_entry_jumppad:
0x0: {  	(pc) =	sbr.rel $0x88, $3  }
0x1: {  	(tag) =	ssettag $0x0;
	lr =	simm.s32 $0x1  }
0x2: {  	[smem:$0x3F9F] =	sst lr;
	_ =	strace $0xD0000000  }
0x3: {  	_ = 	snop  }
0x4: {  	_ = 	snop  }
0x5: {  	_ = 	snop  }
0x6: {  	_ = 	snop  }
0x7: {  	_ = 	snop  }
__scs_overlays_trampoline_lowered:
0x8: {  	[smem:$0x3FAE] =	sst s0  }
0x9: {  	[smem:$0x3FAF] =	sst s1  }
0xa: {  	[smem:$0x3FB0] =	sst s2  }
0xb: {  	[smem:$0x3FB1] =	sst s3  }
0xc: {  	[smem:$0x3FB2] =	sst s4  }
0xd: {  	[smem:$0x3FB3] =	sst s5  }
0xe: {  	[smem:$0x3FB4] =	sst s6  }
0xf: {  	[smem:$0x3FB5] =	sst s7  }
0x10: {  	[smem:$0x3FB6] =	sst s8  }
0x11: {  	[smem:$0x3FB7] =	sst s9;
	s0 =	simm.s32 @!p0 $0x0  }
0x12: {  	s1 =	sld [smem:$0x3F9D];
	s0 =	simm.s32 @p0 $0x1  }
0x13: {  	[smem:$0x3FB8] =	sst s0;
	s0 =	simm.s32 @!p1 $0x0  }
0x14: {  	s2 =	sld [smem:$0x3F9C];
	s0 =	simm.s32 @p1 $0x1  }
0x15: {  	[smem:$0x3FB9] =	sst s0;
	s0 =	simm.s32 @!p2 $0x0  }
0x16: {  	s3 =	sld [smem:$0x3FDB];
	s0 =	simm.s32 @p2 $0x1  }
0x17: {  	s4 =	simm.s32 $0x1BF5;
	[smem:$0x3FBB] =	sst s0  }
0x18: {  	s0 =	sld [smem:$0x3F9E];
	_ =	swait.ge [sflag:s4], $0x0  }
0x19: {  	s7 =	sld [smem:$0x3F9F]  }
0x1a: {  	s8 =	sadd.s32 $0xFFFFE003, lr  }
0x1b: {  	s9 =	sadd.s32 $0xFFFFFEF7, lr;
	s5 =	simm.s32 $0xFFFFFFFF;
	p2 =	slt.u32 s8, $0xFFFFF086  }
0x1c: {  	p1 =	slt.u32 s9, $0xF7A;
	s5 =	simm.s32 @!p2 $0x0  }
0x1d: {  	s5 =	simm.s32 @p1 $0x1;
	p0 =	seq.s32 s7, s2  }
0x1e: {  	s7 =	smul.u32 @!p0 $0xF7A, s2;
	p2 =	seq.s32 @!p0 s5, $0x0  }
0x1f: {  	s9 =	smul.u32 $0xF7A, s1;
	s8 =	simm.s32 @!p0 $0x1BF5;
	p2 =	por !p2, p0  }
0x20: {  	[sflag:s8] =	ssyncset.s32 @!p0 $0xFFFFF086;
	s6 =	sadd.s32 @!p0 s3, s7;
	s7 =	simm.s32 @!p0 $0x108  }
0x21: {  	s3 =	sadd.s32 s3, s9;
	s6 =	sadd.s32 @!p0 $0x88, s6;
	s7 =	simm.s32 @p2 $0x1082  }
0x22: {  	[simem:s7], [sflag:s8] =	dma.local @!p0 [hbm:s6], $0xF7A  }
0x23: {  	s9 =	sor.u32 $0xD0000000, s2;
	s6 =	simm.s32 $0x108;
	_ =	swait.ge @!p0 [sflag:s8], $0x0  }
0x24: {  	s3 =	sadd.s32 $0x88, s3;
	s6 =	simm.s32 @!p1 $0x1082;
	[sflag:s4] =	ssyncset.s32 $0xFFFFF086  }
0x25: {  	[simem:s6], [sflag:s4] =	dma.local [hbm:s3], $0xF7A  }
0x26: {  	[smem:$0x3F9F] =	sst s1;
	(tag) =	ssettag s2;
	_ =	strace s9  }
0x27: {  	s1 =	sld [smem:$0x3FAF]  }
0x28: {  	s2 =	sld [smem:$0x3FB0]  }
0x29: {  	s4 =	sld [smem:$0x3FB2]  }
0x2a: {  	p0 =	seq.s32 s5, $0x0;
	s5 =	sld [smem:$0x3FB3]  }
0x2b: {  	s6 =	sld [smem:$0x3FB4]  }
0x2c: {  	s7 =	sld [smem:$0x3FB5]  }
0x2d: {  	s3 =	simm.s32 $0x108;
	s8 =	sld [smem:$0x3FB6]  }
0x2e: {  	s3 =	simm.s32 @!p0 $0x1082;
	s9 =	sld [smem:$0x3FB7]  }
0x2f: {  	lr =	sadd.s32 s0, s3;
	s0 =	sld [smem:$0x3FAE]  }
0x30: {  	s3 =	sld [smem:$0x3FB1]  }
0x31: {  	[smem:$0x3FBA] =	sst s10  }
0x32: {  	s10 =	sld [smem:$0x3FB8];
	_ =	sdelay $0x3  }
0x33: {  	p0 =	seq.s32 s10, $0x1;
	s10 =	sld [smem:$0x3FBA];
	_ =	sdelay $0x3  }
0x34: {  	[smem:$0x3FBA] =	sst s10  }
0x35: {  	s10 =	sld [smem:$0x3FB9];
	_ =	sdelay $0x3  }
0x36: {  	p1 =	seq.s32 s10, $0x1;
	s10 =	sld [smem:$0x3FBA];
	_ =	sdelay $0x3  }
0x37: {  	[smem:$0x3FBA] =	sst s10  }
0x38: {  	s10 =	sld [smem:$0x3FBB]  }
0x39: {  	_ = 	snop;
	(pc) =	sbr.ind lr, $3  }
0x3a: {  	_ = 	snop  }
0x3b: {  	_ = 	snop  }
0x3c: {  	p2 =	seq.s32 s10, $0x1;
	s10 =	sld [smem:$0x3FBA]  }
0x3d: {  	_ =	shalt  }
0x3e: {  	_ =	shalt  }
0x3f: {  	_ =	shalt  }
0x40: {  	_ =	shalt  }
0x41: {  	_ =	shalt  }
0x42: {  	_ =	shalt  }
0x43: {  	_ =	shalt  }
0x44: {  	_ =	shalt  }
0x45: {  	_ =	shalt  }
0x46: {  	_ =	shalt  }
0x47: {  	_ =	shalt  }
0x48: {  	_ =	shalt  }
0x49: {  	_ =	shalt  }
0x4a: {  	_ =	shalt  }
0x4b: {  	_ =	shalt  }
0x4c: {  	_ =	shalt  }
0x4d: {  	_ =	shalt  }
0x4e: {  	_ =	shalt  }
0x4f: {  	_ =	shalt  }
0x50: {  	_ =	shalt  }
0x51: {  	_ =	shalt  }
0x52: {  	_ =	shalt  }
0x53: {  	_ =	shalt  }
0x54: {  	_ =	shalt  }
0x55: {  	_ =	shalt  }
0x56: {  	_ =	shalt  }
0x57: {  	_ =	shalt  }
0x58: {  	_ =	shalt  }
0x59: {  	_ =	shalt  }
0x5a: {  	_ =	shalt  }
0x5b: {  	_ =	shalt  }
0x5c: {  	_ =	shalt  }
0x5d: {  	_ =	shalt  }
0x5e: {  	_ =	shalt  }
0x5f: {  	_ =	shalt  }
0x60: {  	_ =	shalt  }
0x61: {  	_ =	shalt  }
0x62: {  	_ =	shalt  }
0x63: {  	_ =	shalt  }
0x64: {  	_ =	shalt  }
0x65: {  	_ =	shalt  }
0x66: {  	_ =	shalt  }
0x67: {  	_ =	shalt  }
0x68: {  	_ =	shalt  }
0x69: {  	_ =	shalt  }
0x6a: {  	_ =	shalt  }
0x6b: {  	_ =	shalt  }
0x6c: {  	_ =	shalt  }
0x6d: {  	_ =	shalt  }
0x6e: {  	_ =	shalt  }
0x6f: {  	_ =	shalt  }
0x70: {  	_ =	shalt  }
0x71: {  	_ =	shalt  }
0x72: {  	_ =	shalt  }
0x73: {  	_ =	shalt  }
0x74: {  	_ =	shalt  }
0x75: {  	_ =	shalt  }
0x76: {  	_ =	shalt  }
0x77: {  	_ =	shalt  }
0x78: {  	_ =	shalt  }
0x79: {  	_ =	shalt  }
0x7a: {  	_ =	shalt  }
0x7b: {  	_ =	shalt  }
0x7c: {  	_ =	shalt  }
0x7d: {  	_ =	shalt  }
0x7e: {  	_ =	shalt  }
0x7f: {  	_ =	shalt  }
0x80: {  	_ =	shalt  }
0x81: {  	_ =	shalt  }
0x82: {  	_ =	shalt  }
0x83: {  	_ =	shalt  }
0x84: {  	_ =	shalt  }
0x85: {  	_ =	shalt  }
0x86: {  	_ =	shalt  }
0x87: {  	_ =	shalt  }
.Lfunc_end0:
.L_simem_size_0:
called_computation_lowered:
.L_overlay_start_0:
0x88: {  	s2 =	sld [smem:$0x3FD9]  }
0x89: {  	s3 =	sld [smem:$0x3FFE];
	_ =	sdelay $0x1  }
0x8a: {  	s1 =	srdreg.scid  }
0x8b: {  	s0 =	sand.u32 $0x1, s1  }
0x8c: {  	s17 =	sshll.u32 s0, $0xA;
	s2 =	sadd.s32 s3, s2  }
0x8d: {  	s2 =	sadd.s32 s2, s17  }
0x8e: {  	[smem:$0x3FC6] =	sst s2  }
0x8f: {  	_ = 	snop  }
0x90: {  	s2 =	sld [smem:$0x3FC9]  }
0x91: {  	s18 =	sld [smem:$0x3FD0];
	(tm) =	ssettm $0x1  }
0x92: {  	s4 =	sld [smem:$0x3FFB];
	_ =	sdelay $0x3  }
0x93: {  	_ =	strace s4  }
0x94: {  	s4 =	sld [smem:$0x3FFC];
	_ =	sdelay $0x3  }
0x95: {  	_ =	strace s4  }
0x96: {  	s4 =	sld [smem:$0x3FFD];
	_ =	sdelay $0x3  }
0x97: {  	_ =	strace s4  }
0x98: {  	_ =	strace $0x8FFFFFFF  }
0x99: {  	s19 =	sld [smem:$0x3FDB];
	_ =	sdelay $0x1  }
0x9a: {  	s5 =	simm.s32 $_scs_section_size  }
0x9b: {  	s6 =	simm.s32 $_size__tile_overlayer_lowered;
	s7 =	simm.s32 $_tile_overlayer_lowered  }
0x9c: {  	s22 =	simm.s32 $0x1BFF;
	s21 =	sshll.u32 s7, $0x1;
	s4 =	sadd.s32 s5, s19  }
0x9d: {  	s8 =	simm.s32 $0x0;
	s20 =	sshll.u32 s6, $0x1;
	s6 =	sadd.s32 s21, s4  }
0x9e: {  	[timem:s8], [sflag:s22] =	dma.local [hbm:s6], s20  }
0x9f: {  	_ =	swait.ge [sflag:s22], s20  }
0xa0: {  	s5 =	ssub.s32 $0x0, s20;
	[sflag:s22] =	ssyncset.done $0x0  }
0xa1: {  	[sflag:s22] =	ssyncadd.s32 s5;
	_ =	sdelay $0x1  }
0xa2: {  	s23 =	simm.s32 $0x1B8B  }
0xa3: {  	_ =	swait.ge [sflag:s23], $0x1  }
0xa4: {  	[sflag:s23] =	ssyncset.done $0x0  }
0xa5: {  	s25 =	simm.s32 $0x1B8E;
	s24 =	sld [smem:$0x3FFE];
	[sflag:s23] =	ssyncadd.s32 $0xFFFFFFFF  }
0xa6: {  	s26 =	simm.s32 $execute0_lowered;
	[smem:$0x3FD2] =	sst s25  }
0xa7: {  	s6 =	sshll.u32 s26, $0x1;
	_ =	strace $0x80000046;
	[dreg:$0x1] =	wrdreg $0xFFFFFFFF  }
0xa8: {  	s28 =	simm.s32 $_size_execute0_lowered;
	s4 =	sadd.s32 s4, s6;
	[dreg:$0x0] =	wrdreg $0x0  }
0xa9: {  	s6 =	sshll.u32 s28, $0x1;
	[dreg:$0x2] =	wrdreg s4  }
0xaa: {  	[dreg:$0x3] =	wrdreg s6  }
0xab: {  	[dreg:$0x4] =	wrdreg $0xC0  }
0xac: {  	_ =	task [dreg:s8], $0x5FFFF  }
0xad: {  	[dreg:$0x1] =	wrdreg $0xFFFFFFFF  }
0xae: {  	[dreg:$0x0] =	wrdreg $0x60  }
0xaf: {  	[dreg:$0x2] =	wrdreg s24  }
0xb0: {  	[dreg:$0x3] =	wrdreg s2  }
0xb1: {  	[dreg:$0x4] =	wrdreg s18  }
0xb2: {  	[dreg:$0x5] =	wrdreg $0x9  }
0xb3: {  	_ =	task.clear_ibuf [dreg:s8], $0x6FFFF;
	_ =	strace $0x90000046  }
0xb4: {  	s29 =	simm.s32 $0x9;
	_ =	strace $0x80000048  }
0xb5: {  	_ =	swait.ge [sflag:s29], $0x1  }
0xb6: {  	[sflag:s29] =	ssyncadd.s32 $0xFFFFFFFF  }
0xb7: {  	_ =	strace $0x90000048  }
0xb8: {  	_ =	sfence  }
0xb9: {  	s30 =	sld [smem:$0x0];
	_ =	sdelay $0x2  }
0xba: {  	s31 =	sshll.u32 s1, $0xD;
	s1 =	sshrl.u32 s1, $0x2  }
0xbb: {  	s3 =	sand.u32 $0x4000, s31;
	s1 =	sadd.s32 s1, s30  }
0xbc: {  	s0 =	sor.u32 s3, s0;
	s1 =	sshll.u32 s1, $0x11  }
0xbd: {  	s0 =	sor.u32 s1, s0  }
0xbe: {  	s0 =	sadd.s32 $0x8F2B, s0  }
0xbf: {  	[sflag:s0] =	ssyncadd.remote.s32 $0x1  }
0xc0: {  	_ =	sfence.sel $0xFFFF  }
0xc1: {  	[dreg:$0x0] =	wrdreg $0xFFFFFFFF;
	(pc) =	sbr.abs _section_cstart, $3  }
0xc2: {  	[dreg:$0x1] =	wrdreg $0xFFFFFFFF  }
0xc3: {  	_ =	task.clear_ibuf [dreg:s8], $0x2FFFF;
	_ =	strace $0x9FFFFFFF  }
0xc4: {  	(tm) =	ssettm $0x7FFFFFFF  }
0xc5: {  	_ =	shalt  }
tec
execute0_lowered:
.L_overlay_start_1:
0x0: {  	(tag) =	ssettag $0x1  }
0x1: {  	s0 =	rddreg [dreg:$0x0]  }
0x2: {  	s2 =	rddreg [dreg:$0x1]  }
0x3: {  	s1 =	rddreg [dreg:$0x2];
	s4 =	simm.s32 $0x0  }
0x4: {  	s3 =	srdreg.scid;
	s25 =	stileid.u32;
	s8 =	simm.s32 $0x400  }
0x5: {  	s9 =	simm.s32 $0x8000;
	s11 =	simm.s32 $0x80;
	s12 =	simm.s32 $0x6400  }
0x6: {  	s13 =	simm.s32 $0x6800;
	s14 =	simm.s32 $0x3;
	s15 =	simm.s32 $0xE800  }
0x7: {  	s16 =	simm.s32 $0x1A800;
	s17 =	simm.s32 $0x6480;
	s18 =	simm.s32 $0xA800  }
0x8: {  	s19 =	simm.s32 $0x4;
	s20 =	simm.s32 $0x12800;
	s21 =	simm.s32 $0x1C800  }
0x9: {  	s22 =	simm.s32 $0x6500;
	s23 =	simm.s32 $0x1;
	s24 =	simm.s32 $0x16800  }
0xa: {  	s28 =	simm.s32 $0x18800;
	s29 =	simm.s32 $0x5;
	s30 =	simm.s32 $0x6  }
0xb: {  	s31 =	simm.s32 $0x7;
	[smem:$0x7FF] =	sst s4;
	s3 =	sand.u32 $0x1, s3  }
0xc: {  	v0 =	vlaneseq.u32;
	s4 =	sshll.u32 s25, $0xB;
	s6 =	ssub.s32 $0x2, s3;
	s3 =	sshll.u32 s3, $0xA  }
.Ltmp0:
0xd: {  	s5 =	sadd.s32 $0xF42800, s0;
	v1 =	vmul.u32 $0x80, v0;
	v3 =	vor.u32 $0x10, v0;
	v5 =	vor.u32 $0x20, v0;
	s4 =	sor.u32 s3, s4;
	(pc) =	sbr.rel .LBB2_1-.Ltmp0, $4  }
0xe: {  	v7 =	vor.u32 $0x30, v0;
	v9 =	vor.u32 $0x40, v0;
	s25 =	simm.s32 $0x6580;
	v11 =	vor.u32 $0x50, v0;
	s7 =	sshrl.u32 s6, $0x1;
	s3 =	sshrl.u32 s4, $0x3  }
0xf: {  	v13 =	vor.u32 $0x60, v0;
	v15 =	vor.u32 $0x70, v0;
	_ =	strace $0x80000047;
	v2 =	vor.u32 $0x800, v1;
	s26 =	ssub.s32 s6, s7;
	s2 =	sadd.s32 s2, s3  }
0x10: {  	v4 =	vor.u32 $0x1000, v1;
	v6 =	vor.u32 $0x1800, v1;
	v8 =	vor.u32 $0x2000, v1;
	s0 =	smax.u32 s26, $0x1;
	s26 =	simm.s32 $0x2;
	[dreg:$0x4] =	wrdreg s2  }
0x11: {  	v10 =	vor.u32 $0x2800, v1;
	v12 =	vor.u32 $0x3000, v1;
	v14 =	vor.u32 $0x3800, v1;
	[dreg:$0x5] =	wrdreg s0;
	s0 =	simm.s32 $0x8;
	s2 =	simm.s32 $0x0  }
.LBB2_24:
0x12: {  	_ =	swait.ge [sflag:s29], $0x2000  }
0x13: {  	[sflag:s29] =	ssyncset.done $0x0  }
0x14: {  	[sflag:s29] =	ssyncadd.s32 $0xFFFFE000  }
0x15: {  	_ =	swait.ge [sflag:s30], $0x2000  }
0x16: {  	[sflag:s30] =	ssyncset.done $0x0  }
0x17: {  	[sflag:s30] =	ssyncadd.s32 $0xFFFFE000  }
0x18: {  	_ =	swait.ge [sflag:s31], $0x2000  }
0x19: {  	[sflag:s31] =	ssyncset.done $0x0  }
0x1a: {  	[sflag:s31] =	ssyncadd.s32 $0xFFFFE000  }
0x1b: {  	_ =	swait.ge [sflag:s0], $0x2000  }
0x1c: {  	s2 =	sadd.s32 $0x1, s2;
	s3 =	rddreg [dreg:$0x5]  }
0x1d: {  	p0 =	sne.s32 s2, s3  }
.Ltmp1:
0x1e: {  	_ = 	snop;
	(pc) =	sbr.rel @!p0 .LBB2_25-.Ltmp1, $3  }
0x1f: {  	_ =	sdelay $0x1  }
0x20: {  	[sflag:s0] =	ssyncset.done $0x0  }
0x21: {  	[sflag:s0] =	ssyncadd.s32 $0xFFFFE000  }
.LBB2_1:
0x22: {  	s3 =	simm.s32 $0x0;
	s6 =	rddreg [dreg:$0x4];
	s10 =	simm.s32 $0x9  }
0x23: {  	[tilespmem:s3], [sflag:$0x9] =	stream.strided.gather [hbm4b:s6+s8], $0x6400, s9, s8, $0x38;
	[tilespmem:$0x1E800] =	vst v63  }
0x24: {  	_ =	swait.ge [sflag:s10], $0x6400  }
0x25: {  	[sflag:s10] =	ssyncset.done $0x0  }
0x26: {  	s3 =	simm.s32 $0x0;
	[sflag:s10] =	ssyncadd.s32 $0xFFFF9C00  }
.LBB2_2:
0x27: {  	p0 =	seq.s32 s3, $0x0  }
.Ltmp2:
0x28: {  	_ = 	snop;
	(pc) =	sbr.rel @p0 .LBB2_5-.Ltmp2, $2  }
0x29: {  	_ =	sdelay $0x2  }
0x2a: {  	s7 =	sshll.u32 s3, $0x2  }
0x2b: {  	p1 =	seq.s32 s3, $0x32  }
.Ltmp3:
0x2c: {  	_ = 	snop;
	(pc) =	sbr.rel @p1 .LBB2_6-.Ltmp3, $2  }
0x2d: {  	_ =	sdelay $0x2  }
0x2e: {  	s6 =	simm.s32 $0xC6  }
0x2f: {  	_ =	swait.ge [sflag:s29], $0x2000  }
0x30: {  	[sflag:s29] =	ssyncset.done $0x0  }
0x31: {  	[sflag:s29] =	ssyncadd.s32 $0xFFFFE000  }
.LBB2_5:
0x32: {  	s6 =	sshll.u32 s3, $0x9  }
0x33: {  	s6 =	sand.u32 $0x3FFFFE00, s6  }
0x34: {  	v16 =	vld [tilespmem:s6+$0x0];
	_ =	sdelay $0x4  }
0x35: {  	v17 =	vshra.s32 v16, $0x1;
	v16 =	vshll.u32 v16, $0x6  }
0x36: {  	[tilespmem:$0x6400] =	vst v17;
	v16 =	vand.u32 $0x40, v16  }
0x37: {  	[tilespmem:$0x6600] =	vst v16  }
0x38: {  	v16 =	vld [tilespmem:s6+$0x10];
	_ =	sdelay $0x4  }
0x39: {  	v17 =	vshra.s32 v16, $0x1;
	v16 =	vshll.u32 v16, $0x6  }
0x3a: {  	[tilespmem:$0x6410] =	vst v17;
	v16 =	vand.u32 $0x40, v16  }
0x3b: {  	[tilespmem:$0x6610] =	vst v16  }
0x3c: {  	v16 =	vld [tilespmem:s6+$0x20];
	_ =	sdelay $0x4  }
0x3d: {  	v17 =	vshra.s32 v16, $0x1;
	v16 =	vshll.u32 v16, $0x6  }
0x3e: {  	[tilespmem:$0x6420] =	vst v17;
	v16 =	vand.u32 $0x40, v16  }
0x3f: {  	[tilespmem:$0x6620] =	vst v16  }
0x40: {  	v16 =	vld [tilespmem:s6+$0x30];
	_ =	sdelay $0x4  }
0x41: {  	v17 =	vshra.s32 v16, $0x1;
	v16 =	vshll.u32 v16, $0x6  }
0x42: {  	[tilespmem:$0x6430] =	vst v17;
	v16 =	vand.u32 $0x40, v16  }
0x43: {  	[tilespmem:$0x6630] =	vst v16  }
0x44: {  	v16 =	vld [tilespmem:s6+$0x40];
	_ =	sdelay $0x4  }
0x45: {  	v17 =	vshra.s32 v16, $0x1;
	v16 =	vshll.u32 v16, $0x6  }
0x46: {  	[tilespmem:$0x6440] =	vst v17;
	v16 =	vand.u32 $0x40, v16  }
0x47: {  	[tilespmem:$0x6640] =	vst v16  }
0x48: {  	v16 =	vld [tilespmem:s6+$0x50];
	_ =	sdelay $0x4  }
0x49: {  	v17 =	vshra.s32 v16, $0x1;
	v16 =	vshll.u32 v16, $0x6  }
0x4a: {  	[tilespmem:$0x6450] =	vst v17;
	v16 =	vand.u32 $0x40, v16  }
0x4b: {  	[tilespmem:$0x6650] =	vst v16  }
0x4c: {  	v16 =	vld [tilespmem:s6+$0x60];
	_ =	sdelay $0x4  }
0x4d: {  	v17 =	vshra.s32 v16, $0x1;
	v16 =	vshll.u32 v16, $0x6  }
0x4e: {  	[tilespmem:$0x6460] =	vst v17;
	v16 =	vand.u32 $0x40, v16  }
0x4f: {  	[tilespmem:$0x6660] =	vst v16  }
0x50: {  	v16 =	vld [tilespmem:s6+$0x70];
	_ =	sdelay $0x1  }
0x51: {  	s6 =	sadd.s32 $0xFFFFFFFE, s7  }
0x52: {  	p1 =	sgt.u32 s6, $0xC7  }
.Ltmp4:
0x53: {  	_ = 	snop;
	(pc) =	sbr.rel @p1 .LBB2_9-.Ltmp4, $4  }
0x54: {  	v17 =	vshra.s32 v16, $0x1;
	v16 =	vshll.u32 v16, $0x6  }
0x55: {  	[tilespmem:$0x6470] =	vst v17;
	v16 =	vand.u32 $0x40, v16  }
0x56: {  	[tilespmem:$0x6670] =	vst v16  }
0x57: {  	[tilespmem:s13], [sflag:$0x1] =	stream.indirect.gather [hbm4b:s5+s11], $0x80, s12, s11, $0xb8;
	[tilespmem:$0x1E800] =	vst v63  }
.LBB2_6:
0x58: {  	_ =	swait.ge [sflag:s14], $0x4000  }
0x59: {  	[sflag:s14] =	ssyncset.done $0x0  }
0x5a: {  	[sflag:s14] =	ssyncadd.s32 $0xFFFFC000  }
0x5b: {  	v23 =	vld [tilespmem:$0x6700];
	_ =	sdelay $0x1  }
0x5c: {  	s10 =	simm.s32 $0x0  }
0x5d: {  	v24 =	vadd.s32 s10, v0  }
0x5e: {  	v28 =	vand.u32 $0xF, v24  }
0x5f: {  	v16 =	vadd.s32 v23, v28  }
0x60: {  	v16 =	vadd.s32 v1, v16;
	_ =	sdelay $0x1  }
0x61: {  	v22 =	vld [tilespmem:$0x6710];
	_ =	sdelay $0x2  }
0x62: {  	v16 =	vld.idx.msk [tilespmem:v16+s15+$0x0], $0xffff  }
0x63: {  	v25 =	vshll.u32 v28, $0x7  }
0x64: {  	v21 =	vld [tilespmem:$0x6720];
	v26 =	vor.u32 v0, v25;
	v17 =	vadd.s32 v22, v28  }
0x65: {  	v20 =	vld [tilespmem:$0x6730];
	v27 =	vadd.s32 v2, v17  }
0x66: {  	v19 =	vld [tilespmem:$0x6740]  }
0x67: {  	v18 =	vld [tilespmem:$0x6750];
	v29 =	vmul.f32 $8.000000000e+00, v16  }
0x68: {  	v17 =	vld [tilespmem:$0x6760]  }
0x69: {  	v16 =	vld [tilespmem:$0x6770];
	[tilespmem:v26+s16+$0x0] =	vst.idx.msk $0xffff, v29  }
0x6a: {  	v26 =	vld.idx.msk [tilespmem:v27+s15+$0x0], $0xffff;
	_ =	sdelay $0x1  }
0x6b: {  	v29 =	vor.u32 v3, v25;
	v27 =	vadd.s32 v21, v28  }
0x6c: {  	v27 =	vadd.s32 v4, v27;
	_ =	sdelay $0x1  }
0x6d: {  	v26 =	vmul.f32 $8.000000000e+00, v26;
	_ =	sdelay $0x1  }
0x6e: {  	[tilespmem:v29+s16+$0x0] =	vst.idx.msk $0xffff, v26  }
0x6f: {  	v26 =	vld.idx.msk [tilespmem:v27+s15+$0x0], $0xffff;
	_ =	sdelay $0x1  }
0x70: {  	v29 =	vor.u32 v5, v25;
	v27 =	vadd.s32 v20, v28  }
0x71: {  	v27 =	vadd.s32 v6, v27;
	_ =	sdelay $0x1  }
0x72: {  	v26 =	vmul.f32 $8.000000000e+00, v26;
	_ =	sdelay $0x1  }
0x73: {  	[tilespmem:v29+s16+$0x0] =	vst.idx.msk $0xffff, v26  }
0x74: {  	v26 =	vld.idx.msk [tilespmem:v27+s15+$0x0], $0xffff;
	_ =	sdelay $0x1  }
0x75: {  	v29 =	vor.u32 v7, v25;
	v27 =	vadd.s32 v19, v28  }
0x76: {  	v27 =	vadd.s32 v8, v27;
	_ =	sdelay $0x1  }
0x77: {  	v26 =	vmul.f32 $8.000000000e+00, v26;
	_ =	sdelay $0x1  }
0x78: {  	[tilespmem:v29+s16+$0x0] =	vst.idx.msk $0xffff, v26  }
0x79: {  	v26 =	vld.idx.msk [tilespmem:v27+s15+$0x0], $0xffff;
	_ =	sdelay $0x1  }
0x7a: {  	v29 =	vor.u32 v9, v25;
	v27 =	vadd.s32 v18, v28  }
0x7b: {  	v30 =	vadd.s32 v10, v27;
	_ =	sdelay $0x1  }
0x7c: {  	s10 =	simm.s32 $0x1;
	v31 =	vmul.f32 $8.000000000e+00, v26  }
0x7d: {  	v27 =	vadd.s32 s10, v0  }
0x7e: {  	v26 =	vand.u32 $0xF, v27;
	[tilespmem:v29+s16+$0x0] =	vst.idx.msk $0xffff, v31  }
0x7f: {  	v29 =	vld.idx.msk [tilespmem:v30+s15+$0x0], $0xffff;
	v30 =	vadd.s32 v23, v26  }
0x80: {  	v30 =	vadd.s32 v1, v30  }
0x81: {  	v32 =	vor.u32 v11, v25;
	v31 =	vadd.s32 v17, v28  }
0x82: {  	v31 =	vadd.s32 v12, v31;
	_ =	sdelay $0x1  }
0x83: {  	v29 =	vmul.f32 $8.000000000e+00, v29  }
0x84: {  	v30 =	vld.idx.msk [tilespmem:v30+s15+$0x0], $0xffff  }
0x85: {  	[tilespmem:v32+s16+$0x0] =	vst.idx.msk $0xffff, v29;
	v29 =	vshll.u32 v26, $0x7  }
0x86: {  	v45 =	vadd.s32 v22, v26;
	v31 =	vld.idx.msk [tilespmem:v31+s15+$0x0], $0xffff;
	v33 =	vor.u32 v0, v29  }
0x87: {  	v32 =	vadd.s32 v2, v45  }
0x88: {  	v35 =	vor.u32 v13, v25;
	v34 =	vadd.s32 v16, v28  }
0x89: {  	v34 =	vadd.s32 v14, v34;
	v30 =	vmul.f32 $8.000000000e+00, v30;
	_ =	sdelay $0x1  }
0x8a: {  	[tilespmem:v33+s16+$0x0] =	vst.idx.msk $0xffff, v30;
	v30 =	vmul.f32 $8.000000000e+00, v31  }
0x8b: {  	v31 =	vld.idx.msk [tilespmem:v32+s15+$0x0], $0xffff  }
0x8c: {  	[tilespmem:v35+s16+$0x0] =	vst.idx.msk $0xffff, v30  }
0x8d: {  	v47 =	vor.u32 v3, v29;
	v30 =	vadd.s32 v21, v26;
	v46 =	vld.idx.msk [tilespmem:v34+s15+$0x0], $0xffff  }
0x8e: {  	v35 =	vor.u32 $0x10, v24;
	v30 =	vadd.s32 v4, v30  }
0x8f: {  	v25 =	vor.u32 v15, v25;
	v48 =	vadd.s32 v23, v35  }
0x90: {  	v34 =	vadd.s32 v1, v48;
	v31 =	vmul.f32 $8.000000000e+00, v31;
	_ =	sdelay $0x1  }
0x91: {  	[tilespmem:v47+s16+$0x0] =	vst.idx.msk $0xffff, v31;
	v31 =	vmul.f32 $8.000000000e+00, v46  }
0x92: {  	v30 =	vld.idx.msk [tilespmem:v30+s15+$0x0], $0xffff  }
0x93: {  	[tilespmem:v25+s16+$0x0] =	vst.idx.msk $0xffff, v31  }
0x94: {  	v49 =	vor.u32 v5, v29;
	v25 =	vadd.s32 v20, v26;
	v31 =	vld.idx.msk [tilespmem:v34+s15+$0x0], $0xffff  }
0x95: {  	v33 =	vshll.u32 v35, $0x7;
	v25 =	vadd.s32 v6, v25  }
0x96: {  	v36 =	vadd.s32 v22, v35;
	v50 =	vor.u32 v0, v33  }
0x97: {  	v36 =	vadd.s32 v2, v36;
	v30 =	vmul.f32 $8.000000000e+00, v30;
	_ =	sdelay $0x1  }
0x98: {  	[tilespmem:v49+s16+$0x0] =	vst.idx.msk $0xffff, v30;
	v30 =	vmul.f32 $8.000000000e+00, v31  }
0x99: {  	v25 =	vld.idx.msk [tilespmem:v25+s15+$0x0], $0xffff  }
0x9a: {  	[tilespmem:v50+s16+$0x0] =	vst.idx.msk $0xffff, v30  }
0x9b: {  	v51 =	vor.u32 v7, v29;
	v30 =	vadd.s32 v19, v26;
	v31 =	vld.idx.msk [tilespmem:v36+s15+$0x0], $0xffff  }
0x9c: {  	v30 =	vadd.s32 v8, v30  }
0x9d: {  	v53 =	vadd.s32 v21, v35;
	v52 =	vor.u32 v3, v33  }
0x9e: {  	v36 =	vadd.s32 v4, v53;
	v25 =	vmul.f32 $8.000000000e+00, v25;
	_ =	sdelay $0x1  }
0x9f: {  	[tilespmem:v51+s16+$0x0] =	vst.idx.msk $0xffff, v25;
	v25 =	vmul.f32 $8.000000000e+00, v31  }
0xa0: {  	v30 =	vld.idx.msk [tilespmem:v30+s15+$0x0], $0xffff  }
0xa1: {  	[tilespmem:v52+s16+$0x0] =	vst.idx.msk $0xffff, v25  }
0xa2: {  	v54 =	vor.u32 v9, v29;
	v25 =	vadd.s32 v18, v26;
	v31 =	vld.idx.msk [tilespmem:v36+s15+$0x0], $0xffff  }
0xa3: {  	v55 =	vadd.s32 v10, v25  }
0xa4: {  	v37 =	vor.u32 v5, v33;
	v25 =	vadd.s32 v20, v35  }
0xa5: {  	s10 =	simm.s32 $0x2;
	v38 =	vadd.s32 v6, v25;
	v30 =	vmul.f32 $8.000000000e+00, v30  }
0xa6: {  	v25 =	vadd.s32 s10, v0  }
0xa7: {  	v34 =	vand.u32 $0xF, v25;
	[tilespmem:v54+s16+$0x0] =	vst.idx.msk $0xffff, v30;
	v30 =	vmul.f32 $8.000000000e+00, v31  }
0xa8: {  	v56 =	vadd.s32 v23, v34;
	v31 =	vld.idx.msk [tilespmem:v55+s15+$0x0], $0xffff  }
0xa9: {  	[tilespmem:v37+s16+$0x0] =	vst.idx.msk $0xffff, v30;
	v30 =	vadd.s32 v1, v56  }
0xaa: {  	v57 =	vadd.s32 v17, v26;
	v59 =	vor.u32 v11, v29;
	v58 =	vld.idx.msk [tilespmem:v38+s15+$0x0], $0xffff  }
0xab: {  	v60 =	vadd.s32 v12, v57  }
0xac: {  	v61 =	vadd.s32 v19, v35;
	v39 =	vor.u32 v7, v33  }
0xad: {  	v40 =	vadd.s32 v8, v61;
	v31 =	vmul.f32 $8.000000000e+00, v31  }
0xae: {  	v30 =	vld.idx.msk [tilespmem:v30+s15+$0x0], $0xffff  }
0xaf: {  	v32 =	vshll.u32 v34, $0x7;
	[tilespmem:v59+s16+$0x0] =	vst.idx.msk $0xffff, v31;
	v31 =	vmul.f32 $8.000000000e+00, v58  }
0xb0: {  	v62 =	vadd.s32 v22, v34;
	v63 =	vor.u32 v0, v32;
	v37 =	vld.idx.msk [tilespmem:v60+s15+$0x0], $0xffff  }
0xb1: {  	[tilespmem:v39+s16+$0x0] =	vst.idx.msk $0xffff, v31;
	v31 =	vadd.s32 v2, v62  }
0xb2: {  	v45 =	vadd.s32 v16, v26;
	v46 =	vor.u32 v13, v29;
	v39 =	vld.idx.msk [tilespmem:v40+s15+$0x0], $0xffff  }
0xb3: {  	v36 =	vadd.s32 v14, v45;
	v30 =	vmul.f32 $8.000000000e+00, v30  }
0xb4: {  	v42 =	vadd.s32 v18, v35;
	v41 =	vor.u32 v9, v33  }
0xb5: {  	v47 =	vadd.s32 v10, v42;
	[tilespmem:v63+s16+$0x0] =	vst.idx.msk $0xffff, v30;
	v30 =	vmul.f32 $8.000000000e+00, v37  }
0xb6: {  	v38 =	vld.idx.msk [tilespmem:v31+s15+$0x0], $0xffff  }
0xb7: {  	[tilespmem:v46+s16+$0x0] =	vst.idx.msk $0xffff, v30;
	v30 =	vmul.f32 $8.000000000e+00, v39  }
0xb8: {  	v48 =	vadd.s32 v21, v34;
	v49 =	vor.u32 v3, v32;
	v36 =	vld.idx.msk [tilespmem:v36+s15+$0x0], $0xffff  }
0xb9: {  	v31 =	vor.u32 $0x10, v27;
	[tilespmem:v41+s16+$0x0] =	vst.idx.msk $0xffff, v30;
	v30 =	vadd.s32 v4, v48  }
0xba: {  	v29 =	vor.u32 v15, v29;
	v50 =	vadd.s32 v23, v31;
	v37 =	vld.idx.msk [tilespmem:v47+s15+$0x0], $0xffff  }
0xbb: {  	v39 =	vadd.s32 v1, v50;
	v38 =	vmul.f32 $8.000000000e+00, v38  }
0xbc: {  	v51 =	vor.u32 v11, v33;
	v52 =	vadd.s32 v17, v35  }
0xbd: {  	v53 =	vadd.s32 v12, v52;
	[tilespmem:v49+s16+$0x0] =	vst.idx.msk $0xffff, v38;
	v36 =	vmul.f32 $8.000000000e+00, v36  }
0xbe: {  	v30 =	vld.idx.msk [tilespmem:v30+s15+$0x0], $0xffff  }
0xbf: {  	[tilespmem:v29+s16+$0x0] =	vst.idx.msk $0xffff, v36;
	v29 =	vmul.f32 $8.000000000e+00, v37  }
0xc0: {  	v54 =	vadd.s32 v20, v34;
	v56 =	vor.u32 v5, v32;
	v55 =	vld.idx.msk [tilespmem:v39+s15+$0x0], $0xffff  }
0xc1: {  	v36 =	vadd.s32 v6, v54;
	[tilespmem:v51+s16+$0x0] =	vst.idx.msk $0xffff, v29;
	v29 =	vshll.u32 v31, $0x7  }
0xc2: {  	v58 =	vadd.s32 v22, v31;
	v38 =	vld.idx.msk [tilespmem:v53+s15+$0x0], $0xffff;
	v57 =	vor.u32 v0, v29  }
0xc3: {  	v41 =	vadd.s32 v2, v58;
	v30 =	vmul.f32 $8.000000000e+00, v30  }
0xc4: {  	v35 =	vadd.s32 v16, v35;
	v59 =	vor.u32 v13, v33  }
0xc5: {  	v35 =	vadd.s32 v14, v35;
	[tilespmem:v56+s16+$0x0] =	vst.idx.msk $0xffff, v30;
	v30 =	vmul.f32 $8.000000000e+00, v55  }
0xc6: {  	v36 =	vld.idx.msk [tilespmem:v36+s15+$0x0], $0xffff  }
0xc7: {  	[tilespmem:v57+s16+$0x0] =	vst.idx.msk $0xffff, v30;
	v30 =	vmul.f32 $8.000000000e+00, v38  }
0xc8: {  	v60 =	vadd.s32 v19, v34;
	v62 =	vor.u32 v7, v32;
	v61 =	vld.idx.msk [tilespmem:v41+s15+$0x0], $0xffff  }
0xc9: {  	[tilespmem:v59+s16+$0x0] =	vst.idx.msk $0xffff, v30;
	v30 =	vadd.s32 v8, v60  }
0xca: {  	v43 =	vadd.s32 v21, v31;
	v63 =	vor.u32 v3, v29;
	v35 =	vld.idx.msk [tilespmem:v35+s15+$0x0], $0xffff  }
0xcb: {  	v44 =	vadd.s32 v4, v43;
	v38 =	vor.u32 $0x20, v28;
	v36 =	vmul.f32 $8.000000000e+00, v36  }
0xcc: {  	v28 =	vor.u32 v15, v33;
	v45 =	vadd.s32 v23, v38  }
0xcd: {  	v33 =	vadd.s32 v1, v45;
	[tilespmem:v62+s16+$0x0] =	vst.idx.msk $0xffff, v36;
	v46 =	vmul.f32 $8.000000000e+00, v61  }
0xce: {  	v30 =	vld.idx.msk [tilespmem:v30+s15+$0x0], $0xffff  }
0xcf: {  	[tilespmem:v63+s16+$0x0] =	vst.idx.msk $0xffff, v46;
	v35 =	vmul.f32 $8.000000000e+00, v35  }
0xd0: {  	v48 =	vor.u32 v9, v32;
	v47 =	vadd.s32 v18, v34;
	v37 =	vld.idx.msk [tilespmem:v44+s15+$0x0], $0xffff  }
0xd1: {  	v36 =	vadd.s32 v10, v47;
	[tilespmem:v28+s16+$0x0] =	vst.idx.msk $0xffff, v35  }
0xd2: {  	v49 =	vor.u32 v5, v29;
	v28 =	vadd.s32 v20, v31;
	v33 =	vld.idx.msk [tilespmem:v33+s15+$0x0], $0xffff  }
0xd3: {  	s10 =	simm.s32 $0x3;
	v35 =	vshll.u32 v38, $0x7;
	v51 =	vadd.s32 v6, v28;
	v50 =	vmul.f32 $8.000000000e+00, v30  }
0xd4: {  	v44 =	vadd.s32 v22, v38;
	v28 =	vadd.s32 s10, v0;
	v43 =	vor.u32 v0, v35  }
0xd5: {  	v52 =	vadd.s32 v2, v44;
	v30 =	vand.u32 $0xF, v28;
	[tilespmem:v48+s16+$0x0] =	vst.idx.msk $0xffff, v50;
	v37 =	vmul.f32 $8.000000000e+00, v37  }
0xd6: {  	v53 =	vadd.s32 v23, v30;
	v36 =	vld.idx.msk [tilespmem:v36+s15+$0x0], $0xffff  }
0xd7: {  	v54 =	vadd.s32 v1, v53;
	[tilespmem:v49+s16+$0x0] =	vst.idx.msk $0xffff, v37;
	v33 =	vmul.f32 $8.000000000e+00, v33  }
0xd8: {  	v55 =	vadd.s32 v17, v34;
	v57 =	vor.u32 v11, v32;
	v56 =	vld.idx.msk [tilespmem:v51+s15+$0x0], $0xffff  }
0xd9: {  	v58 =	vadd.s32 v12, v55;
	[tilespmem:v43+s16+$0x0] =	vst.idx.msk $0xffff, v33  }
0xda: {  	v59 =	vor.u32 v7, v29;
	v60 =	vadd.s32 v19, v31;
	v39 =	vld.idx.msk [tilespmem:v52+s15+$0x0], $0xffff  }
0xdb: {  	v43 =	vadd.s32 v8, v60;
	v36 =	vmul.f32 $8.000000000e+00, v36  }
0xdc: {  	v45 =	vadd.s32 v21, v38;
	v61 =	vor.u32 v3, v35;
	v37 =	vld.idx.msk [tilespmem:v54+s15+$0x0], $0xffff  }
0xdd: {  	v62 =	vadd.s32 v4, v45;
	[tilespmem:v57+s16+$0x0] =	vst.idx.msk $0xffff, v36;
	v41 =	vmul.f32 $8.000000000e+00, v56;
	v36 =	vshll.u32 v30, $0x7  }
0xde: {  	v63 =	vadd.s32 v22, v30;
	v33 =	vld.idx.msk [tilespmem:v58+s15+$0x0], $0xffff;
	v46 =	vor.u32 v0, v36  }
0xdf: {  	v48 =	vadd.s32 v2, v63;
	[tilespmem:v59+s16+$0x0] =	vst.idx.msk $0xffff, v41;
	v39 =	vmul.f32 $8.000000000e+00, v39  }
0xe0: {  	v50 =	vor.u32 v13, v32;
	v49 =	vadd.s32 v16, v34;
	v43 =	vld.idx.msk [tilespmem:v43+s15+$0x0], $0xffff  }
0xe1: {  	v51 =	vadd.s32 v14, v49;
	v37 =	vmul.f32 $8.000000000e+00, v37;
	[tilespmem:v61+s16+$0x0] =	vst.idx.msk $0xffff, v39  }
0xe2: {  	v53 =	vor.u32 v9, v29;
	v54 =	vadd.s32 v18, v31;
	v52 =	vld.idx.msk [tilespmem:v62+s15+$0x0], $0xffff  }
0xe3: {  	v55 =	vadd.s32 v10, v54;
	[tilespmem:v46+s16+$0x0] =	vst.idx.msk $0xffff, v37;
	v33 =	vmul.f32 $8.000000000e+00, v33  }
0xe4: {  	v56 =	vor.u32 v5, v35;
	v57 =	vadd.s32 v20, v38;
	v40 =	vld.idx.msk [tilespmem:v48+s15+$0x0], $0xffff  }
0xe5: {  	v59 =	vadd.s32 v6, v57;
	[tilespmem:v50+s16+$0x0] =	vst.idx.msk $0xffff, v33;
	v58 =	vmul.f32 $8.000000000e+00, v43  }
0xe6: {  	v60 =	vadd.s32 v21, v30;
	v47 =	vor.u32 v3, v36;
	v61 =	vld.idx.msk [tilespmem:v51+s15+$0x0], $0xffff  }
0xe7: {  	v63 =	vadd.s32 v4, v60;
	v39 =	vor.u32 $0x10, v25;
	[tilespmem:v53+s16+$0x0] =	vst.idx.msk $0xffff, v58;
	v62 =	vmul.f32 $8.000000000e+00, v52  }
0xe8: {  	v32 =	vor.u32 v15, v32;
	v48 =	vadd.s32 v23, v39;
	v37 =	vld.idx.msk [tilespmem:v55+s15+$0x0], $0xffff  }
0xe9: {  	v50 =	vadd.s32 v1, v48;
	[tilespmem:v56+s16+$0x0] =	vst.idx.msk $0xffff, v62;
	v49 =	vmul.f32 $8.000000000e+00, v40  }
0xea: {  	v52 =	vor.u32 v11, v29;
	v53 =	vadd.s32 v17, v31;
	v51 =	vld.idx.msk [tilespmem:v59+s15+$0x0], $0xffff  }
0xeb: {  	v44 =	vadd.s32 v12, v53;
	[tilespmem:v47+s16+$0x0] =	vst.idx.msk $0xffff, v49;
	v54 =	vmul.f32 $8.000000000e+00, v61  }
0xec: {  	v55 =	vor.u32 v7, v35;
	v56 =	vadd.s32 v19, v38;
	v41 =	vld.idx.msk [tilespmem:v63+s15+$0x0], $0xffff  }
0xed: {  	v58 =	vadd.s32 v8, v56;
	[tilespmem:v32+s16+$0x0] =	vst.idx.msk $0xffff, v54;
	v57 =	vmul.f32 $8.000000000e+00, v37  }
0xee: {  	v60 =	vor.u32 v5, v36;
	v59 =	vadd.s32 v20, v30;
	v40 =	vld.idx.msk [tilespmem:v50+s15+$0x0], $0xffff  }
0xef: {  	v62 =	vadd.s32 v6, v59;
	v37 =	vshll.u32 v39, $0x7;
	[tilespmem:v52+s16+$0x0] =	vst.idx.msk $0xffff, v57;
	v61 =	vmul.f32 $8.000000000e+00, v51  }
0xf0: {  	v48 =	vadd.s32 v22, v39;
	v63 =	vor.u32 v0, v37;
	v43 =	vld.idx.msk [tilespmem:v44+s15+$0x0], $0xffff  }
0xf1: {  	v50 =	vadd.s32 v2, v48;
	[tilespmem:v55+s16+$0x0] =	vst.idx.msk $0xffff, v61;
	v49 =	vmul.f32 $8.000000000e+00, v41  }
0xf2: {  	v31 =	vadd.s32 v16, v31;
	v51 =	vor.u32 v13, v29;
	v33 =	vld.idx.msk [tilespmem:v58+s15+$0x0], $0xffff  }
0xf3: {  	v31 =	vadd.s32 v14, v31;
	[tilespmem:v60+s16+$0x0] =	vst.idx.msk $0xffff, v49;
	v52 =	vmul.f32 $8.000000000e+00, v40  }
0xf4: {  	v54 =	vor.u32 v9, v35;
	v55 =	vadd.s32 v18, v38;
	v53 =	vld.idx.msk [tilespmem:v62+s15+$0x0], $0xffff  }
0xf5: {  	v57 =	vadd.s32 v10, v55;
	[tilespmem:v63+s16+$0x0] =	vst.idx.msk $0xffff, v52;
	v56 =	vmul.f32 $8.000000000e+00, v43  }
0xf6: {  	v59 =	vor.u32 v7, v36;
	v58 =	vadd.s32 v19, v30;
	v41 =	vld.idx.msk [tilespmem:v50+s15+$0x0], $0xffff  }
0xf7: {  	v61 =	vadd.s32 v8, v58;
	[tilespmem:v51+s16+$0x0] =	vst.idx.msk $0xffff, v56;
	v60 =	vmul.f32 $8.000000000e+00, v33  }
0xf8: {  	v62 =	vor.u32 v3, v37;
	v63 =	vadd.s32 v21, v39;
	v31 =	vld.idx.msk [tilespmem:v31+s15+$0x0], $0xffff  }
0xf9: {  	v32 =	vor.u32 $0x20, v26;
	v48 =	vadd.s32 v4, v63;
	[tilespmem:v54+s16+$0x0] =	vst.idx.msk $0xffff, v60;
	v40 =	vmul.f32 $8.000000000e+00, v53  }
0xfa: {  	v29 =	vor.u32 v15, v29;
	v49 =	vadd.s32 v23, v32;
	v26 =	vld.idx.msk [tilespmem:v57+s15+$0x0], $0xffff  }
0xfb: {  	v51 =	vadd.s32 v1, v49;
	[tilespmem:v59+s16+$0x0] =	vst.idx.msk $0xffff, v40;
	v50 =	vmul.f32 $8.000000000e+00, v41  }
0xfc: {  	v52 =	vor.u32 v11, v35;
	v53 =	vadd.s32 v17, v38;
	v33 =	vld.idx.msk [tilespmem:v61+s15+$0x0], $0xffff  }
0xfd: {  	v54 =	vadd.s32 v12, v53;
	[tilespmem:v62+s16+$0x0] =	vst.idx.msk $0xffff, v50;
	v31 =	vmul.f32 $8.000000000e+00, v31  }
0xfe: {  	v55 =	vadd.s32 v18, v30;
	v56 =	vor.u32 v9, v36;
	v42 =	vld.idx.msk [tilespmem:v48+s15+$0x0], $0xffff  }
0xff: {  	v44 =	vadd.s32 v10, v55;
	[tilespmem:v29+s16+$0x0] =	vst.idx.msk $0xffff, v31;
	v26 =	vmul.f32 $8.000000000e+00, v26  }
0x100: {  	v57 =	vor.u32 v5, v37;
	v29 =	vadd.s32 v20, v39;
	v41 =	vld.idx.msk [tilespmem:v51+s15+$0x0], $0xffff  }
0x101: {  	v31 =	vshll.u32 v32, $0x7;
	v58 =	vadd.s32 v6, v29;
	[tilespmem:v52+s16+$0x0] =	vst.idx.msk $0xffff, v26;
	v26 =	vmul.f32 $8.000000000e+00, v33  }
0x102: {  	s10 =	simm.s32 $0x4;
	v60 =	vadd.s32 v22, v32;
	v59 =	vor.u32 v0, v31;
	v40 =	vld.idx.msk [tilespmem:v54+s15+$0x0], $0xffff  }
0x103: {  	v61 =	vadd.s32 v2, v60;
	v29 =	vadd.s32 s10, v0;
	[tilespmem:v56+s16+$0x0] =	vst.idx.msk $0xffff, v26;
	v26 =	vmul.f32 $8.000000000e+00, v42  }
0x104: {  	v38 =	vadd.s32 v16, v38;
	v62 =	vor.u32 v13, v35;
	v33 =	vand.u32 $0xF, v29;
	v44 =	vld.idx.msk [tilespmem:v44+s15+$0x0], $0xffff  }
0x105: {  	v38 =	vadd.s32 v14, v38;
	v48 =	vadd.s32 v23, v33;
	[tilespmem:v57+s16+$0x0] =	vst.idx.msk $0xffff, v26;
	v26 =	vmul.f32 $8.000000000e+00, v41  }
0x106: {  	v53 =	vor.u32 v11, v36;
	v52 =	vadd.s32 v17, v30;
	v63 =	vadd.s32 v1, v48;
	v43 =	vld.idx.msk [tilespmem:v58+s15+$0x0], $0xffff  }
0x107: {  	v54 =	vadd.s32 v12, v52;
	[tilespmem:v59+s16+$0x0] =	vst.idx.msk $0xffff, v26;
	v26 =	vmul.f32 $8.000000000e+00, v40  }
0x108: {  	v55 =	vor.u32 v7, v37;
	v56 =	vadd.s32 v19, v39;
	v42 =	vld.idx.msk [tilespmem:v61+s15+$0x0], $0xffff  }
0x109: {  	v57 =	vadd.s32 v8, v56;
	[tilespmem:v62+s16+$0x0] =	vst.idx.msk $0xffff, v26;
	v26 =	vmul.f32 $8.000000000e+00, v44  }
0x10a: {  	v35 =	vor.u32 v15, v35;
	v49 =	vor.u32 v3, v31;
	v59 =	vadd.s32 v21, v32;
	v45 =	vld.idx.msk [tilespmem:v38+s15+$0x0], $0xffff  }
0x10b: {  	v24 =	vor.u32 $0x30, v24;
	v41 =	vld.idx.msk [tilespmem:v63+s15+$0x0], $0xffff;
	v60 =	vadd.s32 v4, v59;
	[tilespmem:v53+s16+$0x0] =	vst.idx.msk $0xffff, v26;
	v26 =	vmul.f32 $8.000000000e+00, v43  }
0x10c: {  	v58 =	vadd.s32 v23, v24;
	v61 =	vadd.s32 v22, v33;
	v38 =	vshll.u32 v33, $0x7;
	v40 =	vld.idx.msk [tilespmem:v54+s15+$0x0], $0xffff  }
0x10d: {  	v62 =	vadd.s32 v1, v58;
	v50 =	vor.u32 v0, v38;
	[tilespmem:v55+s16+$0x0] =	vst.idx.msk $0xffff, v26;
	v26 =	vmul.f32 $8.000000000e+00, v42  }
0x10e: {  	v52 =	vor.u32 v13, v36;
	v63 =	vadd.s32 v2, v61;
	v53 =	vadd.s32 v16, v30;
	v44 =	vld.idx.msk [tilespmem:v57+s15+$0x0], $0xffff  }
0x10f: {  	v54 =	vadd.s32 v14, v53;
	[tilespmem:v49+s16+$0x0] =	vst.idx.msk $0xffff, v26;
	v26 =	vmul.f32 $8.000000000e+00, v45  }
0x110: {  	v58 =	vadd.s32 v18, v39;
	v41 =	vmul.f32 $8.000000000e+00, v41;
	v57 =	vor.u32 v9, v37;
	v43 =	vld.idx.msk [tilespmem:v60+s15+$0x0], $0xffff  }
0x111: {  	v56 =	vadd.s32 v21, v33;
	[tilespmem:v35+s16+$0x0] =	vst.idx.msk $0xffff, v26;
	v26 =	vmul.f32 $8.000000000e+00, v40;
	v40 =	vadd.s32 v10, v58  }
0x112: {  	v61 =	vadd.s32 v20, v32;
	[tilespmem:v50+s16+$0x0] =	vst.idx.msk $0xffff, v41;
	v60 =	vor.u32 v5, v31;
	v59 =	vld.idx.msk [tilespmem:v62+s15+$0x0], $0xffff  }
0x113: {  	v46 =	vld.idx.msk [tilespmem:v63+s15+$0x0], $0xffff;
	v62 =	vadd.s32 v6, v61;
	[tilespmem:v52+s16+$0x0] =	vst.idx.msk $0xffff, v26;
	v44 =	vmul.f32 $8.000000000e+00, v44;
	v26 =	vshll.u32 v24, $0x7  }
0x114: {  	v51 =	vor.u32 v3, v38;
	v55 =	vadd.s32 v22, v24;
	v63 =	vor.u32 v0, v26;
	v45 =	vld.idx.msk [tilespmem:v54+s15+$0x0], $0xffff  }
0x115: {  	v35 =	vor.u32 $0x10, v28;
	v52 =	vadd.s32 v2, v55;
	[tilespmem:v57+s16+$0x0] =	vst.idx.msk $0xffff, v44;
	v43 =	vmul.f32 $8.000000000e+00, v43  }
0x116: {  	v36 =	vor.u32 v15, v36;
	v58 =	vadd.s32 v23, v35;
	v57 =	vadd.s32 v4, v56;
	v40 =	vld.idx.msk [tilespmem:v40+s15+$0x0], $0xffff  }
0x117: {  	v41 =	vmul.f32 $8.000000000e+00, v59;
	[tilespmem:v60+s16+$0x0] =	vst.idx.msk $0xffff, v43;
	v60 =	vadd.s32 v1, v58  }
0x118: {  	v47 =	vor.u32 v11, v37;
	v61 =	vadd.s32 v17, v39;
	v59 =	vmul.f32 $8.000000000e+00, v46;
	v46 =	vld.idx.msk [tilespmem:v62+s15+$0x0], $0xffff  }
0x119: {  	v54 =	vadd.s32 v19, v32;
	[tilespmem:v63+s16+$0x0] =	vst.idx.msk $0xffff, v41;
	v62 =	vmul.f32 $8.000000000e+00, v45;
	v63 =	vadd.s32 v12, v61  }
0x11a: {  	v48 =	vor.u32 v7, v31;
	v56 =	vadd.s32 v8, v54;
	[tilespmem:v51+s16+$0x0] =	vst.idx.msk $0xffff, v59;
	v45 =	vld.idx.msk [tilespmem:v52+s15+$0x0], $0xffff  }
0x11b: {  	v59 =	vadd.s32 v21, v24;
	v44 =	vld.idx.msk [tilespmem:v57+s15+$0x0], $0xffff;
	[tilespmem:v36+s16+$0x0] =	vst.idx.msk $0xffff, v62;
	v55 =	vmul.f32 $8.000000000e+00, v40  }
0x11c: {  	v58 =	vor.u32 v3, v26;
	v57 =	vadd.s32 v20, v33;
	v61 =	vadd.s32 v4, v59;
	v43 =	vld.idx.msk [tilespmem:v60+s15+$0x0], $0xffff  }
0x11d: {  	v36 =	vshll.u32 v35, $0x7;
	v60 =	vor.u32 v5, v38;
	[tilespmem:v47+s16+$0x0] =	vst.idx.msk $0xffff, v55;
	v46 =	vmul.f32 $8.000000000e+00, v46  }
0x11e: {  	v41 =	vadd.s32 v6, v57;
	v62 =	vor.u32 v0, v36;
	v42 =	vld.idx.msk [tilespmem:v63+s15+$0x0], $0xffff;
	v63 =	vadd.s32 v22, v35  }
0x11f: {  	v39 =	vadd.s32 v16, v39;
	[tilespmem:v48+s16+$0x0] =	vst.idx.msk $0xffff, v46;
	v45 =	vmul.f32 $8.000000000e+00, v45;
	v55 =	vadd.s32 v2, v63  }
0x120: {  	v39 =	vadd.s32 v14, v39;
	v44 =	vmul.f32 $8.000000000e+00, v44;
	v40 =	vld.idx.msk [tilespmem:v56+s15+$0x0], $0xffff  }
0x121: {  	v57 =	vor.u32 v9, v31;
	v56 =	vor.u32 v13, v37;
	[tilespmem:v58+s16+$0x0] =	vst.idx.msk $0xffff, v45;
	v43 =	vmul.f32 $8.000000000e+00, v43  }
0x122: {  	v63 =	vor.u32 v7, v38;
	[tilespmem:v60+s16+$0x0] =	vst.idx.msk $0xffff, v44;
	v58 =	vadd.s32 v18, v32;
	v44 =	vld.idx.msk [tilespmem:v61+s15+$0x0], $0xffff  }
0x123: {  	v60 =	vadd.s32 v19, v33;
	v41 =	vld.idx.msk [tilespmem:v41+s15+$0x0], $0xffff;
	v59 =	vadd.s32 v10, v58;
	[tilespmem:v62+s16+$0x0] =	vst.idx.msk $0xffff, v43  }
0x124: {  	v61 =	vor.u32 v5, v26;
	v42 =	vmul.f32 $8.000000000e+00, v42;
	v62 =	vadd.s32 v20, v24;
	v46 =	vld.idx.msk [tilespmem:v55+s15+$0x0], $0xffff  }
0x125: {  	v47 =	vadd.s32 v8, v60;
	v54 =	vadd.s32 v6, v62;
	v40 =	vmul.f32 $8.000000000e+00, v40  }
0x126: {  	v55 =	vor.u32 v3, v36;
	[tilespmem:v56+s16+$0x0] =	vst.idx.msk $0xffff, v42;
	v56 =	vadd.s32 v21, v35  }
0x127: {  	v39 =	vld.idx.msk [tilespmem:v39+s15+$0x0], $0xffff;
	[tilespmem:v57+s16+$0x0] =	vst.idx.msk $0xffff, v40;
	v44 =	vmul.f32 $8.000000000e+00, v44;
	v57 =	vadd.s32 v4, v56  }
0x128: {  	v37 =	vor.u32 v15, v37;
	v40 =	vor.u32 $0x20, v34;
	v58 =	vmul.f32 $8.000000000e+00, v41  }
0x129: {  	v59 =	vld.idx.msk [tilespmem:v59+s15+$0x0], $0xffff;
	v60 =	vadd.s32 v23, v40;
	[tilespmem:v61+s16+$0x0] =	vst.idx.msk $0xffff, v44;
	v61 =	vmul.f32 $8.000000000e+00, v46  }
0x12a: {  	v62 =	vadd.s32 v17, v32;
	v43 =	vadd.s32 v1, v60;
	[tilespmem:v63+s16+$0x0] =	vst.idx.msk $0xffff, v58;
	v34 =	vld.idx.msk [tilespmem:v54+s15+$0x0], $0xffff  }
0x12b: {  	v42 =	vor.u32 v11, v31;
	v56 =	vor.u32 v7, v26;
	v47 =	vld.idx.msk [tilespmem:v47+s15+$0x0], $0xffff;
	[tilespmem:v55+s16+$0x0] =	vst.idx.msk $0xffff, v61  }
0x12c: {  	v44 =	vadd.s32 v12, v62;
	v39 =	vmul.f32 $8.000000000e+00, v39;
	v49 =	vld.idx.msk [tilespmem:v57+s15+$0x0], $0xffff;
	v57 =	vadd.s32 v19, v24  }
0x12d: {  	v63 =	vadd.s32 v18, v33;
	v58 =	vor.u32 v9, v38;
	v60 =	vadd.s32 v8, v57  }
0x12e: {  	v41 =	vshll.u32 v40, $0x7;
	v48 =	vadd.s32 v10, v63;
	[tilespmem:v37+s16+$0x0] =	vst.idx.msk $0xffff, v39;
	v59 =	vmul.f32 $8.000000000e+00, v59  }
0x12f: {  	v46 =	vor.u32 v5, v36;
	v61 =	vadd.s32 v20, v35;
	v43 =	vld.idx.msk [tilespmem:v43+s15+$0x0], $0xffff;
	v62 =	vmul.f32 $8.000000000e+00, v34  }
0x130: {  	s10 =	simm.s32 $0x5;
	v45 =	vor.u32 v0, v41;
	[tilespmem:v42+s16+$0x0] =	vst.idx.msk $0xffff, v59;
	v53 =	vmul.f32 $8.000000000e+00, v47;
	v47 =	vadd.s32 v6, v61  }
0x131: {  	v63 =	vadd.s32 v22, v40;
	v34 =	vadd.s32 s10, v0;
	v42 =	vld.idx.msk [tilespmem:v44+s15+$0x0], $0xffff;
	[tilespmem:v56+s16+$0x0] =	vst.idx.msk $0xffff, v62  }
0x132: {  	s10 =	simm.s32 $0x6;
	v39 =	vand.u32 $0xF, v34;
	v44 =	vadd.s32 v2, v63;
	[tilespmem:v58+s16+$0x0] =	vst.idx.msk $0xffff, v53;
	v49 =	vmul.f32 $8.000000000e+00, v49;
	v37 =	vld.idx.msk [tilespmem:v60+s15+$0x0], $0xffff  }
.LBB2_7:
0x133: {  	p1 =	sne.s32 s10, $0xF;
	v48 =	vld.idx.msk [tilespmem:v48+s15+$0x0], $0xffff;
	v50 =	vor.u32 v13, v31;
	v32 =	vadd.s32 v16, v32;
	v51 =	vadd.s32 v18, v24  }
0x134: {  	v52 =	vadd.s32 v23, v39;
	v43 =	vmul.f32 $8.000000000e+00, v43;
	[tilespmem:v46+s16+$0x0] =	vst.idx.msk $0xffff, v49;
	v46 =	vadd.s32 v14, v32  }
0x135: {  	v55 =	vadd.s32 v17, v33;
	v49 =	vadd.s32 v1, v52;
	v52 =	vor.u32 v9, v26;
	v47 =	vld.idx.msk [tilespmem:v47+s15+$0x0], $0xffff  }
0x136: {  	v53 =	vor.u32 v11, v38;
	v42 =	vmul.f32 $8.000000000e+00, v42;
	[tilespmem:v45+s16+$0x0] =	vst.idx.msk $0xffff, v43;
	v43 =	vadd.s32 v10, v51  }
0x137: {  	v54 =	vadd.s32 v17, v24;
	v45 =	vadd.s32 v12, v55;
	v51 =	vor.u32 $0x30, v27;
	v32 =	vmovc v40;
	v44 =	vld.idx.msk [tilespmem:v44+s15+$0x0], $0xffff  }
0x138: {  	v40 =	vor.u32 v7, v36;
	v55 =	vadd.s32 v19, v35;
	v37 =	vmul.f32 $8.000000000e+00, v37;
	[tilespmem:v50+s16+$0x0] =	vst.idx.msk $0xffff, v42  }
0x139: {  	v27 =	vmovc v25;
	v42 =	vmul.f32 $8.000000000e+00, v48;
	v48 =	vadd.s32 v8, v55;
	v50 =	vadd.s32 v23, v51;
	v46 =	vld.idx.msk [tilespmem:v46+s15+$0x0], $0xffff  }
0x13a: {  	v56 =	vadd.s32 v21, v32;
	v55 =	vor.u32 v3, v41;
	v49 =	vld.idx.msk [tilespmem:v49+s15+$0x0], $0xffff;
	[tilespmem:v52+s16+$0x0] =	vst.idx.msk $0xffff, v37  }
0x13b: {  	v25 =	vmov v28;
	v37 =	vmul.f32 $8.000000000e+00, v47;
	[tilespmem:v53+s16+$0x0] =	vst.idx.msk $0xffff, v42;
	v42 =	vadd.s32 v4, v56;
	v43 =	vld.idx.msk [tilespmem:v43+s15+$0x0], $0xffff  }
0x13c: {  	v28 =	vshll.u32 v39, $0x7;
	v47 =	vadd.s32 v22, v39;
	v52 =	vor.u32 v15, v31;
	v31 =	vmovc v41;
	v45 =	vld.idx.msk [tilespmem:v45+s15+$0x0], $0xffff  }
0x13d: {  	v41 =	vor.u32 v0, v28;
	[tilespmem:v40+s16+$0x0] =	vst.idx.msk $0xffff, v37;
	v37 =	vmul.f32 $8.000000000e+00, v44;
	v40 =	vadd.s32 v1, v50  }
0x13e: {  	v44 =	vadd.s32 v2, v47;
	v47 =	vadd.s32 v16, v33;
	v50 =	vor.u32 v11, v26;
	v48 =	vld.idx.msk [tilespmem:v48+s15+$0x0], $0xffff  }
0x13f: {  	v53 =	vor.u32 v13, v38;
	[tilespmem:v55+s16+$0x0] =	vst.idx.msk $0xffff, v37;
	v37 =	vmul.f32 $8.000000000e+00, v46;
	v46 =	vadd.s32 v12, v54  }
0x140: {  	v47 =	vadd.s32 v14, v47;
	v49 =	vmul.f32 $8.000000000e+00, v49;
	v54 =	vadd.s32 v16, v24;
	v24 =	vmovc v51;
	v42 =	vld.idx.msk [tilespmem:v42+s15+$0x0], $0xffff  }
0x141: {  	v51 =	vor.u32 v9, v36;
	v55 =	vadd.s32 v18, v35;
	[tilespmem:v52+s16+$0x0] =	vst.idx.msk $0xffff, v37;
	v37 =	vmul.f32 $8.000000000e+00, v43  }
0x142: {  	v43 =	vor.u32 $0x10, v29;
	[tilespmem:v41+s16+$0x0] =	vst.idx.msk $0xffff, v49;
	v41 =	vmul.f32 $8.000000000e+00, v45;
	v45 =	vadd.s32 v10, v55;
	v40 =	vld.idx.msk [tilespmem:v40+s15+$0x0], $0xffff  }
0x143: {  	v52 =	vadd.s32 v20, v32;
	v49 =	vor.u32 v5, v31;
	v44 =	vld.idx.msk [tilespmem:v44+s15+$0x0], $0xffff;
	[tilespmem:v50+s16+$0x0] =	vst.idx.msk $0xffff, v37  }
0x144: {  	v37 =	vmul.f32 $8.000000000e+00, v48;
	v48 =	vshll.u32 v24, $0x7;
	[tilespmem:v53+s16+$0x0] =	vst.idx.msk $0xffff, v41;
	v41 =	vadd.s32 v6, v52;
	v46 =	vld.idx.msk [tilespmem:v46+s15+$0x0], $0xffff  }
0x145: {  	v50 =	vadd.s32 v21, v39;
	v52 =	vor.u32 v0, v48;
	v53 =	vadd.s32 v22, v24;
	v47 =	vld.idx.msk [tilespmem:v47+s15+$0x0], $0xffff  }
0x146: {  	v55 =	vor.u32 v3, v28;
	[tilespmem:v51+s16+$0x0] =	vst.idx.msk $0xffff, v37;
	v37 =	vmul.f32 $8.000000000e+00, v42;
	v42 =	vadd.s32 v2, v53  }
0x147: {  	v50 =	vadd.s32 v4, v50;
	v51 =	vadd.s32 v23, v43;
	v53 =	vor.u32 v13, v26;
	v45 =	vld.idx.msk [tilespmem:v45+s15+$0x0], $0xffff  }
0x148: {  	v56 =	vor.u32 v15, v38;
	[tilespmem:v49+s16+$0x0] =	vst.idx.msk $0xffff, v37;
	v37 =	vmul.f32 $8.000000000e+00, v40;
	v40 =	vadd.s32 v14, v54  }
0x149: {  	v38 =	vmovc v28;
	v28 =	vmovc v29;
	v29 =	vmov v34;
	v44 =	vmul.f32 $8.000000000e+00, v44;
	v49 =	vadd.s32 v1, v51;
	v41 =	vld.idx.msk [tilespmem:v41+s15+$0x0], $0xffff  }
0x14a: {  	v34 =	vor.u32 v11, v36;
	v51 =	vadd.s32 v17, v35;
	[tilespmem:v52+s16+$0x0] =	vst.idx.msk $0xffff, v37;
	v37 =	vmul.f32 $8.000000000e+00, v46  }
0x14b: {  	v46 =	vadd.s32 v12, v51;
	[tilespmem:v55+s16+$0x0] =	vst.idx.msk $0xffff, v44;
	v44 =	vmul.f32 $8.000000000e+00, v47;
	v42 =	vld.idx.msk [tilespmem:v42+s15+$0x0], $0xffff  }
0x14c: {  	v51 =	vadd.s32 v19, v32;
	v47 =	vld.idx.msk [tilespmem:v50+s15+$0x0], $0xffff;
	v50 =	vor.u32 v7, v31;
	[tilespmem:v53+s16+$0x0] =	vst.idx.msk $0xffff, v37  }
0x14d: {  	v37 =	vmul.f32 $8.000000000e+00, v45;
	[tilespmem:v56+s16+$0x0] =	vst.idx.msk $0xffff, v44;
	v44 =	vadd.s32 v8, v51;
	v40 =	vld.idx.msk [tilespmem:v40+s15+$0x0], $0xffff  }
0x14e: {  	v52 =	vadd.s32 v21, v24;
	v45 =	vadd.s32 v20, v39;
	v51 =	vor.u32 v3, v48;
	v49 =	vld.idx.msk [tilespmem:v49+s15+$0x0], $0xffff  }
0x14f: {  	v53 =	vor.u32 v5, v38;
	[tilespmem:v34+s16+$0x0] =	vst.idx.msk $0xffff, v37;
	v34 =	vmul.f32 $8.000000000e+00, v41;
	v37 =	vadd.s32 v4, v52  }
0x150: {  	v41 =	vadd.s32 v6, v45;
	v45 =	vshll.u32 v43, $0x7;
	v52 =	vor.u32 v15, v26;
	v26 =	vmovc v48;
	v46 =	vld.idx.msk [tilespmem:v46+s15+$0x0], $0xffff  }
0x151: {  	v54 =	vadd.s32 v22, v43;
	v48 =	vor.u32 v0, v45;
	[tilespmem:v50+s16+$0x0] =	vst.idx.msk $0xffff, v34;
	v34 =	vmul.f32 $8.000000000e+00, v42  }
0x152: {  	v42 =	vmul.f32 $8.000000000e+00, v47;
	v47 =	vadd.s32 v2, v54;
	v44 =	vld.idx.msk [tilespmem:v44+s15+$0x0], $0xffff  }
0x153: {  	v50 =	vor.u32 v13, v36;
	v54 =	vadd.s32 v16, v35;
	[tilespmem:v51+s16+$0x0] =	vst.idx.msk $0xffff, v34;
	v34 =	vmul.f32 $8.000000000e+00, v40  }
0x154: {  	v35 =	vmov v43;
	v40 =	vmul.f32 $8.000000000e+00, v49;
	[tilespmem:v53+s16+$0x0] =	vst.idx.msk $0xffff, v42;
	v42 =	vadd.s32 v14, v54;
	v37 =	vld.idx.msk [tilespmem:v37+s15+$0x0], $0xffff  }
0x155: {  	v43 =	vor.u32 v9, v31;
	v49 =	vadd.s32 v18, v32;
	v41 =	vld.idx.msk [tilespmem:v41+s15+$0x0], $0xffff;
	[tilespmem:v52+s16+$0x0] =	vst.idx.msk $0xffff, v34  }
0x156: {  	v34 =	vmul.f32 $8.000000000e+00, v46;
	v46 =	vadd.s32 v10, v49;
	[tilespmem:v48+s16+$0x0] =	vst.idx.msk $0xffff, v40  }
0x157: {  	v49 =	vadd.s32 v20, v24;
	v40 =	vadd.s32 v19, v39;
	v48 =	vor.u32 v5, v26;
	v47 =	vld.idx.msk [tilespmem:v47+s15+$0x0], $0xffff  }
0x158: {  	v51 =	vor.u32 v7, v38;
	[tilespmem:v50+s16+$0x0] =	vst.idx.msk $0xffff, v34;
	v34 =	vmul.f32 $8.000000000e+00, v44;
	v44 =	vadd.s32 v6, v49  }
0x159: {  	v49 =	vadd.s32 v8, v40;
	v42 =	vld.idx.msk [tilespmem:v42+s15+$0x0], $0xffff  }
0x15a: {  	v50 =	vor.u32 v3, v45;
	v40 =	vadd.s32 v21, v35;
	[tilespmem:v43+s16+$0x0] =	vst.idx.msk $0xffff, v34;
	v34 =	vmul.f32 $8.000000000e+00, v37  }
0x15b: {  	v37 =	vmul.f32 $8.000000000e+00, v41;
	v41 =	vadd.s32 v4, v40;
	v40 =	vor.u32 $0x20, v30;
	v30 =	vmovc v33;
	v33 =	vmovc v39;
	v43 =	vld.idx.msk [tilespmem:v46+s15+$0x0], $0xffff  }
0x15c: {  	v39 =	vor.u32 v15, v36;
	v36 =	vmov v45;
	v46 =	vadd.s32 v23, v40;
	[tilespmem:v48+s16+$0x0] =	vst.idx.msk $0xffff, v34  }
0x15d: {  	v34 =	vmul.f32 $8.000000000e+00, v47;
	[tilespmem:v51+s16+$0x0] =	vst.idx.msk $0xffff, v37;
	v37 =	vadd.s32 v1, v46;
	v44 =	vld.idx.msk [tilespmem:v44+s15+$0x0], $0xffff  }
0x15e: {  	v47 =	vor.u32 v11, v31;
	v46 =	vadd.s32 v17, v32;
	v45 =	vld.idx.msk [tilespmem:v49+s15+$0x0], $0xffff  }
0x15f: {  	[tilespmem:v50+s16+$0x0] =	vst.idx.msk $0xffff, v34;
	v34 =	vmul.f32 $8.000000000e+00, v42;
	v42 =	vadd.s32 v12, v46  }
0x160: {  	v46 =	vadd.s32 v18, v33;
	v50 =	vor.u32 v7, v26;
	v49 =	vld.idx.msk [tilespmem:v41+s15+$0x0], $0xffff;
	v41 =	vadd.s32 v19, v24  }
0x161: {  	v51 =	vor.u32 v9, v38;
	[tilespmem:v39+s16+$0x0] =	vst.idx.msk $0xffff, v34;
	v34 =	vmul.f32 $8.000000000e+00, v43;
	v52 =	vadd.s32 v8, v41  }
.Ltmp5:
0x162: {  	v48 =	vadd.s32 v10, v46;
	v43 =	vld.idx.msk [tilespmem:v37+s15+$0x0], $0xffff;
	(pc) =	sbr.rel @p1 .LBB2_7-.Ltmp5, $4  }
0x163: {  	v46 =	vor.u32 v5, v36;
	v37 =	vadd.s32 v20, v35;
	v39 =	vmul.f32 $8.000000000e+00, v44;
	[tilespmem:v47+s16+$0x0] =	vst.idx.msk $0xffff, v34  }
0x164: {  	v41 =	vshll.u32 v40, $0x7;
	v44 =	vmul.f32 $8.000000000e+00, v45;
	v47 =	vadd.s32 v6, v37;
	v42 =	vld.idx.msk [tilespmem:v42+s15+$0x0], $0xffff  }
0x165: {  	v34 =	vadd.s32 s10, v0;
	v45 =	vor.u32 v0, v41;
	v37 =	vadd.s32 v22, v40;
	[tilespmem:v50+s16+$0x0] =	vst.idx.msk $0xffff, v39  }
0x166: {  	s10 =	sadd.s32 $0x1, s10;
	v39 =	vand.u32 $0xF, v34;
	v49 =	vmul.f32 $8.000000000e+00, v49;
	[tilespmem:v51+s16+$0x0] =	vst.idx.msk $0xffff, v44;
	v44 =	vadd.s32 v2, v37;
	v37 =	vld.idx.msk [tilespmem:v52+s15+$0x0], $0xffff  }
0x167: {  	v50 =	vadd.s32 v23, v39  }
0x168: {  	v50 =	vadd.s32 v1, v50;
	_ =	sdelay $0x4  }
0x169: {  	v50 =	vld.idx.msk [tilespmem:v50+s15+$0x0], $0xffff  }
0x16a: {  	v51 =	vshll.u32 v39, $0x7  }
0x16b: {  	v52 =	vadd.s32 v22, v39;
	v53 =	vor.u32 v0, v51  }
0x16c: {  	v52 =	vadd.s32 v2, v52;
	_ =	sdelay $0x1  }
0x16d: {  	v50 =	vmul.f32 $8.000000000e+00, v50;
	_ =	sdelay $0x1  }
0x16e: {  	[tilespmem:v53+s16+$0x0] =	vst.idx.msk $0xffff, v50  }
0x16f: {  	v50 =	vld.idx.msk [tilespmem:v52+s15+$0x0], $0xffff;
	_ =	sdelay $0x1  }
0x170: {  	v60 =	vadd.s32 v21, v39;
	v61 =	vor.u32 v3, v51  }
0x171: {  	v52 =	vadd.s32 v4, v60;
	_ =	sdelay $0x1  }
0x172: {  	v50 =	vmul.f32 $8.000000000e+00, v50;
	_ =	sdelay $0x1  }
0x173: {  	[tilespmem:v61+s16+$0x0] =	vst.idx.msk $0xffff, v50  }
0x174: {  	v50 =	vld.idx.msk [tilespmem:v52+s15+$0x0], $0xffff;
	_ =	sdelay $0x1  }
0x175: {  	v62 =	vadd.s32 v20, v39;
	v63 =	vor.u32 v5, v51  }
0x176: {  	v52 =	vadd.s32 v6, v62;
	_ =	sdelay $0x1  }
0x177: {  	v50 =	vmul.f32 $8.000000000e+00, v50;
	_ =	sdelay $0x1  }
0x178: {  	[tilespmem:v63+s16+$0x0] =	vst.idx.msk $0xffff, v50  }
0x179: {  	v50 =	vld.idx.msk [tilespmem:v52+s15+$0x0], $0xffff;
	_ =	sdelay $0x1  }
0x17a: {  	v56 =	vadd.s32 v19, v39;
	v57 =	vor.u32 v7, v51  }
0x17b: {  	v52 =	vadd.s32 v8, v56;
	_ =	sdelay $0x1  }
0x17c: {  	v50 =	vmul.f32 $8.000000000e+00, v50;
	_ =	sdelay $0x1  }
0x17d: {  	[tilespmem:v57+s16+$0x0] =	vst.idx.msk $0xffff, v50  }
0x17e: {  	v50 =	vld.idx.msk [tilespmem:v52+s15+$0x0], $0xffff;
	_ =	sdelay $0x1  }
0x17f: {  	v58 =	vadd.s32 v18, v39;
	v59 =	vor.u32 v9, v51  }
0x180: {  	v52 =	vadd.s32 v10, v58;
	_ =	sdelay $0x1  }
0x181: {  	v50 =	vmul.f32 $8.000000000e+00, v50;
	_ =	sdelay $0x1  }
0x182: {  	v48 =	vld.idx.msk [tilespmem:v48+s15+$0x0], $0xffff;
	[tilespmem:v59+s16+$0x0] =	vst.idx.msk $0xffff, v50  }
0x183: {  	v50 =	vld.idx.msk [tilespmem:v52+s15+$0x0], $0xffff  }
0x184: {  	v60 =	vadd.s32 v17, v33;
	v61 =	vor.u32 v11, v38  }
0x185: {  	v54 =	vadd.s32 v17, v39;
	v55 =	vor.u32 v11, v51;
	v52 =	vadd.s32 v12, v60  }
0x186: {  	v54 =	vadd.s32 v12, v54  }
0x187: {  	v48 =	vmul.f32 $8.000000000e+00, v48  }
0x188: {  	v50 =	vmul.f32 $8.000000000e+00, v50  }
0x189: {  	[tilespmem:v61+s16+$0x0] =	vst.idx.msk $0xffff, v48  }
0x18a: {  	v48 =	vld.idx.msk [tilespmem:v52+s15+$0x0], $0xffff;
	[tilespmem:v55+s16+$0x0] =	vst.idx.msk $0xffff, v50  }
0x18b: {  	v50 =	vld.idx.msk [tilespmem:v54+s15+$0x0], $0xffff  }
0x18c: {  	v62 =	vadd.s32 v16, v33;
	v63 =	vor.u32 v13, v38  }
0x18d: {  	v57 =	vadd.s32 v16, v39;
	v58 =	vor.u32 v13, v51;
	v52 =	vadd.s32 v14, v62  }
0x18e: {  	v54 =	vadd.s32 v14, v57  }
0x18f: {  	v48 =	vmul.f32 $8.000000000e+00, v48  }
0x190: {  	v50 =	vmul.f32 $8.000000000e+00, v50  }
0x191: {  	[tilespmem:v63+s16+$0x0] =	vst.idx.msk $0xffff, v48  }
0x192: {  	v48 =	vld.idx.msk [tilespmem:v52+s15+$0x0], $0xffff;
	[tilespmem:v58+s16+$0x0] =	vst.idx.msk $0xffff, v50  }
0x193: {  	v50 =	vor.u32 $0x10, v29;
	v59 =	vld.idx.msk [tilespmem:v54+s15+$0x0], $0xffff  }
0x194: {  	v61 =	vor.u32 v15, v38;
	v60 =	vadd.s32 v23, v50;
	v54 =	vor.u32 $0x10, v34  }
0x195: {  	v51 =	vor.u32 v15, v51;
	v53 =	vadd.s32 v1, v60;
	v62 =	vadd.s32 v23, v54  }
0x196: {  	v55 =	vadd.s32 v1, v62  }
0x197: {  	v48 =	vmul.f32 $8.000000000e+00, v48  }
0x198: {  	v52 =	vmul.f32 $8.000000000e+00, v59  }
0x199: {  	[tilespmem:v61+s16+$0x0] =	vst.idx.msk $0xffff, v48  }
0x19a: {  	v53 =	vld.idx.msk [tilespmem:v53+s15+$0x0], $0xffff;
	[tilespmem:v51+s16+$0x0] =	vst.idx.msk $0xffff, v52  }
0x19b: {  	v48 =	vshll.u32 v50, $0x7;
	v51 =	vld.idx.msk [tilespmem:v55+s15+$0x0], $0xffff  }
0x19c: {  	v38 =	vshll.u32 v54, $0x7;
	v63 =	vor.u32 v0, v48;
	v59 =	vadd.s32 v22, v50  }
0x19d: {  	v57 =	vadd.s32 v22, v54;
	v56 =	vor.u32 v0, v38;
	v55 =	vadd.s32 v2, v59  }
0x19e: {  	v57 =	vadd.s32 v2, v57  }
0x19f: {  	v53 =	vmul.f32 $8.000000000e+00, v53  }
0x1a0: {  	v51 =	vmul.f32 $8.000000000e+00, v51  }
0x1a1: {  	[tilespmem:v63+s16+$0x0] =	vst.idx.msk $0xffff, v53  }
0x1a2: {  	v52 =	vld.idx.msk [tilespmem:v55+s15+$0x0], $0xffff;
	[tilespmem:v56+s16+$0x0] =	vst.idx.msk $0xffff, v51  }
0x1a3: {  	v51 =	vld.idx.msk [tilespmem:v57+s15+$0x0], $0xffff  }
0x1a4: {  	v61 =	vadd.s32 v21, v50;
	v60 =	vor.u32 v3, v48  }
0x1a5: {  	v62 =	vor.u32 v3, v38;
	v63 =	vadd.s32 v21, v54;
	v55 =	vadd.s32 v4, v61  }
0x1a6: {  	v57 =	vadd.s32 v4, v63  }
0x1a7: {  	v52 =	vmul.f32 $8.000000000e+00, v52  }
0x1a8: {  	v51 =	vmul.f32 $8.000000000e+00, v51  }
0x1a9: {  	[tilespmem:v60+s16+$0x0] =	vst.idx.msk $0xffff, v52  }
0x1aa: {  	v52 =	vld.idx.msk [tilespmem:v55+s15+$0x0], $0xffff;
	[tilespmem:v62+s16+$0x0] =	vst.idx.msk $0xffff, v51  }
0x1ab: {  	v51 =	vld.idx.msk [tilespmem:v57+s15+$0x0], $0xffff  }
0x1ac: {  	v61 =	vadd.s32 v20, v50;
	v60 =	vor.u32 v5, v48  }
0x1ad: {  	v63 =	vadd.s32 v20, v54;
	v55 =	vadd.s32 v6, v61;
	v62 =	vor.u32 v5, v38  }
0x1ae: {  	v57 =	vadd.s32 v6, v63  }
0x1af: {  	v52 =	vmul.f32 $8.000000000e+00, v52  }
0x1b0: {  	[tilespmem:v46+s16+$0x0] =	vst.idx.msk $0xffff, v49;
	v58 =	vmul.f32 $8.000000000e+00, v51  }
0x1b1: {  	v47 =	vld.idx.msk [tilespmem:v47+s15+$0x0], $0xffff;
	[tilespmem:v60+s16+$0x0] =	vst.idx.msk $0xffff, v52  }
0x1b2: {  	v49 =	vld.idx.msk [tilespmem:v55+s15+$0x0], $0xffff;
	[tilespmem:v62+s16+$0x0] =	vst.idx.msk $0xffff, v58  }
0x1b3: {  	v43 =	vmul.f32 $8.000000000e+00, v43;
	v46 =	vor.u32 v7, v36;
	v59 =	vadd.s32 v19, v35;
	v60 =	vld.idx.msk [tilespmem:v57+s15+$0x0], $0xffff  }
0x1b4: {  	v53 =	vor.u32 v7, v48;
	v61 =	vadd.s32 v19, v50;
	v51 =	vadd.s32 v8, v59  }
0x1b5: {  	v63 =	vadd.s32 v19, v54;
	v55 =	vadd.s32 v8, v61;
	v62 =	vor.u32 v7, v38  }
0x1b6: {  	v47 =	vmul.f32 $8.000000000e+00, v47;
	v57 =	vadd.s32 v8, v63  }
0x1b7: {  	[tilespmem:v45+s16+$0x0] =	vst.idx.msk $0xffff, v43;
	v59 =	vmul.f32 $8.000000000e+00, v49  }
0x1b8: {  	[tilespmem:v46+s16+$0x0] =	vst.idx.msk $0xffff, v47;
	v60 =	vmul.f32 $8.000000000e+00, v60  }
0x1b9: {  	v46 =	vld.idx.msk [tilespmem:v51+s15+$0x0], $0xffff;
	[tilespmem:v53+s16+$0x0] =	vst.idx.msk $0xffff, v59  }
0x1ba: {  	v43 =	vld.idx.msk [tilespmem:v55+s15+$0x0], $0xffff;
	[tilespmem:v62+s16+$0x0] =	vst.idx.msk $0xffff, v60  }
0x1bb: {  	v47 =	vor.u32 v9, v36;
	v61 =	vadd.s32 v18, v35;
	v51 =	vld.idx.msk [tilespmem:v57+s15+$0x0], $0xffff  }
0x1bc: {  	v44 =	vld.idx.msk [tilespmem:v44+s15+$0x0], $0xffff;
	v52 =	vor.u32 v9, v48;
	v49 =	vadd.s32 v10, v61;
	v62 =	vadd.s32 v18, v50  }
0x1bd: {  	v63 =	vor.u32 v9, v38;
	v60 =	vadd.s32 v18, v54;
	v53 =	vadd.s32 v10, v62  }
0x1be: {  	v45 =	vor.u32 v3, v41;
	v46 =	vmul.f32 $8.000000000e+00, v46;
	v56 =	vadd.s32 v10, v60  }
0x1bf: {  	v61 =	vadd.s32 v21, v40;
	v43 =	vmul.f32 $8.000000000e+00, v43  }
0x1c0: {  	v57 =	vadd.s32 v4, v61;
	[tilespmem:v47+s16+$0x0] =	vst.idx.msk $0xffff, v46;
	v62 =	vmul.f32 $8.000000000e+00, v51  }
0x1c1: {  	v44 =	vmul.f32 $8.000000000e+00, v44;
	v47 =	vld.idx.msk [tilespmem:v49+s15+$0x0], $0xffff;
	[tilespmem:v52+s16+$0x0] =	vst.idx.msk $0xffff, v43  }
0x1c2: {  	v43 =	vld.idx.msk [tilespmem:v53+s15+$0x0], $0xffff;
	[tilespmem:v63+s16+$0x0] =	vst.idx.msk $0xffff, v62  }
0x1c3: {  	[tilespmem:v45+s16+$0x0] =	vst.idx.msk $0xffff, v44;
	v58 =	vadd.s32 v17, v35;
	v63 =	vor.u32 v11, v36;
	v46 =	vld.idx.msk [tilespmem:v56+s15+$0x0], $0xffff  }
0x1c4: {  	v45 =	vadd.s32 v12, v58;
	v59 =	vadd.s32 v17, v50;
	v51 =	vor.u32 v11, v48  }
0x1c5: {  	v60 =	vadd.s32 v17, v54;
	v49 =	vld.idx.msk [tilespmem:v57+s15+$0x0], $0xffff;
	v52 =	vadd.s32 v12, v59;
	v53 =	vor.u32 v11, v38  }
0x1c6: {  	v55 =	vadd.s32 v12, v60;
	v47 =	vmul.f32 $8.000000000e+00, v47  }
0x1c7: {  	v61 =	vor.u32 v5, v41;
	v62 =	vadd.s32 v20, v40;
	v43 =	vmul.f32 $8.000000000e+00, v43  }
0x1c8: {  	[tilespmem:v63+s16+$0x0] =	vst.idx.msk $0xffff, v47;
	v63 =	vadd.s32 v6, v62;
	v46 =	vmul.f32 $8.000000000e+00, v46  }
0x1c9: {  	v45 =	vld.idx.msk [tilespmem:v45+s15+$0x0], $0xffff;
	[tilespmem:v51+s16+$0x0] =	vst.idx.msk $0xffff, v43  }
0x1ca: {  	v58 =	vadd.s32 v16, v35;
	v49 =	vmul.f32 $8.000000000e+00, v49;
	v43 =	vld.idx.msk [tilespmem:v52+s15+$0x0], $0xffff;
	[tilespmem:v53+s16+$0x0] =	vst.idx.msk $0xffff, v46  }
0x1cb: {  	v35 =	vadd.s32 v14, v58;
	v57 =	vor.u32 v13, v36;
	v59 =	vld.idx.msk [tilespmem:v55+s15+$0x0], $0xffff  }
0x1cc: {  	v50 =	vadd.s32 v16, v50;
	v60 =	vor.u32 v13, v48;
	[tilespmem:v61+s16+$0x0] =	vst.idx.msk $0xffff, v49  }
0x1cd: {  	v50 =	vadd.s32 v14, v50;
	v61 =	vor.u32 v13, v38;
	v62 =	vadd.s32 v16, v54;
	v44 =	vld.idx.msk [tilespmem:v63+s15+$0x0], $0xffff  }
0x1ce: {  	v52 =	vadd.s32 v14, v62;
	v45 =	vmul.f32 $8.000000000e+00, v45  }
0x1cf: {  	v53 =	vor.u32 v7, v41;
	v43 =	vmul.f32 $8.000000000e+00, v43  }
0x1d0: {  	v42 =	vmul.f32 $8.000000000e+00, v42;
	v33 =	vor.u32 $0x20, v33;
	[tilespmem:v57+s16+$0x0] =	vst.idx.msk $0xffff, v45;
	v57 =	vmul.f32 $8.000000000e+00, v59  }
0x1d1: {  	v56 =	vor.u32 v13, v31;
	v63 =	vadd.s32 v19, v40;
	v46 =	vld.idx.msk [tilespmem:v35+s15+$0x0], $0xffff;
	[tilespmem:v60+s16+$0x0] =	vst.idx.msk $0xffff, v43  }
0x1d2: {  	v54 =	vadd.s32 v8, v63;
	v35 =	vor.u32 $0x20, v30;
	v58 =	vmul.f32 $8.000000000e+00, v44;
	v60 =	vld.idx.msk [tilespmem:v50+s15+$0x0], $0xffff;
	[tilespmem:v61+s16+$0x0] =	vst.idx.msk $0xffff, v57  }
0x1d3: {  	v63 =	vor.u32 v15, v48;
	v59 =	vadd.s32 v23, v35;
	v61 =	vor.u32 v15, v36;
	v62 =	vld.idx.msk [tilespmem:v52+s15+$0x0], $0xffff  }
0x1d4: {  	v43 =	vadd.s32 v1, v59;
	v36 =	vor.u32 $0x20, v39;
	[tilespmem:v53+s16+$0x0] =	vst.idx.msk $0xffff, v58;
	v53 =	vadd.s32 v23, v33  }
0x1d5: {  	v38 =	vor.u32 v15, v38;
	v55 =	vadd.s32 v23, v36;
	v48 =	vadd.s32 v1, v53  }
0x1d6: {  	v49 =	vadd.s32 v1, v55;
	v46 =	vmul.f32 $8.000000000e+00, v46  }
0x1d7: {  	v32 =	vadd.s32 v16, v32;
	[tilespmem:v56+s16+$0x0] =	vst.idx.msk $0xffff, v42;
	v44 =	vmul.f32 $8.000000000e+00, v60  }
0x1d8: {  	v57 =	vadd.s32 v14, v32;
	[tilespmem:v61+s16+$0x0] =	vst.idx.msk $0xffff, v46;
	v58 =	vmul.f32 $8.000000000e+00, v62  }
0x1d9: {  	v56 =	vadd.s32 v22, v33;
	v43 =	vld.idx.msk [tilespmem:v43+s15+$0x0], $0xffff;
	[tilespmem:v63+s16+$0x0] =	vst.idx.msk $0xffff, v44  }
0x1da: {  	v45 =	vor.u32 v9, v41;
	v39 =	vshll.u32 v35, $0x7;
	v60 =	vld.idx.msk [tilespmem:v48+s15+$0x0], $0xffff;
	[tilespmem:v38+s16+$0x0] =	vst.idx.msk $0xffff, v58  }
0x1db: {  	v59 =	vadd.s32 v22, v35;
	v32 =	vshll.u32 v33, $0x7;
	v61 =	vor.u32 v0, v39;
	v62 =	vld.idx.msk [tilespmem:v49+s15+$0x0], $0xffff  }
0x1dc: {  	v54 =	vld.idx.msk [tilespmem:v54+s15+$0x0], $0xffff;
	v44 =	vadd.s32 v2, v59;
	v63 =	vor.u32 v0, v32;
	v38 =	vshll.u32 v36, $0x7  }
0x1dd: {  	v50 =	vld.idx.msk [tilespmem:v57+s15+$0x0], $0xffff;
	v58 =	vadd.s32 v22, v36;
	v49 =	vadd.s32 v2, v56;
	v57 =	vor.u32 v0, v38  }
0x1de: {  	v59 =	vadd.s32 v18, v40;
	v52 =	vadd.s32 v2, v58;
	v43 =	vmul.f32 $8.000000000e+00, v43  }
0x1df: {  	v53 =	vadd.s32 v10, v59;
	v60 =	vmul.f32 $8.000000000e+00, v60  }
0x1e0: {  	[tilespmem:v61+s16+$0x0] =	vst.idx.msk $0xffff, v43;
	v61 =	vmul.f32 $8.000000000e+00, v62  }
0x1e1: {  	v30 =	vmul.f32 $8.000000000e+00, v54;
	v44 =	vld.idx.msk [tilespmem:v44+s15+$0x0], $0xffff;
	[tilespmem:v63+s16+$0x0] =	vst.idx.msk $0xffff, v60  }
0x1e2: {  	v55 =	vadd.s32 v21, v35;
	v62 =	vor.u32 v15, v31;
	v42 =	vld.idx.msk [tilespmem:v49+s15+$0x0], $0xffff;
	[tilespmem:v57+s16+$0x0] =	vst.idx.msk $0xffff, v61  }
0x1e3: {  	v46 =	vadd.s32 v4, v55;
	[tilespmem:v45+s16+$0x0] =	vst.idx.msk $0xffff, v30;
	v45 =	vor.u32 v3, v39;
	v47 =	vld.idx.msk [tilespmem:v52+s15+$0x0], $0xffff  }
0x1e4: {  	v56 =	vadd.s32 v21, v33;
	v58 =	vadd.s32 v21, v36;
	v48 =	vld.idx.msk [tilespmem:v53+s15+$0x0], $0xffff;
	v49 =	vor.u32 v3, v32  }
0x1e5: {  	v63 =	vmul.f32 $8.000000000e+00, v50;
	v50 =	vadd.s32 v4, v56;
	v57 =	vor.u32 v3, v38  }
0x1e6: {  	v43 =	vor.u32 v11, v41;
	v52 =	vadd.s32 v4, v58;
	v44 =	vmul.f32 $8.000000000e+00, v44  }
0x1e7: {  	v27 =	vor.u32 $0x30, v27;
	v59 =	vadd.s32 v17, v40;
	[tilespmem:v62+s16+$0x0] =	vst.idx.msk $0xffff, v63;
	v62 =	vmul.f32 $8.000000000e+00, v42  }
0x1e8: {  	v60 =	vadd.s32 v23, v27;
	v61 =	vadd.s32 v12, v59;
	[tilespmem:v45+s16+$0x0] =	vst.idx.msk $0xffff, v44;
	v53 =	vmul.f32 $8.000000000e+00, v47  }
0x1e9: {  	v54 =	vmul.f32 $8.000000000e+00, v48;
	v63 =	vadd.s32 v1, v60;
	v46 =	vld.idx.msk [tilespmem:v46+s15+$0x0], $0xffff;
	[tilespmem:v49+s16+$0x0] =	vst.idx.msk $0xffff, v62  }
0x1ea: {  	v31 =	vld.idx.msk [tilespmem:v50+s15+$0x0], $0xffff;
	[tilespmem:v57+s16+$0x0] =	vst.idx.msk $0xffff, v53  }
0x1eb: {  	v55 =	vadd.s32 v20, v35;
	[tilespmem:v43+s16+$0x0] =	vst.idx.msk $0xffff, v54;
	v43 =	vor.u32 v5, v39;
	v56 =	vld.idx.msk [tilespmem:v52+s15+$0x0], $0xffff  }
0x1ec: {  	v48 =	vor.u32 v5, v32;
	v58 =	vadd.s32 v20, v33;
	v44 =	vadd.s32 v6, v55  }
0x1ed: {  	v59 =	vadd.s32 v6, v58;
	v60 =	vor.u32 v5, v38;
	v57 =	vld.idx.msk [tilespmem:v61+s15+$0x0], $0xffff;
	v61 =	vadd.s32 v20, v36  }
0x1ee: {  	v42 =	vld.idx.msk [tilespmem:v63+s15+$0x0], $0xffff;
	v63 =	vadd.s32 v6, v61;
	v46 =	vmul.f32 $8.000000000e+00, v46  }
0x1ef: {  	v62 =	vor.u32 v13, v41;
	v31 =	vmul.f32 $8.000000000e+00, v31  }
0x1f0: {  	[tilespmem:v43+s16+$0x0] =	vst.idx.msk $0xffff, v46;
	v56 =	vmul.f32 $8.000000000e+00, v56  }
0x1f1: {  	v55 =	vadd.s32 v16, v40;
	v44 =	vld.idx.msk [tilespmem:v44+s15+$0x0], $0xffff;
	[tilespmem:v48+s16+$0x0] =	vst.idx.msk $0xffff, v31  }
0x1f2: {  	v40 =	vadd.s32 v14, v55;
	v57 =	vmul.f32 $8.000000000e+00, v57;
	v58 =	vld.idx.msk [tilespmem:v59+s15+$0x0], $0xffff;
	[tilespmem:v60+s16+$0x0] =	vst.idx.msk $0xffff, v56  }
0x1f3: {  	v61 =	vor.u32 v7, v32;
	v43 =	vor.u32 v7, v39;
	v59 =	vadd.s32 v19, v35;
	v60 =	vld.idx.msk [tilespmem:v63+s15+$0x0], $0xffff  }
0x1f4: {  	[tilespmem:v62+s16+$0x0] =	vst.idx.msk $0xffff, v57;
	v62 =	vadd.s32 v19, v33;
	v45 =	vadd.s32 v8, v59  }
0x1f5: {  	v49 =	vadd.s32 v8, v62;
	v56 =	vadd.s32 v19, v36;
	v63 =	vor.u32 v7, v38  }
0x1f6: {  	v30 =	vshll.u32 v27, $0x7;
	v51 =	vadd.s32 v8, v56;
	v44 =	vmul.f32 $8.000000000e+00, v44  }
0x1f7: {  	v31 =	vor.u32 v0, v30;
	v58 =	vmul.f32 $8.000000000e+00, v58  }
0x1f8: {  	v57 =	vadd.s32 v22, v27;
	v40 =	vld.idx.msk [tilespmem:v40+s15+$0x0], $0xffff;
	[tilespmem:v43+s16+$0x0] =	vst.idx.msk $0xffff, v44;
	v60 =	vmul.f32 $8.000000000e+00, v60  }
0x1f9: {  	v55 =	vor.u32 v9, v32;
	v59 =	vadd.s32 v2, v57;
	v44 =	vld.idx.msk [tilespmem:v45+s15+$0x0], $0xffff;
	[tilespmem:v61+s16+$0x0] =	vst.idx.msk $0xffff, v58  }
0x1fa: {  	v53 =	vadd.s32 v18, v35;
	v61 =	vor.u32 v15, v41;
	v62 =	vld.idx.msk [tilespmem:v49+s15+$0x0], $0xffff;
	[tilespmem:v63+s16+$0x0] =	vst.idx.msk $0xffff, v60  }
0x1fb: {  	v42 =	vmul.f32 $8.000000000e+00, v42;
	v56 =	vadd.s32 v18, v33;
	v63 =	vor.u32 v9, v39;
	v54 =	vld.idx.msk [tilespmem:v51+s15+$0x0], $0xffff  }
0x1fc: {  	v57 =	vor.u32 v9, v38;
	v48 =	vadd.s32 v10, v56;
	v45 =	vadd.s32 v10, v53  }
0x1fd: {  	[tilespmem:v31+s16+$0x0] =	vst.idx.msk $0xffff, v42;
	v31 =	vor.u32 $0x30, v25;
	v40 =	vmul.f32 $8.000000000e+00, v40;
	v58 =	vadd.s32 v18, v36  }
0x1fe: {  	v42 =	vld.idx.msk [tilespmem:v59+s15+$0x0], $0xffff;
	v59 =	vadd.s32 v23, v31;
	v50 =	vadd.s32 v10, v58;
	v44 =	vmul.f32 $8.000000000e+00, v44  }
0x1ff: {  	v51 =	vadd.s32 v1, v59;
	[tilespmem:v61+s16+$0x0] =	vst.idx.msk $0xffff, v40;
	v60 =	vmul.f32 $8.000000000e+00, v62  }
0x200: {  	[tilespmem:v63+s16+$0x0] =	vst.idx.msk $0xffff, v44;
	v61 =	vmul.f32 $8.000000000e+00, v54  }
0x201: {  	v43 =	vld.idx.msk [tilespmem:v45+s15+$0x0], $0xffff;
	[tilespmem:v55+s16+$0x0] =	vst.idx.msk $0xffff, v60  }
0x202: {  	v41 =	vor.u32 v3, v30;
	v63 =	vld.idx.msk [tilespmem:v48+s15+$0x0], $0xffff;
	[tilespmem:v57+s16+$0x0] =	vst.idx.msk $0xffff, v61  }
0x203: {  	v58 =	vadd.s32 v17, v33;
	v40 =	vor.u32 v11, v39;
	v55 =	vadd.s32 v17, v35;
	v47 =	vld.idx.msk [tilespmem:v50+s15+$0x0], $0xffff  }
0x204: {  	v59 =	vor.u32 v11, v38;
	v56 =	vld.idx.msk [tilespmem:v51+s15+$0x0], $0xffff;
	v46 =	vadd.s32 v12, v55;
	v57 =	vor.u32 v11, v32  }
0x205: {  	v42 =	vmul.f32 $8.000000000e+00, v42;
	v60 =	vadd.s32 v17, v36;
	v50 =	vadd.s32 v12, v58  }
0x206: {  	v52 =	vadd.s32 v12, v60;
	v43 =	vmul.f32 $8.000000000e+00, v43  }
0x207: {  	[tilespmem:v41+s16+$0x0] =	vst.idx.msk $0xffff, v42;
	v63 =	vmul.f32 $8.000000000e+00, v63  }
0x208: {  	v62 =	vadd.s32 v21, v27;
	[tilespmem:v40+s16+$0x0] =	vst.idx.msk $0xffff, v43;
	v54 =	vmul.f32 $8.000000000e+00, v47  }
0x209: {  	v25 =	vshll.u32 v31, $0x7;
	v44 =	vadd.s32 v4, v62;
	v55 =	vmul.f32 $8.000000000e+00, v56;
	v56 =	vld.idx.msk [tilespmem:v46+s15+$0x0], $0xffff;
	[tilespmem:v57+s16+$0x0] =	vst.idx.msk $0xffff, v63  }
0x20a: {  	v61 =	vor.u32 v0, v25;
	v42 =	vld.idx.msk [tilespmem:v50+s15+$0x0], $0xffff;
	[tilespmem:v59+s16+$0x0] =	vst.idx.msk $0xffff, v54  }
0x20b: {  	v35 =	vadd.s32 v16, v35;
	v57 =	vor.u32 v13, v39;
	v58 =	vld.idx.msk [tilespmem:v52+s15+$0x0], $0xffff  }
0x20c: {  	v33 =	vadd.s32 v16, v33;
	v35 =	vadd.s32 v14, v35;
	v59 =	vor.u32 v13, v32  }
0x20d: {  	v33 =	vadd.s32 v14, v33;
	v36 =	vadd.s32 v16, v36;
	v60 =	vor.u32 v13, v38  }
0x20e: {  	v36 =	vadd.s32 v14, v36;
	v44 =	vld.idx.msk [tilespmem:v44+s15+$0x0], $0xffff;
	v45 =	vmul.f32 $8.000000000e+00, v56  }
0x20f: {  	v28 =	vor.u32 $0x30, v28;
	v62 =	vadd.s32 v22, v31;
	[tilespmem:v61+s16+$0x0] =	vst.idx.msk $0xffff, v55;
	v42 =	vmul.f32 $8.000000000e+00, v42  }
0x210: {  	v29 =	vor.u32 $0x30, v29;
	v41 =	vadd.s32 v2, v62;
	[tilespmem:v57+s16+$0x0] =	vst.idx.msk $0xffff, v45;
	v63 =	vmul.f32 $8.000000000e+00, v58  }
0x211: {  	v62 =	vadd.s32 v20, v27;
	v61 =	vor.u32 v5, v30;
	v35 =	vld.idx.msk [tilespmem:v35+s15+$0x0], $0xffff;
	[tilespmem:v59+s16+$0x0] =	vst.idx.msk $0xffff, v42  }
0x212: {  	v49 =	vadd.s32 v6, v62;
	v55 =	vor.u32 v15, v32;
	v33 =	vld.idx.msk [tilespmem:v33+s15+$0x0], $0xffff;
	[tilespmem:v60+s16+$0x0] =	vst.idx.msk $0xffff, v63  }
0x213: {  	v39 =	vor.u32 v15, v39;
	v51 =	vmul.f32 $8.000000000e+00, v44;
	v52 =	vadd.s32 v23, v28;
	v36 =	vld.idx.msk [tilespmem:v36+s15+$0x0], $0xffff  }
0x214: {  	v54 =	vadd.s32 v23, v29;
	v32 =	vor.u32 $0x30, v34;
	v53 =	vadd.s32 v1, v52  }
0x215: {  	v38 =	vor.u32 v15, v38;
	v41 =	vld.idx.msk [tilespmem:v41+s15+$0x0], $0xffff;
	v57 =	vadd.s32 v23, v32;
	v42 =	vadd.s32 v1, v54  }
0x216: {  	[tilespmem:v61+s16+$0x0] =	vst.idx.msk $0xffff, v51;
	v59 =	vadd.s32 v1, v57;
	v35 =	vmul.f32 $8.000000000e+00, v35  }
0x217: {  	v50 =	vor.u32 v3, v25;
	v56 =	vld.idx.msk [tilespmem:v49+s15+$0x0], $0xffff;
	v58 =	vadd.s32 v21, v31;
	v60 =	vmul.f32 $8.000000000e+00, v33  }
0x218: {  	v45 =	vadd.s32 v4, v58;
	[tilespmem:v39+s16+$0x0] =	vst.idx.msk $0xffff, v35;
	v61 =	vmul.f32 $8.000000000e+00, v36  }
0x219: {  	v34 =	vshll.u32 v32, $0x7;
	v51 =	vadd.s32 v22, v28;
	v62 =	vld.idx.msk [tilespmem:v53+s15+$0x0], $0xffff;
	[tilespmem:v55+s16+$0x0] =	vst.idx.msk $0xffff, v60  }
0x21a: {  	v41 =	vmul.f32 $8.000000000e+00, v41;
	v23 =	vshll.u32 v28, $0x7;
	v35 =	vor.u32 v7, v30;
	v52 =	vld.idx.msk [tilespmem:v42+s15+$0x0], $0xffff;
	[tilespmem:v38+s16+$0x0] =	vst.idx.msk $0xffff, v61  }
0x21b: {  	v54 =	vadd.s32 v2, v51;
	v33 =	vshll.u32 v29, $0x7;
	v53 =	vor.u32 v0, v23;
	v55 =	vld.idx.msk [tilespmem:v59+s15+$0x0], $0xffff  }
0x21c: {  	[tilespmem:v50+s16+$0x0] =	vst.idx.msk $0xffff, v41;
	v57 =	vadd.s32 v22, v29;
	v63 =	vmul.f32 $8.000000000e+00, v56;
	v56 =	vor.u32 v0, v33  }
0x21d: {  	v58 =	vor.u32 v0, v34;
	v43 =	vld.idx.msk [tilespmem:v45+s15+$0x0], $0xffff;
	v45 =	vadd.s32 v2, v57;
	v59 =	vadd.s32 v22, v32  }
0x21e: {  	v22 =	vadd.s32 v2, v59;
	v36 =	vmul.f32 $8.000000000e+00, v62  }
0x21f: {  	[tilespmem:v35+s16+$0x0] =	vst.idx.msk $0xffff, v63;
	v62 =	vmul.f32 $8.000000000e+00, v52  }
0x220: {  	v48 =	vadd.s32 v20, v31;
	[tilespmem:v53+s16+$0x0] =	vst.idx.msk $0xffff, v36;
	v49 =	vmul.f32 $8.000000000e+00, v55  }
0x221: {  	v50 =	vadd.s32 v6, v48;
	v60 =	vor.u32 v5, v25;
	v41 =	vld.idx.msk [tilespmem:v54+s15+$0x0], $0xffff;
	[tilespmem:v56+s16+$0x0] =	vst.idx.msk $0xffff, v62  }
0x222: {  	v57 =	vadd.s32 v21, v29;
	v61 =	vadd.s32 v19, v27;
	v53 =	vld.idx.msk [tilespmem:v45+s15+$0x0], $0xffff;
	[tilespmem:v58+s16+$0x0] =	vst.idx.msk $0xffff, v49  }
0x223: {  	v63 =	vadd.s32 v8, v61;
	v54 =	vor.u32 v3, v23;
	v55 =	vadd.s32 v21, v28;
	v22 =	vld.idx.msk [tilespmem:v22+s15+$0x0], $0xffff  }
0x224: {  	v51 =	vmul.f32 $8.000000000e+00, v43;
	v56 =	vor.u32 v3, v33;
	v40 =	vadd.s32 v4, v55  }
0x225: {  	v44 =	vadd.s32 v4, v57;
	v59 =	vadd.s32 v21, v32;
	v58 =	vor.u32 v3, v34  }
0x226: {  	[tilespmem:v60+s16+$0x0] =	vst.idx.msk $0xffff, v51;
	v52 =	vor.u32 v9, v26;
	v21 =	vadd.s32 v4, v59;
	v41 =	vmul.f32 $8.000000000e+00, v41  }
0x227: {  	v57 =	vadd.s32 v20, v32;
	v38 =	vld.idx.msk [tilespmem:v50+s15+$0x0], $0xffff;
	v61 =	vmul.f32 $8.000000000e+00, v53  }
0x228: {  	v37 =	vmul.f32 $8.000000000e+00, v37;
	v60 =	vadd.s32 v18, v24;
	v39 =	vld.idx.msk [tilespmem:v63+s15+$0x0], $0xffff;
	[tilespmem:v54+s16+$0x0] =	vst.idx.msk $0xffff, v41;
	v22 =	vmul.f32 $8.000000000e+00, v22  }
0x229: {  	v62 =	vadd.s32 v10, v60;
	v49 =	vor.u32 v7, v25;
	v40 =	vld.idx.msk [tilespmem:v40+s15+$0x0], $0xffff;
	[tilespmem:v56+s16+$0x0] =	vst.idx.msk $0xffff, v61  }
0x22a: {  	v63 =	vor.u32 v9, v30;
	v55 =	vadd.s32 v20, v29;
	v50 =	vld.idx.msk [tilespmem:v44+s15+$0x0], $0xffff;
	[tilespmem:v58+s16+$0x0] =	vst.idx.msk $0xffff, v22  }
0x22b: {  	[tilespmem:v52+s16+$0x0] =	vst.idx.msk $0xffff, v37;
	v52 =	vor.u32 v5, v23;
	v53 =	vadd.s32 v20, v28;
	v21 =	vld.idx.msk [tilespmem:v21+s15+$0x0], $0xffff  }
0x22c: {  	v51 =	vmul.f32 $8.000000000e+00, v38;
	v42 =	vadd.s32 v6, v53;
	v54 =	vor.u32 v5, v33  }
0x22d: {  	v48 =	vmul.f32 $8.000000000e+00, v39;
	v56 =	vor.u32 v5, v34;
	v44 =	vadd.s32 v6, v55  }
0x22e: {  	v20 =	vadd.s32 v6, v57;
	[tilespmem:v49+s16+$0x0] =	vst.idx.msk $0xffff, v51;
	v59 =	vmul.f32 $8.000000000e+00, v40  }
0x22f: {  	v47 =	vadd.s32 v18, v28;
	v46 =	vor.u32 v13, v30;
	[tilespmem:v63+s16+$0x0] =	vst.idx.msk $0xffff, v48;
	v61 =	vmul.f32 $8.000000000e+00, v50  }
0x230: {  	v60 =	vadd.s32 v18, v27;
	v37 =	vld.idx.msk [tilespmem:v62+s15+$0x0], $0xffff;
	[tilespmem:v52+s16+$0x0] =	vst.idx.msk $0xffff, v59;
	v21 =	vmul.f32 $8.000000000e+00, v21  }
0x231: {  	v62 =	vadd.s32 v10, v60;
	v58 =	vadd.s32 v19, v31;
	v36 =	vld.idx.msk [tilespmem:v42+s15+$0x0], $0xffff;
	[tilespmem:v54+s16+$0x0] =	vst.idx.msk $0xffff, v61  }
0x232: {  	v63 =	vor.u32 v11, v26;
	v35 =	vadd.s32 v8, v58;
	v48 =	vld.idx.msk [tilespmem:v44+s15+$0x0], $0xffff;
	[tilespmem:v56+s16+$0x0] =	vst.idx.msk $0xffff, v21  }
0x233: {  	v51 =	vadd.s32 v19, v28;
	v53 =	vadd.s32 v19, v29;
	v50 =	vor.u32 v7, v23;
	v20 =	vld.idx.msk [tilespmem:v20+s15+$0x0], $0xffff  }
0x234: {  	v41 =	vadd.s32 v8, v51;
	v43 =	vadd.s32 v8, v53;
	v52 =	vor.u32 v7, v33  }
0x235: {  	v55 =	vadd.s32 v19, v32;
	v37 =	vmul.f32 $8.000000000e+00, v37;
	v54 =	vor.u32 v7, v34  }
0x236: {  	v60 =	vadd.s32 v17, v27;
	v19 =	vadd.s32 v8, v55;
	v36 =	vmul.f32 $8.000000000e+00, v36  }
0x237: {  	v57 =	vadd.s32 v17, v24;
	[tilespmem:v63+s16+$0x0] =	vst.idx.msk $0xffff, v37;
	v35 =	vld.idx.msk [tilespmem:v35+s15+$0x0], $0xffff;
	v58 =	vmul.f32 $8.000000000e+00, v48  }
0x238: {  	v49 =	vadd.s32 v18, v31;
	v39 =	vld.idx.msk [tilespmem:v62+s15+$0x0], $0xffff;
	[tilespmem:v50+s16+$0x0] =	vst.idx.msk $0xffff, v36;
	v20 =	vmul.f32 $8.000000000e+00, v20  }
0x239: {  	v51 =	vadd.s32 v18, v32;
	v56 =	vor.u32 v9, v25;
	v61 =	vld.idx.msk [tilespmem:v41+s15+$0x0], $0xffff;
	[tilespmem:v52+s16+$0x0] =	vst.idx.msk $0xffff, v58  }
0x23a: {  	v62 =	vor.u32 v11, v30;
	v21 =	vadd.s32 v10, v49;
	v63 =	vld.idx.msk [tilespmem:v43+s15+$0x0], $0xffff;
	[tilespmem:v54+s16+$0x0] =	vst.idx.msk $0xffff, v20  }
0x23b: {  	v59 =	vadd.s32 v12, v57;
	v49 =	vadd.s32 v18, v29;
	v48 =	vor.u32 v9, v23;
	v19 =	vld.idx.msk [tilespmem:v19+s15+$0x0], $0xffff  }
0x23c: {  	v35 =	vmul.f32 $8.000000000e+00, v35;
	v50 =	vor.u32 v9, v33;
	v20 =	vadd.s32 v10, v47  }
0x23d: {  	v39 =	vmul.f32 $8.000000000e+00, v39;
	v41 =	vadd.s32 v10, v49;
	v52 =	vor.u32 v9, v34  }
0x23e: {  	v53 =	vor.u32 v11, v25;
	v18 =	vadd.s32 v10, v51;
	[tilespmem:v56+s16+$0x0] =	vst.idx.msk $0xffff, v35;
	v38 =	vmul.f32 $8.000000000e+00, v61  }
0x23f: {  	v55 =	vadd.s32 v17, v31;
	[tilespmem:v62+s16+$0x0] =	vst.idx.msk $0xffff, v39;
	v21 =	vld.idx.msk [tilespmem:v21+s15+$0x0], $0xffff;
	v54 =	vmul.f32 $8.000000000e+00, v63  }
0x240: {  	v57 =	vor.u32 v13, v26;
	v37 =	vld.idx.msk [tilespmem:v59+s15+$0x0], $0xffff;
	[tilespmem:v48+s16+$0x0] =	vst.idx.msk $0xffff, v38;
	v19 =	vmul.f32 $8.000000000e+00, v19  }
0x241: {  	v62 =	vor.u32 v11, v33;
	v44 =	vadd.s32 v16, v27;
	v20 =	vld.idx.msk [tilespmem:v20+s15+$0x0], $0xffff;
	[tilespmem:v50+s16+$0x0] =	vst.idx.msk $0xffff, v54  }
0x242: {  	v22 =	vadd.s32 v14, v44;
	v36 =	vadd.s32 v12, v60;
	v58 =	vld.idx.msk [tilespmem:v41+s15+$0x0], $0xffff;
	[tilespmem:v52+s16+$0x0] =	vst.idx.msk $0xffff, v19  }
0x243: {  	v59 =	vadd.s32 v17, v28;
	v56 =	vadd.s32 v12, v55;
	v60 =	vor.u32 v11, v23;
	v18 =	vld.idx.msk [tilespmem:v18+s15+$0x0], $0xffff  }
0x244: {  	v21 =	vmul.f32 $8.000000000e+00, v21;
	v61 =	vadd.s32 v17, v29;
	v19 =	vadd.s32 v12, v59  }
0x245: {  	v17 =	vadd.s32 v17, v32;
	v39 =	vadd.s32 v12, v61;
	v63 =	vor.u32 v11, v34  }
0x246: {  	v28 =	vadd.s32 v16, v28;
	v17 =	vadd.s32 v12, v17;
	v20 =	vmul.f32 $8.000000000e+00, v20  }
0x247: {  	v28 =	vadd.s32 v14, v28;
	v36 =	vld.idx.msk [tilespmem:v36+s15+$0x0], $0xffff;
	[tilespmem:v53+s16+$0x0] =	vst.idx.msk $0xffff, v21;
	v45 =	vmul.f32 $8.000000000e+00, v58  }
0x248: {  	v43 =	vadd.s32 v16, v24;
	v35 =	vld.idx.msk [tilespmem:v56+s15+$0x0], $0xffff;
	[tilespmem:v60+s16+$0x0] =	vst.idx.msk $0xffff, v20;
	v18 =	vmul.f32 $8.000000000e+00, v18  }
0x249: {  	v49 =	vor.u32 v13, v25;
	v24 =	vadd.s32 v14, v43;
	v19 =	vld.idx.msk [tilespmem:v19+s15+$0x0], $0xffff;
	[tilespmem:v62+s16+$0x0] =	vst.idx.msk $0xffff, v45  }
0x24a: {  	v37 =	vmul.f32 $8.000000000e+00, v37;
	v48 =	vadd.s32 v16, v31;
	v50 =	vld.idx.msk [tilespmem:v39+s15+$0x0], $0xffff;
	[tilespmem:v63+s16+$0x0] =	vst.idx.msk $0xffff, v18  }
0x24b: {  	v29 =	vadd.s32 v16, v29;
	v21 =	vadd.s32 v14, v48;
	v52 =	vor.u32 v13, v23;
	v17 =	vld.idx.msk [tilespmem:v17+s15+$0x0], $0xffff  }
0x24c: {  	v29 =	vadd.s32 v14, v29;
	v53 =	vor.u32 v13, v33;
	v47 =	vmul.f32 $8.000000000e+00, v36  }
0x24d: {  	[tilespmem:v57+s16+$0x0] =	vst.idx.msk $0xffff, v37;
	v16 =	vadd.s32 v16, v32;
	v54 =	vor.u32 v13, v34;
	v51 =	vmul.f32 $8.000000000e+00, v35  }
0x24e: {  	v24 =	vld.idx.msk [tilespmem:v24+s15+$0x0], $0xffff;
	v16 =	vadd.s32 v14, v16;
	[tilespmem:v46+s16+$0x0] =	vst.idx.msk $0xffff, v47;
	v19 =	vmul.f32 $8.000000000e+00, v19  }
0x24f: {  	v20 =	vld.idx.msk [tilespmem:v22+s15+$0x0], $0xffff;
	[tilespmem:v49+s16+$0x0] =	vst.idx.msk $0xffff, v51;
	v55 =	vmul.f32 $8.000000000e+00, v50  }
0x250: {  	v56 =	vor.u32 v15, v26;
	v21 =	vld.idx.msk [tilespmem:v21+s15+$0x0], $0xffff;
	[tilespmem:v52+s16+$0x0] =	vst.idx.msk $0xffff, v19;
	v17 =	vmul.f32 $8.000000000e+00, v17  }
0x251: {  	v57 =	vor.u32 v15, v30;
	v58 =	vld.idx.msk [tilespmem:v28+s15+$0x0], $0xffff;
	[tilespmem:v53+s16+$0x0] =	vst.idx.msk $0xffff, v55  }
0x252: {  	v59 =	vor.u32 v15, v25;
	v60 =	vld.idx.msk [tilespmem:v29+s15+$0x0], $0xffff;
	[tilespmem:v54+s16+$0x0] =	vst.idx.msk $0xffff, v17  }
0x253: {  	v23 =	vor.u32 v15, v23;
	v17 =	vmul.f32 $8.000000000e+00, v24;
	v16 =	vld.idx.msk [tilespmem:v16+s15+$0x0], $0xffff  }
0x254: {  	v61 =	vor.u32 v15, v33;
	v20 =	vmul.f32 $8.000000000e+00, v20  }
0x255: {  	v62 =	vor.u32 v15, v34;
	[tilespmem:v56+s16+$0x0] =	vst.idx.msk $0xffff, v17;
	v17 =	vmul.f32 $8.000000000e+00, v21  }
0x256: {  	[tilespmem:v57+s16+$0x0] =	vst.idx.msk $0xffff, v20;
	v63 =	vmul.f32 $8.000000000e+00, v58  }
0x257: {  	s6 =	sshll.u32 s6, $0x12;
	[tilespmem:v59+s16+$0x0] =	vst.idx.msk $0xffff, v17;
	v17 =	vmul.f32 $8.000000000e+00, v60  }
0x258: {  	s6 =	sor.u32 s4, s6;
	[tilespmem:v23+s16+$0x0] =	vst.idx.msk $0xffff, v63;
	v16 =	vmul.f32 $8.000000000e+00, v16  }
0x259: {  	s6 =	sshrl.u32 s6, $0x3;
	[tilespmem:v61+s16+$0x0] =	vst.idx.msk $0xffff, v17  }
0x25a: {  	s6 =	sadd.s32 s1, s6;
	[tilespmem:v62+s16+$0x0] =	vst.idx.msk $0xffff, v16  }
0x25b: {  	[hbm4b:s6+s8] =	stream.strided.scatter [tilespmem:s16], [sflag:$0x7], $0x2000, s9, s8, $0x38;
	[tilespmem:$0x1E800] =	vst v63  }
.LBB2_9:
.Ltmp6:
0x25c: {  	(pc) =	sbr.rel @p0 .LBB2_12-.Ltmp6, $2  }
0x25d: {  	_ =	sdelay $0x2  }
0x25e: {  	s6 =	sor.u32 $0x1, s7  }
0x25f: {  	p1 =	seq.s32 s3, $0x32  }
.Ltmp7:
0x260: {  	_ = 	snop;
	(pc) =	sbr.rel @p1 .LBB2_13-.Ltmp7, $2  }
0x261: {  	_ =	sdelay $0x2  }
0x262: {  	s10 =	simm.s32 $0xC7  }
0x263: {  	_ =	swait.ge [sflag:s30], $0x2000  }
0x264: {  	[sflag:s30] =	ssyncset.done $0x0  }
0x265: {  	[sflag:s30] =	ssyncadd.s32 $0xFFFFE000  }
.LBB2_12:
0x266: {  	s10 =	sshll.u32 s6, $0x7  }
0x267: {  	s10 =	sand.u32 $0x3FFFFF80, s10  }
0x268: {  	v16 =	vld [tilespmem:s10+$0x0];
	_ =	sdelay $0x4  }
0x269: {  	v17 =	vshra.s32 v16, $0x1;
	v16 =	vshll.u32 v16, $0x6  }
0x26a: {  	[tilespmem:$0x6480] =	vst v17;
	v16 =	vand.u32 $0x40, v16  }
0x26b: {  	[tilespmem:$0x6680] =	vst v16  }
0x26c: {  	v16 =	vld [tilespmem:s10+$0x10];
	_ =	sdelay $0x4  }
0x26d: {  	v17 =	vshra.s32 v16, $0x1;
	v16 =	vshll.u32 v16, $0x6  }
0x26e: {  	[tilespmem:$0x6490] =	vst v17;
	v16 =	vand.u32 $0x40, v16  }
0x26f: {  	[tilespmem:$0x6690] =	vst v16  }
0x270: {  	v16 =	vld [tilespmem:s10+$0x20];
	_ =	sdelay $0x4  }
0x271: {  	v17 =	vshra.s32 v16, $0x1;
	v16 =	vshll.u32 v16, $0x6  }
0x272: {  	[tilespmem:$0x64A0] =	vst v17;
	v16 =	vand.u32 $0x40, v16  }
0x273: {  	[tilespmem:$0x66A0] =	vst v16  }
0x274: {  	v16 =	vld [tilespmem:s10+$0x30];
	_ =	sdelay $0x4  }
0x275: {  	v17 =	vshra.s32 v16, $0x1;
	v16 =	vshll.u32 v16, $0x6  }
0x276: {  	[tilespmem:$0x64B0] =	vst v17;
	v16 =	vand.u32 $0x40, v16  }
0x277: {  	[tilespmem:$0x66B0] =	vst v16  }
0x278: {  	v16 =	vld [tilespmem:s10+$0x40];
	_ =	sdelay $0x4  }
0x279: {  	v17 =	vshra.s32 v16, $0x1;
	v16 =	vshll.u32 v16, $0x6  }
0x27a: {  	[tilespmem:$0x64C0] =	vst v17;
	v16 =	vand.u32 $0x40, v16  }
0x27b: {  	[tilespmem:$0x66C0] =	vst v16  }
0x27c: {  	v16 =	vld [tilespmem:s10+$0x50];
	_ =	sdelay $0x4  }
0x27d: {  	v17 =	vshra.s32 v16, $0x1;
	v16 =	vshll.u32 v16, $0x6  }
0x27e: {  	[tilespmem:$0x64D0] =	vst v17;
	v16 =	vand.u32 $0x40, v16  }
0x27f: {  	[tilespmem:$0x66D0] =	vst v16  }
0x280: {  	v16 =	vld [tilespmem:s10+$0x60];
	_ =	sdelay $0x4  }
0x281: {  	v17 =	vshra.s32 v16, $0x1;
	v16 =	vshll.u32 v16, $0x6  }
0x282: {  	[tilespmem:$0x64E0] =	vst v17;
	v16 =	vand.u32 $0x40, v16  }
0x283: {  	[tilespmem:$0x66E0] =	vst v16  }
0x284: {  	v16 =	vld [tilespmem:s10+$0x70];
	_ =	sdelay $0x1  }
0x285: {  	s10 =	sadd.s32 $0xFFFFFFFF, s7  }
0x286: {  	p1 =	sgt.u32 s10, $0xC7  }
.Ltmp8:
0x287: {  	_ = 	snop;
	(pc) =	sbr.rel @p1 .LBB2_16-.Ltmp8, $4  }
0x288: {  	v17 =	vshra.s32 v16, $0x1;
	v16 =	vshll.u32 v16, $0x6  }
0x289: {  	[tilespmem:$0x64F0] =	vst v17;
	v16 =	vand.u32 $0x40, v16  }
0x28a: {  	[tilespmem:$0x66F0] =	vst v16  }
0x28b: {  	[tilespmem:s18], [sflag:$0x2] =	stream.indirect.gather [hbm4b:s5+s11], $0x80, s17, s11, $0xb8;
	[tilespmem:$0x1E800] =	vst v63  }
.LBB2_13:
0x28c: {  	_ =	swait.ge [sflag:s19], $0x4000  }
0x28d: {  	[sflag:s19] =	ssyncset.done $0x0  }
0x28e: {  	[sflag:s19] =	ssyncadd.s32 $0xFFFFC000  }
0x28f: {  	v23 =	vld [tilespmem:$0x6780];
	_ =	sdelay $0x1  }
0x290: {  	s7 =	simm.s32 $0x0  }
0x291: {  	v24 =	vadd.s32 s7, v0  }
0x292: {  	v28 =	vand.u32 $0xF, v24  }
0x293: {  	v16 =	vadd.s32 v23, v28  }
0x294: {  	v16 =	vadd.s32 v1, v16;
	_ =	sdelay $0x1  }
0x295: {  	v22 =	vld [tilespmem:$0x6790];
	_ =	sdelay $0x2  }
0x296: {  	v16 =	vld.idx.msk [tilespmem:v16+s20+$0x0], $0xffff  }
0x297: {  	v25 =	vshll.u32 v28, $0x7  }
0x298: {  	v21 =	vld [tilespmem:$0x67A0];
	v26 =	vor.u32 v0, v25;
	v17 =	vadd.s32 v22, v28  }
0x299: {  	v20 =	vld [tilespmem:$0x67B0];
	v27 =	vadd.s32 v2, v17  }
0x29a: {  	v19 =	vld [tilespmem:$0x67C0]  }
0x29b: {  	v18 =	vld [tilespmem:$0x67D0];
	v29 =	vmul.f32 $8.000000000e+00, v16  }
0x29c: {  	v17 =	vld [tilespmem:$0x67E0]  }
0x29d: {  	v16 =	vld [tilespmem:$0x67F0];
	[tilespmem:v26+s21+$0x0] =	vst.idx.msk $0xffff, v29  }
0x29e: {  	v26 =	vld.idx.msk [tilespmem:v27+s20+$0x0], $0xffff;
	_ =	sdelay $0x1  }
0x29f: {  	v29 =	vor.u32 v3, v25;
	v27 =	vadd.s32 v21, v28  }
0x2a0: {  	v27 =	vadd.s32 v4, v27;
	_ =	sdelay $0x1  }
0x2a1: {  	v26 =	vmul.f32 $8.000000000e+00, v26;
	_ =	sdelay $0x1  }
0x2a2: {  	[tilespmem:v29+s21+$0x0] =	vst.idx.msk $0xffff, v26  }
0x2a3: {  	v26 =	vld.idx.msk [tilespmem:v27+s20+$0x0], $0xffff;
	_ =	sdelay $0x1  }
0x2a4: {  	v29 =	vor.u32 v5, v25;
	v27 =	vadd.s32 v20, v28  }
0x2a5: {  	v27 =	vadd.s32 v6, v27;
	_ =	sdelay $0x1  }
0x2a6: {  	v26 =	vmul.f32 $8.000000000e+00, v26;
	_ =	sdelay $0x1  }
0x2a7: {  	[tilespmem:v29+s21+$0x0] =	vst.idx.msk $0xffff, v26  }
0x2a8: {  	v26 =	vld.idx.msk [tilespmem:v27+s20+$0x0], $0xffff;
	_ =	sdelay $0x1  }
0x2a9: {  	v29 =	vor.u32 v7, v25;
	v27 =	vadd.s32 v19, v28  }
0x2aa: {  	v27 =	vadd.s32 v8, v27;
	_ =	sdelay $0x1  }
0x2ab: {  	v26 =	vmul.f32 $8.000000000e+00, v26;
	_ =	sdelay $0x1  }
0x2ac: {  	[tilespmem:v29+s21+$0x0] =	vst.idx.msk $0xffff, v26  }
0x2ad: {  	v26 =	vld.idx.msk [tilespmem:v27+s20+$0x0], $0xffff;
	_ =	sdelay $0x1  }
0x2ae: {  	v29 =	vor.u32 v9, v25;
	v27 =	vadd.s32 v18, v28  }
0x2af: {  	v30 =	vadd.s32 v10, v27;
	_ =	sdelay $0x1  }
0x2b0: {  	s7 =	simm.s32 $0x1;
	v31 =	vmul.f32 $8.000000000e+00, v26  }
0x2b1: {  	v27 =	vadd.s32 s7, v0  }
0x2b2: {  	v26 =	vand.u32 $0xF, v27;
	[tilespmem:v29+s21+$0x0] =	vst.idx.msk $0xffff, v31  }
0x2b3: {  	v29 =	vld.idx.msk [tilespmem:v30+s20+$0x0], $0xffff;
	v30 =	vadd.s32 v23, v26  }
0x2b4: {  	v30 =	vadd.s32 v1, v30  }
0x2b5: {  	v32 =	vor.u32 v11, v25;
	v31 =	vadd.s32 v17, v28  }
0x2b6: {  	v31 =	vadd.s32 v12, v31;
	_ =	sdelay $0x1  }
0x2b7: {  	v29 =	vmul.f32 $8.000000000e+00, v29  }
0x2b8: {  	v30 =	vld.idx.msk [tilespmem:v30+s20+$0x0], $0xffff  }
0x2b9: {  	[tilespmem:v32+s21+$0x0] =	vst.idx.msk $0xffff, v29;
	v29 =	vshll.u32 v26, $0x7  }
0x2ba: {  	v45 =	vadd.s32 v22, v26;
	v31 =	vld.idx.msk [tilespmem:v31+s20+$0x0], $0xffff;
	v33 =	vor.u32 v0, v29  }
0x2bb: {  	v32 =	vadd.s32 v2, v45  }
0x2bc: {  	v35 =	vor.u32 v13, v25;
	v34 =	vadd.s32 v16, v28  }
0x2bd: {  	v34 =	vadd.s32 v14, v34;
	v30 =	vmul.f32 $8.000000000e+00, v30;
	_ =	sdelay $0x1  }
0x2be: {  	[tilespmem:v33+s21+$0x0] =	vst.idx.msk $0xffff, v30;
	v30 =	vmul.f32 $8.000000000e+00, v31  }
0x2bf: {  	v31 =	vld.idx.msk [tilespmem:v32+s20+$0x0], $0xffff  }
0x2c0: {  	[tilespmem:v35+s21+$0x0] =	vst.idx.msk $0xffff, v30  }
0x2c1: {  	v47 =	vor.u32 v3, v29;
	v30 =	vadd.s32 v21, v26;
	v46 =	vld.idx.msk [tilespmem:v34+s20+$0x0], $0xffff  }
0x2c2: {  	v35 =	vor.u32 $0x10, v24;
	v30 =	vadd.s32 v4, v30  }
0x2c3: {  	v25 =	vor.u32 v15, v25;
	v48 =	vadd.s32 v23, v35  }
0x2c4: {  	v34 =	vadd.s32 v1, v48;
	v31 =	vmul.f32 $8.000000000e+00, v31;
	_ =	sdelay $0x1  }
0x2c5: {  	[tilespmem:v47+s21+$0x0] =	vst.idx.msk $0xffff, v31;
	v31 =	vmul.f32 $8.000000000e+00, v46  }
0x2c6: {  	v30 =	vld.idx.msk [tilespmem:v30+s20+$0x0], $0xffff  }
0x2c7: {  	[tilespmem:v25+s21+$0x0] =	vst.idx.msk $0xffff, v31  }
0x2c8: {  	v49 =	vor.u32 v5, v29;
	v25 =	vadd.s32 v20, v26;
	v31 =	vld.idx.msk [tilespmem:v34+s20+$0x0], $0xffff  }
0x2c9: {  	v33 =	vshll.u32 v35, $0x7;
	v25 =	vadd.s32 v6, v25  }
0x2ca: {  	v36 =	vadd.s32 v22, v35;
	v50 =	vor.u32 v0, v33  }
0x2cb: {  	v36 =	vadd.s32 v2, v36;
	v30 =	vmul.f32 $8.000000000e+00, v30;
	_ =	sdelay $0x1  }
0x2cc: {  	[tilespmem:v49+s21+$0x0] =	vst.idx.msk $0xffff, v30;
	v30 =	vmul.f32 $8.000000000e+00, v31  }
0x2cd: {  	v25 =	vld.idx.msk [tilespmem:v25+s20+$0x0], $0xffff  }
0x2ce: {  	[tilespmem:v50+s21+$0x0] =	vst.idx.msk $0xffff, v30  }
0x2cf: {  	v51 =	vor.u32 v7, v29;
	v30 =	vadd.s32 v19, v26;
	v31 =	vld.idx.msk [tilespmem:v36+s20+$0x0], $0xffff  }
0x2d0: {  	v30 =	vadd.s32 v8, v30  }
0x2d1: {  	v53 =	vadd.s32 v21, v35;
	v52 =	vor.u32 v3, v33  }
0x2d2: {  	v36 =	vadd.s32 v4, v53;
	v25 =	vmul.f32 $8.000000000e+00, v25;
	_ =	sdelay $0x1  }
0x2d3: {  	[tilespmem:v51+s21+$0x0] =	vst.idx.msk $0xffff, v25;
	v25 =	vmul.f32 $8.000000000e+00, v31  }
0x2d4: {  	v30 =	vld.idx.msk [tilespmem:v30+s20+$0x0], $0xffff  }
0x2d5: {  	[tilespmem:v52+s21+$0x0] =	vst.idx.msk $0xffff, v25  }
0x2d6: {  	v54 =	vor.u32 v9, v29;
	v25 =	vadd.s32 v18, v26;
	v31 =	vld.idx.msk [tilespmem:v36+s20+$0x0], $0xffff  }
0x2d7: {  	v55 =	vadd.s32 v10, v25  }
0x2d8: {  	v37 =	vor.u32 v5, v33;
	v25 =	vadd.s32 v20, v35  }
0x2d9: {  	s7 =	simm.s32 $0x2;
	v38 =	vadd.s32 v6, v25;
	v30 =	vmul.f32 $8.000000000e+00, v30  }
0x2da: {  	v25 =	vadd.s32 s7, v0  }
0x2db: {  	v34 =	vand.u32 $0xF, v25;
	[tilespmem:v54+s21+$0x0] =	vst.idx.msk $0xffff, v30;
	v30 =	vmul.f32 $8.000000000e+00, v31  }
0x2dc: {  	v56 =	vadd.s32 v23, v34;
	v31 =	vld.idx.msk [tilespmem:v55+s20+$0x0], $0xffff  }
0x2dd: {  	[tilespmem:v37+s21+$0x0] =	vst.idx.msk $0xffff, v30;
	v30 =	vadd.s32 v1, v56  }
0x2de: {  	v57 =	vadd.s32 v17, v26;
	v59 =	vor.u32 v11, v29;
	v58 =	vld.idx.msk [tilespmem:v38+s20+$0x0], $0xffff  }
0x2df: {  	v60 =	vadd.s32 v12, v57  }
0x2e0: {  	v61 =	vadd.s32 v19, v35;
	v39 =	vor.u32 v7, v33  }
0x2e1: {  	v40 =	vadd.s32 v8, v61;
	v31 =	vmul.f32 $8.000000000e+00, v31  }
0x2e2: {  	v30 =	vld.idx.msk [tilespmem:v30+s20+$0x0], $0xffff  }
0x2e3: {  	v32 =	vshll.u32 v34, $0x7;
	[tilespmem:v59+s21+$0x0] =	vst.idx.msk $0xffff, v31;
	v31 =	vmul.f32 $8.000000000e+00, v58  }
0x2e4: {  	v62 =	vadd.s32 v22, v34;
	v63 =	vor.u32 v0, v32;
	v37 =	vld.idx.msk [tilespmem:v60+s20+$0x0], $0xffff  }
0x2e5: {  	[tilespmem:v39+s21+$0x0] =	vst.idx.msk $0xffff, v31;
	v31 =	vadd.s32 v2, v62  }
0x2e6: {  	v45 =	vadd.s32 v16, v26;
	v46 =	vor.u32 v13, v29;
	v39 =	vld.idx.msk [tilespmem:v40+s20+$0x0], $0xffff  }
0x2e7: {  	v36 =	vadd.s32 v14, v45;
	v30 =	vmul.f32 $8.000000000e+00, v30  }
0x2e8: {  	v42 =	vadd.s32 v18, v35;
	v41 =	vor.u32 v9, v33  }
0x2e9: {  	v47 =	vadd.s32 v10, v42;
	[tilespmem:v63+s21+$0x0] =	vst.idx.msk $0xffff, v30;
	v30 =	vmul.f32 $8.000000000e+00, v37  }
0x2ea: {  	v38 =	vld.idx.msk [tilespmem:v31+s20+$0x0], $0xffff  }
0x2eb: {  	[tilespmem:v46+s21+$0x0] =	vst.idx.msk $0xffff, v30;
	v30 =	vmul.f32 $8.000000000e+00, v39  }
0x2ec: {  	v48 =	vadd.s32 v21, v34;
	v49 =	vor.u32 v3, v32;
	v36 =	vld.idx.msk [tilespmem:v36+s20+$0x0], $0xffff  }
0x2ed: {  	v31 =	vor.u32 $0x10, v27;
	[tilespmem:v41+s21+$0x0] =	vst.idx.msk $0xffff, v30;
	v30 =	vadd.s32 v4, v48  }
0x2ee: {  	v29 =	vor.u32 v15, v29;
	v50 =	vadd.s32 v23, v31;
	v37 =	vld.idx.msk [tilespmem:v47+s20+$0x0], $0xffff  }
0x2ef: {  	v39 =	vadd.s32 v1, v50;
	v38 =	vmul.f32 $8.000000000e+00, v38  }
0x2f0: {  	v51 =	vor.u32 v11, v33;
	v52 =	vadd.s32 v17, v35  }
0x2f1: {  	v53 =	vadd.s32 v12, v52;
	[tilespmem:v49+s21+$0x0] =	vst.idx.msk $0xffff, v38;
	v36 =	vmul.f32 $8.000000000e+00, v36  }
0x2f2: {  	v30 =	vld.idx.msk [tilespmem:v30+s20+$0x0], $0xffff  }
0x2f3: {  	[tilespmem:v29+s21+$0x0] =	vst.idx.msk $0xffff, v36;
	v29 =	vmul.f32 $8.000000000e+00, v37  }
0x2f4: {  	v54 =	vadd.s32 v20, v34;
	v56 =	vor.u32 v5, v32;
	v55 =	vld.idx.msk [tilespmem:v39+s20+$0x0], $0xffff  }
0x2f5: {  	v36 =	vadd.s32 v6, v54;
	[tilespmem:v51+s21+$0x0] =	vst.idx.msk $0xffff, v29;
	v29 =	vshll.u32 v31, $0x7  }
0x2f6: {  	v58 =	vadd.s32 v22, v31;
	v38 =	vld.idx.msk [tilespmem:v53+s20+$0x0], $0xffff;
	v57 =	vor.u32 v0, v29  }
0x2f7: {  	v41 =	vadd.s32 v2, v58;
	v30 =	vmul.f32 $8.000000000e+00, v30  }
0x2f8: {  	v35 =	vadd.s32 v16, v35;
	v59 =	vor.u32 v13, v33  }
0x2f9: {  	v35 =	vadd.s32 v14, v35;
	[tilespmem:v56+s21+$0x0] =	vst.idx.msk $0xffff, v30;
	v30 =	vmul.f32 $8.000000000e+00, v55  }
0x2fa: {  	v36 =	vld.idx.msk [tilespmem:v36+s20+$0x0], $0xffff  }
0x2fb: {  	[tilespmem:v57+s21+$0x0] =	vst.idx.msk $0xffff, v30;
	v30 =	vmul.f32 $8.000000000e+00, v38  }
0x2fc: {  	v60 =	vadd.s32 v19, v34;
	v62 =	vor.u32 v7, v32;
	v61 =	vld.idx.msk [tilespmem:v41+s20+$0x0], $0xffff  }
0x2fd: {  	[tilespmem:v59+s21+$0x0] =	vst.idx.msk $0xffff, v30;
	v30 =	vadd.s32 v8, v60  }
0x2fe: {  	v43 =	vadd.s32 v21, v31;
	v63 =	vor.u32 v3, v29;
	v35 =	vld.idx.msk [tilespmem:v35+s20+$0x0], $0xffff  }
0x2ff: {  	v44 =	vadd.s32 v4, v43;
	v38 =	vor.u32 $0x20, v28;
	v36 =	vmul.f32 $8.000000000e+00, v36  }
0x300: {  	v28 =	vor.u32 v15, v33;
	v45 =	vadd.s32 v23, v38  }
0x301: {  	v33 =	vadd.s32 v1, v45;
	[tilespmem:v62+s21+$0x0] =	vst.idx.msk $0xffff, v36;
	v46 =	vmul.f32 $8.000000000e+00, v61  }
0x302: {  	v30 =	vld.idx.msk [tilespmem:v30+s20+$0x0], $0xffff  }
0x303: {  	[tilespmem:v63+s21+$0x0] =	vst.idx.msk $0xffff, v46;
	v35 =	vmul.f32 $8.000000000e+00, v35  }
0x304: {  	v48 =	vor.u32 v9, v32;
	v47 =	vadd.s32 v18, v34;
	v37 =	vld.idx.msk [tilespmem:v44+s20+$0x0], $0xffff  }
0x305: {  	v36 =	vadd.s32 v10, v47;
	[tilespmem:v28+s21+$0x0] =	vst.idx.msk $0xffff, v35  }
0x306: {  	v49 =	vor.u32 v5, v29;
	v28 =	vadd.s32 v20, v31;
	v33 =	vld.idx.msk [tilespmem:v33+s20+$0x0], $0xffff  }
0x307: {  	s7 =	simm.s32 $0x3;
	v35 =	vshll.u32 v38, $0x7;
	v51 =	vadd.s32 v6, v28;
	v50 =	vmul.f32 $8.000000000e+00, v30  }
0x308: {  	v44 =	vadd.s32 v22, v38;
	v28 =	vadd.s32 s7, v0;
	v43 =	vor.u32 v0, v35  }
0x309: {  	v52 =	vadd.s32 v2, v44;
	v30 =	vand.u32 $0xF, v28;
	[tilespmem:v48+s21+$0x0] =	vst.idx.msk $0xffff, v50;
	v37 =	vmul.f32 $8.000000000e+00, v37  }
0x30a: {  	v53 =	vadd.s32 v23, v30;
	v36 =	vld.idx.msk [tilespmem:v36+s20+$0x0], $0xffff  }
0x30b: {  	v54 =	vadd.s32 v1, v53;
	[tilespmem:v49+s21+$0x0] =	vst.idx.msk $0xffff, v37;
	v33 =	vmul.f32 $8.000000000e+00, v33  }
0x30c: {  	v55 =	vadd.s32 v17, v34;
	v57 =	vor.u32 v11, v32;
	v56 =	vld.idx.msk [tilespmem:v51+s20+$0x0], $0xffff  }
0x30d: {  	v58 =	vadd.s32 v12, v55;
	[tilespmem:v43+s21+$0x0] =	vst.idx.msk $0xffff, v33  }
0x30e: {  	v59 =	vor.u32 v7, v29;
	v60 =	vadd.s32 v19, v31;
	v39 =	vld.idx.msk [tilespmem:v52+s20+$0x0], $0xffff  }
0x30f: {  	v43 =	vadd.s32 v8, v60;
	v36 =	vmul.f32 $8.000000000e+00, v36  }
0x310: {  	v45 =	vadd.s32 v21, v38;
	v61 =	vor.u32 v3, v35;
	v37 =	vld.idx.msk [tilespmem:v54+s20+$0x0], $0xffff  }
0x311: {  	v62 =	vadd.s32 v4, v45;
	[tilespmem:v57+s21+$0x0] =	vst.idx.msk $0xffff, v36;
	v41 =	vmul.f32 $8.000000000e+00, v56;
	v36 =	vshll.u32 v30, $0x7  }
0x312: {  	v63 =	vadd.s32 v22, v30;
	v33 =	vld.idx.msk [tilespmem:v58+s20+$0x0], $0xffff;
	v46 =	vor.u32 v0, v36  }
0x313: {  	v48 =	vadd.s32 v2, v63;
	[tilespmem:v59+s21+$0x0] =	vst.idx.msk $0xffff, v41;
	v39 =	vmul.f32 $8.000000000e+00, v39  }
0x314: {  	v50 =	vor.u32 v13, v32;
	v49 =	vadd.s32 v16, v34;
	v43 =	vld.idx.msk [tilespmem:v43+s20+$0x0], $0xffff  }
0x315: {  	v51 =	vadd.s32 v14, v49;
	v37 =	vmul.f32 $8.000000000e+00, v37;
	[tilespmem:v61+s21+$0x0] =	vst.idx.msk $0xffff, v39  }
0x316: {  	v53 =	vor.u32 v9, v29;
	v54 =	vadd.s32 v18, v31;
	v52 =	vld.idx.msk [tilespmem:v62+s20+$0x0], $0xffff  }
0x317: {  	v55 =	vadd.s32 v10, v54;
	[tilespmem:v46+s21+$0x0] =	vst.idx.msk $0xffff, v37;
	v33 =	vmul.f32 $8.000000000e+00, v33  }
0x318: {  	v56 =	vor.u32 v5, v35;
	v57 =	vadd.s32 v20, v38;
	v40 =	vld.idx.msk [tilespmem:v48+s20+$0x0], $0xffff  }
0x319: {  	v59 =	vadd.s32 v6, v57;
	[tilespmem:v50+s21+$0x0] =	vst.idx.msk $0xffff, v33;
	v58 =	vmul.f32 $8.000000000e+00, v43  }
0x31a: {  	v60 =	vadd.s32 v21, v30;
	v47 =	vor.u32 v3, v36;
	v61 =	vld.idx.msk [tilespmem:v51+s20+$0x0], $0xffff  }
0x31b: {  	v63 =	vadd.s32 v4, v60;
	v39 =	vor.u32 $0x10, v25;
	[tilespmem:v53+s21+$0x0] =	vst.idx.msk $0xffff, v58;
	v62 =	vmul.f32 $8.000000000e+00, v52  }
0x31c: {  	v32 =	vor.u32 v15, v32;
	v48 =	vadd.s32 v23, v39;
	v37 =	vld.idx.msk [tilespmem:v55+s20+$0x0], $0xffff  }
0x31d: {  	v50 =	vadd.s32 v1, v48;
	[tilespmem:v56+s21+$0x0] =	vst.idx.msk $0xffff, v62;
	v49 =	vmul.f32 $8.000000000e+00, v40  }
0x31e: {  	v52 =	vor.u32 v11, v29;
	v53 =	vadd.s32 v17, v31;
	v51 =	vld.idx.msk [tilespmem:v59+s20+$0x0], $0xffff  }
0x31f: {  	v44 =	vadd.s32 v12, v53;
	[tilespmem:v47+s21+$0x0] =	vst.idx.msk $0xffff, v49;
	v54 =	vmul.f32 $8.000000000e+00, v61  }
0x320: {  	v55 =	vor.u32 v7, v35;
	v56 =	vadd.s32 v19, v38;
	v41 =	vld.idx.msk [tilespmem:v63+s20+$0x0], $0xffff  }
0x321: {  	v58 =	vadd.s32 v8, v56;
	[tilespmem:v32+s21+$0x0] =	vst.idx.msk $0xffff, v54;
	v57 =	vmul.f32 $8.000000000e+00, v37  }
0x322: {  	v60 =	vor.u32 v5, v36;
	v59 =	vadd.s32 v20, v30;
	v40 =	vld.idx.msk [tilespmem:v50+s20+$0x0], $0xffff  }
0x323: {  	v62 =	vadd.s32 v6, v59;
	v37 =	vshll.u32 v39, $0x7;
	[tilespmem:v52+s21+$0x0] =	vst.idx.msk $0xffff, v57;
	v61 =	vmul.f32 $8.000000000e+00, v51  }
0x324: {  	v48 =	vadd.s32 v22, v39;
	v63 =	vor.u32 v0, v37;
	v43 =	vld.idx.msk [tilespmem:v44+s20+$0x0], $0xffff  }
0x325: {  	v50 =	vadd.s32 v2, v48;
	[tilespmem:v55+s21+$0x0] =	vst.idx.msk $0xffff, v61;
	v49 =	vmul.f32 $8.000000000e+00, v41  }
0x326: {  	v31 =	vadd.s32 v16, v31;
	v51 =	vor.u32 v13, v29;
	v33 =	vld.idx.msk [tilespmem:v58+s20+$0x0], $0xffff  }
0x327: {  	v31 =	vadd.s32 v14, v31;
	[tilespmem:v60+s21+$0x0] =	vst.idx.msk $0xffff, v49;
	v52 =	vmul.f32 $8.000000000e+00, v40  }
0x328: {  	v54 =	vor.u32 v9, v35;
	v55 =	vadd.s32 v18, v38;
	v53 =	vld.idx.msk [tilespmem:v62+s20+$0x0], $0xffff  }
0x329: {  	v57 =	vadd.s32 v10, v55;
	[tilespmem:v63+s21+$0x0] =	vst.idx.msk $0xffff, v52;
	v56 =	vmul.f32 $8.000000000e+00, v43  }
0x32a: {  	v59 =	vor.u32 v7, v36;
	v58 =	vadd.s32 v19, v30;
	v41 =	vld.idx.msk [tilespmem:v50+s20+$0x0], $0xffff  }
0x32b: {  	v61 =	vadd.s32 v8, v58;
	[tilespmem:v51+s21+$0x0] =	vst.idx.msk $0xffff, v56;
	v60 =	vmul.f32 $8.000000000e+00, v33  }
0x32c: {  	v62 =	vor.u32 v3, v37;
	v63 =	vadd.s32 v21, v39;
	v31 =	vld.idx.msk [tilespmem:v31+s20+$0x0], $0xffff  }
0x32d: {  	v32 =	vor.u32 $0x20, v26;
	v48 =	vadd.s32 v4, v63;
	[tilespmem:v54+s21+$0x0] =	vst.idx.msk $0xffff, v60;
	v40 =	vmul.f32 $8.000000000e+00, v53  }
0x32e: {  	v29 =	vor.u32 v15, v29;
	v49 =	vadd.s32 v23, v32;
	v26 =	vld.idx.msk [tilespmem:v57+s20+$0x0], $0xffff  }
0x32f: {  	v51 =	vadd.s32 v1, v49;
	[tilespmem:v59+s21+$0x0] =	vst.idx.msk $0xffff, v40;
	v50 =	vmul.f32 $8.000000000e+00, v41  }
0x330: {  	v52 =	vor.u32 v11, v35;
	v53 =	vadd.s32 v17, v38;
	v33 =	vld.idx.msk [tilespmem:v61+s20+$0x0], $0xffff  }
0x331: {  	v54 =	vadd.s32 v12, v53;
	[tilespmem:v62+s21+$0x0] =	vst.idx.msk $0xffff, v50;
	v31 =	vmul.f32 $8.000000000e+00, v31  }
0x332: {  	v55 =	vadd.s32 v18, v30;
	v56 =	vor.u32 v9, v36;
	v42 =	vld.idx.msk [tilespmem:v48+s20+$0x0], $0xffff  }
0x333: {  	v44 =	vadd.s32 v10, v55;
	[tilespmem:v29+s21+$0x0] =	vst.idx.msk $0xffff, v31;
	v26 =	vmul.f32 $8.000000000e+00, v26  }
0x334: {  	v57 =	vor.u32 v5, v37;
	v29 =	vadd.s32 v20, v39;
	v41 =	vld.idx.msk [tilespmem:v51+s20+$0x0], $0xffff  }
0x335: {  	v31 =	vshll.u32 v32, $0x7;
	v58 =	vadd.s32 v6, v29;
	[tilespmem:v52+s21+$0x0] =	vst.idx.msk $0xffff, v26;
	v26 =	vmul.f32 $8.000000000e+00, v33  }
0x336: {  	s7 =	simm.s32 $0x4;
	v60 =	vadd.s32 v22, v32;
	v59 =	vor.u32 v0, v31;
	v40 =	vld.idx.msk [tilespmem:v54+s20+$0x0], $0xffff  }
0x337: {  	v61 =	vadd.s32 v2, v60;
	v29 =	vadd.s32 s7, v0;
	[tilespmem:v56+s21+$0x0] =	vst.idx.msk $0xffff, v26;
	v26 =	vmul.f32 $8.000000000e+00, v42  }
0x338: {  	v38 =	vadd.s32 v16, v38;
	v62 =	vor.u32 v13, v35;
	v33 =	vand.u32 $0xF, v29;
	v44 =	vld.idx.msk [tilespmem:v44+s20+$0x0], $0xffff  }
0x339: {  	v38 =	vadd.s32 v14, v38;
	v48 =	vadd.s32 v23, v33;
	[tilespmem:v57+s21+$0x0] =	vst.idx.msk $0xffff, v26;
	v26 =	vmul.f32 $8.000000000e+00, v41  }
0x33a: {  	v53 =	vor.u32 v11, v36;
	v52 =	vadd.s32 v17, v30;
	v63 =	vadd.s32 v1, v48;
	v43 =	vld.idx.msk [tilespmem:v58+s20+$0x0], $0xffff  }
0x33b: {  	v54 =	vadd.s32 v12, v52;
	[tilespmem:v59+s21+$0x0] =	vst.idx.msk $0xffff, v26;
	v26 =	vmul.f32 $8.000000000e+00, v40  }
0x33c: {  	v55 =	vor.u32 v7, v37;
	v56 =	vadd.s32 v19, v39;
	v42 =	vld.idx.msk [tilespmem:v61+s20+$0x0], $0xffff  }
0x33d: {  	v57 =	vadd.s32 v8, v56;
	[tilespmem:v62+s21+$0x0] =	vst.idx.msk $0xffff, v26;
	v26 =	vmul.f32 $8.000000000e+00, v44  }
0x33e: {  	v35 =	vor.u32 v15, v35;
	v49 =	vor.u32 v3, v31;
	v59 =	vadd.s32 v21, v32;
	v45 =	vld.idx.msk [tilespmem:v38+s20+$0x0], $0xffff  }
0x33f: {  	v24 =	vor.u32 $0x30, v24;
	v41 =	vld.idx.msk [tilespmem:v63+s20+$0x0], $0xffff;
	v60 =	vadd.s32 v4, v59;
	[tilespmem:v53+s21+$0x0] =	vst.idx.msk $0xffff, v26;
	v26 =	vmul.f32 $8.000000000e+00, v43  }
0x340: {  	v58 =	vadd.s32 v23, v24;
	v61 =	vadd.s32 v22, v33;
	v38 =	vshll.u32 v33, $0x7;
	v40 =	vld.idx.msk [tilespmem:v54+s20+$0x0], $0xffff  }
0x341: {  	v62 =	vadd.s32 v1, v58;
	v50 =	vor.u32 v0, v38;
	[tilespmem:v55+s21+$0x0] =	vst.idx.msk $0xffff, v26;
	v26 =	vmul.f32 $8.000000000e+00, v42  }
0x342: {  	v52 =	vor.u32 v13, v36;
	v63 =	vadd.s32 v2, v61;
	v53 =	vadd.s32 v16, v30;
	v44 =	vld.idx.msk [tilespmem:v57+s20+$0x0], $0xffff  }
0x343: {  	v54 =	vadd.s32 v14, v53;
	[tilespmem:v49+s21+$0x0] =	vst.idx.msk $0xffff, v26;
	v26 =	vmul.f32 $8.000000000e+00, v45  }
0x344: {  	v58 =	vadd.s32 v18, v39;
	v41 =	vmul.f32 $8.000000000e+00, v41;
	v57 =	vor.u32 v9, v37;
	v43 =	vld.idx.msk [tilespmem:v60+s20+$0x0], $0xffff  }
0x345: {  	v56 =	vadd.s32 v21, v33;
	[tilespmem:v35+s21+$0x0] =	vst.idx.msk $0xffff, v26;
	v26 =	vmul.f32 $8.000000000e+00, v40;
	v40 =	vadd.s32 v10, v58  }
0x346: {  	v61 =	vadd.s32 v20, v32;
	[tilespmem:v50+s21+$0x0] =	vst.idx.msk $0xffff, v41;
	v60 =	vor.u32 v5, v31;
	v59 =	vld.idx.msk [tilespmem:v62+s20+$0x0], $0xffff  }
0x347: {  	v46 =	vld.idx.msk [tilespmem:v63+s20+$0x0], $0xffff;
	v62 =	vadd.s32 v6, v61;
	[tilespmem:v52+s21+$0x0] =	vst.idx.msk $0xffff, v26;
	v44 =	vmul.f32 $8.000000000e+00, v44;
	v26 =	vshll.u32 v24, $0x7  }
0x348: {  	v51 =	vor.u32 v3, v38;
	v55 =	vadd.s32 v22, v24;
	v63 =	vor.u32 v0, v26;
	v45 =	vld.idx.msk [tilespmem:v54+s20+$0x0], $0xffff  }
0x349: {  	v35 =	vor.u32 $0x10, v28;
	v52 =	vadd.s32 v2, v55;
	[tilespmem:v57+s21+$0x0] =	vst.idx.msk $0xffff, v44;
	v43 =	vmul.f32 $8.000000000e+00, v43  }
0x34a: {  	v36 =	vor.u32 v15, v36;
	v58 =	vadd.s32 v23, v35;
	v57 =	vadd.s32 v4, v56;
	v40 =	vld.idx.msk [tilespmem:v40+s20+$0x0], $0xffff  }
0x34b: {  	v41 =	vmul.f32 $8.000000000e+00, v59;
	[tilespmem:v60+s21+$0x0] =	vst.idx.msk $0xffff, v43;
	v60 =	vadd.s32 v1, v58  }
0x34c: {  	v47 =	vor.u32 v11, v37;
	v61 =	vadd.s32 v17, v39;
	v59 =	vmul.f32 $8.000000000e+00, v46;
	v46 =	vld.idx.msk [tilespmem:v62+s20+$0x0], $0xffff  }
0x34d: {  	v54 =	vadd.s32 v19, v32;
	[tilespmem:v63+s21+$0x0] =	vst.idx.msk $0xffff, v41;
	v62 =	vmul.f32 $8.000000000e+00, v45;
	v63 =	vadd.s32 v12, v61  }
0x34e: {  	v48 =	vor.u32 v7, v31;
	v56 =	vadd.s32 v8, v54;
	[tilespmem:v51+s21+$0x0] =	vst.idx.msk $0xffff, v59;
	v45 =	vld.idx.msk [tilespmem:v52+s20+$0x0], $0xffff  }
0x34f: {  	v59 =	vadd.s32 v21, v24;
	v44 =	vld.idx.msk [tilespmem:v57+s20+$0x0], $0xffff;
	[tilespmem:v36+s21+$0x0] =	vst.idx.msk $0xffff, v62;
	v55 =	vmul.f32 $8.000000000e+00, v40  }
0x350: {  	v58 =	vor.u32 v3, v26;
	v57 =	vadd.s32 v20, v33;
	v61 =	vadd.s32 v4, v59;
	v43 =	vld.idx.msk [tilespmem:v60+s20+$0x0], $0xffff  }
0x351: {  	v36 =	vshll.u32 v35, $0x7;
	v60 =	vor.u32 v5, v38;
	[tilespmem:v47+s21+$0x0] =	vst.idx.msk $0xffff, v55;
	v46 =	vmul.f32 $8.000000000e+00, v46  }
0x352: {  	v41 =	vadd.s32 v6, v57;
	v62 =	vor.u32 v0, v36;
	v42 =	vld.idx.msk [tilespmem:v63+s20+$0x0], $0xffff;
	v63 =	vadd.s32 v22, v35  }
0x353: {  	v39 =	vadd.s32 v16, v39;
	[tilespmem:v48+s21+$0x0] =	vst.idx.msk $0xffff, v46;
	v45 =	vmul.f32 $8.000000000e+00, v45;
	v55 =	vadd.s32 v2, v63  }
0x354: {  	v39 =	vadd.s32 v14, v39;
	v44 =	vmul.f32 $8.000000000e+00, v44;
	v40 =	vld.idx.msk [tilespmem:v56+s20+$0x0], $0xffff  }
0x355: {  	v57 =	vor.u32 v9, v31;
	v56 =	vor.u32 v13, v37;
	[tilespmem:v58+s21+$0x0] =	vst.idx.msk $0xffff, v45;
	v43 =	vmul.f32 $8.000000000e+00, v43  }
0x356: {  	v63 =	vor.u32 v7, v38;
	[tilespmem:v60+s21+$0x0] =	vst.idx.msk $0xffff, v44;
	v58 =	vadd.s32 v18, v32;
	v44 =	vld.idx.msk [tilespmem:v61+s20+$0x0], $0xffff  }
0x357: {  	v60 =	vadd.s32 v19, v33;
	v41 =	vld.idx.msk [tilespmem:v41+s20+$0x0], $0xffff;
	v59 =	vadd.s32 v10, v58;
	[tilespmem:v62+s21+$0x0] =	vst.idx.msk $0xffff, v43  }
0x358: {  	v61 =	vor.u32 v5, v26;
	v42 =	vmul.f32 $8.000000000e+00, v42;
	v62 =	vadd.s32 v20, v24;
	v46 =	vld.idx.msk [tilespmem:v55+s20+$0x0], $0xffff  }
0x359: {  	v47 =	vadd.s32 v8, v60;
	v54 =	vadd.s32 v6, v62;
	v40 =	vmul.f32 $8.000000000e+00, v40  }
0x35a: {  	v55 =	vor.u32 v3, v36;
	[tilespmem:v56+s21+$0x0] =	vst.idx.msk $0xffff, v42;
	v56 =	vadd.s32 v21, v35  }
0x35b: {  	v39 =	vld.idx.msk [tilespmem:v39+s20+$0x0], $0xffff;
	[tilespmem:v57+s21+$0x0] =	vst.idx.msk $0xffff, v40;
	v44 =	vmul.f32 $8.000000000e+00, v44;
	v57 =	vadd.s32 v4, v56  }
0x35c: {  	v37 =	vor.u32 v15, v37;
	v40 =	vor.u32 $0x20, v34;
	v58 =	vmul.f32 $8.000000000e+00, v41  }
0x35d: {  	v59 =	vld.idx.msk [tilespmem:v59+s20+$0x0], $0xffff;
	v60 =	vadd.s32 v23, v40;
	[tilespmem:v61+s21+$0x0] =	vst.idx.msk $0xffff, v44;
	v61 =	vmul.f32 $8.000000000e+00, v46  }
0x35e: {  	v62 =	vadd.s32 v17, v32;
	v43 =	vadd.s32 v1, v60;
	[tilespmem:v63+s21+$0x0] =	vst.idx.msk $0xffff, v58;
	v34 =	vld.idx.msk [tilespmem:v54+s20+$0x0], $0xffff  }
0x35f: {  	v42 =	vor.u32 v11, v31;
	v56 =	vor.u32 v7, v26;
	v47 =	vld.idx.msk [tilespmem:v47+s20+$0x0], $0xffff;
	[tilespmem:v55+s21+$0x0] =	vst.idx.msk $0xffff, v61  }
0x360: {  	v44 =	vadd.s32 v12, v62;
	v39 =	vmul.f32 $8.000000000e+00, v39;
	v49 =	vld.idx.msk [tilespmem:v57+s20+$0x0], $0xffff;
	v57 =	vadd.s32 v19, v24  }
0x361: {  	v63 =	vadd.s32 v18, v33;
	v58 =	vor.u32 v9, v38;
	v60 =	vadd.s32 v8, v57  }
0x362: {  	v41 =	vshll.u32 v40, $0x7;
	v48 =	vadd.s32 v10, v63;
	[tilespmem:v37+s21+$0x0] =	vst.idx.msk $0xffff, v39;
	v59 =	vmul.f32 $8.000000000e+00, v59  }
0x363: {  	v46 =	vor.u32 v5, v36;
	v61 =	vadd.s32 v20, v35;
	v43 =	vld.idx.msk [tilespmem:v43+s20+$0x0], $0xffff;
	v62 =	vmul.f32 $8.000000000e+00, v34  }
0x364: {  	s7 =	simm.s32 $0x5;
	v45 =	vor.u32 v0, v41;
	[tilespmem:v42+s21+$0x0] =	vst.idx.msk $0xffff, v59;
	v53 =	vmul.f32 $8.000000000e+00, v47;
	v47 =	vadd.s32 v6, v61  }
0x365: {  	v63 =	vadd.s32 v22, v40;
	v34 =	vadd.s32 s7, v0;
	v42 =	vld.idx.msk [tilespmem:v44+s20+$0x0], $0xffff;
	[tilespmem:v56+s21+$0x0] =	vst.idx.msk $0xffff, v62  }
0x366: {  	s7 =	simm.s32 $0x6;
	v39 =	vand.u32 $0xF, v34;
	v44 =	vadd.s32 v2, v63;
	[tilespmem:v58+s21+$0x0] =	vst.idx.msk $0xffff, v53;
	v49 =	vmul.f32 $8.000000000e+00, v49;
	v37 =	vld.idx.msk [tilespmem:v60+s20+$0x0], $0xffff  }
.LBB2_14:
0x367: {  	p1 =	sne.s32 s7, $0xF;
	v48 =	vld.idx.msk [tilespmem:v48+s20+$0x0], $0xffff;
	v50 =	vor.u32 v13, v31;
	v32 =	vadd.s32 v16, v32;
	v51 =	vadd.s32 v18, v24  }
0x368: {  	v52 =	vadd.s32 v23, v39;
	v43 =	vmul.f32 $8.000000000e+00, v43;
	[tilespmem:v46+s21+$0x0] =	vst.idx.msk $0xffff, v49;
	v46 =	vadd.s32 v14, v32  }
0x369: {  	v55 =	vadd.s32 v17, v33;
	v49 =	vadd.s32 v1, v52;
	v52 =	vor.u32 v9, v26;
	v47 =	vld.idx.msk [tilespmem:v47+s20+$0x0], $0xffff  }
0x36a: {  	v53 =	vor.u32 v11, v38;
	v42 =	vmul.f32 $8.000000000e+00, v42;
	[tilespmem:v45+s21+$0x0] =	vst.idx.msk $0xffff, v43;
	v43 =	vadd.s32 v10, v51  }
0x36b: {  	v54 =	vadd.s32 v17, v24;
	v45 =	vadd.s32 v12, v55;
	v51 =	vor.u32 $0x30, v27;
	v32 =	vmovc v40;
	v44 =	vld.idx.msk [tilespmem:v44+s20+$0x0], $0xffff  }
0x36c: {  	v40 =	vor.u32 v7, v36;
	v55 =	vadd.s32 v19, v35;
	v37 =	vmul.f32 $8.000000000e+00, v37;
	[tilespmem:v50+s21+$0x0] =	vst.idx.msk $0xffff, v42  }
0x36d: {  	v27 =	vmovc v25;
	v42 =	vmul.f32 $8.000000000e+00, v48;
	v48 =	vadd.s32 v8, v55;
	v50 =	vadd.s32 v23, v51;
	v46 =	vld.idx.msk [tilespmem:v46+s20+$0x0], $0xffff  }
0x36e: {  	v56 =	vadd.s32 v21, v32;
	v55 =	vor.u32 v3, v41;
	v49 =	vld.idx.msk [tilespmem:v49+s20+$0x0], $0xffff;
	[tilespmem:v52+s21+$0x0] =	vst.idx.msk $0xffff, v37  }
0x36f: {  	v25 =	vmov v28;
	v37 =	vmul.f32 $8.000000000e+00, v47;
	[tilespmem:v53+s21+$0x0] =	vst.idx.msk $0xffff, v42;
	v42 =	vadd.s32 v4, v56;
	v43 =	vld.idx.msk [tilespmem:v43+s20+$0x0], $0xffff  }
0x370: {  	v28 =	vshll.u32 v39, $0x7;
	v47 =	vadd.s32 v22, v39;
	v52 =	vor.u32 v15, v31;
	v31 =	vmovc v41;
	v45 =	vld.idx.msk [tilespmem:v45+s20+$0x0], $0xffff  }
0x371: {  	v41 =	vor.u32 v0, v28;
	[tilespmem:v40+s21+$0x0] =	vst.idx.msk $0xffff, v37;
	v37 =	vmul.f32 $8.000000000e+00, v44;
	v40 =	vadd.s32 v1, v50  }
0x372: {  	v44 =	vadd.s32 v2, v47;
	v47 =	vadd.s32 v16, v33;
	v50 =	vor.u32 v11, v26;
	v48 =	vld.idx.msk [tilespmem:v48+s20+$0x0], $0xffff  }
0x373: {  	v53 =	vor.u32 v13, v38;
	[tilespmem:v55+s21+$0x0] =	vst.idx.msk $0xffff, v37;
	v37 =	vmul.f32 $8.000000000e+00, v46;
	v46 =	vadd.s32 v12, v54  }
0x374: {  	v47 =	vadd.s32 v14, v47;
	v49 =	vmul.f32 $8.000000000e+00, v49;
	v54 =	vadd.s32 v16, v24;
	v24 =	vmovc v51;
	v42 =	vld.idx.msk [tilespmem:v42+s20+$0x0], $0xffff  }
0x375: {  	v51 =	vor.u32 v9, v36;
	v55 =	vadd.s32 v18, v35;
	[tilespmem:v52+s21+$0x0] =	vst.idx.msk $0xffff, v37;
	v37 =	vmul.f32 $8.000000000e+00, v43  }
0x376: {  	v43 =	vor.u32 $0x10, v29;
	[tilespmem:v41+s21+$0x0] =	vst.idx.msk $0xffff, v49;
	v41 =	vmul.f32 $8.000000000e+00, v45;
	v45 =	vadd.s32 v10, v55;
	v40 =	vld.idx.msk [tilespmem:v40+s20+$0x0], $0xffff  }
0x377: {  	v52 =	vadd.s32 v20, v32;
	v49 =	vor.u32 v5, v31;
	v44 =	vld.idx.msk [tilespmem:v44+s20+$0x0], $0xffff;
	[tilespmem:v50+s21+$0x0] =	vst.idx.msk $0xffff, v37  }
0x378: {  	v37 =	vmul.f32 $8.000000000e+00, v48;
	v48 =	vshll.u32 v24, $0x7;
	[tilespmem:v53+s21+$0x0] =	vst.idx.msk $0xffff, v41;
	v41 =	vadd.s32 v6, v52;
	v46 =	vld.idx.msk [tilespmem:v46+s20+$0x0], $0xffff  }
0x379: {  	v50 =	vadd.s32 v21, v39;
	v52 =	vor.u32 v0, v48;
	v53 =	vadd.s32 v22, v24;
	v47 =	vld.idx.msk [tilespmem:v47+s20+$0x0], $0xffff  }
0x37a: {  	v55 =	vor.u32 v3, v28;
	[tilespmem:v51+s21+$0x0] =	vst.idx.msk $0xffff, v37;
	v37 =	vmul.f32 $8.000000000e+00, v42;
	v42 =	vadd.s32 v2, v53  }
0x37b: {  	v50 =	vadd.s32 v4, v50;
	v51 =	vadd.s32 v23, v43;
	v53 =	vor.u32 v13, v26;
	v45 =	vld.idx.msk [tilespmem:v45+s20+$0x0], $0xffff  }
0x37c: {  	v56 =	vor.u32 v15, v38;
	[tilespmem:v49+s21+$0x0] =	vst.idx.msk $0xffff, v37;
	v37 =	vmul.f32 $8.000000000e+00, v40;
	v40 =	vadd.s32 v14, v54  }
0x37d: {  	v38 =	vmovc v28;
	v28 =	vmovc v29;
	v29 =	vmov v34;
	v44 =	vmul.f32 $8.000000000e+00, v44;
	v49 =	vadd.s32 v1, v51;
	v41 =	vld.idx.msk [tilespmem:v41+s20+$0x0], $0xffff  }
0x37e: {  	v34 =	vor.u32 v11, v36;
	v51 =	vadd.s32 v17, v35;
	[tilespmem:v52+s21+$0x0] =	vst.idx.msk $0xffff, v37;
	v37 =	vmul.f32 $8.000000000e+00, v46  }
0x37f: {  	v46 =	vadd.s32 v12, v51;
	[tilespmem:v55+s21+$0x0] =	vst.idx.msk $0xffff, v44;
	v44 =	vmul.f32 $8.000000000e+00, v47;
	v42 =	vld.idx.msk [tilespmem:v42+s20+$0x0], $0xffff  }
0x380: {  	v51 =	vadd.s32 v19, v32;
	v47 =	vld.idx.msk [tilespmem:v50+s20+$0x0], $0xffff;
	v50 =	vor.u32 v7, v31;
	[tilespmem:v53+s21+$0x0] =	vst.idx.msk $0xffff, v37  }
0x381: {  	v37 =	vmul.f32 $8.000000000e+00, v45;
	[tilespmem:v56+s21+$0x0] =	vst.idx.msk $0xffff, v44;
	v44 =	vadd.s32 v8, v51;
	v40 =	vld.idx.msk [tilespmem:v40+s20+$0x0], $0xffff  }
0x382: {  	v52 =	vadd.s32 v21, v24;
	v45 =	vadd.s32 v20, v39;
	v51 =	vor.u32 v3, v48;
	v49 =	vld.idx.msk [tilespmem:v49+s20+$0x0], $0xffff  }
0x383: {  	v53 =	vor.u32 v5, v38;
	[tilespmem:v34+s21+$0x0] =	vst.idx.msk $0xffff, v37;
	v34 =	vmul.f32 $8.000000000e+00, v41;
	v37 =	vadd.s32 v4, v52  }
0x384: {  	v41 =	vadd.s32 v6, v45;
	v45 =	vshll.u32 v43, $0x7;
	v52 =	vor.u32 v15, v26;
	v26 =	vmovc v48;
	v46 =	vld.idx.msk [tilespmem:v46+s20+$0x0], $0xffff  }
0x385: {  	v54 =	vadd.s32 v22, v43;
	v48 =	vor.u32 v0, v45;
	[tilespmem:v50+s21+$0x0] =	vst.idx.msk $0xffff, v34;
	v34 =	vmul.f32 $8.000000000e+00, v42  }
0x386: {  	v42 =	vmul.f32 $8.000000000e+00, v47;
	v47 =	vadd.s32 v2, v54;
	v44 =	vld.idx.msk [tilespmem:v44+s20+$0x0], $0xffff  }
0x387: {  	v50 =	vor.u32 v13, v36;
	v54 =	vadd.s32 v16, v35;
	[tilespmem:v51+s21+$0x0] =	vst.idx.msk $0xffff, v34;
	v34 =	vmul.f32 $8.000000000e+00, v40  }
0x388: {  	v35 =	vmov v43;
	v40 =	vmul.f32 $8.000000000e+00, v49;
	[tilespmem:v53+s21+$0x0] =	vst.idx.msk $0xffff, v42;
	v42 =	vadd.s32 v14, v54;
	v37 =	vld.idx.msk [tilespmem:v37+s20+$0x0], $0xffff  }
0x389: {  	v43 =	vor.u32 v9, v31;
	v49 =	vadd.s32 v18, v32;
	v41 =	vld.idx.msk [tilespmem:v41+s20+$0x0], $0xffff;
	[tilespmem:v52+s21+$0x0] =	vst.idx.msk $0xffff, v34  }
0x38a: {  	v34 =	vmul.f32 $8.000000000e+00, v46;
	v46 =	vadd.s32 v10, v49;
	[tilespmem:v48+s21+$0x0] =	vst.idx.msk $0xffff, v40  }
0x38b: {  	v49 =	vadd.s32 v20, v24;
	v40 =	vadd.s32 v19, v39;
	v48 =	vor.u32 v5, v26;
	v47 =	vld.idx.msk [tilespmem:v47+s20+$0x0], $0xffff  }
0x38c: {  	v51 =	vor.u32 v7, v38;
	[tilespmem:v50+s21+$0x0] =	vst.idx.msk $0xffff, v34;
	v34 =	vmul.f32 $8.000000000e+00, v44;
	v44 =	vadd.s32 v6, v49  }
0x38d: {  	v49 =	vadd.s32 v8, v40;
	v42 =	vld.idx.msk [tilespmem:v42+s20+$0x0], $0xffff  }
0x38e: {  	v50 =	vor.u32 v3, v45;
	v40 =	vadd.s32 v21, v35;
	[tilespmem:v43+s21+$0x0] =	vst.idx.msk $0xffff, v34;
	v34 =	vmul.f32 $8.000000000e+00, v37  }
0x38f: {  	v37 =	vmul.f32 $8.000000000e+00, v41;
	v41 =	vadd.s32 v4, v40;
	v40 =	vor.u32 $0x20, v30;
	v30 =	vmovc v33;
	v33 =	vmovc v39;
	v43 =	vld.idx.msk [tilespmem:v46+s20+$0x0], $0xffff  }
0x390: {  	v39 =	vor.u32 v15, v36;
	v36 =	vmov v45;
	v46 =	vadd.s32 v23, v40;
	[tilespmem:v48+s21+$0x0] =	vst.idx.msk $0xffff, v34  }
0x391: {  	v34 =	vmul.f32 $8.000000000e+00, v47;
	[tilespmem:v51+s21+$0x0] =	vst.idx.msk $0xffff, v37;
	v37 =	vadd.s32 v1, v46;
	v44 =	vld.idx.msk [tilespmem:v44+s20+$0x0], $0xffff  }
0x392: {  	v47 =	vor.u32 v11, v31;
	v46 =	vadd.s32 v17, v32;
	v45 =	vld.idx.msk [tilespmem:v49+s20+$0x0], $0xffff  }
0x393: {  	[tilespmem:v50+s21+$0x0] =	vst.idx.msk $0xffff, v34;
	v34 =	vmul.f32 $8.000000000e+00, v42;
	v42 =	vadd.s32 v12, v46  }
0x394: {  	v46 =	vadd.s32 v18, v33;
	v50 =	vor.u32 v7, v26;
	v49 =	vld.idx.msk [tilespmem:v41+s20+$0x0], $0xffff;
	v41 =	vadd.s32 v19, v24  }
0x395: {  	v51 =	vor.u32 v9, v38;
	[tilespmem:v39+s21+$0x0] =	vst.idx.msk $0xffff, v34;
	v34 =	vmul.f32 $8.000000000e+00, v43;
	v52 =	vadd.s32 v8, v41  }
.Ltmp9:
0x396: {  	v48 =	vadd.s32 v10, v46;
	v43 =	vld.idx.msk [tilespmem:v37+s20+$0x0], $0xffff;
	(pc) =	sbr.rel @p1 .LBB2_14-.Ltmp9, $4  }
0x397: {  	v46 =	vor.u32 v5, v36;
	v37 =	vadd.s32 v20, v35;
	v39 =	vmul.f32 $8.000000000e+00, v44;
	[tilespmem:v47+s21+$0x0] =	vst.idx.msk $0xffff, v34  }
0x398: {  	v41 =	vshll.u32 v40, $0x7;
	v44 =	vmul.f32 $8.000000000e+00, v45;
	v47 =	vadd.s32 v6, v37;
	v42 =	vld.idx.msk [tilespmem:v42+s20+$0x0], $0xffff  }
0x399: {  	v34 =	vadd.s32 s7, v0;
	v45 =	vor.u32 v0, v41;
	v37 =	vadd.s32 v22, v40;
	[tilespmem:v50+s21+$0x0] =	vst.idx.msk $0xffff, v39  }
0x39a: {  	s7 =	sadd.s32 $0x1, s7;
	v39 =	vand.u32 $0xF, v34;
	v49 =	vmul.f32 $8.000000000e+00, v49;
	[tilespmem:v51+s21+$0x0] =	vst.idx.msk $0xffff, v44;
	v44 =	vadd.s32 v2, v37;
	v37 =	vld.idx.msk [tilespmem:v52+s20+$0x0], $0xffff  }
0x39b: {  	v50 =	vadd.s32 v23, v39  }
0x39c: {  	v50 =	vadd.s32 v1, v50;
	_ =	sdelay $0x4  }
0x39d: {  	v50 =	vld.idx.msk [tilespmem:v50+s20+$0x0], $0xffff  }
0x39e: {  	v51 =	vshll.u32 v39, $0x7  }
0x39f: {  	v52 =	vadd.s32 v22, v39;
	v53 =	vor.u32 v0, v51  }
0x3a0: {  	v52 =	vadd.s32 v2, v52;
	_ =	sdelay $0x1  }
0x3a1: {  	v50 =	vmul.f32 $8.000000000e+00, v50;
	_ =	sdelay $0x1  }
0x3a2: {  	[tilespmem:v53+s21+$0x0] =	vst.idx.msk $0xffff, v50  }
0x3a3: {  	v50 =	vld.idx.msk [tilespmem:v52+s20+$0x0], $0xffff;
	_ =	sdelay $0x1  }
0x3a4: {  	v60 =	vadd.s32 v21, v39;
	v61 =	vor.u32 v3, v51  }
0x3a5: {  	v52 =	vadd.s32 v4, v60;
	_ =	sdelay $0x1  }
0x3a6: {  	v50 =	vmul.f32 $8.000000000e+00, v50;
	_ =	sdelay $0x1  }
0x3a7: {  	[tilespmem:v61+s21+$0x0] =	vst.idx.msk $0xffff, v50  }
0x3a8: {  	v50 =	vld.idx.msk [tilespmem:v52+s20+$0x0], $0xffff;
	_ =	sdelay $0x1  }
0x3a9: {  	v62 =	vadd.s32 v20, v39;
	v63 =	vor.u32 v5, v51  }
0x3aa: {  	v52 =	vadd.s32 v6, v62;
	_ =	sdelay $0x1  }
0x3ab: {  	v50 =	vmul.f32 $8.000000000e+00, v50;
	_ =	sdelay $0x1  }
0x3ac: {  	[tilespmem:v63+s21+$0x0] =	vst.idx.msk $0xffff, v50  }
0x3ad: {  	v50 =	vld.idx.msk [tilespmem:v52+s20+$0x0], $0xffff;
	_ =	sdelay $0x1  }
0x3ae: {  	v56 =	vadd.s32 v19, v39;
	v57 =	vor.u32 v7, v51  }
0x3af: {  	v52 =	vadd.s32 v8, v56;
	_ =	sdelay $0x1  }
0x3b0: {  	v50 =	vmul.f32 $8.000000000e+00, v50;
	_ =	sdelay $0x1  }
0x3b1: {  	[tilespmem:v57+s21+$0x0] =	vst.idx.msk $0xffff, v50  }
0x3b2: {  	v50 =	vld.idx.msk [tilespmem:v52+s20+$0x0], $0xffff;
	_ =	sdelay $0x1  }
0x3b3: {  	v58 =	vadd.s32 v18, v39;
	v59 =	vor.u32 v9, v51  }
0x3b4: {  	v52 =	vadd.s32 v10, v58;
	_ =	sdelay $0x1  }
0x3b5: {  	v50 =	vmul.f32 $8.000000000e+00, v50;
	_ =	sdelay $0x1  }
0x3b6: {  	v48 =	vld.idx.msk [tilespmem:v48+s20+$0x0], $0xffff;
	[tilespmem:v59+s21+$0x0] =	vst.idx.msk $0xffff, v50  }
0x3b7: {  	v50 =	vld.idx.msk [tilespmem:v52+s20+$0x0], $0xffff  }
0x3b8: {  	v60 =	vadd.s32 v17, v33;
	v61 =	vor.u32 v11, v38  }
0x3b9: {  	v54 =	vadd.s32 v17, v39;
	v55 =	vor.u32 v11, v51;
	v52 =	vadd.s32 v12, v60  }
0x3ba: {  	v54 =	vadd.s32 v12, v54  }
0x3bb: {  	v48 =	vmul.f32 $8.000000000e+00, v48  }
0x3bc: {  	v50 =	vmul.f32 $8.000000000e+00, v50  }
0x3bd: {  	[tilespmem:v61+s21+$0x0] =	vst.idx.msk $0xffff, v48  }
0x3be: {  	v48 =	vld.idx.msk [tilespmem:v52+s20+$0x0], $0xffff;
	[tilespmem:v55+s21+$0x0] =	vst.idx.msk $0xffff, v50  }
0x3bf: {  	v50 =	vld.idx.msk [tilespmem:v54+s20+$0x0], $0xffff  }
0x3c0: {  	v62 =	vadd.s32 v16, v33;
	v63 =	vor.u32 v13, v38  }
0x3c1: {  	v57 =	vadd.s32 v16, v39;
	v58 =	vor.u32 v13, v51;
	v52 =	vadd.s32 v14, v62  }
0x3c2: {  	v54 =	vadd.s32 v14, v57  }
0x3c3: {  	v48 =	vmul.f32 $8.000000000e+00, v48  }
0x3c4: {  	v50 =	vmul.f32 $8.000000000e+00, v50  }
0x3c5: {  	[tilespmem:v63+s21+$0x0] =	vst.idx.msk $0xffff, v48  }
0x3c6: {  	v48 =	vld.idx.msk [tilespmem:v52+s20+$0x0], $0xffff;
	[tilespmem:v58+s21+$0x0] =	vst.idx.msk $0xffff, v50  }
0x3c7: {  	v50 =	vor.u32 $0x10, v29;
	v59 =	vld.idx.msk [tilespmem:v54+s20+$0x0], $0xffff  }
0x3c8: {  	v61 =	vor.u32 v15, v38;
	v60 =	vadd.s32 v23, v50;
	v54 =	vor.u32 $0x10, v34  }
0x3c9: {  	v51 =	vor.u32 v15, v51;
	v53 =	vadd.s32 v1, v60;
	v62 =	vadd.s32 v23, v54  }
0x3ca: {  	v55 =	vadd.s32 v1, v62  }
0x3cb: {  	v48 =	vmul.f32 $8.000000000e+00, v48  }
0x3cc: {  	v52 =	vmul.f32 $8.000000000e+00, v59  }
0x3cd: {  	[tilespmem:v61+s21+$0x0] =	vst.idx.msk $0xffff, v48  }
0x3ce: {  	v53 =	vld.idx.msk [tilespmem:v53+s20+$0x0], $0xffff;
	[tilespmem:v51+s21+$0x0] =	vst.idx.msk $0xffff, v52  }
0x3cf: {  	v48 =	vshll.u32 v50, $0x7;
	v51 =	vld.idx.msk [tilespmem:v55+s20+$0x0], $0xffff  }
0x3d0: {  	v38 =	vshll.u32 v54, $0x7;
	v63 =	vor.u32 v0, v48;
	v59 =	vadd.s32 v22, v50  }
0x3d1: {  	v57 =	vadd.s32 v22, v54;
	v56 =	vor.u32 v0, v38;
	v55 =	vadd.s32 v2, v59  }
0x3d2: {  	v57 =	vadd.s32 v2, v57  }
0x3d3: {  	v53 =	vmul.f32 $8.000000000e+00, v53  }
0x3d4: {  	v51 =	vmul.f32 $8.000000000e+00, v51  }
0x3d5: {  	[tilespmem:v63+s21+$0x0] =	vst.idx.msk $0xffff, v53  }
0x3d6: {  	v52 =	vld.idx.msk [tilespmem:v55+s20+$0x0], $0xffff;
	[tilespmem:v56+s21+$0x0] =	vst.idx.msk $0xffff, v51  }
0x3d7: {  	v51 =	vld.idx.msk [tilespmem:v57+s20+$0x0], $0xffff  }
0x3d8: {  	v61 =	vadd.s32 v21, v50;
	v60 =	vor.u32 v3, v48  }
0x3d9: {  	v62 =	vor.u32 v3, v38;
	v63 =	vadd.s32 v21, v54;
	v55 =	vadd.s32 v4, v61  }
0x3da: {  	v57 =	vadd.s32 v4, v63  }
0x3db: {  	v52 =	vmul.f32 $8.000000000e+00, v52  }
0x3dc: {  	v51 =	vmul.f32 $8.000000000e+00, v51  }
0x3dd: {  	[tilespmem:v60+s21+$0x0] =	vst.idx.msk $0xffff, v52  }
0x3de: {  	v52 =	vld.idx.msk [tilespmem:v55+s20+$0x0], $0xffff;
	[tilespmem:v62+s21+$0x0] =	vst.idx.msk $0xffff, v51  }
0x3df: {  	v51 =	vld.idx.msk [tilespmem:v57+s20+$0x0], $0xffff  }
0x3e0: {  	v61 =	vadd.s32 v20, v50;
	v60 =	vor.u32 v5, v48  }
0x3e1: {  	v63 =	vadd.s32 v20, v54;
	v55 =	vadd.s32 v6, v61;
	v62 =	vor.u32 v5, v38  }
0x3e2: {  	v57 =	vadd.s32 v6, v63  }
0x3e3: {  	v52 =	vmul.f32 $8.000000000e+00, v52  }
0x3e4: {  	[tilespmem:v46+s21+$0x0] =	vst.idx.msk $0xffff, v49;
	v58 =	vmul.f32 $8.000000000e+00, v51  }
0x3e5: {  	v47 =	vld.idx.msk [tilespmem:v47+s20+$0x0], $0xffff;
	[tilespmem:v60+s21+$0x0] =	vst.idx.msk $0xffff, v52  }
0x3e6: {  	v49 =	vld.idx.msk [tilespmem:v55+s20+$0x0], $0xffff;
	[tilespmem:v62+s21+$0x0] =	vst.idx.msk $0xffff, v58  }
0x3e7: {  	v43 =	vmul.f32 $8.000000000e+00, v43;
	v46 =	vor.u32 v7, v36;
	v59 =	vadd.s32 v19, v35;
	v60 =	vld.idx.msk [tilespmem:v57+s20+$0x0], $0xffff  }
0x3e8: {  	v53 =	vor.u32 v7, v48;
	v61 =	vadd.s32 v19, v50;
	v51 =	vadd.s32 v8, v59  }
0x3e9: {  	v63 =	vadd.s32 v19, v54;
	v55 =	vadd.s32 v8, v61;
	v62 =	vor.u32 v7, v38  }
0x3ea: {  	v47 =	vmul.f32 $8.000000000e+00, v47;
	v57 =	vadd.s32 v8, v63  }
0x3eb: {  	[tilespmem:v45+s21+$0x0] =	vst.idx.msk $0xffff, v43;
	v59 =	vmul.f32 $8.000000000e+00, v49  }
0x3ec: {  	[tilespmem:v46+s21+$0x0] =	vst.idx.msk $0xffff, v47;
	v60 =	vmul.f32 $8.000000000e+00, v60  }
0x3ed: {  	v46 =	vld.idx.msk [tilespmem:v51+s20+$0x0], $0xffff;
	[tilespmem:v53+s21+$0x0] =	vst.idx.msk $0xffff, v59  }
0x3ee: {  	v43 =	vld.idx.msk [tilespmem:v55+s20+$0x0], $0xffff;
	[tilespmem:v62+s21+$0x0] =	vst.idx.msk $0xffff, v60  }
0x3ef: {  	v47 =	vor.u32 v9, v36;
	v61 =	vadd.s32 v18, v35;
	v51 =	vld.idx.msk [tilespmem:v57+s20+$0x0], $0xffff  }
0x3f0: {  	v44 =	vld.idx.msk [tilespmem:v44+s20+$0x0], $0xffff;
	v52 =	vor.u32 v9, v48;
	v49 =	vadd.s32 v10, v61;
	v62 =	vadd.s32 v18, v50  }
0x3f1: {  	v63 =	vor.u32 v9, v38;
	v60 =	vadd.s32 v18, v54;
	v53 =	vadd.s32 v10, v62  }
0x3f2: {  	v45 =	vor.u32 v3, v41;
	v46 =	vmul.f32 $8.000000000e+00, v46;
	v56 =	vadd.s32 v10, v60  }
0x3f3: {  	v61 =	vadd.s32 v21, v40;
	v43 =	vmul.f32 $8.000000000e+00, v43  }
0x3f4: {  	v57 =	vadd.s32 v4, v61;
	[tilespmem:v47+s21+$0x0] =	vst.idx.msk $0xffff, v46;
	v62 =	vmul.f32 $8.000000000e+00, v51  }
0x3f5: {  	v44 =	vmul.f32 $8.000000000e+00, v44;
	v47 =	vld.idx.msk [tilespmem:v49+s20+$0x0], $0xffff;
	[tilespmem:v52+s21+$0x0] =	vst.idx.msk $0xffff, v43  }
0x3f6: {  	v43 =	vld.idx.msk [tilespmem:v53+s20+$0x0], $0xffff;
	[tilespmem:v63+s21+$0x0] =	vst.idx.msk $0xffff, v62  }
0x3f7: {  	[tilespmem:v45+s21+$0x0] =	vst.idx.msk $0xffff, v44;
	v58 =	vadd.s32 v17, v35;
	v63 =	vor.u32 v11, v36;
	v46 =	vld.idx.msk [tilespmem:v56+s20+$0x0], $0xffff  }
0x3f8: {  	v45 =	vadd.s32 v12, v58;
	v59 =	vadd.s32 v17, v50;
	v51 =	vor.u32 v11, v48  }
0x3f9: {  	v60 =	vadd.s32 v17, v54;
	v49 =	vld.idx.msk [tilespmem:v57+s20+$0x0], $0xffff;
	v52 =	vadd.s32 v12, v59;
	v53 =	vor.u32 v11, v38  }
0x3fa: {  	v55 =	vadd.s32 v12, v60;
	v47 =	vmul.f32 $8.000000000e+00, v47  }
0x3fb: {  	v61 =	vor.u32 v5, v41;
	v62 =	vadd.s32 v20, v40;
	v43 =	vmul.f32 $8.000000000e+00, v43  }
0x3fc: {  	[tilespmem:v63+s21+$0x0] =	vst.idx.msk $0xffff, v47;
	v63 =	vadd.s32 v6, v62;
	v46 =	vmul.f32 $8.000000000e+00, v46  }
0x3fd: {  	v45 =	vld.idx.msk [tilespmem:v45+s20+$0x0], $0xffff;
	[tilespmem:v51+s21+$0x0] =	vst.idx.msk $0xffff, v43  }
0x3fe: {  	v58 =	vadd.s32 v16, v35;
	v49 =	vmul.f32 $8.000000000e+00, v49;
	v43 =	vld.idx.msk [tilespmem:v52+s20+$0x0], $0xffff;
	[tilespmem:v53+s21+$0x0] =	vst.idx.msk $0xffff, v46  }
0x3ff: {  	v35 =	vadd.s32 v14, v58;
	v57 =	vor.u32 v13, v36;
	v59 =	vld.idx.msk [tilespmem:v55+s20+$0x0], $0xffff  }
0x400: {  	v50 =	vadd.s32 v16, v50;
	v60 =	vor.u32 v13, v48;
	[tilespmem:v61+s21+$0x0] =	vst.idx.msk $0xffff, v49  }
0x401: {  	v50 =	vadd.s32 v14, v50;
	v61 =	vor.u32 v13, v38;
	v62 =	vadd.s32 v16, v54;
	v44 =	vld.idx.msk [tilespmem:v63+s20+$0x0], $0xffff  }
0x402: {  	v52 =	vadd.s32 v14, v62;
	v45 =	vmul.f32 $8.000000000e+00, v45  }
0x403: {  	v53 =	vor.u32 v7, v41;
	v43 =	vmul.f32 $8.000000000e+00, v43  }
0x404: {  	v42 =	vmul.f32 $8.000000000e+00, v42;
	v33 =	vor.u32 $0x20, v33;
	[tilespmem:v57+s21+$0x0] =	vst.idx.msk $0xffff, v45;
	v57 =	vmul.f32 $8.000000000e+00, v59  }
0x405: {  	v56 =	vor.u32 v13, v31;
	v63 =	vadd.s32 v19, v40;
	v46 =	vld.idx.msk [tilespmem:v35+s20+$0x0], $0xffff;
	[tilespmem:v60+s21+$0x0] =	vst.idx.msk $0xffff, v43  }
0x406: {  	v54 =	vadd.s32 v8, v63;
	v35 =	vor.u32 $0x20, v30;
	v58 =	vmul.f32 $8.000000000e+00, v44;
	v60 =	vld.idx.msk [tilespmem:v50+s20+$0x0], $0xffff;
	[tilespmem:v61+s21+$0x0] =	vst.idx.msk $0xffff, v57  }
0x407: {  	v63 =	vor.u32 v15, v48;
	v59 =	vadd.s32 v23, v35;
	v61 =	vor.u32 v15, v36;
	v62 =	vld.idx.msk [tilespmem:v52+s20+$0x0], $0xffff  }
0x408: {  	v43 =	vadd.s32 v1, v59;
	v36 =	vor.u32 $0x20, v39;
	[tilespmem:v53+s21+$0x0] =	vst.idx.msk $0xffff, v58;
	v53 =	vadd.s32 v23, v33  }
0x409: {  	v38 =	vor.u32 v15, v38;
	v55 =	vadd.s32 v23, v36;
	v48 =	vadd.s32 v1, v53  }
0x40a: {  	v49 =	vadd.s32 v1, v55;
	v46 =	vmul.f32 $8.000000000e+00, v46  }
0x40b: {  	v32 =	vadd.s32 v16, v32;
	[tilespmem:v56+s21+$0x0] =	vst.idx.msk $0xffff, v42;
	v44 =	vmul.f32 $8.000000000e+00, v60  }
0x40c: {  	v57 =	vadd.s32 v14, v32;
	[tilespmem:v61+s21+$0x0] =	vst.idx.msk $0xffff, v46;
	v58 =	vmul.f32 $8.000000000e+00, v62  }
0x40d: {  	v56 =	vadd.s32 v22, v33;
	v43 =	vld.idx.msk [tilespmem:v43+s20+$0x0], $0xffff;
	[tilespmem:v63+s21+$0x0] =	vst.idx.msk $0xffff, v44  }
0x40e: {  	v45 =	vor.u32 v9, v41;
	v39 =	vshll.u32 v35, $0x7;
	v60 =	vld.idx.msk [tilespmem:v48+s20+$0x0], $0xffff;
	[tilespmem:v38+s21+$0x0] =	vst.idx.msk $0xffff, v58  }
0x40f: {  	v59 =	vadd.s32 v22, v35;
	v32 =	vshll.u32 v33, $0x7;
	v61 =	vor.u32 v0, v39;
	v62 =	vld.idx.msk [tilespmem:v49+s20+$0x0], $0xffff  }
0x410: {  	v54 =	vld.idx.msk [tilespmem:v54+s20+$0x0], $0xffff;
	v44 =	vadd.s32 v2, v59;
	v63 =	vor.u32 v0, v32;
	v38 =	vshll.u32 v36, $0x7  }
0x411: {  	v50 =	vld.idx.msk [tilespmem:v57+s20+$0x0], $0xffff;
	v58 =	vadd.s32 v22, v36;
	v49 =	vadd.s32 v2, v56;
	v57 =	vor.u32 v0, v38  }
0x412: {  	v59 =	vadd.s32 v18, v40;
	v52 =	vadd.s32 v2, v58;
	v43 =	vmul.f32 $8.000000000e+00, v43  }
0x413: {  	v53 =	vadd.s32 v10, v59;
	v60 =	vmul.f32 $8.000000000e+00, v60  }
0x414: {  	[tilespmem:v61+s21+$0x0] =	vst.idx.msk $0xffff, v43;
	v61 =	vmul.f32 $8.000000000e+00, v62  }
0x415: {  	v30 =	vmul.f32 $8.000000000e+00, v54;
	v44 =	vld.idx.msk [tilespmem:v44+s20+$0x0], $0xffff;
	[tilespmem:v63+s21+$0x0] =	vst.idx.msk $0xffff, v60  }
0x416: {  	v55 =	vadd.s32 v21, v35;
	v62 =	vor.u32 v15, v31;
	v42 =	vld.idx.msk [tilespmem:v49+s20+$0x0], $0xffff;
	[tilespmem:v57+s21+$0x0] =	vst.idx.msk $0xffff, v61  }
0x417: {  	v46 =	vadd.s32 v4, v55;
	[tilespmem:v45+s21+$0x0] =	vst.idx.msk $0xffff, v30;
	v45 =	vor.u32 v3, v39;
	v47 =	vld.idx.msk [tilespmem:v52+s20+$0x0], $0xffff  }
0x418: {  	v56 =	vadd.s32 v21, v33;
	v58 =	vadd.s32 v21, v36;
	v48 =	vld.idx.msk [tilespmem:v53+s20+$0x0], $0xffff;
	v49 =	vor.u32 v3, v32  }
0x419: {  	v63 =	vmul.f32 $8.000000000e+00, v50;
	v50 =	vadd.s32 v4, v56;
	v57 =	vor.u32 v3, v38  }
0x41a: {  	v43 =	vor.u32 v11, v41;
	v52 =	vadd.s32 v4, v58;
	v44 =	vmul.f32 $8.000000000e+00, v44  }
0x41b: {  	v27 =	vor.u32 $0x30, v27;
	v59 =	vadd.s32 v17, v40;
	[tilespmem:v62+s21+$0x0] =	vst.idx.msk $0xffff, v63;
	v62 =	vmul.f32 $8.000000000e+00, v42  }
0x41c: {  	v60 =	vadd.s32 v23, v27;
	v61 =	vadd.s32 v12, v59;
	[tilespmem:v45+s21+$0x0] =	vst.idx.msk $0xffff, v44;
	v53 =	vmul.f32 $8.000000000e+00, v47  }
0x41d: {  	v54 =	vmul.f32 $8.000000000e+00, v48;
	v63 =	vadd.s32 v1, v60;
	v46 =	vld.idx.msk [tilespmem:v46+s20+$0x0], $0xffff;
	[tilespmem:v49+s21+$0x0] =	vst.idx.msk $0xffff, v62  }
0x41e: {  	v31 =	vld.idx.msk [tilespmem:v50+s20+$0x0], $0xffff;
	[tilespmem:v57+s21+$0x0] =	vst.idx.msk $0xffff, v53  }
0x41f: {  	v55 =	vadd.s32 v20, v35;
	[tilespmem:v43+s21+$0x0] =	vst.idx.msk $0xffff, v54;
	v43 =	vor.u32 v5, v39;
	v56 =	vld.idx.msk [tilespmem:v52+s20+$0x0], $0xffff  }
0x420: {  	v48 =	vor.u32 v5, v32;
	v58 =	vadd.s32 v20, v33;
	v44 =	vadd.s32 v6, v55  }
0x421: {  	v59 =	vadd.s32 v6, v58;
	v60 =	vor.u32 v5, v38;
	v57 =	vld.idx.msk [tilespmem:v61+s20+$0x0], $0xffff;
	v61 =	vadd.s32 v20, v36  }
0x422: {  	v42 =	vld.idx.msk [tilespmem:v63+s20+$0x0], $0xffff;
	v63 =	vadd.s32 v6, v61;
	v46 =	vmul.f32 $8.000000000e+00, v46  }
0x423: {  	v62 =	vor.u32 v13, v41;
	v31 =	vmul.f32 $8.000000000e+00, v31  }
0x424: {  	[tilespmem:v43+s21+$0x0] =	vst.idx.msk $0xffff, v46;
	v56 =	vmul.f32 $8.000000000e+00, v56  }
0x425: {  	v55 =	vadd.s32 v16, v40;
	v44 =	vld.idx.msk [tilespmem:v44+s20+$0x0], $0xffff;
	[tilespmem:v48+s21+$0x0] =	vst.idx.msk $0xffff, v31  }
0x426: {  	v40 =	vadd.s32 v14, v55;
	v57 =	vmul.f32 $8.000000000e+00, v57;
	v58 =	vld.idx.msk [tilespmem:v59+s20+$0x0], $0xffff;
	[tilespmem:v60+s21+$0x0] =	vst.idx.msk $0xffff, v56  }
0x427: {  	v61 =	vor.u32 v7, v32;
	v43 =	vor.u32 v7, v39;
	v59 =	vadd.s32 v19, v35;
	v60 =	vld.idx.msk [tilespmem:v63+s20+$0x0], $0xffff  }
0x428: {  	[tilespmem:v62+s21+$0x0] =	vst.idx.msk $0xffff, v57;
	v62 =	vadd.s32 v19, v33;
	v45 =	vadd.s32 v8, v59  }
0x429: {  	v49 =	vadd.s32 v8, v62;
	v56 =	vadd.s32 v19, v36;
	v63 =	vor.u32 v7, v38  }
0x42a: {  	v30 =	vshll.u32 v27, $0x7;
	v51 =	vadd.s32 v8, v56;
	v44 =	vmul.f32 $8.000000000e+00, v44  }
0x42b: {  	v31 =	vor.u32 v0, v30;
	v58 =	vmul.f32 $8.000000000e+00, v58  }
0x42c: {  	v57 =	vadd.s32 v22, v27;
	v40 =	vld.idx.msk [tilespmem:v40+s20+$0x0], $0xffff;
	[tilespmem:v43+s21+$0x0] =	vst.idx.msk $0xffff, v44;
	v60 =	vmul.f32 $8.000000000e+00, v60  }
0x42d: {  	v55 =	vor.u32 v9, v32;
	v59 =	vadd.s32 v2, v57;
	v44 =	vld.idx.msk [tilespmem:v45+s20+$0x0], $0xffff;
	[tilespmem:v61+s21+$0x0] =	vst.idx.msk $0xffff, v58  }
0x42e: {  	v53 =	vadd.s32 v18, v35;
	v61 =	vor.u32 v15, v41;
	v62 =	vld.idx.msk [tilespmem:v49+s20+$0x0], $0xffff;
	[tilespmem:v63+s21+$0x0] =	vst.idx.msk $0xffff, v60  }
0x42f: {  	v42 =	vmul.f32 $8.000000000e+00, v42;
	v56 =	vadd.s32 v18, v33;
	v63 =	vor.u32 v9, v39;
	v54 =	vld.idx.msk [tilespmem:v51+s20+$0x0], $0xffff  }
0x430: {  	v57 =	vor.u32 v9, v38;
	v48 =	vadd.s32 v10, v56;
	v45 =	vadd.s32 v10, v53  }
0x431: {  	[tilespmem:v31+s21+$0x0] =	vst.idx.msk $0xffff, v42;
	v31 =	vor.u32 $0x30, v25;
	v40 =	vmul.f32 $8.000000000e+00, v40;
	v58 =	vadd.s32 v18, v36  }
0x432: {  	v42 =	vld.idx.msk [tilespmem:v59+s20+$0x0], $0xffff;
	v59 =	vadd.s32 v23, v31;
	v50 =	vadd.s32 v10, v58;
	v44 =	vmul.f32 $8.000000000e+00, v44  }
0x433: {  	v51 =	vadd.s32 v1, v59;
	[tilespmem:v61+s21+$0x0] =	vst.idx.msk $0xffff, v40;
	v60 =	vmul.f32 $8.000000000e+00, v62  }
0x434: {  	[tilespmem:v63+s21+$0x0] =	vst.idx.msk $0xffff, v44;
	v61 =	vmul.f32 $8.000000000e+00, v54  }
0x435: {  	v43 =	vld.idx.msk [tilespmem:v45+s20+$0x0], $0xffff;
	[tilespmem:v55+s21+$0x0] =	vst.idx.msk $0xffff, v60  }
0x436: {  	v41 =	vor.u32 v3, v30;
	v63 =	vld.idx.msk [tilespmem:v48+s20+$0x0], $0xffff;
	[tilespmem:v57+s21+$0x0] =	vst.idx.msk $0xffff, v61  }
0x437: {  	v58 =	vadd.s32 v17, v33;
	v40 =	vor.u32 v11, v39;
	v55 =	vadd.s32 v17, v35;
	v47 =	vld.idx.msk [tilespmem:v50+s20+$0x0], $0xffff  }
0x438: {  	v59 =	vor.u32 v11, v38;
	v56 =	vld.idx.msk [tilespmem:v51+s20+$0x0], $0xffff;
	v46 =	vadd.s32 v12, v55;
	v57 =	vor.u32 v11, v32  }
0x439: {  	v42 =	vmul.f32 $8.000000000e+00, v42;
	v60 =	vadd.s32 v17, v36;
	v50 =	vadd.s32 v12, v58  }
0x43a: {  	v52 =	vadd.s32 v12, v60;
	v43 =	vmul.f32 $8.000000000e+00, v43  }
0x43b: {  	[tilespmem:v41+s21+$0x0] =	vst.idx.msk $0xffff, v42;
	v63 =	vmul.f32 $8.000000000e+00, v63  }
0x43c: {  	v62 =	vadd.s32 v21, v27;
	[tilespmem:v40+s21+$0x0] =	vst.idx.msk $0xffff, v43;
	v54 =	vmul.f32 $8.000000000e+00, v47  }
0x43d: {  	v25 =	vshll.u32 v31, $0x7;
	v44 =	vadd.s32 v4, v62;
	v55 =	vmul.f32 $8.000000000e+00, v56;
	v56 =	vld.idx.msk [tilespmem:v46+s20+$0x0], $0xffff;
	[tilespmem:v57+s21+$0x0] =	vst.idx.msk $0xffff, v63  }
0x43e: {  	v61 =	vor.u32 v0, v25;
	v42 =	vld.idx.msk [tilespmem:v50+s20+$0x0], $0xffff;
	[tilespmem:v59+s21+$0x0] =	vst.idx.msk $0xffff, v54  }
0x43f: {  	v35 =	vadd.s32 v16, v35;
	v57 =	vor.u32 v13, v39;
	v58 =	vld.idx.msk [tilespmem:v52+s20+$0x0], $0xffff  }
0x440: {  	v33 =	vadd.s32 v16, v33;
	v35 =	vadd.s32 v14, v35;
	v59 =	vor.u32 v13, v32  }
0x441: {  	v33 =	vadd.s32 v14, v33;
	v36 =	vadd.s32 v16, v36;
	v60 =	vor.u32 v13, v38  }
0x442: {  	v36 =	vadd.s32 v14, v36;
	v44 =	vld.idx.msk [tilespmem:v44+s20+$0x0], $0xffff;
	v45 =	vmul.f32 $8.000000000e+00, v56  }
0x443: {  	v28 =	vor.u32 $0x30, v28;
	v62 =	vadd.s32 v22, v31;
	[tilespmem:v61+s21+$0x0] =	vst.idx.msk $0xffff, v55;
	v42 =	vmul.f32 $8.000000000e+00, v42  }
0x444: {  	v29 =	vor.u32 $0x30, v29;
	v41 =	vadd.s32 v2, v62;
	[tilespmem:v57+s21+$0x0] =	vst.idx.msk $0xffff, v45;
	v63 =	vmul.f32 $8.000000000e+00, v58  }
0x445: {  	v62 =	vadd.s32 v20, v27;
	v61 =	vor.u32 v5, v30;
	v35 =	vld.idx.msk [tilespmem:v35+s20+$0x0], $0xffff;
	[tilespmem:v59+s21+$0x0] =	vst.idx.msk $0xffff, v42  }
0x446: {  	v49 =	vadd.s32 v6, v62;
	v55 =	vor.u32 v15, v32;
	v33 =	vld.idx.msk [tilespmem:v33+s20+$0x0], $0xffff;
	[tilespmem:v60+s21+$0x0] =	vst.idx.msk $0xffff, v63  }
0x447: {  	v39 =	vor.u32 v15, v39;
	v51 =	vmul.f32 $8.000000000e+00, v44;
	v52 =	vadd.s32 v23, v28;
	v36 =	vld.idx.msk [tilespmem:v36+s20+$0x0], $0xffff  }
0x448: {  	v54 =	vadd.s32 v23, v29;
	v32 =	vor.u32 $0x30, v34;
	v53 =	vadd.s32 v1, v52  }
0x449: {  	v38 =	vor.u32 v15, v38;
	v41 =	vld.idx.msk [tilespmem:v41+s20+$0x0], $0xffff;
	v57 =	vadd.s32 v23, v32;
	v42 =	vadd.s32 v1, v54  }
0x44a: {  	[tilespmem:v61+s21+$0x0] =	vst.idx.msk $0xffff, v51;
	v59 =	vadd.s32 v1, v57;
	v35 =	vmul.f32 $8.000000000e+00, v35  }
0x44b: {  	v50 =	vor.u32 v3, v25;
	v56 =	vld.idx.msk [tilespmem:v49+s20+$0x0], $0xffff;
	v58 =	vadd.s32 v21, v31;
	v60 =	vmul.f32 $8.000000000e+00, v33  }
0x44c: {  	v45 =	vadd.s32 v4, v58;
	[tilespmem:v39+s21+$0x0] =	vst.idx.msk $0xffff, v35;
	v61 =	vmul.f32 $8.000000000e+00, v36  }
0x44d: {  	v34 =	vshll.u32 v32, $0x7;
	v51 =	vadd.s32 v22, v28;
	v62 =	vld.idx.msk [tilespmem:v53+s20+$0x0], $0xffff;
	[tilespmem:v55+s21+$0x0] =	vst.idx.msk $0xffff, v60  }
0x44e: {  	v41 =	vmul.f32 $8.000000000e+00, v41;
	v23 =	vshll.u32 v28, $0x7;
	v35 =	vor.u32 v7, v30;
	v52 =	vld.idx.msk [tilespmem:v42+s20+$0x0], $0xffff;
	[tilespmem:v38+s21+$0x0] =	vst.idx.msk $0xffff, v61  }
0x44f: {  	v54 =	vadd.s32 v2, v51;
	v33 =	vshll.u32 v29, $0x7;
	v53 =	vor.u32 v0, v23;
	v55 =	vld.idx.msk [tilespmem:v59+s20+$0x0], $0xffff  }
0x450: {  	[tilespmem:v50+s21+$0x0] =	vst.idx.msk $0xffff, v41;
	v57 =	vadd.s32 v22, v29;
	v63 =	vmul.f32 $8.000000000e+00, v56;
	v56 =	vor.u32 v0, v33  }
0x451: {  	v58 =	vor.u32 v0, v34;
	v43 =	vld.idx.msk [tilespmem:v45+s20+$0x0], $0xffff;
	v45 =	vadd.s32 v2, v57;
	v59 =	vadd.s32 v22, v32  }
0x452: {  	v22 =	vadd.s32 v2, v59;
	v36 =	vmul.f32 $8.000000000e+00, v62  }
0x453: {  	[tilespmem:v35+s21+$0x0] =	vst.idx.msk $0xffff, v63;
	v62 =	vmul.f32 $8.000000000e+00, v52  }
0x454: {  	v48 =	vadd.s32 v20, v31;
	[tilespmem:v53+s21+$0x0] =	vst.idx.msk $0xffff, v36;
	v49 =	vmul.f32 $8.000000000e+00, v55  }
0x455: {  	v50 =	vadd.s32 v6, v48;
	v60 =	vor.u32 v5, v25;
	v41 =	vld.idx.msk [tilespmem:v54+s20+$0x0], $0xffff;
	[tilespmem:v56+s21+$0x0] =	vst.idx.msk $0xffff, v62  }
0x456: {  	v57 =	vadd.s32 v21, v29;
	v61 =	vadd.s32 v19, v27;
	v53 =	vld.idx.msk [tilespmem:v45+s20+$0x0], $0xffff;
	[tilespmem:v58+s21+$0x0] =	vst.idx.msk $0xffff, v49  }
0x457: {  	v63 =	vadd.s32 v8, v61;
	v54 =	vor.u32 v3, v23;
	v55 =	vadd.s32 v21, v28;
	v22 =	vld.idx.msk [tilespmem:v22+s20+$0x0], $0xffff  }
0x458: {  	v51 =	vmul.f32 $8.000000000e+00, v43;
	v56 =	vor.u32 v3, v33;
	v40 =	vadd.s32 v4, v55  }
0x459: {  	v44 =	vadd.s32 v4, v57;
	v59 =	vadd.s32 v21, v32;
	v58 =	vor.u32 v3, v34  }
0x45a: {  	[tilespmem:v60+s21+$0x0] =	vst.idx.msk $0xffff, v51;
	v52 =	vor.u32 v9, v26;
	v21 =	vadd.s32 v4, v59;
	v41 =	vmul.f32 $8.000000000e+00, v41  }
0x45b: {  	v57 =	vadd.s32 v20, v32;
	v38 =	vld.idx.msk [tilespmem:v50+s20+$0x0], $0xffff;
	v61 =	vmul.f32 $8.000000000e+00, v53  }
0x45c: {  	v37 =	vmul.f32 $8.000000000e+00, v37;
	v60 =	vadd.s32 v18, v24;
	v39 =	vld.idx.msk [tilespmem:v63+s20+$0x0], $0xffff;
	[tilespmem:v54+s21+$0x0] =	vst.idx.msk $0xffff, v41;
	v22 =	vmul.f32 $8.000000000e+00, v22  }
0x45d: {  	v62 =	vadd.s32 v10, v60;
	v49 =	vor.u32 v7, v25;
	v40 =	vld.idx.msk [tilespmem:v40+s20+$0x0], $0xffff;
	[tilespmem:v56+s21+$0x0] =	vst.idx.msk $0xffff, v61  }
0x45e: {  	v63 =	vor.u32 v9, v30;
	v55 =	vadd.s32 v20, v29;
	v50 =	vld.idx.msk [tilespmem:v44+s20+$0x0], $0xffff;
	[tilespmem:v58+s21+$0x0] =	vst.idx.msk $0xffff, v22  }
0x45f: {  	[tilespmem:v52+s21+$0x0] =	vst.idx.msk $0xffff, v37;
	v52 =	vor.u32 v5, v23;
	v53 =	vadd.s32 v20, v28;
	v21 =	vld.idx.msk [tilespmem:v21+s20+$0x0], $0xffff  }
0x460: {  	v51 =	vmul.f32 $8.000000000e+00, v38;
	v42 =	vadd.s32 v6, v53;
	v54 =	vor.u32 v5, v33  }
0x461: {  	v48 =	vmul.f32 $8.000000000e+00, v39;
	v56 =	vor.u32 v5, v34;
	v44 =	vadd.s32 v6, v55  }
0x462: {  	v20 =	vadd.s32 v6, v57;
	[tilespmem:v49+s21+$0x0] =	vst.idx.msk $0xffff, v51;
	v59 =	vmul.f32 $8.000000000e+00, v40  }
0x463: {  	v47 =	vadd.s32 v18, v28;
	v46 =	vor.u32 v13, v30;
	[tilespmem:v63+s21+$0x0] =	vst.idx.msk $0xffff, v48;
	v61 =	vmul.f32 $8.000000000e+00, v50  }
0x464: {  	v60 =	vadd.s32 v18, v27;
	v37 =	vld.idx.msk [tilespmem:v62+s20+$0x0], $0xffff;
	[tilespmem:v52+s21+$0x0] =	vst.idx.msk $0xffff, v59;
	v21 =	vmul.f32 $8.000000000e+00, v21  }
0x465: {  	v62 =	vadd.s32 v10, v60;
	v58 =	vadd.s32 v19, v31;
	v36 =	vld.idx.msk [tilespmem:v42+s20+$0x0], $0xffff;
	[tilespmem:v54+s21+$0x0] =	vst.idx.msk $0xffff, v61  }
0x466: {  	v63 =	vor.u32 v11, v26;
	v35 =	vadd.s32 v8, v58;
	v48 =	vld.idx.msk [tilespmem:v44+s20+$0x0], $0xffff;
	[tilespmem:v56+s21+$0x0] =	vst.idx.msk $0xffff, v21  }
0x467: {  	v51 =	vadd.s32 v19, v28;
	v53 =	vadd.s32 v19, v29;
	v50 =	vor.u32 v7, v23;
	v20 =	vld.idx.msk [tilespmem:v20+s20+$0x0], $0xffff  }
0x468: {  	v41 =	vadd.s32 v8, v51;
	v43 =	vadd.s32 v8, v53;
	v52 =	vor.u32 v7, v33  }
0x469: {  	v55 =	vadd.s32 v19, v32;
	v37 =	vmul.f32 $8.000000000e+00, v37;
	v54 =	vor.u32 v7, v34  }
0x46a: {  	v60 =	vadd.s32 v17, v27;
	v19 =	vadd.s32 v8, v55;
	v36 =	vmul.f32 $8.000000000e+00, v36  }
0x46b: {  	v57 =	vadd.s32 v17, v24;
	[tilespmem:v63+s21+$0x0] =	vst.idx.msk $0xffff, v37;
	v35 =	vld.idx.msk [tilespmem:v35+s20+$0x0], $0xffff;
	v58 =	vmul.f32 $8.000000000e+00, v48  }
0x46c: {  	v49 =	vadd.s32 v18, v31;
	v39 =	vld.idx.msk [tilespmem:v62+s20+$0x0], $0xffff;
	[tilespmem:v50+s21+$0x0] =	vst.idx.msk $0xffff, v36;
	v20 =	vmul.f32 $8.000000000e+00, v20  }
0x46d: {  	v51 =	vadd.s32 v18, v32;
	v56 =	vor.u32 v9, v25;
	v61 =	vld.idx.msk [tilespmem:v41+s20+$0x0], $0xffff;
	[tilespmem:v52+s21+$0x0] =	vst.idx.msk $0xffff, v58  }
0x46e: {  	v62 =	vor.u32 v11, v30;
	v21 =	vadd.s32 v10, v49;
	v63 =	vld.idx.msk [tilespmem:v43+s20+$0x0], $0xffff;
	[tilespmem:v54+s21+$0x0] =	vst.idx.msk $0xffff, v20  }
0x46f: {  	v59 =	vadd.s32 v12, v57;
	v49 =	vadd.s32 v18, v29;
	v48 =	vor.u32 v9, v23;
	v19 =	vld.idx.msk [tilespmem:v19+s20+$0x0], $0xffff  }
0x470: {  	v35 =	vmul.f32 $8.000000000e+00, v35;
	v50 =	vor.u32 v9, v33;
	v20 =	vadd.s32 v10, v47  }
0x471: {  	v39 =	vmul.f32 $8.000000000e+00, v39;
	v41 =	vadd.s32 v10, v49;
	v52 =	vor.u32 v9, v34  }
0x472: {  	v53 =	vor.u32 v11, v25;
	v18 =	vadd.s32 v10, v51;
	[tilespmem:v56+s21+$0x0] =	vst.idx.msk $0xffff, v35;
	v38 =	vmul.f32 $8.000000000e+00, v61  }
0x473: {  	v55 =	vadd.s32 v17, v31;
	[tilespmem:v62+s21+$0x0] =	vst.idx.msk $0xffff, v39;
	v21 =	vld.idx.msk [tilespmem:v21+s20+$0x0], $0xffff;
	v54 =	vmul.f32 $8.000000000e+00, v63  }
0x474: {  	v57 =	vor.u32 v13, v26;
	v37 =	vld.idx.msk [tilespmem:v59+s20+$0x0], $0xffff;
	[tilespmem:v48+s21+$0x0] =	vst.idx.msk $0xffff, v38;
	v19 =	vmul.f32 $8.000000000e+00, v19  }
0x475: {  	v62 =	vor.u32 v11, v33;
	v44 =	vadd.s32 v16, v27;
	v20 =	vld.idx.msk [tilespmem:v20+s20+$0x0], $0xffff;
	[tilespmem:v50+s21+$0x0] =	vst.idx.msk $0xffff, v54  }
0x476: {  	v22 =	vadd.s32 v14, v44;
	v36 =	vadd.s32 v12, v60;
	v58 =	vld.idx.msk [tilespmem:v41+s20+$0x0], $0xffff;
	[tilespmem:v52+s21+$0x0] =	vst.idx.msk $0xffff, v19  }
0x477: {  	v59 =	vadd.s32 v17, v28;
	v56 =	vadd.s32 v12, v55;
	v60 =	vor.u32 v11, v23;
	v18 =	vld.idx.msk [tilespmem:v18+s20+$0x0], $0xffff  }
0x478: {  	v21 =	vmul.f32 $8.000000000e+00, v21;
	v61 =	vadd.s32 v17, v29;
	v19 =	vadd.s32 v12, v59  }
0x479: {  	v17 =	vadd.s32 v17, v32;
	v39 =	vadd.s32 v12, v61;
	v63 =	vor.u32 v11, v34  }
0x47a: {  	v28 =	vadd.s32 v16, v28;
	v17 =	vadd.s32 v12, v17;
	v20 =	vmul.f32 $8.000000000e+00, v20  }
0x47b: {  	v28 =	vadd.s32 v14, v28;
	v36 =	vld.idx.msk [tilespmem:v36+s20+$0x0], $0xffff;
	[tilespmem:v53+s21+$0x0] =	vst.idx.msk $0xffff, v21;
	v45 =	vmul.f32 $8.000000000e+00, v58  }
0x47c: {  	v43 =	vadd.s32 v16, v24;
	v35 =	vld.idx.msk [tilespmem:v56+s20+$0x0], $0xffff;
	[tilespmem:v60+s21+$0x0] =	vst.idx.msk $0xffff, v20;
	v18 =	vmul.f32 $8.000000000e+00, v18  }
0x47d: {  	v49 =	vor.u32 v13, v25;
	v24 =	vadd.s32 v14, v43;
	v19 =	vld.idx.msk [tilespmem:v19+s20+$0x0], $0xffff;
	[tilespmem:v62+s21+$0x0] =	vst.idx.msk $0xffff, v45  }
0x47e: {  	v37 =	vmul.f32 $8.000000000e+00, v37;
	v48 =	vadd.s32 v16, v31;
	v50 =	vld.idx.msk [tilespmem:v39+s20+$0x0], $0xffff;
	[tilespmem:v63+s21+$0x0] =	vst.idx.msk $0xffff, v18  }
0x47f: {  	v29 =	vadd.s32 v16, v29;
	v21 =	vadd.s32 v14, v48;
	v52 =	vor.u32 v13, v23;
	v17 =	vld.idx.msk [tilespmem:v17+s20+$0x0], $0xffff  }
0x480: {  	v29 =	vadd.s32 v14, v29;
	v53 =	vor.u32 v13, v33;
	v47 =	vmul.f32 $8.000000000e+00, v36  }
0x481: {  	[tilespmem:v57+s21+$0x0] =	vst.idx.msk $0xffff, v37;
	v16 =	vadd.s32 v16, v32;
	v54 =	vor.u32 v13, v34;
	v51 =	vmul.f32 $8.000000000e+00, v35  }
0x482: {  	v24 =	vld.idx.msk [tilespmem:v24+s20+$0x0], $0xffff;
	v16 =	vadd.s32 v14, v16;
	[tilespmem:v46+s21+$0x0] =	vst.idx.msk $0xffff, v47;
	v19 =	vmul.f32 $8.000000000e+00, v19  }
0x483: {  	v20 =	vld.idx.msk [tilespmem:v22+s20+$0x0], $0xffff;
	[tilespmem:v49+s21+$0x0] =	vst.idx.msk $0xffff, v51;
	v55 =	vmul.f32 $8.000000000e+00, v50  }
0x484: {  	v56 =	vor.u32 v15, v26;
	v21 =	vld.idx.msk [tilespmem:v21+s20+$0x0], $0xffff;
	[tilespmem:v52+s21+$0x0] =	vst.idx.msk $0xffff, v19;
	v17 =	vmul.f32 $8.000000000e+00, v17  }
0x485: {  	v57 =	vor.u32 v15, v30;
	v58 =	vld.idx.msk [tilespmem:v28+s20+$0x0], $0xffff;
	[tilespmem:v53+s21+$0x0] =	vst.idx.msk $0xffff, v55  }
0x486: {  	v59 =	vor.u32 v15, v25;
	v60 =	vld.idx.msk [tilespmem:v29+s20+$0x0], $0xffff;
	[tilespmem:v54+s21+$0x0] =	vst.idx.msk $0xffff, v17  }
0x487: {  	v23 =	vor.u32 v15, v23;
	v17 =	vmul.f32 $8.000000000e+00, v24;
	v16 =	vld.idx.msk [tilespmem:v16+s20+$0x0], $0xffff  }
0x488: {  	v61 =	vor.u32 v15, v33;
	v20 =	vmul.f32 $8.000000000e+00, v20  }
0x489: {  	v62 =	vor.u32 v15, v34;
	[tilespmem:v56+s21+$0x0] =	vst.idx.msk $0xffff, v17;
	v17 =	vmul.f32 $8.000000000e+00, v21  }
0x48a: {  	[tilespmem:v57+s21+$0x0] =	vst.idx.msk $0xffff, v20;
	v63 =	vmul.f32 $8.000000000e+00, v58  }
0x48b: {  	s7 =	sshll.u32 s10, $0x12;
	[tilespmem:v59+s21+$0x0] =	vst.idx.msk $0xffff, v17;
	v17 =	vmul.f32 $8.000000000e+00, v60  }
0x48c: {  	s7 =	sor.u32 s4, s7;
	[tilespmem:v23+s21+$0x0] =	vst.idx.msk $0xffff, v63;
	v16 =	vmul.f32 $8.000000000e+00, v16  }
0x48d: {  	s7 =	sshrl.u32 s7, $0x3;
	[tilespmem:v61+s21+$0x0] =	vst.idx.msk $0xffff, v17  }
0x48e: {  	s7 =	sadd.s32 s1, s7;
	[tilespmem:v62+s21+$0x0] =	vst.idx.msk $0xffff, v16  }
0x48f: {  	[hbm4b:s7+s8] =	stream.strided.scatter [tilespmem:s21], [sflag:$0x8], $0x2000, s9, s8, $0x38;
	[tilespmem:$0x1E800] =	vst v63  }
.LBB2_16:
.Ltmp10:
0x490: {  	(pc) =	sbr.rel @p0 .LBB2_19-.Ltmp10, $1  }
0x491: {  	_ =	sdelay $0x3  }
0x492: {  	p1 =	seq.s32 s3, $0x32  }
.Ltmp11:
0x493: {  	_ = 	snop;
	(pc) =	sbr.rel @p1 .LBB2_24-.Ltmp11, $1  }
0x494: {  	_ =	sdelay $0x3  }
0x495: {  	_ =	swait.ge [sflag:s31], $0x2000  }
0x496: {  	[sflag:s31] =	ssyncset.done $0x0  }
0x497: {  	[sflag:s31] =	ssyncadd.s32 $0xFFFFE000  }
.LBB2_19:
0x498: {  	s7 =	sshll.u32 s3, $0xB  }
0x499: {  	s7 =	sshra.s32 s7, $0x2  }
0x49a: {  	v16 =	vld [tilespmem:s7+$0x100];
	_ =	sdelay $0x4  }
0x49b: {  	v17 =	vshra.s32 v16, $0x1;
	v16 =	vshll.u32 v16, $0x6  }
0x49c: {  	[tilespmem:$0x6500] =	vst v17;
	v16 =	vand.u32 $0x40, v16  }
0x49d: {  	[tilespmem:$0x6700] =	vst v16  }
0x49e: {  	v16 =	vld [tilespmem:s7+$0x110];
	_ =	sdelay $0x4  }
0x49f: {  	v17 =	vshra.s32 v16, $0x1;
	v16 =	vshll.u32 v16, $0x6  }
0x4a0: {  	[tilespmem:$0x6510] =	vst v17;
	v16 =	vand.u32 $0x40, v16  }
0x4a1: {  	[tilespmem:$0x6710] =	vst v16  }
0x4a2: {  	v16 =	vld [tilespmem:s7+$0x120];
	_ =	sdelay $0x4  }
0x4a3: {  	v17 =	vshra.s32 v16, $0x1;
	v16 =	vshll.u32 v16, $0x6  }
0x4a4: {  	[tilespmem:$0x6520] =	vst v17;
	v16 =	vand.u32 $0x40, v16  }
0x4a5: {  	[tilespmem:$0x6720] =	vst v16  }
0x4a6: {  	v16 =	vld [tilespmem:s7+$0x130];
	_ =	sdelay $0x4  }
0x4a7: {  	v17 =	vshra.s32 v16, $0x1;
	v16 =	vshll.u32 v16, $0x6  }
0x4a8: {  	[tilespmem:$0x6530] =	vst v17;
	v16 =	vand.u32 $0x40, v16  }
0x4a9: {  	[tilespmem:$0x6730] =	vst v16  }
0x4aa: {  	v16 =	vld [tilespmem:s7+$0x140];
	_ =	sdelay $0x4  }
0x4ab: {  	v17 =	vshra.s32 v16, $0x1;
	v16 =	vshll.u32 v16, $0x6  }
0x4ac: {  	[tilespmem:$0x6540] =	vst v17;
	v16 =	vand.u32 $0x40, v16  }
0x4ad: {  	[tilespmem:$0x6740] =	vst v16  }
0x4ae: {  	v16 =	vld [tilespmem:s7+$0x150];
	_ =	sdelay $0x4  }
0x4af: {  	v17 =	vshra.s32 v16, $0x1;
	v16 =	vshll.u32 v16, $0x6  }
0x4b0: {  	[tilespmem:$0x6550] =	vst v17;
	v16 =	vand.u32 $0x40, v16  }
0x4b1: {  	[tilespmem:$0x6750] =	vst v16  }
0x4b2: {  	v16 =	vld [tilespmem:s7+$0x160];
	_ =	sdelay $0x4  }
0x4b3: {  	v17 =	vshra.s32 v16, $0x1;
	v16 =	vshll.u32 v16, $0x6  }
0x4b4: {  	[tilespmem:$0x6560] =	vst v17;
	v16 =	vand.u32 $0x40, v16  }
0x4b5: {  	[tilespmem:$0x6760] =	vst v16  }
0x4b6: {  	v16 =	vld [tilespmem:s7+$0x170];
	_ =	sdelay $0x4  }
0x4b7: {  	v17 =	vshra.s32 v16, $0x1;
	v16 =	vshll.u32 v16, $0x6  }
0x4b8: {  	[tilespmem:$0x6570] =	vst v17;
	v16 =	vand.u32 $0x40, v16  }
0x4b9: {  	[tilespmem:$0x6770] =	vst v16  }
0x4ba: {  	[tilespmem:s15], [sflag:$0x3] =	stream.indirect.gather [hbm4b:s5+s11], $0x80, s22, s11, $0xb8;
	[tilespmem:$0x1E800] =	vst v63  }
0x4bb: {  	_ =	swait.ge [sflag:s23], $0x4000  }
0x4bc: {  	[sflag:s23] =	ssyncset.done $0x0  }
0x4bd: {  	[sflag:s23] =	ssyncadd.s32 $0xFFFFC000  }
0x4be: {  	v23 =	vld [tilespmem:$0x6600];
	_ =	sdelay $0x1  }
0x4bf: {  	s10 =	simm.s32 $0x0  }
0x4c0: {  	v24 =	vadd.s32 s10, v0  }
0x4c1: {  	v28 =	vand.u32 $0xF, v24  }
0x4c2: {  	v16 =	vadd.s32 v23, v28  }
0x4c3: {  	v16 =	vadd.s32 v1, v16;
	_ =	sdelay $0x1  }
0x4c4: {  	v22 =	vld [tilespmem:$0x6610];
	_ =	sdelay $0x2  }
0x4c5: {  	v16 =	vld.idx.msk [tilespmem:v16+s13+$0x0], $0xffff  }
0x4c6: {  	v25 =	vshll.u32 v28, $0x7  }
0x4c7: {  	v26 =	vor.u32 v0, v25;
	v21 =	vld [tilespmem:$0x6620];
	v17 =	vadd.s32 v22, v28  }
0x4c8: {  	v20 =	vld [tilespmem:$0x6630];
	v27 =	vadd.s32 v2, v17  }
0x4c9: {  	v19 =	vld [tilespmem:$0x6640]  }
0x4ca: {  	v18 =	vld [tilespmem:$0x6650];
	v29 =	vmul.f32 $8.000000000e+00, v16  }
0x4cb: {  	v17 =	vld [tilespmem:$0x6660]  }
0x4cc: {  	v16 =	vld [tilespmem:$0x6670];
	[tilespmem:v26+s24+$0x0] =	vst.idx.msk $0xffff, v29  }
0x4cd: {  	v26 =	vld.idx.msk [tilespmem:v27+s13+$0x0], $0xffff;
	_ =	sdelay $0x1  }
0x4ce: {  	v29 =	vor.u32 v3, v25;
	v27 =	vadd.s32 v21, v28  }
0x4cf: {  	v27 =	vadd.s32 v4, v27;
	_ =	sdelay $0x1  }
0x4d0: {  	v26 =	vmul.f32 $8.000000000e+00, v26;
	_ =	sdelay $0x1  }
0x4d1: {  	[tilespmem:v29+s24+$0x0] =	vst.idx.msk $0xffff, v26  }
0x4d2: {  	v26 =	vld.idx.msk [tilespmem:v27+s13+$0x0], $0xffff;
	_ =	sdelay $0x1  }
0x4d3: {  	v29 =	vor.u32 v5, v25;
	v27 =	vadd.s32 v20, v28  }
0x4d4: {  	v27 =	vadd.s32 v6, v27;
	_ =	sdelay $0x1  }
0x4d5: {  	v26 =	vmul.f32 $8.000000000e+00, v26;
	_ =	sdelay $0x1  }
0x4d6: {  	[tilespmem:v29+s24+$0x0] =	vst.idx.msk $0xffff, v26  }
0x4d7: {  	v26 =	vld.idx.msk [tilespmem:v27+s13+$0x0], $0xffff;
	_ =	sdelay $0x1  }
0x4d8: {  	v29 =	vor.u32 v7, v25;
	v27 =	vadd.s32 v19, v28  }
0x4d9: {  	v27 =	vadd.s32 v8, v27;
	_ =	sdelay $0x1  }
0x4da: {  	v26 =	vmul.f32 $8.000000000e+00, v26;
	_ =	sdelay $0x1  }
0x4db: {  	[tilespmem:v29+s24+$0x0] =	vst.idx.msk $0xffff, v26  }
0x4dc: {  	v26 =	vld.idx.msk [tilespmem:v27+s13+$0x0], $0xffff;
	_ =	sdelay $0x1  }
0x4dd: {  	v29 =	vor.u32 v9, v25;
	v27 =	vadd.s32 v18, v28  }
0x4de: {  	v30 =	vadd.s32 v10, v27;
	_ =	sdelay $0x1  }
0x4df: {  	s10 =	simm.s32 $0x1;
	v31 =	vmul.f32 $8.000000000e+00, v26  }
0x4e0: {  	v27 =	vadd.s32 s10, v0  }
0x4e1: {  	v26 =	vand.u32 $0xF, v27;
	[tilespmem:v29+s24+$0x0] =	vst.idx.msk $0xffff, v31  }
0x4e2: {  	v29 =	vld.idx.msk [tilespmem:v30+s13+$0x0], $0xffff;
	v30 =	vadd.s32 v23, v26  }
0x4e3: {  	v30 =	vadd.s32 v1, v30  }
0x4e4: {  	v32 =	vor.u32 v11, v25;
	v31 =	vadd.s32 v17, v28  }
0x4e5: {  	v31 =	vadd.s32 v12, v31;
	_ =	sdelay $0x1  }
0x4e6: {  	v29 =	vmul.f32 $8.000000000e+00, v29  }
0x4e7: {  	v30 =	vld.idx.msk [tilespmem:v30+s13+$0x0], $0xffff  }
0x4e8: {  	[tilespmem:v32+s24+$0x0] =	vst.idx.msk $0xffff, v29;
	v29 =	vshll.u32 v26, $0x7  }
0x4e9: {  	v45 =	vadd.s32 v22, v26;
	v31 =	vld.idx.msk [tilespmem:v31+s13+$0x0], $0xffff;
	v33 =	vor.u32 v0, v29  }
0x4ea: {  	v32 =	vadd.s32 v2, v45  }
0x4eb: {  	v35 =	vor.u32 v13, v25;
	v34 =	vadd.s32 v16, v28  }
0x4ec: {  	v34 =	vadd.s32 v14, v34;
	v30 =	vmul.f32 $8.000000000e+00, v30;
	_ =	sdelay $0x1  }
0x4ed: {  	[tilespmem:v33+s24+$0x0] =	vst.idx.msk $0xffff, v30;
	v30 =	vmul.f32 $8.000000000e+00, v31  }
0x4ee: {  	v31 =	vld.idx.msk [tilespmem:v32+s13+$0x0], $0xffff  }
0x4ef: {  	[tilespmem:v35+s24+$0x0] =	vst.idx.msk $0xffff, v30  }
0x4f0: {  	v47 =	vor.u32 v3, v29;
	v30 =	vadd.s32 v21, v26;
	v46 =	vld.idx.msk [tilespmem:v34+s13+$0x0], $0xffff  }
0x4f1: {  	v35 =	vor.u32 $0x10, v24;
	v30 =	vadd.s32 v4, v30  }
0x4f2: {  	v25 =	vor.u32 v15, v25;
	v48 =	vadd.s32 v23, v35  }
0x4f3: {  	v34 =	vadd.s32 v1, v48;
	v31 =	vmul.f32 $8.000000000e+00, v31;
	_ =	sdelay $0x1  }
0x4f4: {  	[tilespmem:v47+s24+$0x0] =	vst.idx.msk $0xffff, v31;
	v31 =	vmul.f32 $8.000000000e+00, v46  }
0x4f5: {  	v30 =	vld.idx.msk [tilespmem:v30+s13+$0x0], $0xffff  }
0x4f6: {  	[tilespmem:v25+s24+$0x0] =	vst.idx.msk $0xffff, v31  }
0x4f7: {  	v49 =	vor.u32 v5, v29;
	v25 =	vadd.s32 v20, v26;
	v31 =	vld.idx.msk [tilespmem:v34+s13+$0x0], $0xffff  }
0x4f8: {  	v33 =	vshll.u32 v35, $0x7;
	v25 =	vadd.s32 v6, v25  }
0x4f9: {  	v36 =	vadd.s32 v22, v35;
	v50 =	vor.u32 v0, v33  }
0x4fa: {  	v36 =	vadd.s32 v2, v36;
	v30 =	vmul.f32 $8.000000000e+00, v30;
	_ =	sdelay $0x1  }
0x4fb: {  	[tilespmem:v49+s24+$0x0] =	vst.idx.msk $0xffff, v30;
	v30 =	vmul.f32 $8.000000000e+00, v31  }
0x4fc: {  	v25 =	vld.idx.msk [tilespmem:v25+s13+$0x0], $0xffff  }
0x4fd: {  	[tilespmem:v50+s24+$0x0] =	vst.idx.msk $0xffff, v30  }
0x4fe: {  	v51 =	vor.u32 v7, v29;
	v30 =	vadd.s32 v19, v26;
	v31 =	vld.idx.msk [tilespmem:v36+s13+$0x0], $0xffff  }
0x4ff: {  	v30 =	vadd.s32 v8, v30  }
0x500: {  	v53 =	vadd.s32 v21, v35;
	v52 =	vor.u32 v3, v33  }
0x501: {  	v36 =	vadd.s32 v4, v53;
	v25 =	vmul.f32 $8.000000000e+00, v25;
	_ =	sdelay $0x1  }
0x502: {  	[tilespmem:v51+s24+$0x0] =	vst.idx.msk $0xffff, v25;
	v25 =	vmul.f32 $8.000000000e+00, v31  }
0x503: {  	v30 =	vld.idx.msk [tilespmem:v30+s13+$0x0], $0xffff  }
0x504: {  	[tilespmem:v52+s24+$0x0] =	vst.idx.msk $0xffff, v25  }
0x505: {  	v54 =	vor.u32 v9, v29;
	v25 =	vadd.s32 v18, v26;
	v31 =	vld.idx.msk [tilespmem:v36+s13+$0x0], $0xffff  }
0x506: {  	v55 =	vadd.s32 v10, v25  }
0x507: {  	v37 =	vor.u32 v5, v33;
	v25 =	vadd.s32 v20, v35  }
0x508: {  	s10 =	simm.s32 $0x2;
	v38 =	vadd.s32 v6, v25;
	v30 =	vmul.f32 $8.000000000e+00, v30  }
0x509: {  	v25 =	vadd.s32 s10, v0  }
0x50a: {  	v34 =	vand.u32 $0xF, v25;
	[tilespmem:v54+s24+$0x0] =	vst.idx.msk $0xffff, v30;
	v30 =	vmul.f32 $8.000000000e+00, v31  }
0x50b: {  	v56 =	vadd.s32 v23, v34;
	v31 =	vld.idx.msk [tilespmem:v55+s13+$0x0], $0xffff  }
0x50c: {  	[tilespmem:v37+s24+$0x0] =	vst.idx.msk $0xffff, v30;
	v30 =	vadd.s32 v1, v56  }
0x50d: {  	v57 =	vadd.s32 v17, v26;
	v59 =	vor.u32 v11, v29;
	v58 =	vld.idx.msk [tilespmem:v38+s13+$0x0], $0xffff  }
0x50e: {  	v60 =	vadd.s32 v12, v57  }
0x50f: {  	v61 =	vadd.s32 v19, v35;
	v39 =	vor.u32 v7, v33  }
0x510: {  	v40 =	vadd.s32 v8, v61;
	v31 =	vmul.f32 $8.000000000e+00, v31  }
0x511: {  	v30 =	vld.idx.msk [tilespmem:v30+s13+$0x0], $0xffff  }
0x512: {  	v32 =	vshll.u32 v34, $0x7;
	[tilespmem:v59+s24+$0x0] =	vst.idx.msk $0xffff, v31;
	v31 =	vmul.f32 $8.000000000e+00, v58  }
0x513: {  	v62 =	vadd.s32 v22, v34;
	v63 =	vor.u32 v0, v32;
	v37 =	vld.idx.msk [tilespmem:v60+s13+$0x0], $0xffff  }
0x514: {  	[tilespmem:v39+s24+$0x0] =	vst.idx.msk $0xffff, v31;
	v31 =	vadd.s32 v2, v62  }
0x515: {  	v45 =	vadd.s32 v16, v26;
	v46 =	vor.u32 v13, v29;
	v39 =	vld.idx.msk [tilespmem:v40+s13+$0x0], $0xffff  }
0x516: {  	v36 =	vadd.s32 v14, v45;
	v30 =	vmul.f32 $8.000000000e+00, v30  }
0x517: {  	v42 =	vadd.s32 v18, v35;
	v41 =	vor.u32 v9, v33  }
0x518: {  	v47 =	vadd.s32 v10, v42;
	[tilespmem:v63+s24+$0x0] =	vst.idx.msk $0xffff, v30;
	v30 =	vmul.f32 $8.000000000e+00, v37  }
0x519: {  	v38 =	vld.idx.msk [tilespmem:v31+s13+$0x0], $0xffff  }
0x51a: {  	[tilespmem:v46+s24+$0x0] =	vst.idx.msk $0xffff, v30;
	v30 =	vmul.f32 $8.000000000e+00, v39  }
0x51b: {  	v48 =	vadd.s32 v21, v34;
	v49 =	vor.u32 v3, v32;
	v36 =	vld.idx.msk [tilespmem:v36+s13+$0x0], $0xffff  }
0x51c: {  	v31 =	vor.u32 $0x10, v27;
	[tilespmem:v41+s24+$0x0] =	vst.idx.msk $0xffff, v30;
	v30 =	vadd.s32 v4, v48  }
0x51d: {  	v29 =	vor.u32 v15, v29;
	v50 =	vadd.s32 v23, v31;
	v37 =	vld.idx.msk [tilespmem:v47+s13+$0x0], $0xffff  }
0x51e: {  	v39 =	vadd.s32 v1, v50;
	v38 =	vmul.f32 $8.000000000e+00, v38  }
0x51f: {  	v51 =	vor.u32 v11, v33;
	v52 =	vadd.s32 v17, v35  }
0x520: {  	v53 =	vadd.s32 v12, v52;
	[tilespmem:v49+s24+$0x0] =	vst.idx.msk $0xffff, v38;
	v36 =	vmul.f32 $8.000000000e+00, v36  }
0x521: {  	v30 =	vld.idx.msk [tilespmem:v30+s13+$0x0], $0xffff  }
0x522: {  	[tilespmem:v29+s24+$0x0] =	vst.idx.msk $0xffff, v36;
	v29 =	vmul.f32 $8.000000000e+00, v37  }
0x523: {  	v54 =	vadd.s32 v20, v34;
	v56 =	vor.u32 v5, v32;
	v55 =	vld.idx.msk [tilespmem:v39+s13+$0x0], $0xffff  }
0x524: {  	v36 =	vadd.s32 v6, v54;
	[tilespmem:v51+s24+$0x0] =	vst.idx.msk $0xffff, v29;
	v29 =	vshll.u32 v31, $0x7  }
0x525: {  	v58 =	vadd.s32 v22, v31;
	v38 =	vld.idx.msk [tilespmem:v53+s13+$0x0], $0xffff;
	v57 =	vor.u32 v0, v29  }
0x526: {  	v41 =	vadd.s32 v2, v58;
	v30 =	vmul.f32 $8.000000000e+00, v30  }
0x527: {  	v35 =	vadd.s32 v16, v35;
	v59 =	vor.u32 v13, v33  }
0x528: {  	v35 =	vadd.s32 v14, v35;
	[tilespmem:v56+s24+$0x0] =	vst.idx.msk $0xffff, v30;
	v30 =	vmul.f32 $8.000000000e+00, v55  }
0x529: {  	v36 =	vld.idx.msk [tilespmem:v36+s13+$0x0], $0xffff  }
0x52a: {  	[tilespmem:v57+s24+$0x0] =	vst.idx.msk $0xffff, v30;
	v30 =	vmul.f32 $8.000000000e+00, v38  }
0x52b: {  	v60 =	vadd.s32 v19, v34;
	v62 =	vor.u32 v7, v32;
	v61 =	vld.idx.msk [tilespmem:v41+s13+$0x0], $0xffff  }
0x52c: {  	[tilespmem:v59+s24+$0x0] =	vst.idx.msk $0xffff, v30;
	v30 =	vadd.s32 v8, v60  }
0x52d: {  	v43 =	vadd.s32 v21, v31;
	v63 =	vor.u32 v3, v29;
	v35 =	vld.idx.msk [tilespmem:v35+s13+$0x0], $0xffff  }
0x52e: {  	v44 =	vadd.s32 v4, v43;
	v38 =	vor.u32 $0x20, v28;
	v36 =	vmul.f32 $8.000000000e+00, v36  }
0x52f: {  	v28 =	vor.u32 v15, v33;
	v45 =	vadd.s32 v23, v38  }
0x530: {  	v33 =	vadd.s32 v1, v45;
	[tilespmem:v62+s24+$0x0] =	vst.idx.msk $0xffff, v36;
	v46 =	vmul.f32 $8.000000000e+00, v61  }
0x531: {  	v30 =	vld.idx.msk [tilespmem:v30+s13+$0x0], $0xffff  }
0x532: {  	[tilespmem:v63+s24+$0x0] =	vst.idx.msk $0xffff, v46;
	v35 =	vmul.f32 $8.000000000e+00, v35  }
0x533: {  	v48 =	vor.u32 v9, v32;
	v47 =	vadd.s32 v18, v34;
	v37 =	vld.idx.msk [tilespmem:v44+s13+$0x0], $0xffff  }
0x534: {  	v36 =	vadd.s32 v10, v47;
	[tilespmem:v28+s24+$0x0] =	vst.idx.msk $0xffff, v35  }
0x535: {  	v49 =	vor.u32 v5, v29;
	v28 =	vadd.s32 v20, v31;
	v33 =	vld.idx.msk [tilespmem:v33+s13+$0x0], $0xffff  }
0x536: {  	s10 =	simm.s32 $0x3;
	v35 =	vshll.u32 v38, $0x7;
	v51 =	vadd.s32 v6, v28;
	v50 =	vmul.f32 $8.000000000e+00, v30  }
0x537: {  	v44 =	vadd.s32 v22, v38;
	v28 =	vadd.s32 s10, v0;
	v43 =	vor.u32 v0, v35  }
0x538: {  	v52 =	vadd.s32 v2, v44;
	v30 =	vand.u32 $0xF, v28;
	[tilespmem:v48+s24+$0x0] =	vst.idx.msk $0xffff, v50;
	v37 =	vmul.f32 $8.000000000e+00, v37  }
0x539: {  	v53 =	vadd.s32 v23, v30;
	v36 =	vld.idx.msk [tilespmem:v36+s13+$0x0], $0xffff  }
0x53a: {  	v54 =	vadd.s32 v1, v53;
	[tilespmem:v49+s24+$0x0] =	vst.idx.msk $0xffff, v37;
	v33 =	vmul.f32 $8.000000000e+00, v33  }
0x53b: {  	v55 =	vadd.s32 v17, v34;
	v57 =	vor.u32 v11, v32;
	v56 =	vld.idx.msk [tilespmem:v51+s13+$0x0], $0xffff  }
0x53c: {  	v58 =	vadd.s32 v12, v55;
	[tilespmem:v43+s24+$0x0] =	vst.idx.msk $0xffff, v33  }
0x53d: {  	v59 =	vor.u32 v7, v29;
	v60 =	vadd.s32 v19, v31;
	v39 =	vld.idx.msk [tilespmem:v52+s13+$0x0], $0xffff  }
0x53e: {  	v43 =	vadd.s32 v8, v60;
	v36 =	vmul.f32 $8.000000000e+00, v36  }
0x53f: {  	v45 =	vadd.s32 v21, v38;
	v61 =	vor.u32 v3, v35;
	v37 =	vld.idx.msk [tilespmem:v54+s13+$0x0], $0xffff  }
0x540: {  	v62 =	vadd.s32 v4, v45;
	[tilespmem:v57+s24+$0x0] =	vst.idx.msk $0xffff, v36;
	v41 =	vmul.f32 $8.000000000e+00, v56;
	v36 =	vshll.u32 v30, $0x7  }
0x541: {  	v63 =	vadd.s32 v22, v30;
	v33 =	vld.idx.msk [tilespmem:v58+s13+$0x0], $0xffff;
	v46 =	vor.u32 v0, v36  }
0x542: {  	v48 =	vadd.s32 v2, v63;
	[tilespmem:v59+s24+$0x0] =	vst.idx.msk $0xffff, v41;
	v39 =	vmul.f32 $8.000000000e+00, v39  }
0x543: {  	v50 =	vor.u32 v13, v32;
	v49 =	vadd.s32 v16, v34;
	v43 =	vld.idx.msk [tilespmem:v43+s13+$0x0], $0xffff  }
0x544: {  	v51 =	vadd.s32 v14, v49;
	v37 =	vmul.f32 $8.000000000e+00, v37;
	[tilespmem:v61+s24+$0x0] =	vst.idx.msk $0xffff, v39  }
0x545: {  	v53 =	vor.u32 v9, v29;
	v54 =	vadd.s32 v18, v31;
	v52 =	vld.idx.msk [tilespmem:v62+s13+$0x0], $0xffff  }
0x546: {  	v55 =	vadd.s32 v10, v54;
	[tilespmem:v46+s24+$0x0] =	vst.idx.msk $0xffff, v37;
	v33 =	vmul.f32 $8.000000000e+00, v33  }
0x547: {  	v56 =	vor.u32 v5, v35;
	v57 =	vadd.s32 v20, v38;
	v40 =	vld.idx.msk [tilespmem:v48+s13+$0x0], $0xffff  }
0x548: {  	v59 =	vadd.s32 v6, v57;
	[tilespmem:v50+s24+$0x0] =	vst.idx.msk $0xffff, v33;
	v58 =	vmul.f32 $8.000000000e+00, v43  }
0x549: {  	v60 =	vadd.s32 v21, v30;
	v47 =	vor.u32 v3, v36;
	v61 =	vld.idx.msk [tilespmem:v51+s13+$0x0], $0xffff  }
0x54a: {  	v63 =	vadd.s32 v4, v60;
	v39 =	vor.u32 $0x10, v25;
	[tilespmem:v53+s24+$0x0] =	vst.idx.msk $0xffff, v58;
	v62 =	vmul.f32 $8.000000000e+00, v52  }
0x54b: {  	v32 =	vor.u32 v15, v32;
	v48 =	vadd.s32 v23, v39;
	v37 =	vld.idx.msk [tilespmem:v55+s13+$0x0], $0xffff  }
0x54c: {  	v50 =	vadd.s32 v1, v48;
	[tilespmem:v56+s24+$0x0] =	vst.idx.msk $0xffff, v62;
	v49 =	vmul.f32 $8.000000000e+00, v40  }
0x54d: {  	v52 =	vor.u32 v11, v29;
	v53 =	vadd.s32 v17, v31;
	v51 =	vld.idx.msk [tilespmem:v59+s13+$0x0], $0xffff  }
0x54e: {  	v44 =	vadd.s32 v12, v53;
	[tilespmem:v47+s24+$0x0] =	vst.idx.msk $0xffff, v49;
	v54 =	vmul.f32 $8.000000000e+00, v61  }
0x54f: {  	v55 =	vor.u32 v7, v35;
	v56 =	vadd.s32 v19, v38;
	v41 =	vld.idx.msk [tilespmem:v63+s13+$0x0], $0xffff  }
0x550: {  	v58 =	vadd.s32 v8, v56;
	[tilespmem:v32+s24+$0x0] =	vst.idx.msk $0xffff, v54;
	v57 =	vmul.f32 $8.000000000e+00, v37  }
0x551: {  	v60 =	vor.u32 v5, v36;
	v59 =	vadd.s32 v20, v30;
	v40 =	vld.idx.msk [tilespmem:v50+s13+$0x0], $0xffff  }
0x552: {  	v62 =	vadd.s32 v6, v59;
	v37 =	vshll.u32 v39, $0x7;
	[tilespmem:v52+s24+$0x0] =	vst.idx.msk $0xffff, v57;
	v61 =	vmul.f32 $8.000000000e+00, v51  }
0x553: {  	v48 =	vadd.s32 v22, v39;
	v63 =	vor.u32 v0, v37;
	v43 =	vld.idx.msk [tilespmem:v44+s13+$0x0], $0xffff  }
0x554: {  	v50 =	vadd.s32 v2, v48;
	[tilespmem:v55+s24+$0x0] =	vst.idx.msk $0xffff, v61;
	v49 =	vmul.f32 $8.000000000e+00, v41  }
0x555: {  	v31 =	vadd.s32 v16, v31;
	v51 =	vor.u32 v13, v29;
	v33 =	vld.idx.msk [tilespmem:v58+s13+$0x0], $0xffff  }
0x556: {  	v31 =	vadd.s32 v14, v31;
	[tilespmem:v60+s24+$0x0] =	vst.idx.msk $0xffff, v49;
	v52 =	vmul.f32 $8.000000000e+00, v40  }
0x557: {  	v54 =	vor.u32 v9, v35;
	v55 =	vadd.s32 v18, v38;
	v53 =	vld.idx.msk [tilespmem:v62+s13+$0x0], $0xffff  }
0x558: {  	v57 =	vadd.s32 v10, v55;
	[tilespmem:v63+s24+$0x0] =	vst.idx.msk $0xffff, v52;
	v56 =	vmul.f32 $8.000000000e+00, v43  }
0x559: {  	v59 =	vor.u32 v7, v36;
	v58 =	vadd.s32 v19, v30;
	v41 =	vld.idx.msk [tilespmem:v50+s13+$0x0], $0xffff  }
0x55a: {  	v61 =	vadd.s32 v8, v58;
	[tilespmem:v51+s24+$0x0] =	vst.idx.msk $0xffff, v56;
	v60 =	vmul.f32 $8.000000000e+00, v33  }
0x55b: {  	v62 =	vor.u32 v3, v37;
	v63 =	vadd.s32 v21, v39;
	v31 =	vld.idx.msk [tilespmem:v31+s13+$0x0], $0xffff  }
0x55c: {  	v32 =	vor.u32 $0x20, v26;
	v48 =	vadd.s32 v4, v63;
	[tilespmem:v54+s24+$0x0] =	vst.idx.msk $0xffff, v60;
	v40 =	vmul.f32 $8.000000000e+00, v53  }
0x55d: {  	v29 =	vor.u32 v15, v29;
	v49 =	vadd.s32 v23, v32;
	v26 =	vld.idx.msk [tilespmem:v57+s13+$0x0], $0xffff  }
0x55e: {  	v51 =	vadd.s32 v1, v49;
	[tilespmem:v59+s24+$0x0] =	vst.idx.msk $0xffff, v40;
	v50 =	vmul.f32 $8.000000000e+00, v41  }
0x55f: {  	v52 =	vor.u32 v11, v35;
	v53 =	vadd.s32 v17, v38;
	v33 =	vld.idx.msk [tilespmem:v61+s13+$0x0], $0xffff  }
0x560: {  	v54 =	vadd.s32 v12, v53;
	[tilespmem:v62+s24+$0x0] =	vst.idx.msk $0xffff, v50;
	v31 =	vmul.f32 $8.000000000e+00, v31  }
0x561: {  	v55 =	vadd.s32 v18, v30;
	v56 =	vor.u32 v9, v36;
	v42 =	vld.idx.msk [tilespmem:v48+s13+$0x0], $0xffff  }
0x562: {  	v44 =	vadd.s32 v10, v55;
	[tilespmem:v29+s24+$0x0] =	vst.idx.msk $0xffff, v31;
	v26 =	vmul.f32 $8.000000000e+00, v26  }
0x563: {  	v57 =	vor.u32 v5, v37;
	v29 =	vadd.s32 v20, v39;
	v41 =	vld.idx.msk [tilespmem:v51+s13+$0x0], $0xffff  }
0x564: {  	v31 =	vshll.u32 v32, $0x7;
	v58 =	vadd.s32 v6, v29;
	[tilespmem:v52+s24+$0x0] =	vst.idx.msk $0xffff, v26;
	v26 =	vmul.f32 $8.000000000e+00, v33  }
0x565: {  	s10 =	simm.s32 $0x4;
	v60 =	vadd.s32 v22, v32;
	v59 =	vor.u32 v0, v31;
	v40 =	vld.idx.msk [tilespmem:v54+s13+$0x0], $0xffff  }
0x566: {  	v61 =	vadd.s32 v2, v60;
	v29 =	vadd.s32 s10, v0;
	[tilespmem:v56+s24+$0x0] =	vst.idx.msk $0xffff, v26;
	v26 =	vmul.f32 $8.000000000e+00, v42  }
0x567: {  	v38 =	vadd.s32 v16, v38;
	v62 =	vor.u32 v13, v35;
	v33 =	vand.u32 $0xF, v29;
	v44 =	vld.idx.msk [tilespmem:v44+s13+$0x0], $0xffff  }
0x568: {  	v38 =	vadd.s32 v14, v38;
	v48 =	vadd.s32 v23, v33;
	[tilespmem:v57+s24+$0x0] =	vst.idx.msk $0xffff, v26;
	v26 =	vmul.f32 $8.000000000e+00, v41  }
0x569: {  	v53 =	vor.u32 v11, v36;
	v52 =	vadd.s32 v17, v30;
	v63 =	vadd.s32 v1, v48;
	v43 =	vld.idx.msk [tilespmem:v58+s13+$0x0], $0xffff  }
0x56a: {  	v54 =	vadd.s32 v12, v52;
	[tilespmem:v59+s24+$0x0] =	vst.idx.msk $0xffff, v26;
	v26 =	vmul.f32 $8.000000000e+00, v40  }
0x56b: {  	v55 =	vor.u32 v7, v37;
	v56 =	vadd.s32 v19, v39;
	v42 =	vld.idx.msk [tilespmem:v61+s13+$0x0], $0xffff  }
0x56c: {  	v57 =	vadd.s32 v8, v56;
	[tilespmem:v62+s24+$0x0] =	vst.idx.msk $0xffff, v26;
	v26 =	vmul.f32 $8.000000000e+00, v44  }
0x56d: {  	v35 =	vor.u32 v15, v35;
	v49 =	vor.u32 v3, v31;
	v59 =	vadd.s32 v21, v32;
	v45 =	vld.idx.msk [tilespmem:v38+s13+$0x0], $0xffff  }
0x56e: {  	v24 =	vor.u32 $0x30, v24;
	v41 =	vld.idx.msk [tilespmem:v63+s13+$0x0], $0xffff;
	v60 =	vadd.s32 v4, v59;
	[tilespmem:v53+s24+$0x0] =	vst.idx.msk $0xffff, v26;
	v26 =	vmul.f32 $8.000000000e+00, v43  }
0x56f: {  	v58 =	vadd.s32 v23, v24;
	v61 =	vadd.s32 v22, v33;
	v38 =	vshll.u32 v33, $0x7;
	v40 =	vld.idx.msk [tilespmem:v54+s13+$0x0], $0xffff  }
0x570: {  	v62 =	vadd.s32 v1, v58;
	v50 =	vor.u32 v0, v38;
	[tilespmem:v55+s24+$0x0] =	vst.idx.msk $0xffff, v26;
	v26 =	vmul.f32 $8.000000000e+00, v42  }
0x571: {  	v52 =	vor.u32 v13, v36;
	v63 =	vadd.s32 v2, v61;
	v53 =	vadd.s32 v16, v30;
	v44 =	vld.idx.msk [tilespmem:v57+s13+$0x0], $0xffff  }
0x572: {  	v54 =	vadd.s32 v14, v53;
	[tilespmem:v49+s24+$0x0] =	vst.idx.msk $0xffff, v26;
	v26 =	vmul.f32 $8.000000000e+00, v45  }
0x573: {  	v58 =	vadd.s32 v18, v39;
	v41 =	vmul.f32 $8.000000000e+00, v41;
	v57 =	vor.u32 v9, v37;
	v43 =	vld.idx.msk [tilespmem:v60+s13+$0x0], $0xffff  }
0x574: {  	v56 =	vadd.s32 v21, v33;
	[tilespmem:v35+s24+$0x0] =	vst.idx.msk $0xffff, v26;
	v26 =	vmul.f32 $8.000000000e+00, v40;
	v40 =	vadd.s32 v10, v58  }
0x575: {  	v61 =	vadd.s32 v20, v32;
	[tilespmem:v50+s24+$0x0] =	vst.idx.msk $0xffff, v41;
	v60 =	vor.u32 v5, v31;
	v59 =	vld.idx.msk [tilespmem:v62+s13+$0x0], $0xffff  }
0x576: {  	v46 =	vld.idx.msk [tilespmem:v63+s13+$0x0], $0xffff;
	v62 =	vadd.s32 v6, v61;
	[tilespmem:v52+s24+$0x0] =	vst.idx.msk $0xffff, v26;
	v44 =	vmul.f32 $8.000000000e+00, v44;
	v26 =	vshll.u32 v24, $0x7  }
0x577: {  	v51 =	vor.u32 v3, v38;
	v55 =	vadd.s32 v22, v24;
	v63 =	vor.u32 v0, v26;
	v45 =	vld.idx.msk [tilespmem:v54+s13+$0x0], $0xffff  }
0x578: {  	v35 =	vor.u32 $0x10, v28;
	v52 =	vadd.s32 v2, v55;
	[tilespmem:v57+s24+$0x0] =	vst.idx.msk $0xffff, v44;
	v43 =	vmul.f32 $8.000000000e+00, v43  }
0x579: {  	v36 =	vor.u32 v15, v36;
	v58 =	vadd.s32 v23, v35;
	v57 =	vadd.s32 v4, v56;
	v40 =	vld.idx.msk [tilespmem:v40+s13+$0x0], $0xffff  }
0x57a: {  	v41 =	vmul.f32 $8.000000000e+00, v59;
	[tilespmem:v60+s24+$0x0] =	vst.idx.msk $0xffff, v43;
	v60 =	vadd.s32 v1, v58  }
0x57b: {  	v47 =	vor.u32 v11, v37;
	v61 =	vadd.s32 v17, v39;
	v59 =	vmul.f32 $8.000000000e+00, v46;
	v46 =	vld.idx.msk [tilespmem:v62+s13+$0x0], $0xffff  }
0x57c: {  	v54 =	vadd.s32 v19, v32;
	[tilespmem:v63+s24+$0x0] =	vst.idx.msk $0xffff, v41;
	v62 =	vmul.f32 $8.000000000e+00, v45;
	v63 =	vadd.s32 v12, v61  }
0x57d: {  	v48 =	vor.u32 v7, v31;
	v56 =	vadd.s32 v8, v54;
	[tilespmem:v51+s24+$0x0] =	vst.idx.msk $0xffff, v59;
	v45 =	vld.idx.msk [tilespmem:v52+s13+$0x0], $0xffff  }
0x57e: {  	v59 =	vadd.s32 v21, v24;
	v44 =	vld.idx.msk [tilespmem:v57+s13+$0x0], $0xffff;
	[tilespmem:v36+s24+$0x0] =	vst.idx.msk $0xffff, v62;
	v55 =	vmul.f32 $8.000000000e+00, v40  }
0x57f: {  	v58 =	vor.u32 v3, v26;
	v57 =	vadd.s32 v20, v33;
	v61 =	vadd.s32 v4, v59;
	v43 =	vld.idx.msk [tilespmem:v60+s13+$0x0], $0xffff  }
0x580: {  	v36 =	vshll.u32 v35, $0x7;
	v60 =	vor.u32 v5, v38;
	[tilespmem:v47+s24+$0x0] =	vst.idx.msk $0xffff, v55;
	v46 =	vmul.f32 $8.000000000e+00, v46  }
0x581: {  	v41 =	vadd.s32 v6, v57;
	v62 =	vor.u32 v0, v36;
	v42 =	vld.idx.msk [tilespmem:v63+s13+$0x0], $0xffff;
	v63 =	vadd.s32 v22, v35  }
0x582: {  	v39 =	vadd.s32 v16, v39;
	[tilespmem:v48+s24+$0x0] =	vst.idx.msk $0xffff, v46;
	v45 =	vmul.f32 $8.000000000e+00, v45;
	v55 =	vadd.s32 v2, v63  }
0x583: {  	v39 =	vadd.s32 v14, v39;
	v44 =	vmul.f32 $8.000000000e+00, v44;
	v40 =	vld.idx.msk [tilespmem:v56+s13+$0x0], $0xffff  }
0x584: {  	v57 =	vor.u32 v9, v31;
	v56 =	vor.u32 v13, v37;
	[tilespmem:v58+s24+$0x0] =	vst.idx.msk $0xffff, v45;
	v43 =	vmul.f32 $8.000000000e+00, v43  }
0x585: {  	v63 =	vor.u32 v7, v38;
	[tilespmem:v60+s24+$0x0] =	vst.idx.msk $0xffff, v44;
	v58 =	vadd.s32 v18, v32;
	v44 =	vld.idx.msk [tilespmem:v61+s13+$0x0], $0xffff  }
0x586: {  	v60 =	vadd.s32 v19, v33;
	v41 =	vld.idx.msk [tilespmem:v41+s13+$0x0], $0xffff;
	v59 =	vadd.s32 v10, v58;
	[tilespmem:v62+s24+$0x0] =	vst.idx.msk $0xffff, v43  }
0x587: {  	v61 =	vor.u32 v5, v26;
	v42 =	vmul.f32 $8.000000000e+00, v42;
	v62 =	vadd.s32 v20, v24;
	v46 =	vld.idx.msk [tilespmem:v55+s13+$0x0], $0xffff  }
0x588: {  	v47 =	vadd.s32 v8, v60;
	v54 =	vadd.s32 v6, v62;
	v40 =	vmul.f32 $8.000000000e+00, v40  }
0x589: {  	v55 =	vor.u32 v3, v36;
	[tilespmem:v56+s24+$0x0] =	vst.idx.msk $0xffff, v42;
	v56 =	vadd.s32 v21, v35  }
0x58a: {  	v39 =	vld.idx.msk [tilespmem:v39+s13+$0x0], $0xffff;
	[tilespmem:v57+s24+$0x0] =	vst.idx.msk $0xffff, v40;
	v44 =	vmul.f32 $8.000000000e+00, v44;
	v57 =	vadd.s32 v4, v56  }
0x58b: {  	v37 =	vor.u32 v15, v37;
	v40 =	vor.u32 $0x20, v34;
	v58 =	vmul.f32 $8.000000000e+00, v41  }
0x58c: {  	v59 =	vld.idx.msk [tilespmem:v59+s13+$0x0], $0xffff;
	v60 =	vadd.s32 v23, v40;
	[tilespmem:v61+s24+$0x0] =	vst.idx.msk $0xffff, v44;
	v61 =	vmul.f32 $8.000000000e+00, v46  }
0x58d: {  	v62 =	vadd.s32 v17, v32;
	v43 =	vadd.s32 v1, v60;
	[tilespmem:v63+s24+$0x0] =	vst.idx.msk $0xffff, v58;
	v34 =	vld.idx.msk [tilespmem:v54+s13+$0x0], $0xffff  }
0x58e: {  	v42 =	vor.u32 v11, v31;
	v56 =	vor.u32 v7, v26;
	v47 =	vld.idx.msk [tilespmem:v47+s13+$0x0], $0xffff;
	[tilespmem:v55+s24+$0x0] =	vst.idx.msk $0xffff, v61  }
0x58f: {  	v44 =	vadd.s32 v12, v62;
	v39 =	vmul.f32 $8.000000000e+00, v39;
	v49 =	vld.idx.msk [tilespmem:v57+s13+$0x0], $0xffff;
	v57 =	vadd.s32 v19, v24  }
0x590: {  	v63 =	vadd.s32 v18, v33;
	v58 =	vor.u32 v9, v38;
	v60 =	vadd.s32 v8, v57  }
0x591: {  	v41 =	vshll.u32 v40, $0x7;
	v48 =	vadd.s32 v10, v63;
	[tilespmem:v37+s24+$0x0] =	vst.idx.msk $0xffff, v39;
	v59 =	vmul.f32 $8.000000000e+00, v59  }
0x592: {  	v46 =	vor.u32 v5, v36;
	v61 =	vadd.s32 v20, v35;
	v43 =	vld.idx.msk [tilespmem:v43+s13+$0x0], $0xffff;
	v62 =	vmul.f32 $8.000000000e+00, v34  }
0x593: {  	s10 =	simm.s32 $0x5;
	v45 =	vor.u32 v0, v41;
	[tilespmem:v42+s24+$0x0] =	vst.idx.msk $0xffff, v59;
	v53 =	vmul.f32 $8.000000000e+00, v47;
	v47 =	vadd.s32 v6, v61  }
0x594: {  	v63 =	vadd.s32 v22, v40;
	v34 =	vadd.s32 s10, v0;
	v42 =	vld.idx.msk [tilespmem:v44+s13+$0x0], $0xffff;
	[tilespmem:v56+s24+$0x0] =	vst.idx.msk $0xffff, v62  }
0x595: {  	s10 =	simm.s32 $0x6;
	v39 =	vand.u32 $0xF, v34;
	v44 =	vadd.s32 v2, v63;
	[tilespmem:v58+s24+$0x0] =	vst.idx.msk $0xffff, v53;
	v49 =	vmul.f32 $8.000000000e+00, v49;
	v37 =	vld.idx.msk [tilespmem:v60+s13+$0x0], $0xffff  }
.LBB2_20:
0x596: {  	p1 =	sne.s32 s10, $0xF;
	v48 =	vld.idx.msk [tilespmem:v48+s13+$0x0], $0xffff;
	v50 =	vor.u32 v13, v31;
	v32 =	vadd.s32 v16, v32;
	v51 =	vadd.s32 v18, v24  }
0x597: {  	v52 =	vadd.s32 v23, v39;
	v43 =	vmul.f32 $8.000000000e+00, v43;
	[tilespmem:v46+s24+$0x0] =	vst.idx.msk $0xffff, v49;
	v46 =	vadd.s32 v14, v32  }
0x598: {  	v55 =	vadd.s32 v17, v33;
	v49 =	vadd.s32 v1, v52;
	v52 =	vor.u32 v9, v26;
	v47 =	vld.idx.msk [tilespmem:v47+s13+$0x0], $0xffff  }
0x599: {  	v53 =	vor.u32 v11, v38;
	v42 =	vmul.f32 $8.000000000e+00, v42;
	[tilespmem:v45+s24+$0x0] =	vst.idx.msk $0xffff, v43;
	v43 =	vadd.s32 v10, v51  }
0x59a: {  	v54 =	vadd.s32 v17, v24;
	v45 =	vadd.s32 v12, v55;
	v51 =	vor.u32 $0x30, v27;
	v32 =	vmovc v40;
	v44 =	vld.idx.msk [tilespmem:v44+s13+$0x0], $0xffff  }
0x59b: {  	v40 =	vor.u32 v7, v36;
	v55 =	vadd.s32 v19, v35;
	v37 =	vmul.f32 $8.000000000e+00, v37;
	[tilespmem:v50+s24+$0x0] =	vst.idx.msk $0xffff, v42  }
0x59c: {  	v27 =	vmovc v25;
	v42 =	vmul.f32 $8.000000000e+00, v48;
	v48 =	vadd.s32 v8, v55;
	v50 =	vadd.s32 v23, v51;
	v46 =	vld.idx.msk [tilespmem:v46+s13+$0x0], $0xffff  }
0x59d: {  	v56 =	vadd.s32 v21, v32;
	v55 =	vor.u32 v3, v41;
	v49 =	vld.idx.msk [tilespmem:v49+s13+$0x0], $0xffff;
	[tilespmem:v52+s24+$0x0] =	vst.idx.msk $0xffff, v37  }
0x59e: {  	v25 =	vmov v28;
	v37 =	vmul.f32 $8.000000000e+00, v47;
	[tilespmem:v53+s24+$0x0] =	vst.idx.msk $0xffff, v42;
	v42 =	vadd.s32 v4, v56;
	v43 =	vld.idx.msk [tilespmem:v43+s13+$0x0], $0xffff  }
0x59f: {  	v28 =	vshll.u32 v39, $0x7;
	v47 =	vadd.s32 v22, v39;
	v52 =	vor.u32 v15, v31;
	v31 =	vmovc v41;
	v45 =	vld.idx.msk [tilespmem:v45+s13+$0x0], $0xffff  }
0x5a0: {  	v41 =	vor.u32 v0, v28;
	[tilespmem:v40+s24+$0x0] =	vst.idx.msk $0xffff, v37;
	v37 =	vmul.f32 $8.000000000e+00, v44;
	v40 =	vadd.s32 v1, v50  }
0x5a1: {  	v44 =	vadd.s32 v2, v47;
	v47 =	vadd.s32 v16, v33;
	v50 =	vor.u32 v11, v26;
	v48 =	vld.idx.msk [tilespmem:v48+s13+$0x0], $0xffff  }
0x5a2: {  	v53 =	vor.u32 v13, v38;
	[tilespmem:v55+s24+$0x0] =	vst.idx.msk $0xffff, v37;
	v37 =	vmul.f32 $8.000000000e+00, v46;
	v46 =	vadd.s32 v12, v54  }
0x5a3: {  	v47 =	vadd.s32 v14, v47;
	v49 =	vmul.f32 $8.000000000e+00, v49;
	v54 =	vadd.s32 v16, v24;
	v24 =	vmovc v51;
	v42 =	vld.idx.msk [tilespmem:v42+s13+$0x0], $0xffff  }
0x5a4: {  	v51 =	vor.u32 v9, v36;
	v55 =	vadd.s32 v18, v35;
	[tilespmem:v52+s24+$0x0] =	vst.idx.msk $0xffff, v37;
	v37 =	vmul.f32 $8.000000000e+00, v43  }
0x5a5: {  	v43 =	vor.u32 $0x10, v29;
	[tilespmem:v41+s24+$0x0] =	vst.idx.msk $0xffff, v49;
	v41 =	vmul.f32 $8.000000000e+00, v45;
	v45 =	vadd.s32 v10, v55;
	v40 =	vld.idx.msk [tilespmem:v40+s13+$0x0], $0xffff  }
0x5a6: {  	v52 =	vadd.s32 v20, v32;
	v49 =	vor.u32 v5, v31;
	v44 =	vld.idx.msk [tilespmem:v44+s13+$0x0], $0xffff;
	[tilespmem:v50+s24+$0x0] =	vst.idx.msk $0xffff, v37  }
0x5a7: {  	v37 =	vmul.f32 $8.000000000e+00, v48;
	v48 =	vshll.u32 v24, $0x7;
	[tilespmem:v53+s24+$0x0] =	vst.idx.msk $0xffff, v41;
	v41 =	vadd.s32 v6, v52;
	v46 =	vld.idx.msk [tilespmem:v46+s13+$0x0], $0xffff  }
0x5a8: {  	v50 =	vadd.s32 v21, v39;
	v52 =	vor.u32 v0, v48;
	v53 =	vadd.s32 v22, v24;
	v47 =	vld.idx.msk [tilespmem:v47+s13+$0x0], $0xffff  }
0x5a9: {  	v55 =	vor.u32 v3, v28;
	[tilespmem:v51+s24+$0x0] =	vst.idx.msk $0xffff, v37;
	v37 =	vmul.f32 $8.000000000e+00, v42;
	v42 =	vadd.s32 v2, v53  }
0x5aa: {  	v50 =	vadd.s32 v4, v50;
	v51 =	vadd.s32 v23, v43;
	v53 =	vor.u32 v13, v26;
	v45 =	vld.idx.msk [tilespmem:v45+s13+$0x0], $0xffff  }
0x5ab: {  	v56 =	vor.u32 v15, v38;
	[tilespmem:v49+s24+$0x0] =	vst.idx.msk $0xffff, v37;
	v37 =	vmul.f32 $8.000000000e+00, v40;
	v40 =	vadd.s32 v14, v54  }
0x5ac: {  	v38 =	vmovc v28;
	v28 =	vmovc v29;
	v29 =	vmov v34;
	v44 =	vmul.f32 $8.000000000e+00, v44;
	v49 =	vadd.s32 v1, v51;
	v41 =	vld.idx.msk [tilespmem:v41+s13+$0x0], $0xffff  }
0x5ad: {  	v34 =	vor.u32 v11, v36;
	v51 =	vadd.s32 v17, v35;
	[tilespmem:v52+s24+$0x0] =	vst.idx.msk $0xffff, v37;
	v37 =	vmul.f32 $8.000000000e+00, v46  }
0x5ae: {  	v46 =	vadd.s32 v12, v51;
	[tilespmem:v55+s24+$0x0] =	vst.idx.msk $0xffff, v44;
	v44 =	vmul.f32 $8.000000000e+00, v47;
	v42 =	vld.idx.msk [tilespmem:v42+s13+$0x0], $0xffff  }
0x5af: {  	v51 =	vadd.s32 v19, v32;
	v47 =	vld.idx.msk [tilespmem:v50+s13+$0x0], $0xffff;
	v50 =	vor.u32 v7, v31;
	[tilespmem:v53+s24+$0x0] =	vst.idx.msk $0xffff, v37  }
0x5b0: {  	v37 =	vmul.f32 $8.000000000e+00, v45;
	[tilespmem:v56+s24+$0x0] =	vst.idx.msk $0xffff, v44;
	v44 =	vadd.s32 v8, v51;
	v40 =	vld.idx.msk [tilespmem:v40+s13+$0x0], $0xffff  }
0x5b1: {  	v52 =	vadd.s32 v21, v24;
	v45 =	vadd.s32 v20, v39;
	v51 =	vor.u32 v3, v48;
	v49 =	vld.idx.msk [tilespmem:v49+s13+$0x0], $0xffff  }
0x5b2: {  	v53 =	vor.u32 v5, v38;
	[tilespmem:v34+s24+$0x0] =	vst.idx.msk $0xffff, v37;
	v34 =	vmul.f32 $8.000000000e+00, v41;
	v37 =	vadd.s32 v4, v52  }
0x5b3: {  	v41 =	vadd.s32 v6, v45;
	v45 =	vshll.u32 v43, $0x7;
	v52 =	vor.u32 v15, v26;
	v26 =	vmovc v48;
	v46 =	vld.idx.msk [tilespmem:v46+s13+$0x0], $0xffff  }
0x5b4: {  	v54 =	vadd.s32 v22, v43;
	v48 =	vor.u32 v0, v45;
	[tilespmem:v50+s24+$0x0] =	vst.idx.msk $0xffff, v34;
	v34 =	vmul.f32 $8.000000000e+00, v42  }
0x5b5: {  	v42 =	vmul.f32 $8.000000000e+00, v47;
	v47 =	vadd.s32 v2, v54;
	v44 =	vld.idx.msk [tilespmem:v44+s13+$0x0], $0xffff  }
0x5b6: {  	v50 =	vor.u32 v13, v36;
	v54 =	vadd.s32 v16, v35;
	[tilespmem:v51+s24+$0x0] =	vst.idx.msk $0xffff, v34;
	v34 =	vmul.f32 $8.000000000e+00, v40  }
0x5b7: {  	v35 =	vmov v43;
	v40 =	vmul.f32 $8.000000000e+00, v49;
	[tilespmem:v53+s24+$0x0] =	vst.idx.msk $0xffff, v42;
	v42 =	vadd.s32 v14, v54;
	v37 =	vld.idx.msk [tilespmem:v37+s13+$0x0], $0xffff  }
0x5b8: {  	v43 =	vor.u32 v9, v31;
	v49 =	vadd.s32 v18, v32;
	v41 =	vld.idx.msk [tilespmem:v41+s13+$0x0], $0xffff;
	[tilespmem:v52+s24+$0x0] =	vst.idx.msk $0xffff, v34  }
0x5b9: {  	v34 =	vmul.f32 $8.000000000e+00, v46;
	v46 =	vadd.s32 v10, v49;
	[tilespmem:v48+s24+$0x0] =	vst.idx.msk $0xffff, v40  }
0x5ba: {  	v49 =	vadd.s32 v20, v24;
	v40 =	vadd.s32 v19, v39;
	v48 =	vor.u32 v5, v26;
	v47 =	vld.idx.msk [tilespmem:v47+s13+$0x0], $0xffff  }
0x5bb: {  	v51 =	vor.u32 v7, v38;
	[tilespmem:v50+s24+$0x0] =	vst.idx.msk $0xffff, v34;
	v34 =	vmul.f32 $8.000000000e+00, v44;
	v44 =	vadd.s32 v6, v49  }
0x5bc: {  	v49 =	vadd.s32 v8, v40;
	v42 =	vld.idx.msk [tilespmem:v42+s13+$0x0], $0xffff  }
0x5bd: {  	v50 =	vor.u32 v3, v45;
	v40 =	vadd.s32 v21, v35;
	[tilespmem:v43+s24+$0x0] =	vst.idx.msk $0xffff, v34;
	v34 =	vmul.f32 $8.000000000e+00, v37  }
0x5be: {  	v37 =	vmul.f32 $8.000000000e+00, v41;
	v41 =	vadd.s32 v4, v40;
	v40 =	vor.u32 $0x20, v30;
	v30 =	vmovc v33;
	v33 =	vmovc v39;
	v43 =	vld.idx.msk [tilespmem:v46+s13+$0x0], $0xffff  }
0x5bf: {  	v39 =	vor.u32 v15, v36;
	v36 =	vmov v45;
	v46 =	vadd.s32 v23, v40;
	[tilespmem:v48+s24+$0x0] =	vst.idx.msk $0xffff, v34  }
0x5c0: {  	v34 =	vmul.f32 $8.000000000e+00, v47;
	[tilespmem:v51+s24+$0x0] =	vst.idx.msk $0xffff, v37;
	v37 =	vadd.s32 v1, v46;
	v44 =	vld.idx.msk [tilespmem:v44+s13+$0x0], $0xffff  }
0x5c1: {  	v47 =	vor.u32 v11, v31;
	v46 =	vadd.s32 v17, v32;
	v45 =	vld.idx.msk [tilespmem:v49+s13+$0x0], $0xffff  }
0x5c2: {  	[tilespmem:v50+s24+$0x0] =	vst.idx.msk $0xffff, v34;
	v34 =	vmul.f32 $8.000000000e+00, v42;
	v42 =	vadd.s32 v12, v46  }
0x5c3: {  	v46 =	vadd.s32 v18, v33;
	v50 =	vor.u32 v7, v26;
	v49 =	vld.idx.msk [tilespmem:v41+s13+$0x0], $0xffff;
	v41 =	vadd.s32 v19, v24  }
0x5c4: {  	v51 =	vor.u32 v9, v38;
	[tilespmem:v39+s24+$0x0] =	vst.idx.msk $0xffff, v34;
	v34 =	vmul.f32 $8.000000000e+00, v43;
	v52 =	vadd.s32 v8, v41  }
.Ltmp12:
0x5c5: {  	v48 =	vadd.s32 v10, v46;
	v43 =	vld.idx.msk [tilespmem:v37+s13+$0x0], $0xffff;
	(pc) =	sbr.rel @p1 .LBB2_20-.Ltmp12, $4  }
0x5c6: {  	v46 =	vor.u32 v5, v36;
	v37 =	vadd.s32 v20, v35;
	v39 =	vmul.f32 $8.000000000e+00, v44;
	[tilespmem:v47+s24+$0x0] =	vst.idx.msk $0xffff, v34  }
0x5c7: {  	v41 =	vshll.u32 v40, $0x7;
	v44 =	vmul.f32 $8.000000000e+00, v45;
	v47 =	vadd.s32 v6, v37;
	v42 =	vld.idx.msk [tilespmem:v42+s13+$0x0], $0xffff  }
0x5c8: {  	v34 =	vadd.s32 s10, v0;
	v45 =	vor.u32 v0, v41;
	v37 =	vadd.s32 v22, v40;
	[tilespmem:v50+s24+$0x0] =	vst.idx.msk $0xffff, v39  }
0x5c9: {  	s10 =	sadd.s32 $0x1, s10;
	v39 =	vand.u32 $0xF, v34;
	v49 =	vmul.f32 $8.000000000e+00, v49;
	[tilespmem:v51+s24+$0x0] =	vst.idx.msk $0xffff, v44;
	v44 =	vadd.s32 v2, v37;
	v37 =	vld.idx.msk [tilespmem:v52+s13+$0x0], $0xffff  }
0x5ca: {  	v50 =	vadd.s32 v23, v39  }
0x5cb: {  	v50 =	vadd.s32 v1, v50;
	_ =	sdelay $0x4  }
0x5cc: {  	v50 =	vld.idx.msk [tilespmem:v50+s13+$0x0], $0xffff  }
0x5cd: {  	v51 =	vshll.u32 v39, $0x7  }
0x5ce: {  	v52 =	vadd.s32 v22, v39;
	v53 =	vor.u32 v0, v51  }
0x5cf: {  	v52 =	vadd.s32 v2, v52;
	_ =	sdelay $0x1  }
0x5d0: {  	v50 =	vmul.f32 $8.000000000e+00, v50;
	_ =	sdelay $0x1  }
0x5d1: {  	[tilespmem:v53+s24+$0x0] =	vst.idx.msk $0xffff, v50  }
0x5d2: {  	v50 =	vld.idx.msk [tilespmem:v52+s13+$0x0], $0xffff;
	_ =	sdelay $0x1  }
0x5d3: {  	v60 =	vadd.s32 v21, v39;
	v61 =	vor.u32 v3, v51  }
0x5d4: {  	v52 =	vadd.s32 v4, v60;
	_ =	sdelay $0x1  }
0x5d5: {  	v50 =	vmul.f32 $8.000000000e+00, v50;
	_ =	sdelay $0x1  }
0x5d6: {  	[tilespmem:v61+s24+$0x0] =	vst.idx.msk $0xffff, v50  }
0x5d7: {  	v50 =	vld.idx.msk [tilespmem:v52+s13+$0x0], $0xffff;
	_ =	sdelay $0x1  }
0x5d8: {  	v62 =	vadd.s32 v20, v39;
	v63 =	vor.u32 v5, v51  }
0x5d9: {  	v52 =	vadd.s32 v6, v62;
	_ =	sdelay $0x1  }
0x5da: {  	v50 =	vmul.f32 $8.000000000e+00, v50;
	_ =	sdelay $0x1  }
0x5db: {  	[tilespmem:v63+s24+$0x0] =	vst.idx.msk $0xffff, v50  }
0x5dc: {  	v50 =	vld.idx.msk [tilespmem:v52+s13+$0x0], $0xffff;
	_ =	sdelay $0x1  }
0x5dd: {  	v56 =	vadd.s32 v19, v39;
	v57 =	vor.u32 v7, v51  }
0x5de: {  	v52 =	vadd.s32 v8, v56;
	_ =	sdelay $0x1  }
0x5df: {  	v50 =	vmul.f32 $8.000000000e+00, v50;
	_ =	sdelay $0x1  }
0x5e0: {  	[tilespmem:v57+s24+$0x0] =	vst.idx.msk $0xffff, v50  }
0x5e1: {  	v50 =	vld.idx.msk [tilespmem:v52+s13+$0x0], $0xffff;
	_ =	sdelay $0x1  }
0x5e2: {  	v58 =	vadd.s32 v18, v39;
	v59 =	vor.u32 v9, v51  }
0x5e3: {  	v52 =	vadd.s32 v10, v58;
	_ =	sdelay $0x1  }
0x5e4: {  	v50 =	vmul.f32 $8.000000000e+00, v50;
	_ =	sdelay $0x1  }
0x5e5: {  	v48 =	vld.idx.msk [tilespmem:v48+s13+$0x0], $0xffff;
	[tilespmem:v59+s24+$0x0] =	vst.idx.msk $0xffff, v50  }
0x5e6: {  	v50 =	vld.idx.msk [tilespmem:v52+s13+$0x0], $0xffff  }
0x5e7: {  	v60 =	vadd.s32 v17, v33;
	v61 =	vor.u32 v11, v38  }
0x5e8: {  	v54 =	vadd.s32 v17, v39;
	v55 =	vor.u32 v11, v51;
	v52 =	vadd.s32 v12, v60  }
0x5e9: {  	v54 =	vadd.s32 v12, v54  }
0x5ea: {  	v48 =	vmul.f32 $8.000000000e+00, v48  }
0x5eb: {  	v50 =	vmul.f32 $8.000000000e+00, v50  }
0x5ec: {  	[tilespmem:v61+s24+$0x0] =	vst.idx.msk $0xffff, v48  }
0x5ed: {  	v48 =	vld.idx.msk [tilespmem:v52+s13+$0x0], $0xffff;
	[tilespmem:v55+s24+$0x0] =	vst.idx.msk $0xffff, v50  }
0x5ee: {  	v50 =	vld.idx.msk [tilespmem:v54+s13+$0x0], $0xffff  }
0x5ef: {  	v62 =	vadd.s32 v16, v33;
	v63 =	vor.u32 v13, v38  }
0x5f0: {  	v57 =	vadd.s32 v16, v39;
	v58 =	vor.u32 v13, v51;
	v52 =	vadd.s32 v14, v62  }
0x5f1: {  	v54 =	vadd.s32 v14, v57  }
0x5f2: {  	v48 =	vmul.f32 $8.000000000e+00, v48  }
0x5f3: {  	v50 =	vmul.f32 $8.000000000e+00, v50  }
0x5f4: {  	[tilespmem:v63+s24+$0x0] =	vst.idx.msk $0xffff, v48  }
0x5f5: {  	v48 =	vld.idx.msk [tilespmem:v52+s13+$0x0], $0xffff;
	[tilespmem:v58+s24+$0x0] =	vst.idx.msk $0xffff, v50  }
0x5f6: {  	v50 =	vor.u32 $0x10, v29;
	v59 =	vld.idx.msk [tilespmem:v54+s13+$0x0], $0xffff  }
0x5f7: {  	v61 =	vor.u32 v15, v38;
	v60 =	vadd.s32 v23, v50;
	v54 =	vor.u32 $0x10, v34  }
0x5f8: {  	v51 =	vor.u32 v15, v51;
	v53 =	vadd.s32 v1, v60;
	v62 =	vadd.s32 v23, v54  }
0x5f9: {  	v55 =	vadd.s32 v1, v62  }
0x5fa: {  	v48 =	vmul.f32 $8.000000000e+00, v48  }
0x5fb: {  	v52 =	vmul.f32 $8.000000000e+00, v59  }
0x5fc: {  	[tilespmem:v61+s24+$0x0] =	vst.idx.msk $0xffff, v48  }
0x5fd: {  	v53 =	vld.idx.msk [tilespmem:v53+s13+$0x0], $0xffff;
	[tilespmem:v51+s24+$0x0] =	vst.idx.msk $0xffff, v52  }
0x5fe: {  	v48 =	vshll.u32 v50, $0x7;
	v51 =	vld.idx.msk [tilespmem:v55+s13+$0x0], $0xffff  }
0x5ff: {  	v38 =	vshll.u32 v54, $0x7;
	v63 =	vor.u32 v0, v48;
	v59 =	vadd.s32 v22, v50  }
0x600: {  	v57 =	vadd.s32 v22, v54;
	v56 =	vor.u32 v0, v38;
	v55 =	vadd.s32 v2, v59  }
0x601: {  	v57 =	vadd.s32 v2, v57  }
0x602: {  	v53 =	vmul.f32 $8.000000000e+00, v53  }
0x603: {  	v51 =	vmul.f32 $8.000000000e+00, v51  }
0x604: {  	[tilespmem:v63+s24+$0x0] =	vst.idx.msk $0xffff, v53  }
0x605: {  	v52 =	vld.idx.msk [tilespmem:v55+s13+$0x0], $0xffff;
	[tilespmem:v56+s24+$0x0] =	vst.idx.msk $0xffff, v51  }
0x606: {  	v51 =	vld.idx.msk [tilespmem:v57+s13+$0x0], $0xffff  }
0x607: {  	v61 =	vadd.s32 v21, v50;
	v60 =	vor.u32 v3, v48  }
0x608: {  	v62 =	vor.u32 v3, v38;
	v63 =	vadd.s32 v21, v54;
	v55 =	vadd.s32 v4, v61  }
0x609: {  	v57 =	vadd.s32 v4, v63  }
0x60a: {  	v52 =	vmul.f32 $8.000000000e+00, v52  }
0x60b: {  	v51 =	vmul.f32 $8.000000000e+00, v51  }
0x60c: {  	[tilespmem:v60+s24+$0x0] =	vst.idx.msk $0xffff, v52  }
0x60d: {  	v52 =	vld.idx.msk [tilespmem:v55+s13+$0x0], $0xffff;
	[tilespmem:v62+s24+$0x0] =	vst.idx.msk $0xffff, v51  }
0x60e: {  	v51 =	vld.idx.msk [tilespmem:v57+s13+$0x0], $0xffff  }
0x60f: {  	v61 =	vadd.s32 v20, v50;
	v60 =	vor.u32 v5, v48  }
0x610: {  	v63 =	vadd.s32 v20, v54;
	v55 =	vadd.s32 v6, v61;
	v62 =	vor.u32 v5, v38  }
0x611: {  	v57 =	vadd.s32 v6, v63  }
0x612: {  	v52 =	vmul.f32 $8.000000000e+00, v52  }
0x613: {  	[tilespmem:v46+s24+$0x0] =	vst.idx.msk $0xffff, v49;
	v58 =	vmul.f32 $8.000000000e+00, v51  }
0x614: {  	v47 =	vld.idx.msk [tilespmem:v47+s13+$0x0], $0xffff;
	[tilespmem:v60+s24+$0x0] =	vst.idx.msk $0xffff, v52  }
0x615: {  	v49 =	vld.idx.msk [tilespmem:v55+s13+$0x0], $0xffff;
	[tilespmem:v62+s24+$0x0] =	vst.idx.msk $0xffff, v58  }
0x616: {  	v43 =	vmul.f32 $8.000000000e+00, v43;
	v46 =	vor.u32 v7, v36;
	v59 =	vadd.s32 v19, v35;
	v52 =	vld.idx.msk [tilespmem:v57+s13+$0x0], $0xffff  }
0x617: {  	v61 =	vadd.s32 v19, v50;
	v51 =	vadd.s32 v8, v59;
	v60 =	vor.u32 v7, v48  }
0x618: {  	v63 =	vadd.s32 v19, v54;
	v55 =	vadd.s32 v8, v61;
	v62 =	vor.u32 v7, v38  }
0x619: {  	v47 =	vmul.f32 $8.000000000e+00, v47;
	v57 =	vadd.s32 v8, v63  }
0x61a: {  	[tilespmem:v45+s24+$0x0] =	vst.idx.msk $0xffff, v43;
	v49 =	vmul.f32 $8.000000000e+00, v49  }
0x61b: {  	[tilespmem:v46+s24+$0x0] =	vst.idx.msk $0xffff, v47;
	v58 =	vmul.f32 $8.000000000e+00, v52  }
0x61c: {  	v46 =	vld.idx.msk [tilespmem:v51+s13+$0x0], $0xffff;
	[tilespmem:v60+s24+$0x0] =	vst.idx.msk $0xffff, v49  }
0x61d: {  	v43 =	vld.idx.msk [tilespmem:v55+s13+$0x0], $0xffff;
	[tilespmem:v62+s24+$0x0] =	vst.idx.msk $0xffff, v58  }
0x61e: {  	v45 =	vor.u32 v3, v41;
	v47 =	vor.u32 v9, v36;
	v59 =	vadd.s32 v18, v35;
	v51 =	vld.idx.msk [tilespmem:v57+s13+$0x0], $0xffff  }
0x61f: {  	v44 =	vld.idx.msk [tilespmem:v44+s13+$0x0], $0xffff;
	v49 =	vadd.s32 v10, v59;
	v52 =	vor.u32 v9, v48;
	v60 =	vadd.s32 v18, v50  }
0x620: {  	v61 =	vor.u32 v9, v38;
	v53 =	vadd.s32 v10, v60;
	v62 =	vadd.s32 v18, v54  }
0x621: {  	v63 =	vadd.s32 v21, v40;
	v46 =	vmul.f32 $8.000000000e+00, v46;
	v56 =	vadd.s32 v10, v62  }
0x622: {  	v57 =	vadd.s32 v4, v63;
	v43 =	vmul.f32 $8.000000000e+00, v43  }
0x623: {  	[tilespmem:v47+s24+$0x0] =	vst.idx.msk $0xffff, v46;
	v59 =	vmul.f32 $8.000000000e+00, v51  }
0x624: {  	v44 =	vmul.f32 $8.000000000e+00, v44;
	v47 =	vld.idx.msk [tilespmem:v49+s13+$0x0], $0xffff;
	[tilespmem:v52+s24+$0x0] =	vst.idx.msk $0xffff, v43  }
0x625: {  	v60 =	vadd.s32 v17, v35;
	v43 =	vld.idx.msk [tilespmem:v53+s13+$0x0], $0xffff;
	[tilespmem:v61+s24+$0x0] =	vst.idx.msk $0xffff, v59  }
0x626: {  	[tilespmem:v45+s24+$0x0] =	vst.idx.msk $0xffff, v44;
	v44 =	vor.u32 v11, v36;
	v45 =	vadd.s32 v12, v60;
	v46 =	vld.idx.msk [tilespmem:v56+s13+$0x0], $0xffff  }
0x627: {  	v60 =	vadd.s32 v20, v40;
	v49 =	vld.idx.msk [tilespmem:v57+s13+$0x0], $0xffff;
	v51 =	vor.u32 v11, v48;
	v61 =	vadd.s32 v17, v50  }
0x628: {  	v62 =	vadd.s32 v17, v54;
	v53 =	vor.u32 v11, v38;
	v52 =	vadd.s32 v12, v61  }
0x629: {  	v63 =	vor.u32 v5, v41;
	v55 =	vadd.s32 v12, v62;
	v47 =	vmul.f32 $8.000000000e+00, v47  }
0x62a: {  	v61 =	vadd.s32 v6, v60;
	v43 =	vmul.f32 $8.000000000e+00, v43  }
0x62b: {  	[tilespmem:v44+s24+$0x0] =	vst.idx.msk $0xffff, v47;
	v46 =	vmul.f32 $8.000000000e+00, v46  }
0x62c: {  	v62 =	vmul.f32 $8.000000000e+00, v49;
	v45 =	vld.idx.msk [tilespmem:v45+s13+$0x0], $0xffff;
	[tilespmem:v51+s24+$0x0] =	vst.idx.msk $0xffff, v43  }
0x62d: {  	v43 =	vld.idx.msk [tilespmem:v52+s13+$0x0], $0xffff;
	[tilespmem:v53+s24+$0x0] =	vst.idx.msk $0xffff, v46  }
0x62e: {  	v56 =	vadd.s32 v16, v35;
	[tilespmem:v63+s24+$0x0] =	vst.idx.msk $0xffff, v62;
	v63 =	vor.u32 v13, v36;
	v57 =	vld.idx.msk [tilespmem:v55+s13+$0x0], $0xffff  }
0x62f: {  	v58 =	vor.u32 v13, v48;
	v50 =	vadd.s32 v16, v50;
	v35 =	vadd.s32 v14, v56;
	v44 =	vld.idx.msk [tilespmem:v61+s13+$0x0], $0xffff  }
0x630: {  	v59 =	vor.u32 v13, v38;
	v50 =	vadd.s32 v14, v50;
	v60 =	vadd.s32 v16, v54  }
0x631: {  	v61 =	vor.u32 v7, v41;
	v52 =	vadd.s32 v14, v60;
	v45 =	vmul.f32 $8.000000000e+00, v45  }
0x632: {  	v43 =	vmul.f32 $8.000000000e+00, v43  }
0x633: {  	v62 =	vadd.s32 v19, v40;
	[tilespmem:v63+s24+$0x0] =	vst.idx.msk $0xffff, v45;
	v63 =	vmul.f32 $8.000000000e+00, v57  }
0x634: {  	v54 =	vadd.s32 v8, v62;
	v46 =	vld.idx.msk [tilespmem:v35+s13+$0x0], $0xffff;
	v35 =	vor.u32 $0x20, v30;
	v30 =	vmul.f32 $8.000000000e+00, v44;
	[tilespmem:v58+s24+$0x0] =	vst.idx.msk $0xffff, v43  }
0x635: {  	v33 =	vor.u32 $0x20, v33;
	v55 =	vadd.s32 v23, v35;
	v56 =	vld.idx.msk [tilespmem:v50+s13+$0x0], $0xffff;
	[tilespmem:v59+s24+$0x0] =	vst.idx.msk $0xffff, v63  }
0x636: {  	[tilespmem:v61+s24+$0x0] =	vst.idx.msk $0xffff, v30;
	v30 =	vor.u32 v15, v48;
	v57 =	vor.u32 v15, v36;
	v58 =	vld.idx.msk [tilespmem:v52+s13+$0x0], $0xffff  }
0x637: {  	v43 =	vadd.s32 v1, v55;
	v36 =	vor.u32 $0x20, v39;
	v59 =	vadd.s32 v23, v33  }
0x638: {  	v38 =	vor.u32 v15, v38;
	v61 =	vadd.s32 v23, v36;
	v48 =	vadd.s32 v1, v59  }
0x639: {  	v60 =	vld.idx.msk [tilespmem:v54+s13+$0x0], $0xffff;
	v46 =	vmul.f32 $8.000000000e+00, v46;
	v49 =	vadd.s32 v1, v61  }
0x63a: {  	v62 =	vor.u32 v13, v31;
	v44 =	vmul.f32 $8.000000000e+00, v56  }
0x63b: {  	v32 =	vadd.s32 v16, v32;
	v42 =	vmul.f32 $8.000000000e+00, v42;
	[tilespmem:v57+s24+$0x0] =	vst.idx.msk $0xffff, v46;
	v54 =	vmul.f32 $8.000000000e+00, v58  }
0x63c: {  	v45 =	vor.u32 v9, v41;
	v63 =	vadd.s32 v14, v32;
	v43 =	vld.idx.msk [tilespmem:v43+s13+$0x0], $0xffff;
	[tilespmem:v30+s24+$0x0] =	vst.idx.msk $0xffff, v44  }
0x63d: {  	v39 =	vshll.u32 v35, $0x7;
	v55 =	vadd.s32 v22, v35;
	v32 =	vshll.u32 v33, $0x7;
	v56 =	vld.idx.msk [tilespmem:v48+s13+$0x0], $0xffff;
	[tilespmem:v38+s24+$0x0] =	vst.idx.msk $0xffff, v54  }
0x63e: {  	v59 =	vor.u32 v0, v32;
	v57 =	vor.u32 v0, v39;
	v30 =	vmul.f32 $8.000000000e+00, v60;
	v58 =	vld.idx.msk [tilespmem:v49+s13+$0x0], $0xffff  }
0x63f: {  	[tilespmem:v62+s24+$0x0] =	vst.idx.msk $0xffff, v42;
	v44 =	vadd.s32 v2, v55;
	v60 =	vadd.s32 v22, v33;
	v38 =	vshll.u32 v36, $0x7  }
0x640: {  	v62 =	vadd.s32 v22, v36;
	v49 =	vadd.s32 v2, v60;
	v61 =	vor.u32 v0, v38  }
0x641: {  	v52 =	vadd.s32 v2, v62;
	v50 =	vld.idx.msk [tilespmem:v63+s13+$0x0], $0xffff;
	v63 =	vadd.s32 v18, v40;
	v43 =	vmul.f32 $8.000000000e+00, v43  }
0x642: {  	v53 =	vadd.s32 v10, v63;
	[tilespmem:v45+s24+$0x0] =	vst.idx.msk $0xffff, v30;
	v30 =	vmul.f32 $8.000000000e+00, v56  }
0x643: {  	[tilespmem:v57+s24+$0x0] =	vst.idx.msk $0xffff, v43;
	v55 =	vmul.f32 $8.000000000e+00, v58  }
0x644: {  	v44 =	vld.idx.msk [tilespmem:v44+s13+$0x0], $0xffff;
	[tilespmem:v59+s24+$0x0] =	vst.idx.msk $0xffff, v30  }
0x645: {  	v62 =	vadd.s32 v17, v40;
	v30 =	vor.u32 v15, v31;
	v42 =	vld.idx.msk [tilespmem:v49+s13+$0x0], $0xffff;
	[tilespmem:v61+s24+$0x0] =	vst.idx.msk $0xffff, v55  }
0x646: {  	v45 =	vor.u32 v3, v39;
	v60 =	vor.u32 v3, v38;
	v56 =	vadd.s32 v21, v35;
	v47 =	vld.idx.msk [tilespmem:v52+s13+$0x0], $0xffff  }
0x647: {  	v57 =	vld.idx.msk [tilespmem:v53+s13+$0x0], $0xffff;
	v46 =	vadd.s32 v4, v56;
	v58 =	vor.u32 v3, v32;
	v59 =	vadd.s32 v21, v33  }
0x648: {  	v31 =	vmul.f32 $8.000000000e+00, v50;
	v50 =	vadd.s32 v4, v59;
	v61 =	vadd.s32 v21, v36  }
0x649: {  	v43 =	vor.u32 v11, v41;
	v44 =	vmul.f32 $8.000000000e+00, v44;
	v52 =	vadd.s32 v4, v61  }
0x64a: {  	[tilespmem:v30+s24+$0x0] =	vst.idx.msk $0xffff, v31;
	v30 =	vadd.s32 v12, v62;
	v31 =	vmul.f32 $8.000000000e+00, v42  }
0x64b: {  	v27 =	vor.u32 $0x30, v27;
	[tilespmem:v45+s24+$0x0] =	vst.idx.msk $0xffff, v44;
	v56 =	vmul.f32 $8.000000000e+00, v47  }
0x64c: {  	v63 =	vadd.s32 v23, v27;
	v57 =	vmul.f32 $8.000000000e+00, v57;
	v46 =	vld.idx.msk [tilespmem:v46+s13+$0x0], $0xffff;
	[tilespmem:v58+s24+$0x0] =	vst.idx.msk $0xffff, v31  }
0x64d: {  	v55 =	vadd.s32 v1, v63;
	v31 =	vld.idx.msk [tilespmem:v50+s13+$0x0], $0xffff;
	[tilespmem:v60+s24+$0x0] =	vst.idx.msk $0xffff, v56  }
0x64e: {  	[tilespmem:v43+s24+$0x0] =	vst.idx.msk $0xffff, v57;
	v43 =	vor.u32 v5, v39;
	v58 =	vadd.s32 v20, v35;
	v59 =	vld.idx.msk [tilespmem:v52+s13+$0x0], $0xffff  }
0x64f: {  	v61 =	vor.u32 v5, v32;
	v44 =	vadd.s32 v6, v58;
	v60 =	vld.idx.msk [tilespmem:v30+s13+$0x0], $0xffff;
	v30 =	vadd.s32 v20, v33  }
0x650: {  	v63 =	vor.u32 v5, v38;
	v62 =	vadd.s32 v6, v30;
	v30 =	vadd.s32 v20, v36  }
0x651: {  	v56 =	vor.u32 v13, v41;
	v46 =	vmul.f32 $8.000000000e+00, v46;
	v57 =	vadd.s32 v6, v30  }
0x652: {  	v31 =	vmul.f32 $8.000000000e+00, v31  }
0x653: {  	v42 =	vld.idx.msk [tilespmem:v55+s13+$0x0], $0xffff;
	v58 =	vadd.s32 v16, v40;
	[tilespmem:v43+s24+$0x0] =	vst.idx.msk $0xffff, v46;
	v59 =	vmul.f32 $8.000000000e+00, v59  }
0x654: {  	v40 =	vadd.s32 v14, v58;
	v30 =	vshll.u32 v27, $0x7;
	v44 =	vld.idx.msk [tilespmem:v44+s13+$0x0], $0xffff;
	v60 =	vmul.f32 $8.000000000e+00, v60;
	[tilespmem:v61+s24+$0x0] =	vst.idx.msk $0xffff, v31  }
0x655: {  	v58 =	vor.u32 v7, v38;
	v31 =	vor.u32 v0, v30;
	v61 =	vld.idx.msk [tilespmem:v62+s13+$0x0], $0xffff;
	[tilespmem:v63+s24+$0x0] =	vst.idx.msk $0xffff, v59  }
0x656: {  	v43 =	vor.u32 v7, v39;
	[tilespmem:v56+s24+$0x0] =	vst.idx.msk $0xffff, v60;
	v62 =	vadd.s32 v19, v35;
	v63 =	vld.idx.msk [tilespmem:v57+s13+$0x0], $0xffff  }
0x657: {  	v56 =	vor.u32 v7, v32;
	v45 =	vadd.s32 v8, v62;
	v57 =	vadd.s32 v19, v33  }
0x658: {  	v42 =	vmul.f32 $8.000000000e+00, v42;
	v59 =	vadd.s32 v19, v36;
	v49 =	vadd.s32 v8, v57  }
0x659: {  	v44 =	vmul.f32 $8.000000000e+00, v44;
	v51 =	vadd.s32 v8, v59  }
0x65a: {  	[tilespmem:v31+s24+$0x0] =	vst.idx.msk $0xffff, v42;
	v31 =	vmul.f32 $8.000000000e+00, v61  }
0x65b: {  	v60 =	vadd.s32 v22, v27;
	v40 =	vld.idx.msk [tilespmem:v40+s13+$0x0], $0xffff;
	[tilespmem:v43+s24+$0x0] =	vst.idx.msk $0xffff, v44;
	v62 =	vmul.f32 $8.000000000e+00, v63  }
0x65c: {  	v61 =	vadd.s32 v2, v60;
	v44 =	vld.idx.msk [tilespmem:v45+s13+$0x0], $0xffff;
	[tilespmem:v56+s24+$0x0] =	vst.idx.msk $0xffff, v31  }
0x65d: {  	v31 =	vor.u32 $0x30, v25;
	v25 =	vor.u32 v15, v41;
	v63 =	vld.idx.msk [tilespmem:v49+s13+$0x0], $0xffff;
	[tilespmem:v58+s24+$0x0] =	vst.idx.msk $0xffff, v62  }
0x65e: {  	v54 =	vor.u32 v9, v39;
	v55 =	vadd.s32 v18, v35;
	v59 =	vor.u32 v9, v38;
	v56 =	vld.idx.msk [tilespmem:v51+s13+$0x0], $0xffff  }
0x65f: {  	v57 =	vor.u32 v9, v32;
	v45 =	vadd.s32 v10, v55;
	v58 =	vadd.s32 v18, v33  }
0x660: {  	v60 =	vadd.s32 v18, v36;
	v40 =	vmul.f32 $8.000000000e+00, v40;
	v48 =	vadd.s32 v10, v58  }
0x661: {  	v50 =	vadd.s32 v10, v60;
	v42 =	vld.idx.msk [tilespmem:v61+s13+$0x0], $0xffff;
	v61 =	vadd.s32 v23, v31;
	v44 =	vmul.f32 $8.000000000e+00, v44  }
0x662: {  	v51 =	vadd.s32 v1, v61;
	[tilespmem:v25+s24+$0x0] =	vst.idx.msk $0xffff, v40;
	v25 =	vmul.f32 $8.000000000e+00, v63  }
0x663: {  	[tilespmem:v54+s24+$0x0] =	vst.idx.msk $0xffff, v44;
	v62 =	vmul.f32 $8.000000000e+00, v56  }
0x664: {  	v43 =	vld.idx.msk [tilespmem:v45+s13+$0x0], $0xffff;
	[tilespmem:v57+s24+$0x0] =	vst.idx.msk $0xffff, v25  }
0x665: {  	v41 =	vor.u32 v3, v30;
	v45 =	vld.idx.msk [tilespmem:v48+s13+$0x0], $0xffff;
	[tilespmem:v59+s24+$0x0] =	vst.idx.msk $0xffff, v62  }
0x666: {  	v55 =	vadd.s32 v17, v35;
	v60 =	vor.u32 v11, v38;
	v40 =	vor.u32 v11, v39;
	v56 =	vld.idx.msk [tilespmem:v50+s13+$0x0], $0xffff  }
0x667: {  	v46 =	vadd.s32 v12, v55;
	v58 =	vor.u32 v11, v32;
	v57 =	vld.idx.msk [tilespmem:v51+s13+$0x0], $0xffff;
	v59 =	vadd.s32 v17, v33  }
0x668: {  	v61 =	vadd.s32 v17, v36;
	v42 =	vmul.f32 $8.000000000e+00, v42;
	v50 =	vadd.s32 v12, v59  }
0x669: {  	v52 =	vadd.s32 v12, v61;
	v43 =	vmul.f32 $8.000000000e+00, v43  }
0x66a: {  	[tilespmem:v41+s24+$0x0] =	vst.idx.msk $0xffff, v42;
	v54 =	vmul.f32 $8.000000000e+00, v45  }
0x66b: {  	v63 =	vadd.s32 v21, v27;
	[tilespmem:v40+s24+$0x0] =	vst.idx.msk $0xffff, v43;
	v55 =	vmul.f32 $8.000000000e+00, v56  }
0x66c: {  	v44 =	vadd.s32 v4, v63;
	v25 =	vshll.u32 v31, $0x7;
	v56 =	vmul.f32 $8.000000000e+00, v57;
	v57 =	vld.idx.msk [tilespmem:v46+s13+$0x0], $0xffff;
	[tilespmem:v58+s24+$0x0] =	vst.idx.msk $0xffff, v54  }
0x66d: {  	v63 =	vadd.s32 v22, v31;
	v62 =	vor.u32 v0, v25;
	v42 =	vld.idx.msk [tilespmem:v50+s13+$0x0], $0xffff;
	[tilespmem:v60+s24+$0x0] =	vst.idx.msk $0xffff, v55  }
0x66e: {  	v35 =	vadd.s32 v16, v35;
	v41 =	vadd.s32 v2, v63;
	v58 =	vor.u32 v13, v39;
	v59 =	vld.idx.msk [tilespmem:v52+s13+$0x0], $0xffff  }
0x66f: {  	v35 =	vadd.s32 v14, v35;
	v33 =	vadd.s32 v16, v33;
	v60 =	vor.u32 v13, v32  }
0x670: {  	v36 =	vadd.s32 v16, v36;
	v61 =	vor.u32 v13, v38;
	v33 =	vadd.s32 v14, v33  }
0x671: {  	v36 =	vadd.s32 v14, v36;
	v44 =	vld.idx.msk [tilespmem:v44+s13+$0x0], $0xffff;
	v45 =	vmul.f32 $8.000000000e+00, v57  }
0x672: {  	v28 =	vor.u32 $0x30, v28;
	v63 =	vadd.s32 v20, v27;
	[tilespmem:v62+s24+$0x0] =	vst.idx.msk $0xffff, v56;
	v42 =	vmul.f32 $8.000000000e+00, v42  }
0x673: {  	v29 =	vor.u32 $0x30, v29;
	v62 =	vor.u32 v5, v30;
	v41 =	vld.idx.msk [tilespmem:v41+s13+$0x0], $0xffff;
	[tilespmem:v58+s24+$0x0] =	vst.idx.msk $0xffff, v45;
	v52 =	vmul.f32 $8.000000000e+00, v59  }
0x674: {  	v38 =	vor.u32 v15, v38;
	v49 =	vadd.s32 v6, v63;
	v35 =	vld.idx.msk [tilespmem:v35+s13+$0x0], $0xffff;
	[tilespmem:v60+s24+$0x0] =	vst.idx.msk $0xffff, v42  }
0x675: {  	v53 =	vor.u32 v3, v25;
	v55 =	vadd.s32 v23, v28;
	v33 =	vld.idx.msk [tilespmem:v33+s13+$0x0], $0xffff;
	[tilespmem:v61+s24+$0x0] =	vst.idx.msk $0xffff, v52  }
0x676: {  	v39 =	vor.u32 v15, v39;
	v54 =	vmul.f32 $8.000000000e+00, v44;
	v56 =	vadd.s32 v1, v55;
	v36 =	vld.idx.msk [tilespmem:v36+s13+$0x0], $0xffff  }
0x677: {  	v57 =	vadd.s32 v23, v29;
	v58 =	vor.u32 v15, v32;
	v32 =	vor.u32 $0x30, v34  }
0x678: {  	[tilespmem:v62+s24+$0x0] =	vst.idx.msk $0xffff, v54;
	v41 =	vmul.f32 $8.000000000e+00, v41;
	v42 =	vadd.s32 v1, v57;
	v23 =	vadd.s32 v23, v32  }
0x679: {  	v59 =	vld.idx.msk [tilespmem:v49+s13+$0x0], $0xffff;
	v61 =	vadd.s32 v1, v23;
	v35 =	vmul.f32 $8.000000000e+00, v35  }
0x67a: {  	v60 =	vadd.s32 v21, v31;
	[tilespmem:v53+s24+$0x0] =	vst.idx.msk $0xffff, v41;
	v23 =	vmul.f32 $8.000000000e+00, v33  }
0x67b: {  	v45 =	vadd.s32 v4, v60;
	[tilespmem:v39+s24+$0x0] =	vst.idx.msk $0xffff, v35;
	v62 =	vmul.f32 $8.000000000e+00, v36  }
0x67c: {  	v63 =	vor.u32 v7, v30;
	v51 =	vld.idx.msk [tilespmem:v56+s13+$0x0], $0xffff;
	[tilespmem:v58+s24+$0x0] =	vst.idx.msk $0xffff, v23  }
0x67d: {  	v34 =	vshll.u32 v32, $0x7;
	v53 =	vadd.s32 v22, v28;
	v23 =	vshll.u32 v28, $0x7;
	v54 =	vld.idx.msk [tilespmem:v42+s13+$0x0], $0xffff;
	[tilespmem:v38+s24+$0x0] =	vst.idx.msk $0xffff, v62  }
0x67e: {  	v52 =	vmul.f32 $8.000000000e+00, v59;
	v33 =	vshll.u32 v29, $0x7;
	v55 =	vor.u32 v0, v23;
	v57 =	vld.idx.msk [tilespmem:v61+s13+$0x0], $0xffff  }
0x67f: {  	v59 =	vadd.s32 v22, v29;
	v56 =	vadd.s32 v2, v53;
	v58 =	vor.u32 v0, v33  }
0x680: {  	v60 =	vor.u32 v0, v34;
	v22 =	vadd.s32 v22, v32;
	v43 =	vld.idx.msk [tilespmem:v45+s13+$0x0], $0xffff;
	v45 =	vadd.s32 v2, v59  }
0x681: {  	v22 =	vadd.s32 v2, v22;
	v36 =	vmul.f32 $8.000000000e+00, v51  }
0x682: {  	v37 =	vmul.f32 $8.000000000e+00, v37;
	[tilespmem:v63+s24+$0x0] =	vst.idx.msk $0xffff, v52;
	v63 =	vmul.f32 $8.000000000e+00, v54  }
0x683: {  	v49 =	vadd.s32 v20, v31;
	v59 =	vor.u32 v3, v34;
	[tilespmem:v55+s24+$0x0] =	vst.idx.msk $0xffff, v36;
	v50 =	vmul.f32 $8.000000000e+00, v57  }
0x684: {  	v53 =	vor.u32 v9, v26;
	v62 =	vadd.s32 v19, v27;
	v41 =	vld.idx.msk [tilespmem:v56+s13+$0x0], $0xffff;
	[tilespmem:v58+s24+$0x0] =	vst.idx.msk $0xffff, v63  }
0x685: {  	v61 =	vor.u32 v5, v25;
	v48 =	vadd.s32 v8, v62;
	v54 =	vld.idx.msk [tilespmem:v45+s13+$0x0], $0xffff;
	[tilespmem:v60+s24+$0x0] =	vst.idx.msk $0xffff, v50  }
0x686: {  	v51 =	vadd.s32 v6, v49;
	v55 =	vor.u32 v3, v23;
	v56 =	vadd.s32 v21, v28;
	v22 =	vld.idx.msk [tilespmem:v22+s13+$0x0], $0xffff  }
0x687: {  	v57 =	vor.u32 v3, v33;
	v58 =	vadd.s32 v21, v29;
	v40 =	vadd.s32 v4, v56  }
0x688: {  	v52 =	vmul.f32 $8.000000000e+00, v43;
	v21 =	vadd.s32 v21, v32;
	v44 =	vadd.s32 v4, v58  }
0x689: {  	[tilespmem:v53+s24+$0x0] =	vst.idx.msk $0xffff, v37;
	v21 =	vadd.s32 v4, v21;
	v41 =	vmul.f32 $8.000000000e+00, v41  }
0x68a: {  	[tilespmem:v61+s24+$0x0] =	vst.idx.msk $0xffff, v52;
	v39 =	vld.idx.msk [tilespmem:v48+s13+$0x0], $0xffff;
	v61 =	vmul.f32 $8.000000000e+00, v54  }
0x68b: {  	v49 =	vor.u32 v7, v25;
	v38 =	vld.idx.msk [tilespmem:v51+s13+$0x0], $0xffff;
	[tilespmem:v55+s24+$0x0] =	vst.idx.msk $0xffff, v41;
	v22 =	vmul.f32 $8.000000000e+00, v22  }
0x68c: {  	v53 =	vor.u32 v5, v33;
	v63 =	vor.u32 v9, v30;
	v40 =	vld.idx.msk [tilespmem:v40+s13+$0x0], $0xffff;
	[tilespmem:v57+s24+$0x0] =	vst.idx.msk $0xffff, v61  }
0x68d: {  	v52 =	vadd.s32 v20, v28;
	v60 =	vadd.s32 v18, v24;
	v50 =	vld.idx.msk [tilespmem:v44+s13+$0x0], $0xffff;
	[tilespmem:v59+s24+$0x0] =	vst.idx.msk $0xffff, v22  }
0x68e: {  	v42 =	vadd.s32 v6, v52;
	v51 =	vor.u32 v5, v23;
	v62 =	vadd.s32 v10, v60;
	v21 =	vld.idx.msk [tilespmem:v21+s13+$0x0], $0xffff  }
0x68f: {  	v48 =	vmul.f32 $8.000000000e+00, v39;
	v54 =	vadd.s32 v20, v29;
	v20 =	vadd.s32 v20, v32  }
0x690: {  	v55 =	vor.u32 v5, v34;
	v44 =	vadd.s32 v6, v54;
	v22 =	vmul.f32 $8.000000000e+00, v38  }
0x691: {  	v56 =	vadd.s32 v19, v31;
	[tilespmem:v63+s24+$0x0] =	vst.idx.msk $0xffff, v48;
	v20 =	vadd.s32 v6, v20;
	v57 =	vmul.f32 $8.000000000e+00, v40  }
0x692: {  	v35 =	vadd.s32 v8, v56;
	[tilespmem:v49+s24+$0x0] =	vst.idx.msk $0xffff, v22;
	v22 =	vmul.f32 $8.000000000e+00, v50  }
0x693: {  	v47 =	vadd.s32 v19, v29;
	v37 =	vld.idx.msk [tilespmem:v62+s13+$0x0], $0xffff;
	[tilespmem:v51+s24+$0x0] =	vst.idx.msk $0xffff, v57;
	v21 =	vmul.f32 $8.000000000e+00, v21  }
0x694: {  	v46 =	vor.u32 v13, v30;
	v43 =	vadd.s32 v8, v47;
	v36 =	vld.idx.msk [tilespmem:v42+s13+$0x0], $0xffff;
	[tilespmem:v53+s24+$0x0] =	vst.idx.msk $0xffff, v22  }
0x695: {  	v58 =	vadd.s32 v18, v27;
	v22 =	vor.u32 v11, v26;
	v60 =	vld.idx.msk [tilespmem:v44+s13+$0x0], $0xffff;
	[tilespmem:v55+s24+$0x0] =	vst.idx.msk $0xffff, v21  }
0x696: {  	v61 =	vor.u32 v7, v23;
	v62 =	vadd.s32 v19, v28;
	v59 =	vadd.s32 v10, v58;
	v20 =	vld.idx.msk [tilespmem:v20+s13+$0x0], $0xffff  }
0x697: {  	v63 =	vor.u32 v7, v33;
	v19 =	vadd.s32 v19, v32;
	v41 =	vadd.s32 v8, v62;
	v35 =	vld.idx.msk [tilespmem:v35+s13+$0x0], $0xffff  }
0x698: {  	v48 =	vor.u32 v7, v34;
	v19 =	vadd.s32 v8, v19;
	v37 =	vmul.f32 $8.000000000e+00, v37  }
0x699: {  	v49 =	vor.u32 v9, v25;
	v21 =	vadd.s32 v18, v31;
	v36 =	vmul.f32 $8.000000000e+00, v36  }
0x69a: {  	v47 =	vor.u32 v13, v23;
	v21 =	vadd.s32 v10, v21;
	[tilespmem:v22+s24+$0x0] =	vst.idx.msk $0xffff, v37;
	v22 =	vmul.f32 $8.000000000e+00, v60  }
0x69b: {  	v56 =	vadd.s32 v18, v29;
	v39 =	vld.idx.msk [tilespmem:v59+s13+$0x0], $0xffff;
	[tilespmem:v61+s24+$0x0] =	vst.idx.msk $0xffff, v36;
	v20 =	vmul.f32 $8.000000000e+00, v20  }
0x69c: {  	v50 =	vadd.s32 v17, v24;
	v35 =	vmul.f32 $8.000000000e+00, v35;
	v53 =	vld.idx.msk [tilespmem:v41+s13+$0x0], $0xffff;
	[tilespmem:v63+s24+$0x0] =	vst.idx.msk $0xffff, v22  }
0x69d: {  	v51 =	vadd.s32 v12, v50;
	v22 =	vor.u32 v11, v30;
	v54 =	vld.idx.msk [tilespmem:v43+s13+$0x0], $0xffff;
	[tilespmem:v48+s24+$0x0] =	vst.idx.msk $0xffff, v20  }
0x69e: {  	v55 =	vor.u32 v9, v23;
	[tilespmem:v49+s24+$0x0] =	vst.idx.msk $0xffff, v35;
	v20 =	vadd.s32 v18, v28;
	v19 =	vld.idx.msk [tilespmem:v19+s13+$0x0], $0xffff  }
0x69f: {  	v58 =	vor.u32 v9, v34;
	v57 =	vor.u32 v9, v33;
	v21 =	vld.idx.msk [tilespmem:v21+s13+$0x0], $0xffff;
	v20 =	vadd.s32 v10, v20  }
0x6a0: {  	v39 =	vmul.f32 $8.000000000e+00, v39;
	v41 =	vadd.s32 v10, v56;
	v18 =	vadd.s32 v18, v32  }
0x6a1: {  	v59 =	vor.u32 v11, v25;
	v18 =	vadd.s32 v10, v18;
	v38 =	vmul.f32 $8.000000000e+00, v53  }
0x6a2: {  	v52 =	vadd.s32 v17, v27;
	v45 =	vor.u32 v11, v34;
	[tilespmem:v22+s24+$0x0] =	vst.idx.msk $0xffff, v39;
	v22 =	vmul.f32 $8.000000000e+00, v54  }
0x6a3: {  	v37 =	vld.idx.msk [tilespmem:v51+s13+$0x0], $0xffff;
	v60 =	vadd.s32 v17, v31;
	[tilespmem:v55+s24+$0x0] =	vst.idx.msk $0xffff, v38;
	v19 =	vmul.f32 $8.000000000e+00, v19  }
0x6a4: {  	v36 =	vadd.s32 v12, v52;
	v21 =	vmul.f32 $8.000000000e+00, v21;
	v20 =	vld.idx.msk [tilespmem:v20+s13+$0x0], $0xffff;
	[tilespmem:v57+s24+$0x0] =	vst.idx.msk $0xffff, v22  }
0x6a5: {  	v61 =	vadd.s32 v12, v60;
	v22 =	vor.u32 v13, v26;
	v62 =	vld.idx.msk [tilespmem:v41+s13+$0x0], $0xffff;
	[tilespmem:v58+s24+$0x0] =	vst.idx.msk $0xffff, v19  }
0x6a6: {  	[tilespmem:v59+s24+$0x0] =	vst.idx.msk $0xffff, v21;
	v21 =	vor.u32 v11, v23;
	v19 =	vadd.s32 v17, v28;
	v18 =	vld.idx.msk [tilespmem:v18+s13+$0x0], $0xffff  }
0x6a7: {  	v44 =	vor.u32 v11, v33;
	v63 =	vadd.s32 v17, v29;
	v19 =	vadd.s32 v12, v19  }
0x6a8: {  	v37 =	vmul.f32 $8.000000000e+00, v37;
	v39 =	vadd.s32 v12, v63;
	v17 =	vadd.s32 v17, v32  }
0x6a9: {  	v24 =	vadd.s32 v16, v24;
	v17 =	vadd.s32 v12, v17;
	v20 =	vmul.f32 $8.000000000e+00, v20  }
0x6aa: {  	v36 =	vld.idx.msk [tilespmem:v36+s13+$0x0], $0xffff;
	[tilespmem:v22+s24+$0x0] =	vst.idx.msk $0xffff, v37;
	v22 =	vadd.s32 v16, v27;
	v27 =	vmul.f32 $8.000000000e+00, v62  }
0x6ab: {  	v24 =	vadd.s32 v14, v24;
	v35 =	vld.idx.msk [tilespmem:v61+s13+$0x0], $0xffff;
	[tilespmem:v21+s24+$0x0] =	vst.idx.msk $0xffff, v20;
	v18 =	vmul.f32 $8.000000000e+00, v18  }
0x6ac: {  	v49 =	vor.u32 v13, v34;
	v22 =	vadd.s32 v14, v22;
	v19 =	vld.idx.msk [tilespmem:v19+s13+$0x0], $0xffff;
	[tilespmem:v44+s24+$0x0] =	vst.idx.msk $0xffff, v27  }
0x6ad: {  	v21 =	vadd.s32 v16, v31;
	v27 =	vor.u32 v13, v25;
	v31 =	vld.idx.msk [tilespmem:v39+s13+$0x0], $0xffff;
	[tilespmem:v45+s24+$0x0] =	vst.idx.msk $0xffff, v18  }
0x6ae: {  	v29 =	vadd.s32 v16, v29;
	v28 =	vadd.s32 v16, v28;
	v21 =	vadd.s32 v14, v21;
	v17 =	vld.idx.msk [tilespmem:v17+s13+$0x0], $0xffff  }
0x6af: {  	v48 =	vor.u32 v13, v33;
	v28 =	vadd.s32 v14, v28;
	v20 =	vmul.f32 $8.000000000e+00, v36  }
0x6b0: {  	v29 =	vadd.s32 v14, v29;
	v16 =	vadd.s32 v16, v32;
	v18 =	vmul.f32 $8.000000000e+00, v35  }
0x6b1: {  	v24 =	vld.idx.msk [tilespmem:v24+s13+$0x0], $0xffff;
	v16 =	vadd.s32 v14, v16;
	[tilespmem:v46+s24+$0x0] =	vst.idx.msk $0xffff, v20;
	v19 =	vmul.f32 $8.000000000e+00, v19  }
0x6b2: {  	v20 =	vld.idx.msk [tilespmem:v22+s13+$0x0], $0xffff;
	[tilespmem:v27+s24+$0x0] =	vst.idx.msk $0xffff, v18;
	v18 =	vmul.f32 $8.000000000e+00, v31  }
0x6b3: {  	v22 =	vor.u32 v15, v26;
	v21 =	vld.idx.msk [tilespmem:v21+s13+$0x0], $0xffff;
	[tilespmem:v47+s24+$0x0] =	vst.idx.msk $0xffff, v19;
	v17 =	vmul.f32 $8.000000000e+00, v17  }
0x6b4: {  	v19 =	vor.u32 v15, v30;
	v26 =	vld.idx.msk [tilespmem:v28+s13+$0x0], $0xffff;
	[tilespmem:v48+s24+$0x0] =	vst.idx.msk $0xffff, v18  }
0x6b5: {  	v18 =	vor.u32 v15, v25;
	v25 =	vld.idx.msk [tilespmem:v29+s13+$0x0], $0xffff;
	[tilespmem:v49+s24+$0x0] =	vst.idx.msk $0xffff, v17  }
0x6b6: {  	v23 =	vor.u32 v15, v23;
	v17 =	vmul.f32 $8.000000000e+00, v24;
	v16 =	vld.idx.msk [tilespmem:v16+s13+$0x0], $0xffff  }
0x6b7: {  	v20 =	vmul.f32 $8.000000000e+00, v20;
	v24 =	vor.u32 v15, v33  }
0x6b8: {  	[tilespmem:v22+s24+$0x0] =	vst.idx.msk $0xffff, v17;
	v17 =	vmul.f32 $8.000000000e+00, v21;
	v21 =	vor.u32 v15, v34  }
0x6b9: {  	[tilespmem:v19+s24+$0x0] =	vst.idx.msk $0xffff, v20;
	v19 =	vmul.f32 $8.000000000e+00, v26  }
0x6ba: {  	s10 =	sshll.u32 s3, $0x14;
	[tilespmem:v18+s24+$0x0] =	vst.idx.msk $0xffff, v17;
	v17 =	vmul.f32 $8.000000000e+00, v25  }
0x6bb: {  	s10 =	sor.u32 s4, s10;
	[tilespmem:v23+s24+$0x0] =	vst.idx.msk $0xffff, v19;
	v16 =	vmul.f32 $8.000000000e+00, v16  }
0x6bc: {  	s10 =	sshrl.u32 s10, $0x3;
	[tilespmem:v24+s24+$0x0] =	vst.idx.msk $0xffff, v17  }
0x6bd: {  	s10 =	sadd.s32 s1, s10;
	[tilespmem:v21+s24+$0x0] =	vst.idx.msk $0xffff, v16  }
0x6be: {  	[hbm4b:s10+s8] =	stream.strided.scatter [tilespmem:s24], [sflag:$0x5], $0x2000, s9, s8, $0x38;
	[tilespmem:$0x1E800] =	vst v63  }
0x6bf: {  	s10 =	simm.s32 @!p0 $0x8  }
0x6c0: {  	_ =	swait.ge @!p0 [sflag:s10], $0x2000  }
0x6c1: {  	[sflag:s10] =	ssyncset.done @!p0 $0x0  }
0x6c2: {  	[sflag:s10] =	ssyncadd.s32 @!p0 $0xFFFFE000  }
0x6c3: {  	v16 =	vld [tilespmem:s7+$0x180];
	_ =	sdelay $0x4  }
0x6c4: {  	v17 =	vshra.s32 v16, $0x1;
	v16 =	vshll.u32 v16, $0x6  }
0x6c5: {  	[tilespmem:$0x6580] =	vst v17;
	v16 =	vand.u32 $0x40, v16  }
0x6c6: {  	[tilespmem:$0x6780] =	vst v16  }
0x6c7: {  	v16 =	vld [tilespmem:s7+$0x190];
	_ =	sdelay $0x4  }
0x6c8: {  	v17 =	vshra.s32 v16, $0x1;
	v16 =	vshll.u32 v16, $0x6  }
0x6c9: {  	[tilespmem:$0x6590] =	vst v17;
	v16 =	vand.u32 $0x40, v16  }
0x6ca: {  	[tilespmem:$0x6790] =	vst v16  }
0x6cb: {  	v16 =	vld [tilespmem:s7+$0x1A0];
	_ =	sdelay $0x4  }
0x6cc: {  	v17 =	vshra.s32 v16, $0x1;
	v16 =	vshll.u32 v16, $0x6  }
0x6cd: {  	[tilespmem:$0x65A0] =	vst v17;
	v16 =	vand.u32 $0x40, v16  }
0x6ce: {  	[tilespmem:$0x67A0] =	vst v16  }
0x6cf: {  	v16 =	vld [tilespmem:s7+$0x1B0];
	_ =	sdelay $0x4  }
0x6d0: {  	v17 =	vshra.s32 v16, $0x1;
	v16 =	vshll.u32 v16, $0x6  }
0x6d1: {  	[tilespmem:$0x65B0] =	vst v17;
	v16 =	vand.u32 $0x40, v16  }
0x6d2: {  	[tilespmem:$0x67B0] =	vst v16  }
0x6d3: {  	v16 =	vld [tilespmem:s7+$0x1C0];
	_ =	sdelay $0x4  }
0x6d4: {  	v17 =	vshra.s32 v16, $0x1;
	v16 =	vshll.u32 v16, $0x6  }
0x6d5: {  	[tilespmem:$0x65C0] =	vst v17;
	v16 =	vand.u32 $0x40, v16  }
0x6d6: {  	[tilespmem:$0x67C0] =	vst v16  }
0x6d7: {  	v16 =	vld [tilespmem:s7+$0x1D0];
	_ =	sdelay $0x4  }
0x6d8: {  	v17 =	vshra.s32 v16, $0x1;
	v16 =	vshll.u32 v16, $0x6  }
0x6d9: {  	[tilespmem:$0x65D0] =	vst v17;
	v16 =	vand.u32 $0x40, v16  }
0x6da: {  	[tilespmem:$0x67D0] =	vst v16  }
0x6db: {  	v16 =	vld [tilespmem:s7+$0x1E0];
	_ =	sdelay $0x4  }
0x6dc: {  	v17 =	vshra.s32 v16, $0x1;
	v16 =	vshll.u32 v16, $0x6  }
0x6dd: {  	[tilespmem:$0x65E0] =	vst v17;
	v16 =	vand.u32 $0x40, v16  }
0x6de: {  	[tilespmem:$0x67E0] =	vst v16  }
0x6df: {  	v16 =	vld [tilespmem:s7+$0x1F0];
	_ =	sdelay $0x4  }
0x6e0: {  	v17 =	vshra.s32 v16, $0x1;
	v16 =	vshll.u32 v16, $0x6  }
0x6e1: {  	[tilespmem:$0x65F0] =	vst v17;
	v16 =	vand.u32 $0x40, v16  }
0x6e2: {  	[tilespmem:$0x67F0] =	vst v16  }
0x6e3: {  	[tilespmem:s20], [sflag:$0x4] =	stream.indirect.gather [hbm4b:s5+s11], $0x80, s25, s11, $0xb8;
	[tilespmem:$0x1E800] =	vst v63  }
0x6e4: {  	_ =	swait.ge [sflag:s26], $0x4000  }
0x6e5: {  	[sflag:s26] =	ssyncset.done $0x0  }
0x6e6: {  	[sflag:s26] =	ssyncadd.s32 $0xFFFFC000  }
0x6e7: {  	v23 =	vld [tilespmem:$0x6680];
	_ =	sdelay $0x1  }
0x6e8: {  	s10 =	simm.s32 $0x0  }
0x6e9: {  	v24 =	vadd.s32 s10, v0  }
0x6ea: {  	v28 =	vand.u32 $0xF, v24  }
0x6eb: {  	v16 =	vadd.s32 v23, v28  }
0x6ec: {  	v16 =	vadd.s32 v1, v16;
	_ =	sdelay $0x1  }
0x6ed: {  	v22 =	vld [tilespmem:$0x6690];
	_ =	sdelay $0x2  }
0x6ee: {  	v16 =	vld.idx.msk [tilespmem:v16+s18+$0x0], $0xffff  }
0x6ef: {  	v25 =	vshll.u32 v28, $0x7  }
0x6f0: {  	v26 =	vor.u32 v0, v25;
	v21 =	vld [tilespmem:$0x66A0];
	v17 =	vadd.s32 v22, v28  }
0x6f1: {  	v20 =	vld [tilespmem:$0x66B0];
	v27 =	vadd.s32 v2, v17  }
0x6f2: {  	v19 =	vld [tilespmem:$0x66C0]  }
0x6f3: {  	v18 =	vld [tilespmem:$0x66D0];
	v29 =	vmul.f32 $8.000000000e+00, v16  }
0x6f4: {  	v17 =	vld [tilespmem:$0x66E0]  }
0x6f5: {  	v16 =	vld [tilespmem:$0x66F0];
	[tilespmem:v26+s28+$0x0] =	vst.idx.msk $0xffff, v29  }
0x6f6: {  	v26 =	vld.idx.msk [tilespmem:v27+s18+$0x0], $0xffff;
	_ =	sdelay $0x1  }
0x6f7: {  	v29 =	vor.u32 v3, v25;
	v27 =	vadd.s32 v21, v28  }
0x6f8: {  	v27 =	vadd.s32 v4, v27;
	_ =	sdelay $0x1  }
0x6f9: {  	v26 =	vmul.f32 $8.000000000e+00, v26;
	_ =	sdelay $0x1  }
0x6fa: {  	[tilespmem:v29+s28+$0x0] =	vst.idx.msk $0xffff, v26  }
0x6fb: {  	v26 =	vld.idx.msk [tilespmem:v27+s18+$0x0], $0xffff;
	_ =	sdelay $0x1  }
0x6fc: {  	v29 =	vor.u32 v5, v25;
	v27 =	vadd.s32 v20, v28  }
0x6fd: {  	v27 =	vadd.s32 v6, v27;
	_ =	sdelay $0x1  }
0x6fe: {  	v26 =	vmul.f32 $8.000000000e+00, v26;
	_ =	sdelay $0x1  }
0x6ff: {  	[tilespmem:v29+s28+$0x0] =	vst.idx.msk $0xffff, v26  }
0x700: {  	v26 =	vld.idx.msk [tilespmem:v27+s18+$0x0], $0xffff;
	_ =	sdelay $0x1  }
0x701: {  	v29 =	vor.u32 v7, v25;
	v27 =	vadd.s32 v19, v28  }
0x702: {  	v27 =	vadd.s32 v8, v27;
	_ =	sdelay $0x1  }
0x703: {  	v26 =	vmul.f32 $8.000000000e+00, v26;
	_ =	sdelay $0x1  }
0x704: {  	[tilespmem:v29+s28+$0x0] =	vst.idx.msk $0xffff, v26  }
0x705: {  	v26 =	vld.idx.msk [tilespmem:v27+s18+$0x0], $0xffff;
	_ =	sdelay $0x1  }
0x706: {  	v29 =	vor.u32 v9, v25;
	v27 =	vadd.s32 v18, v28  }
0x707: {  	v30 =	vadd.s32 v10, v27;
	_ =	sdelay $0x1  }
0x708: {  	s10 =	simm.s32 $0x1;
	v31 =	vmul.f32 $8.000000000e+00, v26  }
0x709: {  	v27 =	vadd.s32 s10, v0  }
0x70a: {  	v26 =	vand.u32 $0xF, v27;
	[tilespmem:v29+s28+$0x0] =	vst.idx.msk $0xffff, v31  }
0x70b: {  	v29 =	vld.idx.msk [tilespmem:v30+s18+$0x0], $0xffff;
	v30 =	vadd.s32 v23, v26  }
0x70c: {  	v30 =	vadd.s32 v1, v30  }
0x70d: {  	v50 =	vor.u32 v11, v25;
	v31 =	vadd.s32 v17, v28  }
0x70e: {  	v31 =	vadd.s32 v12, v31;
	_ =	sdelay $0x1  }
0x70f: {  	v29 =	vmul.f32 $8.000000000e+00, v29  }
0x710: {  	v30 =	vld.idx.msk [tilespmem:v30+s18+$0x0], $0xffff  }
0x711: {  	[tilespmem:v50+s28+$0x0] =	vst.idx.msk $0xffff, v29;
	v29 =	vshll.u32 v26, $0x7  }
0x712: {  	v51 =	vadd.s32 v22, v26;
	v31 =	vld.idx.msk [tilespmem:v31+s18+$0x0], $0xffff;
	v52 =	vor.u32 v0, v29  }
0x713: {  	v32 =	vadd.s32 v2, v51  }
0x714: {  	v54 =	vor.u32 v13, v25;
	v53 =	vadd.s32 v16, v28  }
0x715: {  	v34 =	vadd.s32 v14, v53;
	v30 =	vmul.f32 $8.000000000e+00, v30;
	_ =	sdelay $0x1  }
0x716: {  	[tilespmem:v52+s28+$0x0] =	vst.idx.msk $0xffff, v30;
	v30 =	vmul.f32 $8.000000000e+00, v31  }
0x717: {  	v31 =	vld.idx.msk [tilespmem:v32+s18+$0x0], $0xffff  }
0x718: {  	[tilespmem:v54+s28+$0x0] =	vst.idx.msk $0xffff, v30  }
0x719: {  	v56 =	vor.u32 v3, v29;
	v30 =	vadd.s32 v21, v26;
	v55 =	vld.idx.msk [tilespmem:v34+s18+$0x0], $0xffff  }
0x71a: {  	v35 =	vor.u32 $0x10, v24;
	v30 =	vadd.s32 v4, v30  }
0x71b: {  	v57 =	vadd.s32 v23, v35;
	v25 =	vor.u32 v15, v25  }
0x71c: {  	v34 =	vadd.s32 v1, v57;
	v31 =	vmul.f32 $8.000000000e+00, v31;
	_ =	sdelay $0x1  }
0x71d: {  	[tilespmem:v56+s28+$0x0] =	vst.idx.msk $0xffff, v31;
	v31 =	vmul.f32 $8.000000000e+00, v55  }
0x71e: {  	v30 =	vld.idx.msk [tilespmem:v30+s18+$0x0], $0xffff  }
0x71f: {  	[tilespmem:v25+s28+$0x0] =	vst.idx.msk $0xffff, v31  }
0x720: {  	v58 =	vor.u32 v5, v29;
	v25 =	vadd.s32 v20, v26;
	v31 =	vld.idx.msk [tilespmem:v34+s18+$0x0], $0xffff  }
0x721: {  	v33 =	vshll.u32 v35, $0x7;
	v25 =	vadd.s32 v6, v25  }
0x722: {  	v59 =	vor.u32 v0, v33;
	v60 =	vadd.s32 v22, v35  }
0x723: {  	v36 =	vadd.s32 v2, v60;
	v30 =	vmul.f32 $8.000000000e+00, v30;
	_ =	sdelay $0x1  }
0x724: {  	[tilespmem:v58+s28+$0x0] =	vst.idx.msk $0xffff, v30;
	v30 =	vmul.f32 $8.000000000e+00, v31  }
0x725: {  	v25 =	vld.idx.msk [tilespmem:v25+s18+$0x0], $0xffff  }
0x726: {  	[tilespmem:v59+s28+$0x0] =	vst.idx.msk $0xffff, v30  }
0x727: {  	v61 =	vor.u32 v7, v29;
	v30 =	vadd.s32 v19, v26;
	v31 =	vld.idx.msk [tilespmem:v36+s18+$0x0], $0xffff  }
0x728: {  	v30 =	vadd.s32 v8, v30  }
0x729: {  	v62 =	vor.u32 v3, v33;
	v63 =	vadd.s32 v21, v35  }
0x72a: {  	v36 =	vadd.s32 v4, v63;
	v25 =	vmul.f32 $8.000000000e+00, v25;
	_ =	sdelay $0x1  }
0x72b: {  	[tilespmem:v61+s28+$0x0] =	vst.idx.msk $0xffff, v25;
	v25 =	vmul.f32 $8.000000000e+00, v31  }
0x72c: {  	v30 =	vld.idx.msk [tilespmem:v30+s18+$0x0], $0xffff  }
0x72d: {  	[tilespmem:v62+s28+$0x0] =	vst.idx.msk $0xffff, v25  }
0x72e: {  	v40 =	vor.u32 v9, v29;
	v25 =	vadd.s32 v18, v26;
	v31 =	vld.idx.msk [tilespmem:v36+s18+$0x0], $0xffff  }
0x72f: {  	v41 =	vadd.s32 v10, v25  }
0x730: {  	v42 =	vor.u32 v5, v33;
	v25 =	vadd.s32 v20, v35  }
0x731: {  	s10 =	simm.s32 $0x2;
	v43 =	vadd.s32 v6, v25;
	v30 =	vmul.f32 $8.000000000e+00, v30  }
0x732: {  	v25 =	vadd.s32 s10, v0  }
0x733: {  	v34 =	vand.u32 $0xF, v25;
	[tilespmem:v40+s28+$0x0] =	vst.idx.msk $0xffff, v30;
	v30 =	vmul.f32 $8.000000000e+00, v31  }
0x734: {  	v44 =	vadd.s32 v23, v34;
	v31 =	vld.idx.msk [tilespmem:v41+s18+$0x0], $0xffff  }
0x735: {  	[tilespmem:v42+s28+$0x0] =	vst.idx.msk $0xffff, v30;
	v30 =	vadd.s32 v1, v44  }
0x736: {  	v45 =	vadd.s32 v17, v26;
	v47 =	vor.u32 v11, v29;
	v46 =	vld.idx.msk [tilespmem:v43+s18+$0x0], $0xffff  }
0x737: {  	v48 =	vadd.s32 v12, v45  }
0x738: {  	v49 =	vor.u32 v7, v33;
	v50 =	vadd.s32 v19, v35  }
0x739: {  	v51 =	vadd.s32 v8, v50;
	v31 =	vmul.f32 $8.000000000e+00, v31  }
0x73a: {  	v30 =	vld.idx.msk [tilespmem:v30+s18+$0x0], $0xffff  }
0x73b: {  	v32 =	vshll.u32 v34, $0x7;
	[tilespmem:v47+s28+$0x0] =	vst.idx.msk $0xffff, v31;
	v31 =	vmul.f32 $8.000000000e+00, v46  }
0x73c: {  	v52 =	vadd.s32 v22, v34;
	v53 =	vor.u32 v0, v32;
	v37 =	vld.idx.msk [tilespmem:v48+s18+$0x0], $0xffff  }
0x73d: {  	[tilespmem:v49+s28+$0x0] =	vst.idx.msk $0xffff, v31;
	v31 =	vadd.s32 v2, v52  }
0x73e: {  	v54 =	vadd.s32 v16, v26;
	v55 =	vor.u32 v13, v29;
	v39 =	vld.idx.msk [tilespmem:v51+s18+$0x0], $0xffff  }
0x73f: {  	v36 =	vadd.s32 v14, v54;
	v30 =	vmul.f32 $8.000000000e+00, v30  }
0x740: {  	v57 =	vadd.s32 v18, v35;
	v56 =	vor.u32 v9, v33  }
0x741: {  	v58 =	vadd.s32 v10, v57;
	[tilespmem:v53+s28+$0x0] =	vst.idx.msk $0xffff, v30;
	v30 =	vmul.f32 $8.000000000e+00, v37  }
0x742: {  	v38 =	vld.idx.msk [tilespmem:v31+s18+$0x0], $0xffff  }
0x743: {  	[tilespmem:v55+s28+$0x0] =	vst.idx.msk $0xffff, v30;
	v30 =	vmul.f32 $8.000000000e+00, v39  }
0x744: {  	v59 =	vadd.s32 v21, v34;
	v60 =	vor.u32 v3, v32;
	v36 =	vld.idx.msk [tilespmem:v36+s18+$0x0], $0xffff  }
0x745: {  	v31 =	vor.u32 $0x10, v27;
	[tilespmem:v56+s28+$0x0] =	vst.idx.msk $0xffff, v30;
	v30 =	vadd.s32 v4, v59  }
0x746: {  	v29 =	vor.u32 v15, v29;
	v61 =	vadd.s32 v23, v31;
	v37 =	vld.idx.msk [tilespmem:v58+s18+$0x0], $0xffff  }
0x747: {  	v39 =	vadd.s32 v1, v61;
	v38 =	vmul.f32 $8.000000000e+00, v38  }
0x748: {  	v63 =	vadd.s32 v17, v35;
	v62 =	vor.u32 v11, v33  }
0x749: {  	v43 =	vadd.s32 v12, v63;
	[tilespmem:v60+s28+$0x0] =	vst.idx.msk $0xffff, v38;
	v36 =	vmul.f32 $8.000000000e+00, v36  }
0x74a: {  	v30 =	vld.idx.msk [tilespmem:v30+s18+$0x0], $0xffff  }
0x74b: {  	[tilespmem:v29+s28+$0x0] =	vst.idx.msk $0xffff, v36;
	v29 =	vmul.f32 $8.000000000e+00, v37  }
0x74c: {  	v44 =	vadd.s32 v20, v34;
	v46 =	vor.u32 v5, v32;
	v45 =	vld.idx.msk [tilespmem:v39+s18+$0x0], $0xffff  }
0x74d: {  	v36 =	vadd.s32 v6, v44;
	[tilespmem:v62+s28+$0x0] =	vst.idx.msk $0xffff, v29;
	v29 =	vshll.u32 v31, $0x7  }
0x74e: {  	v48 =	vadd.s32 v22, v31;
	v38 =	vld.idx.msk [tilespmem:v43+s18+$0x0], $0xffff;
	v47 =	vor.u32 v0, v29  }
0x74f: {  	v41 =	vadd.s32 v2, v48;
	v30 =	vmul.f32 $8.000000000e+00, v30  }
0x750: {  	v35 =	vadd.s32 v16, v35;
	v49 =	vor.u32 v13, v33  }
0x751: {  	v35 =	vadd.s32 v14, v35;
	[tilespmem:v46+s28+$0x0] =	vst.idx.msk $0xffff, v30;
	v30 =	vmul.f32 $8.000000000e+00, v45  }
0x752: {  	v36 =	vld.idx.msk [tilespmem:v36+s18+$0x0], $0xffff  }
0x753: {  	[tilespmem:v47+s28+$0x0] =	vst.idx.msk $0xffff, v30;
	v30 =	vmul.f32 $8.000000000e+00, v38  }
0x754: {  	v50 =	vadd.s32 v19, v34;
	v52 =	vor.u32 v7, v32;
	v51 =	vld.idx.msk [tilespmem:v41+s18+$0x0], $0xffff  }
0x755: {  	[tilespmem:v49+s28+$0x0] =	vst.idx.msk $0xffff, v30;
	v30 =	vadd.s32 v8, v50  }
0x756: {  	v54 =	vadd.s32 v21, v31;
	v53 =	vor.u32 v3, v29;
	v35 =	vld.idx.msk [tilespmem:v35+s18+$0x0], $0xffff  }
0x757: {  	v55 =	vadd.s32 v4, v54;
	v38 =	vor.u32 $0x20, v28;
	v36 =	vmul.f32 $8.000000000e+00, v36  }
0x758: {  	v28 =	vor.u32 v15, v33;
	v56 =	vadd.s32 v23, v38  }
0x759: {  	v33 =	vadd.s32 v1, v56;
	[tilespmem:v52+s28+$0x0] =	vst.idx.msk $0xffff, v36;
	v57 =	vmul.f32 $8.000000000e+00, v51  }
0x75a: {  	v30 =	vld.idx.msk [tilespmem:v30+s18+$0x0], $0xffff  }
0x75b: {  	[tilespmem:v53+s28+$0x0] =	vst.idx.msk $0xffff, v57;
	v35 =	vmul.f32 $8.000000000e+00, v35  }
0x75c: {  	v59 =	vor.u32 v9, v32;
	v58 =	vadd.s32 v18, v34;
	v37 =	vld.idx.msk [tilespmem:v55+s18+$0x0], $0xffff  }
0x75d: {  	v36 =	vadd.s32 v10, v58;
	[tilespmem:v28+s28+$0x0] =	vst.idx.msk $0xffff, v35  }
0x75e: {  	v60 =	vor.u32 v5, v29;
	v28 =	vadd.s32 v20, v31;
	v33 =	vld.idx.msk [tilespmem:v33+s18+$0x0], $0xffff  }
0x75f: {  	s10 =	simm.s32 $0x3;
	v35 =	vshll.u32 v38, $0x7;
	v62 =	vadd.s32 v6, v28;
	v61 =	vmul.f32 $8.000000000e+00, v30  }
0x760: {  	v48 =	vadd.s32 v22, v38;
	v28 =	vadd.s32 s10, v0;
	v63 =	vor.u32 v0, v35  }
0x761: {  	v49 =	vadd.s32 v2, v48;
	v30 =	vand.u32 $0xF, v28;
	[tilespmem:v59+s28+$0x0] =	vst.idx.msk $0xffff, v61;
	v37 =	vmul.f32 $8.000000000e+00, v37  }
0x762: {  	v50 =	vadd.s32 v23, v30;
	v36 =	vld.idx.msk [tilespmem:v36+s18+$0x0], $0xffff  }
0x763: {  	v51 =	vadd.s32 v1, v50;
	[tilespmem:v60+s28+$0x0] =	vst.idx.msk $0xffff, v37;
	v33 =	vmul.f32 $8.000000000e+00, v33  }
0x764: {  	v54 =	vor.u32 v11, v32;
	v52 =	vadd.s32 v17, v34;
	v53 =	vld.idx.msk [tilespmem:v62+s18+$0x0], $0xffff  }
0x765: {  	v55 =	vadd.s32 v12, v52;
	[tilespmem:v63+s28+$0x0] =	vst.idx.msk $0xffff, v33  }
0x766: {  	v56 =	vor.u32 v7, v29;
	v57 =	vadd.s32 v19, v31;
	v39 =	vld.idx.msk [tilespmem:v49+s18+$0x0], $0xffff  }
0x767: {  	v43 =	vadd.s32 v8, v57;
	v36 =	vmul.f32 $8.000000000e+00, v36  }
0x768: {  	v58 =	vor.u32 v3, v35;
	v59 =	vadd.s32 v21, v38;
	v37 =	vld.idx.msk [tilespmem:v51+s18+$0x0], $0xffff  }
0x769: {  	v60 =	vadd.s32 v4, v59;
	[tilespmem:v54+s28+$0x0] =	vst.idx.msk $0xffff, v36;
	v41 =	vmul.f32 $8.000000000e+00, v53;
	v36 =	vshll.u32 v30, $0x7  }
0x76a: {  	v61 =	vadd.s32 v22, v30;
	v33 =	vld.idx.msk [tilespmem:v55+s18+$0x0], $0xffff;
	v62 =	vor.u32 v0, v36  }
0x76b: {  	v63 =	vadd.s32 v2, v61;
	[tilespmem:v56+s28+$0x0] =	vst.idx.msk $0xffff, v41;
	v39 =	vmul.f32 $8.000000000e+00, v39  }
0x76c: {  	v48 =	vadd.s32 v16, v34;
	v49 =	vor.u32 v13, v32;
	v43 =	vld.idx.msk [tilespmem:v43+s18+$0x0], $0xffff  }
0x76d: {  	v50 =	vadd.s32 v14, v48;
	v37 =	vmul.f32 $8.000000000e+00, v37;
	[tilespmem:v58+s28+$0x0] =	vst.idx.msk $0xffff, v39  }
0x76e: {  	v52 =	vor.u32 v9, v29;
	v53 =	vadd.s32 v18, v31;
	v51 =	vld.idx.msk [tilespmem:v60+s18+$0x0], $0xffff  }
0x76f: {  	v54 =	vadd.s32 v10, v53;
	[tilespmem:v62+s28+$0x0] =	vst.idx.msk $0xffff, v37;
	v33 =	vmul.f32 $8.000000000e+00, v33  }
0x770: {  	v55 =	vor.u32 v5, v35;
	v56 =	vadd.s32 v20, v38;
	v40 =	vld.idx.msk [tilespmem:v63+s18+$0x0], $0xffff  }
0x771: {  	v58 =	vadd.s32 v6, v56;
	[tilespmem:v49+s28+$0x0] =	vst.idx.msk $0xffff, v33;
	v57 =	vmul.f32 $8.000000000e+00, v43  }
0x772: {  	v59 =	vadd.s32 v21, v30;
	v61 =	vor.u32 v3, v36;
	v60 =	vld.idx.msk [tilespmem:v50+s18+$0x0], $0xffff  }
0x773: {  	v39 =	vor.u32 $0x10, v25;
	v63 =	vadd.s32 v4, v59;
	[tilespmem:v52+s28+$0x0] =	vst.idx.msk $0xffff, v57;
	v62 =	vmul.f32 $8.000000000e+00, v51  }
0x774: {  	v32 =	vor.u32 v15, v32;
	v45 =	vadd.s32 v23, v39;
	v37 =	vld.idx.msk [tilespmem:v54+s18+$0x0], $0xffff  }
0x775: {  	v49 =	vadd.s32 v1, v45;
	[tilespmem:v55+s28+$0x0] =	vst.idx.msk $0xffff, v62;
	v48 =	vmul.f32 $8.000000000e+00, v40  }
0x776: {  	v51 =	vor.u32 v11, v29;
	v52 =	vadd.s32 v17, v31;
	v50 =	vld.idx.msk [tilespmem:v58+s18+$0x0], $0xffff  }
0x777: {  	v44 =	vadd.s32 v12, v52;
	[tilespmem:v61+s28+$0x0] =	vst.idx.msk $0xffff, v48;
	v53 =	vmul.f32 $8.000000000e+00, v60  }
0x778: {  	v54 =	vor.u32 v7, v35;
	v55 =	vadd.s32 v19, v38;
	v41 =	vld.idx.msk [tilespmem:v63+s18+$0x0], $0xffff  }
0x779: {  	v57 =	vadd.s32 v8, v55;
	[tilespmem:v32+s28+$0x0] =	vst.idx.msk $0xffff, v53;
	v56 =	vmul.f32 $8.000000000e+00, v37  }
0x77a: {  	v59 =	vor.u32 v5, v36;
	v58 =	vadd.s32 v20, v30;
	v40 =	vld.idx.msk [tilespmem:v49+s18+$0x0], $0xffff  }
0x77b: {  	v61 =	vadd.s32 v6, v58;
	v37 =	vshll.u32 v39, $0x7;
	[tilespmem:v51+s28+$0x0] =	vst.idx.msk $0xffff, v56;
	v60 =	vmul.f32 $8.000000000e+00, v50  }
0x77c: {  	v63 =	vadd.s32 v22, v39;
	v62 =	vor.u32 v0, v37;
	v43 =	vld.idx.msk [tilespmem:v44+s18+$0x0], $0xffff  }
0x77d: {  	v49 =	vadd.s32 v2, v63;
	[tilespmem:v54+s28+$0x0] =	vst.idx.msk $0xffff, v60;
	v48 =	vmul.f32 $8.000000000e+00, v41  }
0x77e: {  	v31 =	vadd.s32 v16, v31;
	v50 =	vor.u32 v13, v29;
	v33 =	vld.idx.msk [tilespmem:v57+s18+$0x0], $0xffff  }
0x77f: {  	v31 =	vadd.s32 v14, v31;
	[tilespmem:v59+s28+$0x0] =	vst.idx.msk $0xffff, v48;
	v51 =	vmul.f32 $8.000000000e+00, v40  }
0x780: {  	v53 =	vor.u32 v9, v35;
	v54 =	vadd.s32 v18, v38;
	v52 =	vld.idx.msk [tilespmem:v61+s18+$0x0], $0xffff  }
0x781: {  	v56 =	vadd.s32 v10, v54;
	[tilespmem:v62+s28+$0x0] =	vst.idx.msk $0xffff, v51;
	v55 =	vmul.f32 $8.000000000e+00, v43  }
0x782: {  	v58 =	vor.u32 v7, v36;
	v57 =	vadd.s32 v19, v30;
	v41 =	vld.idx.msk [tilespmem:v49+s18+$0x0], $0xffff  }
0x783: {  	v60 =	vadd.s32 v8, v57;
	[tilespmem:v50+s28+$0x0] =	vst.idx.msk $0xffff, v55;
	v59 =	vmul.f32 $8.000000000e+00, v33  }
0x784: {  	v61 =	vor.u32 v3, v37;
	v62 =	vadd.s32 v21, v39;
	v31 =	vld.idx.msk [tilespmem:v31+s18+$0x0], $0xffff  }
0x785: {  	v32 =	vor.u32 $0x20, v26;
	v63 =	vadd.s32 v4, v62;
	[tilespmem:v53+s28+$0x0] =	vst.idx.msk $0xffff, v59;
	v40 =	vmul.f32 $8.000000000e+00, v52  }
0x786: {  	v29 =	vor.u32 v15, v29;
	v48 =	vadd.s32 v23, v32;
	v26 =	vld.idx.msk [tilespmem:v56+s18+$0x0], $0xffff  }
0x787: {  	v50 =	vadd.s32 v1, v48;
	[tilespmem:v58+s28+$0x0] =	vst.idx.msk $0xffff, v40;
	v49 =	vmul.f32 $8.000000000e+00, v41  }
0x788: {  	v51 =	vor.u32 v11, v35;
	v52 =	vadd.s32 v17, v38;
	v33 =	vld.idx.msk [tilespmem:v60+s18+$0x0], $0xffff  }
0x789: {  	v53 =	vadd.s32 v12, v52;
	[tilespmem:v61+s28+$0x0] =	vst.idx.msk $0xffff, v49;
	v31 =	vmul.f32 $8.000000000e+00, v31  }
0x78a: {  	v54 =	vadd.s32 v18, v30;
	v55 =	vor.u32 v9, v36;
	v42 =	vld.idx.msk [tilespmem:v63+s18+$0x0], $0xffff  }
0x78b: {  	v44 =	vadd.s32 v10, v54;
	[tilespmem:v29+s28+$0x0] =	vst.idx.msk $0xffff, v31;
	v26 =	vmul.f32 $8.000000000e+00, v26  }
0x78c: {  	v56 =	vor.u32 v5, v37;
	v29 =	vadd.s32 v20, v39;
	v41 =	vld.idx.msk [tilespmem:v50+s18+$0x0], $0xffff  }
0x78d: {  	v31 =	vshll.u32 v32, $0x7;
	v57 =	vadd.s32 v6, v29;
	[tilespmem:v51+s28+$0x0] =	vst.idx.msk $0xffff, v26;
	v26 =	vmul.f32 $8.000000000e+00, v33  }
0x78e: {  	s10 =	simm.s32 $0x4;
	v59 =	vadd.s32 v22, v32;
	v58 =	vor.u32 v0, v31;
	v40 =	vld.idx.msk [tilespmem:v53+s18+$0x0], $0xffff  }
0x78f: {  	v60 =	vadd.s32 v2, v59;
	v29 =	vadd.s32 s10, v0;
	[tilespmem:v55+s28+$0x0] =	vst.idx.msk $0xffff, v26;
	v26 =	vmul.f32 $8.000000000e+00, v42  }
0x790: {  	v38 =	vadd.s32 v16, v38;
	v61 =	vor.u32 v13, v35;
	v33 =	vand.u32 $0xF, v29;
	v44 =	vld.idx.msk [tilespmem:v44+s18+$0x0], $0xffff  }
0x791: {  	v38 =	vadd.s32 v14, v38;
	v62 =	vadd.s32 v23, v33;
	[tilespmem:v56+s28+$0x0] =	vst.idx.msk $0xffff, v26;
	v26 =	vmul.f32 $8.000000000e+00, v41  }
0x792: {  	v52 =	vadd.s32 v17, v30;
	v53 =	vor.u32 v11, v36;
	v63 =	vadd.s32 v1, v62;
	v43 =	vld.idx.msk [tilespmem:v57+s18+$0x0], $0xffff  }
0x793: {  	v54 =	vadd.s32 v12, v52;
	[tilespmem:v58+s28+$0x0] =	vst.idx.msk $0xffff, v26;
	v26 =	vmul.f32 $8.000000000e+00, v40  }
0x794: {  	v55 =	vor.u32 v7, v37;
	v42 =	vld.idx.msk [tilespmem:v60+s18+$0x0], $0xffff  }
0x795: {  	v35 =	vor.u32 v15, v35;
	v56 =	vadd.s32 v19, v39;
	[tilespmem:v61+s28+$0x0] =	vst.idx.msk $0xffff, v26;
	v26 =	vmul.f32 $8.000000000e+00, v44  }
0x796: {  	v59 =	vor.u32 v3, v31;
	v62 =	vadd.s32 v22, v33;
	v57 =	vadd.s32 v8, v56;
	v45 =	vld.idx.msk [tilespmem:v38+s18+$0x0], $0xffff  }
0x797: {  	v24 =	vor.u32 $0x30, v24;
	v60 =	vadd.s32 v21, v32;
	v41 =	vld.idx.msk [tilespmem:v63+s18+$0x0], $0xffff;
	[tilespmem:v53+s28+$0x0] =	vst.idx.msk $0xffff, v26;
	v26 =	vmul.f32 $8.000000000e+00, v43  }
0x798: {  	v58 =	vadd.s32 v23, v24;
	v61 =	vadd.s32 v4, v60;
	v38 =	vshll.u32 v33, $0x7;
	v40 =	vld.idx.msk [tilespmem:v54+s18+$0x0], $0xffff  }
0x799: {  	v52 =	vadd.s32 v1, v58;
	v63 =	vor.u32 v0, v38;
	[tilespmem:v55+s28+$0x0] =	vst.idx.msk $0xffff, v26;
	v26 =	vmul.f32 $8.000000000e+00, v42  }
0x79a: {  	v58 =	vadd.s32 v18, v39;
	v53 =	vadd.s32 v2, v62;
	v54 =	vor.u32 v13, v36  }
0x79b: {  	v55 =	vadd.s32 v16, v30;
	v44 =	vld.idx.msk [tilespmem:v57+s18+$0x0], $0xffff;
	[tilespmem:v59+s28+$0x0] =	vst.idx.msk $0xffff, v26;
	v26 =	vmul.f32 $8.000000000e+00, v45  }
0x79c: {  	v60 =	vadd.s32 v20, v32;
	v41 =	vmul.f32 $8.000000000e+00, v41;
	v56 =	vadd.s32 v14, v55  }
0x79d: {  	v57 =	vor.u32 v9, v37;
	v43 =	vld.idx.msk [tilespmem:v61+s18+$0x0], $0xffff;
	[tilespmem:v35+s28+$0x0] =	vst.idx.msk $0xffff, v26;
	v26 =	vmul.f32 $8.000000000e+00, v40  }
0x79e: {  	v47 =	vadd.s32 v6, v60;
	[tilespmem:v63+s28+$0x0] =	vst.idx.msk $0xffff, v41;
	v40 =	vadd.s32 v10, v58;
	v41 =	vld.idx.msk [tilespmem:v52+s18+$0x0], $0xffff  }
0x79f: {  	v59 =	vor.u32 v5, v31;
	v46 =	vld.idx.msk [tilespmem:v53+s18+$0x0], $0xffff;
	[tilespmem:v54+s28+$0x0] =	vst.idx.msk $0xffff, v26;
	v26 =	vshll.u32 v24, $0x7  }
0x7a0: {  	v62 =	vadd.s32 v21, v33;
	v44 =	vmul.f32 $8.000000000e+00, v44;
	v49 =	vor.u32 v0, v26  }
0x7a1: {  	v36 =	vor.u32 v15, v36;
	v61 =	vadd.s32 v22, v24;
	v63 =	vor.u32 v3, v38;
	v45 =	vld.idx.msk [tilespmem:v56+s18+$0x0], $0xffff  }
0x7a2: {  	v35 =	vor.u32 $0x10, v28;
	v56 =	vadd.s32 v2, v61;
	[tilespmem:v57+s28+$0x0] =	vst.idx.msk $0xffff, v44;
	v43 =	vmul.f32 $8.000000000e+00, v43  }
0x7a3: {  	v58 =	vadd.s32 v23, v35;
	v57 =	vadd.s32 v4, v62;
	v40 =	vld.idx.msk [tilespmem:v40+s18+$0x0], $0xffff;
	v41 =	vmul.f32 $8.000000000e+00, v41  }
0x7a4: {  	v60 =	vadd.s32 v1, v58;
	[tilespmem:v59+s28+$0x0] =	vst.idx.msk $0xffff, v43;
	v59 =	vmul.f32 $8.000000000e+00, v46  }
0x7a5: {  	v61 =	vadd.s32 v17, v39;
	v46 =	vld.idx.msk [tilespmem:v47+s18+$0x0], $0xffff;
	v47 =	vor.u32 v11, v37;
	[tilespmem:v49+s28+$0x0] =	vst.idx.msk $0xffff, v41  }
0x7a6: {  	[tilespmem:v63+s28+$0x0] =	vst.idx.msk $0xffff, v59;
	v62 =	vmul.f32 $8.000000000e+00, v45;
	v63 =	vadd.s32 v12, v61  }
0x7a7: {  	v48 =	vor.u32 v7, v31;
	v54 =	vadd.s32 v19, v32;
	v59 =	vadd.s32 v21, v24;
	v45 =	vld.idx.msk [tilespmem:v56+s18+$0x0], $0xffff  }
0x7a8: {  	v44 =	vld.idx.msk [tilespmem:v57+s18+$0x0], $0xffff;
	v56 =	vadd.s32 v8, v54;
	[tilespmem:v36+s28+$0x0] =	vst.idx.msk $0xffff, v62;
	v55 =	vmul.f32 $8.000000000e+00, v40  }
0x7a9: {  	v58 =	vor.u32 v3, v26;
	v57 =	vadd.s32 v20, v33;
	v61 =	vadd.s32 v4, v59;
	v43 =	vld.idx.msk [tilespmem:v60+s18+$0x0], $0xffff  }
0x7aa: {  	v36 =	vshll.u32 v35, $0x7;
	v60 =	vor.u32 v5, v38;
	[tilespmem:v47+s28+$0x0] =	vst.idx.msk $0xffff, v55;
	v46 =	vmul.f32 $8.000000000e+00, v46  }
0x7ab: {  	v41 =	vadd.s32 v6, v57;
	v62 =	vor.u32 v0, v36;
	v42 =	vld.idx.msk [tilespmem:v63+s18+$0x0], $0xffff;
	v63 =	vadd.s32 v22, v35  }
0x7ac: {  	v39 =	vadd.s32 v16, v39;
	[tilespmem:v48+s28+$0x0] =	vst.idx.msk $0xffff, v46;
	v45 =	vmul.f32 $8.000000000e+00, v45;
	v54 =	vadd.s32 v2, v63  }
0x7ad: {  	v39 =	vadd.s32 v14, v39;
	v44 =	vmul.f32 $8.000000000e+00, v44;
	v40 =	vld.idx.msk [tilespmem:v56+s18+$0x0], $0xffff  }
0x7ae: {  	v57 =	vor.u32 v9, v31;
	v55 =	vor.u32 v13, v37;
	[tilespmem:v58+s28+$0x0] =	vst.idx.msk $0xffff, v45;
	v43 =	vmul.f32 $8.000000000e+00, v43  }
0x7af: {  	v63 =	vor.u32 v7, v38;
	[tilespmem:v60+s28+$0x0] =	vst.idx.msk $0xffff, v44;
	v58 =	vadd.s32 v18, v32;
	v56 =	vld.idx.msk [tilespmem:v61+s18+$0x0], $0xffff  }
0x7b0: {  	v60 =	vadd.s32 v19, v33;
	v41 =	vld.idx.msk [tilespmem:v41+s18+$0x0], $0xffff;
	v59 =	vadd.s32 v10, v58;
	[tilespmem:v62+s28+$0x0] =	vst.idx.msk $0xffff, v43  }
0x7b1: {  	v61 =	vor.u32 v5, v26;
	v42 =	vmul.f32 $8.000000000e+00, v42;
	v62 =	vadd.s32 v20, v24;
	v46 =	vld.idx.msk [tilespmem:v54+s18+$0x0], $0xffff  }
0x7b2: {  	v47 =	vadd.s32 v8, v60;
	v53 =	vadd.s32 v6, v62;
	v40 =	vmul.f32 $8.000000000e+00, v40  }
0x7b3: {  	v54 =	vor.u32 v3, v36;
	[tilespmem:v55+s28+$0x0] =	vst.idx.msk $0xffff, v42;
	v55 =	vadd.s32 v21, v35  }
0x7b4: {  	v39 =	vld.idx.msk [tilespmem:v39+s18+$0x0], $0xffff;
	[tilespmem:v57+s28+$0x0] =	vst.idx.msk $0xffff, v40;
	v44 =	vmul.f32 $8.000000000e+00, v56;
	v56 =	vadd.s32 v4, v55  }
0x7b5: {  	v37 =	vor.u32 v15, v37;
	v40 =	vor.u32 $0x20, v34;
	v57 =	vmul.f32 $8.000000000e+00, v41;
	v58 =	vld.idx.msk [tilespmem:v59+s18+$0x0], $0xffff  }
0x7b6: {  	v62 =	vadd.s32 v17, v32;
	v59 =	vadd.s32 v23, v40;
	[tilespmem:v61+s28+$0x0] =	vst.idx.msk $0xffff, v44;
	v60 =	vmul.f32 $8.000000000e+00, v46  }
0x7b7: {  	v43 =	vadd.s32 v1, v59;
	[tilespmem:v63+s28+$0x0] =	vst.idx.msk $0xffff, v57;
	v61 =	vor.u32 v11, v31;
	v34 =	vld.idx.msk [tilespmem:v53+s18+$0x0], $0xffff  }
0x7b8: {  	v50 =	vor.u32 v7, v26;
	v44 =	vadd.s32 v12, v62;
	v47 =	vld.idx.msk [tilespmem:v47+s18+$0x0], $0xffff;
	[tilespmem:v54+s28+$0x0] =	vst.idx.msk $0xffff, v60  }
0x7b9: {  	v63 =	vadd.s32 v18, v33;
	v39 =	vmul.f32 $8.000000000e+00, v39;
	v49 =	vld.idx.msk [tilespmem:v56+s18+$0x0], $0xffff;
	v56 =	vadd.s32 v19, v24  }
0x7ba: {  	v57 =	vor.u32 v9, v38;
	v58 =	vmul.f32 $8.000000000e+00, v58;
	v59 =	vadd.s32 v8, v56  }
0x7bb: {  	v46 =	vor.u32 v5, v36;
	v48 =	vadd.s32 v10, v63;
	[tilespmem:v37+s28+$0x0] =	vst.idx.msk $0xffff, v39  }
0x7bc: {  	v41 =	vshll.u32 v40, $0x7;
	v60 =	vadd.s32 v20, v35;
	v43 =	vld.idx.msk [tilespmem:v43+s18+$0x0], $0xffff;
	[tilespmem:v61+s28+$0x0] =	vst.idx.msk $0xffff, v58;
	v61 =	vmul.f32 $8.000000000e+00, v34  }
0x7bd: {  	s10 =	simm.s32 $0x5;
	v45 =	vor.u32 v0, v41;
	v62 =	vmul.f32 $8.000000000e+00, v47;
	v47 =	vadd.s32 v6, v60  }
0x7be: {  	v63 =	vadd.s32 v22, v40;
	v34 =	vadd.s32 s10, v0;
	v42 =	vld.idx.msk [tilespmem:v44+s18+$0x0], $0xffff;
	[tilespmem:v50+s28+$0x0] =	vst.idx.msk $0xffff, v61  }
0x7bf: {  	s7 =	simm.s32 $0x6;
	v39 =	vand.u32 $0xF, v34;
	v44 =	vadd.s32 v2, v63;
	[tilespmem:v57+s28+$0x0] =	vst.idx.msk $0xffff, v62;
	v49 =	vmul.f32 $8.000000000e+00, v49;
	v37 =	vld.idx.msk [tilespmem:v59+s18+$0x0], $0xffff  }
.LBB2_22:
0x7c0: {  	p0 =	sne.s32 s7, $0xF;
	v48 =	vld.idx.msk [tilespmem:v48+s18+$0x0], $0xffff;
	v50 =	vor.u32 v13, v31;
	v32 =	vadd.s32 v16, v32;
	v51 =	vadd.s32 v18, v24  }
0x7c1: {  	v52 =	vadd.s32 v23, v39;
	v43 =	vmul.f32 $8.000000000e+00, v43;
	[tilespmem:v46+s28+$0x0] =	vst.idx.msk $0xffff, v49;
	v46 =	vadd.s32 v14, v32  }
0x7c2: {  	v55 =	vadd.s32 v17, v33;
	v49 =	vadd.s32 v1, v52;
	v52 =	vor.u32 v9, v26;
	v47 =	vld.idx.msk [tilespmem:v47+s18+$0x0], $0xffff  }
0x7c3: {  	v53 =	vor.u32 v11, v38;
	v42 =	vmul.f32 $8.000000000e+00, v42;
	[tilespmem:v45+s28+$0x0] =	vst.idx.msk $0xffff, v43;
	v43 =	vadd.s32 v10, v51  }
0x7c4: {  	v54 =	vadd.s32 v17, v24;
	v45 =	vadd.s32 v12, v55;
	v51 =	vor.u32 $0x30, v27;
	v32 =	vmovc v40;
	v44 =	vld.idx.msk [tilespmem:v44+s18+$0x0], $0xffff  }
0x7c5: {  	v40 =	vor.u32 v7, v36;
	v55 =	vadd.s32 v19, v35;
	v37 =	vmul.f32 $8.000000000e+00, v37;
	[tilespmem:v50+s28+$0x0] =	vst.idx.msk $0xffff, v42  }
0x7c6: {  	v27 =	vmovc v25;
	v42 =	vmul.f32 $8.000000000e+00, v48;
	v48 =	vadd.s32 v8, v55;
	v50 =	vadd.s32 v23, v51;
	v46 =	vld.idx.msk [tilespmem:v46+s18+$0x0], $0xffff  }
0x7c7: {  	v56 =	vadd.s32 v21, v32;
	v55 =	vor.u32 v3, v41;
	v49 =	vld.idx.msk [tilespmem:v49+s18+$0x0], $0xffff;
	[tilespmem:v52+s28+$0x0] =	vst.idx.msk $0xffff, v37  }
0x7c8: {  	v25 =	vmov v28;
	v37 =	vmul.f32 $8.000000000e+00, v47;
	[tilespmem:v53+s28+$0x0] =	vst.idx.msk $0xffff, v42;
	v42 =	vadd.s32 v4, v56;
	v43 =	vld.idx.msk [tilespmem:v43+s18+$0x0], $0xffff  }
0x7c9: {  	v28 =	vshll.u32 v39, $0x7;
	v47 =	vadd.s32 v22, v39;
	v52 =	vor.u32 v15, v31;
	v31 =	vmovc v41;
	v45 =	vld.idx.msk [tilespmem:v45+s18+$0x0], $0xffff  }
0x7ca: {  	v41 =	vor.u32 v0, v28;
	[tilespmem:v40+s28+$0x0] =	vst.idx.msk $0xffff, v37;
	v37 =	vmul.f32 $8.000000000e+00, v44;
	v40 =	vadd.s32 v1, v50  }
0x7cb: {  	v44 =	vadd.s32 v2, v47;
	v47 =	vadd.s32 v16, v33;
	v50 =	vor.u32 v11, v26;
	v48 =	vld.idx.msk [tilespmem:v48+s18+$0x0], $0xffff  }
0x7cc: {  	v53 =	vor.u32 v13, v38;
	[tilespmem:v55+s28+$0x0] =	vst.idx.msk $0xffff, v37;
	v37 =	vmul.f32 $8.000000000e+00, v46;
	v46 =	vadd.s32 v12, v54  }
0x7cd: {  	v47 =	vadd.s32 v14, v47;
	v49 =	vmul.f32 $8.000000000e+00, v49;
	v54 =	vadd.s32 v16, v24;
	v24 =	vmovc v51;
	v42 =	vld.idx.msk [tilespmem:v42+s18+$0x0], $0xffff  }
0x7ce: {  	v51 =	vor.u32 v9, v36;
	v55 =	vadd.s32 v18, v35;
	[tilespmem:v52+s28+$0x0] =	vst.idx.msk $0xffff, v37;
	v37 =	vmul.f32 $8.000000000e+00, v43  }
0x7cf: {  	v43 =	vor.u32 $0x10, v29;
	[tilespmem:v41+s28+$0x0] =	vst.idx.msk $0xffff, v49;
	v41 =	vmul.f32 $8.000000000e+00, v45;
	v45 =	vadd.s32 v10, v55;
	v40 =	vld.idx.msk [tilespmem:v40+s18+$0x0], $0xffff  }
0x7d0: {  	v52 =	vadd.s32 v20, v32;
	v49 =	vor.u32 v5, v31;
	v44 =	vld.idx.msk [tilespmem:v44+s18+$0x0], $0xffff;
	[tilespmem:v50+s28+$0x0] =	vst.idx.msk $0xffff, v37  }
0x7d1: {  	v37 =	vmul.f32 $8.000000000e+00, v48;
	v48 =	vshll.u32 v24, $0x7;
	[tilespmem:v53+s28+$0x0] =	vst.idx.msk $0xffff, v41;
	v41 =	vadd.s32 v6, v52;
	v46 =	vld.idx.msk [tilespmem:v46+s18+$0x0], $0xffff  }
0x7d2: {  	v50 =	vadd.s32 v21, v39;
	v52 =	vor.u32 v0, v48;
	v53 =	vadd.s32 v22, v24;
	v47 =	vld.idx.msk [tilespmem:v47+s18+$0x0], $0xffff  }
0x7d3: {  	v55 =	vor.u32 v3, v28;
	[tilespmem:v51+s28+$0x0] =	vst.idx.msk $0xffff, v37;
	v37 =	vmul.f32 $8.000000000e+00, v42;
	v42 =	vadd.s32 v2, v53  }
0x7d4: {  	v50 =	vadd.s32 v4, v50;
	v51 =	vadd.s32 v23, v43;
	v53 =	vor.u32 v13, v26;
	v45 =	vld.idx.msk [tilespmem:v45+s18+$0x0], $0xffff  }
0x7d5: {  	v56 =	vor.u32 v15, v38;
	[tilespmem:v49+s28+$0x0] =	vst.idx.msk $0xffff, v37;
	v37 =	vmul.f32 $8.000000000e+00, v40;
	v40 =	vadd.s32 v14, v54  }
0x7d6: {  	v38 =	vmovc v28;
	v28 =	vmovc v29;
	v29 =	vmov v34;
	v44 =	vmul.f32 $8.000000000e+00, v44;
	v49 =	vadd.s32 v1, v51;
	v41 =	vld.idx.msk [tilespmem:v41+s18+$0x0], $0xffff  }
0x7d7: {  	v34 =	vor.u32 v11, v36;
	v51 =	vadd.s32 v17, v35;
	[tilespmem:v52+s28+$0x0] =	vst.idx.msk $0xffff, v37;
	v37 =	vmul.f32 $8.000000000e+00, v46  }
0x7d8: {  	v46 =	vadd.s32 v12, v51;
	[tilespmem:v55+s28+$0x0] =	vst.idx.msk $0xffff, v44;
	v44 =	vmul.f32 $8.000000000e+00, v47;
	v42 =	vld.idx.msk [tilespmem:v42+s18+$0x0], $0xffff  }
0x7d9: {  	v51 =	vadd.s32 v19, v32;
	v47 =	vld.idx.msk [tilespmem:v50+s18+$0x0], $0xffff;
	v50 =	vor.u32 v7, v31;
	[tilespmem:v53+s28+$0x0] =	vst.idx.msk $0xffff, v37  }
0x7da: {  	v37 =	vmul.f32 $8.000000000e+00, v45;
	[tilespmem:v56+s28+$0x0] =	vst.idx.msk $0xffff, v44;
	v44 =	vadd.s32 v8, v51;
	v40 =	vld.idx.msk [tilespmem:v40+s18+$0x0], $0xffff  }
0x7db: {  	v52 =	vadd.s32 v21, v24;
	v45 =	vadd.s32 v20, v39;
	v51 =	vor.u32 v3, v48;
	v49 =	vld.idx.msk [tilespmem:v49+s18+$0x0], $0xffff  }
0x7dc: {  	v53 =	vor.u32 v5, v38;
	[tilespmem:v34+s28+$0x0] =	vst.idx.msk $0xffff, v37;
	v34 =	vmul.f32 $8.000000000e+00, v41;
	v37 =	vadd.s32 v4, v52  }
0x7dd: {  	v41 =	vadd.s32 v6, v45;
	v45 =	vshll.u32 v43, $0x7;
	v52 =	vor.u32 v15, v26;
	v26 =	vmovc v48;
	v46 =	vld.idx.msk [tilespmem:v46+s18+$0x0], $0xffff  }
0x7de: {  	v54 =	vadd.s32 v22, v43;
	v48 =	vor.u32 v0, v45;
	[tilespmem:v50+s28+$0x0] =	vst.idx.msk $0xffff, v34;
	v34 =	vmul.f32 $8.000000000e+00, v42  }
0x7df: {  	v42 =	vmul.f32 $8.000000000e+00, v47;
	v47 =	vadd.s32 v2, v54;
	v44 =	vld.idx.msk [tilespmem:v44+s18+$0x0], $0xffff  }
0x7e0: {  	v50 =	vor.u32 v13, v36;
	v54 =	vadd.s32 v16, v35;
	[tilespmem:v51+s28+$0x0] =	vst.idx.msk $0xffff, v34;
	v34 =	vmul.f32 $8.000000000e+00, v40  }
0x7e1: {  	v35 =	vmov v43;
	v40 =	vmul.f32 $8.000000000e+00, v49;
	[tilespmem:v53+s28+$0x0] =	vst.idx.msk $0xffff, v42;
	v42 =	vadd.s32 v14, v54;
	v37 =	vld.idx.msk [tilespmem:v37+s18+$0x0], $0xffff  }
0x7e2: {  	v43 =	vor.u32 v9, v31;
	v49 =	vadd.s32 v18, v32;
	v41 =	vld.idx.msk [tilespmem:v41+s18+$0x0], $0xffff;
	[tilespmem:v52+s28+$0x0] =	vst.idx.msk $0xffff, v34  }
0x7e3: {  	v34 =	vmul.f32 $8.000000000e+00, v46;
	v46 =	vadd.s32 v10, v49;
	[tilespmem:v48+s28+$0x0] =	vst.idx.msk $0xffff, v40  }
0x7e4: {  	v49 =	vadd.s32 v20, v24;
	v40 =	vadd.s32 v19, v39;
	v48 =	vor.u32 v5, v26;
	v47 =	vld.idx.msk [tilespmem:v47+s18+$0x0], $0xffff  }
0x7e5: {  	v51 =	vor.u32 v7, v38;
	[tilespmem:v50+s28+$0x0] =	vst.idx.msk $0xffff, v34;
	v34 =	vmul.f32 $8.000000000e+00, v44;
	v44 =	vadd.s32 v6, v49  }
0x7e6: {  	v49 =	vadd.s32 v8, v40;
	v42 =	vld.idx.msk [tilespmem:v42+s18+$0x0], $0xffff  }
0x7e7: {  	v50 =	vor.u32 v3, v45;
	v40 =	vadd.s32 v21, v35;
	[tilespmem:v43+s28+$0x0] =	vst.idx.msk $0xffff, v34;
	v34 =	vmul.f32 $8.000000000e+00, v37  }
0x7e8: {  	v37 =	vmul.f32 $8.000000000e+00, v41;
	v41 =	vadd.s32 v4, v40;
	v40 =	vor.u32 $0x20, v30;
	v30 =	vmovc v33;
	v33 =	vmovc v39;
	v43 =	vld.idx.msk [tilespmem:v46+s18+$0x0], $0xffff  }
0x7e9: {  	v39 =	vor.u32 v15, v36;
	v36 =	vmov v45;
	v46 =	vadd.s32 v23, v40;
	[tilespmem:v48+s28+$0x0] =	vst.idx.msk $0xffff, v34  }
0x7ea: {  	v34 =	vmul.f32 $8.000000000e+00, v47;
	[tilespmem:v51+s28+$0x0] =	vst.idx.msk $0xffff, v37;
	v37 =	vadd.s32 v1, v46;
	v44 =	vld.idx.msk [tilespmem:v44+s18+$0x0], $0xffff  }
0x7eb: {  	v47 =	vor.u32 v11, v31;
	v46 =	vadd.s32 v17, v32;
	v45 =	vld.idx.msk [tilespmem:v49+s18+$0x0], $0xffff  }
0x7ec: {  	[tilespmem:v50+s28+$0x0] =	vst.idx.msk $0xffff, v34;
	v34 =	vmul.f32 $8.000000000e+00, v42;
	v42 =	vadd.s32 v12, v46  }
0x7ed: {  	v46 =	vadd.s32 v18, v33;
	v50 =	vor.u32 v7, v26;
	v49 =	vld.idx.msk [tilespmem:v41+s18+$0x0], $0xffff;
	v41 =	vadd.s32 v19, v24  }
0x7ee: {  	v51 =	vor.u32 v9, v38;
	[tilespmem:v39+s28+$0x0] =	vst.idx.msk $0xffff, v34;
	v34 =	vmul.f32 $8.000000000e+00, v43;
	v52 =	vadd.s32 v8, v41  }
.Ltmp13:
0x7ef: {  	v48 =	vadd.s32 v10, v46;
	v43 =	vld.idx.msk [tilespmem:v37+s18+$0x0], $0xffff;
	(pc) =	sbr.rel @p0 .LBB2_22-.Ltmp13, $4  }
0x7f0: {  	v46 =	vor.u32 v5, v36;
	v37 =	vadd.s32 v20, v35;
	v39 =	vmul.f32 $8.000000000e+00, v44;
	[tilespmem:v47+s28+$0x0] =	vst.idx.msk $0xffff, v34  }
0x7f1: {  	v41 =	vshll.u32 v40, $0x7;
	v44 =	vmul.f32 $8.000000000e+00, v45;
	v47 =	vadd.s32 v6, v37;
	v42 =	vld.idx.msk [tilespmem:v42+s18+$0x0], $0xffff  }
0x7f2: {  	v34 =	vadd.s32 s7, v0;
	v45 =	vor.u32 v0, v41;
	v37 =	vadd.s32 v22, v40;
	[tilespmem:v50+s28+$0x0] =	vst.idx.msk $0xffff, v39  }
0x7f3: {  	s7 =	sadd.s32 $0x1, s7;
	v39 =	vand.u32 $0xF, v34;
	v49 =	vmul.f32 $8.000000000e+00, v49;
	[tilespmem:v51+s28+$0x0] =	vst.idx.msk $0xffff, v44;
	v44 =	vadd.s32 v2, v37;
	v37 =	vld.idx.msk [tilespmem:v52+s18+$0x0], $0xffff  }
0x7f4: {  	v50 =	vadd.s32 v23, v39  }
0x7f5: {  	v50 =	vadd.s32 v1, v50;
	_ =	sdelay $0x4  }
0x7f6: {  	v50 =	vld.idx.msk [tilespmem:v50+s18+$0x0], $0xffff  }
0x7f7: {  	v51 =	vshll.u32 v39, $0x7  }
0x7f8: {  	v52 =	vadd.s32 v22, v39;
	v53 =	vor.u32 v0, v51  }
0x7f9: {  	v52 =	vadd.s32 v2, v52;
	_ =	sdelay $0x1  }
0x7fa: {  	v50 =	vmul.f32 $8.000000000e+00, v50;
	_ =	sdelay $0x1  }
0x7fb: {  	[tilespmem:v53+s28+$0x0] =	vst.idx.msk $0xffff, v50  }
0x7fc: {  	v50 =	vld.idx.msk [tilespmem:v52+s18+$0x0], $0xffff;
	_ =	sdelay $0x1  }
0x7fd: {  	v60 =	vadd.s32 v21, v39;
	v61 =	vor.u32 v3, v51  }
0x7fe: {  	v52 =	vadd.s32 v4, v60;
	_ =	sdelay $0x1  }
0x7ff: {  	v50 =	vmul.f32 $8.000000000e+00, v50;
	_ =	sdelay $0x1  }
0x800: {  	[tilespmem:v61+s28+$0x0] =	vst.idx.msk $0xffff, v50  }
0x801: {  	v50 =	vld.idx.msk [tilespmem:v52+s18+$0x0], $0xffff;
	_ =	sdelay $0x1  }
0x802: {  	v62 =	vadd.s32 v20, v39;
	v63 =	vor.u32 v5, v51  }
0x803: {  	v52 =	vadd.s32 v6, v62;
	_ =	sdelay $0x1  }
0x804: {  	v50 =	vmul.f32 $8.000000000e+00, v50;
	_ =	sdelay $0x1  }
0x805: {  	[tilespmem:v63+s28+$0x0] =	vst.idx.msk $0xffff, v50  }
0x806: {  	v50 =	vld.idx.msk [tilespmem:v52+s18+$0x0], $0xffff;
	_ =	sdelay $0x1  }
0x807: {  	v56 =	vadd.s32 v19, v39;
	v57 =	vor.u32 v7, v51  }
0x808: {  	v52 =	vadd.s32 v8, v56;
	_ =	sdelay $0x1  }
0x809: {  	v50 =	vmul.f32 $8.000000000e+00, v50;
	_ =	sdelay $0x1  }
0x80a: {  	[tilespmem:v57+s28+$0x0] =	vst.idx.msk $0xffff, v50  }
0x80b: {  	v50 =	vld.idx.msk [tilespmem:v52+s18+$0x0], $0xffff;
	_ =	sdelay $0x1  }
0x80c: {  	v58 =	vadd.s32 v18, v39;
	v59 =	vor.u32 v9, v51  }
0x80d: {  	v52 =	vadd.s32 v10, v58;
	_ =	sdelay $0x1  }
0x80e: {  	v50 =	vmul.f32 $8.000000000e+00, v50;
	_ =	sdelay $0x1  }
0x80f: {  	v48 =	vld.idx.msk [tilespmem:v48+s18+$0x0], $0xffff;
	[tilespmem:v59+s28+$0x0] =	vst.idx.msk $0xffff, v50  }
0x810: {  	v50 =	vld.idx.msk [tilespmem:v52+s18+$0x0], $0xffff  }
0x811: {  	v60 =	vadd.s32 v17, v33;
	v61 =	vor.u32 v11, v38  }
0x812: {  	v54 =	vadd.s32 v17, v39;
	v55 =	vor.u32 v11, v51;
	v52 =	vadd.s32 v12, v60  }
0x813: {  	v54 =	vadd.s32 v12, v54  }
0x814: {  	v48 =	vmul.f32 $8.000000000e+00, v48  }
0x815: {  	v50 =	vmul.f32 $8.000000000e+00, v50  }
0x816: {  	[tilespmem:v61+s28+$0x0] =	vst.idx.msk $0xffff, v48  }
0x817: {  	v48 =	vld.idx.msk [tilespmem:v52+s18+$0x0], $0xffff;
	[tilespmem:v55+s28+$0x0] =	vst.idx.msk $0xffff, v50  }
0x818: {  	v50 =	vld.idx.msk [tilespmem:v54+s18+$0x0], $0xffff  }
0x819: {  	v62 =	vadd.s32 v16, v33;
	v63 =	vor.u32 v13, v38  }
0x81a: {  	v57 =	vadd.s32 v16, v39;
	v58 =	vor.u32 v13, v51;
	v52 =	vadd.s32 v14, v62  }
0x81b: {  	v54 =	vadd.s32 v14, v57  }
0x81c: {  	v48 =	vmul.f32 $8.000000000e+00, v48  }
0x81d: {  	v50 =	vmul.f32 $8.000000000e+00, v50  }
0x81e: {  	[tilespmem:v63+s28+$0x0] =	vst.idx.msk $0xffff, v48  }
0x81f: {  	v48 =	vld.idx.msk [tilespmem:v52+s18+$0x0], $0xffff;
	[tilespmem:v58+s28+$0x0] =	vst.idx.msk $0xffff, v50  }
0x820: {  	v50 =	vor.u32 $0x10, v29;
	v59 =	vld.idx.msk [tilespmem:v54+s18+$0x0], $0xffff  }
0x821: {  	v61 =	vor.u32 v15, v38;
	v60 =	vadd.s32 v23, v50;
	v54 =	vor.u32 $0x10, v34  }
0x822: {  	v51 =	vor.u32 v15, v51;
	v53 =	vadd.s32 v1, v60;
	v62 =	vadd.s32 v23, v54  }
0x823: {  	v55 =	vadd.s32 v1, v62  }
0x824: {  	v48 =	vmul.f32 $8.000000000e+00, v48  }
0x825: {  	v52 =	vmul.f32 $8.000000000e+00, v59  }
0x826: {  	[tilespmem:v61+s28+$0x0] =	vst.idx.msk $0xffff, v48  }
0x827: {  	v53 =	vld.idx.msk [tilespmem:v53+s18+$0x0], $0xffff;
	[tilespmem:v51+s28+$0x0] =	vst.idx.msk $0xffff, v52  }
0x828: {  	v48 =	vshll.u32 v50, $0x7;
	v51 =	vld.idx.msk [tilespmem:v55+s18+$0x0], $0xffff  }
0x829: {  	v38 =	vshll.u32 v54, $0x7;
	v63 =	vor.u32 v0, v48;
	v59 =	vadd.s32 v22, v50  }
0x82a: {  	v57 =	vadd.s32 v22, v54;
	v56 =	vor.u32 v0, v38;
	v55 =	vadd.s32 v2, v59  }
0x82b: {  	v57 =	vadd.s32 v2, v57  }
0x82c: {  	v53 =	vmul.f32 $8.000000000e+00, v53  }
0x82d: {  	v51 =	vmul.f32 $8.000000000e+00, v51  }
0x82e: {  	[tilespmem:v63+s28+$0x0] =	vst.idx.msk $0xffff, v53  }
0x82f: {  	v52 =	vld.idx.msk [tilespmem:v55+s18+$0x0], $0xffff;
	[tilespmem:v56+s28+$0x0] =	vst.idx.msk $0xffff, v51  }
0x830: {  	v51 =	vld.idx.msk [tilespmem:v57+s18+$0x0], $0xffff  }
0x831: {  	v61 =	vadd.s32 v21, v50;
	v60 =	vor.u32 v3, v48  }
0x832: {  	v62 =	vor.u32 v3, v38;
	v63 =	vadd.s32 v21, v54;
	v55 =	vadd.s32 v4, v61  }
0x833: {  	v57 =	vadd.s32 v4, v63  }
0x834: {  	v52 =	vmul.f32 $8.000000000e+00, v52  }
0x835: {  	v51 =	vmul.f32 $8.000000000e+00, v51  }
0x836: {  	[tilespmem:v60+s28+$0x0] =	vst.idx.msk $0xffff, v52  }
0x837: {  	v52 =	vld.idx.msk [tilespmem:v55+s18+$0x0], $0xffff;
	[tilespmem:v62+s28+$0x0] =	vst.idx.msk $0xffff, v51  }
0x838: {  	v51 =	vld.idx.msk [tilespmem:v57+s18+$0x0], $0xffff  }
0x839: {  	v61 =	vadd.s32 v20, v50;
	v60 =	vor.u32 v5, v48  }
0x83a: {  	v63 =	vadd.s32 v20, v54;
	v55 =	vadd.s32 v6, v61;
	v62 =	vor.u32 v5, v38  }
0x83b: {  	v57 =	vadd.s32 v6, v63  }
0x83c: {  	v52 =	vmul.f32 $8.000000000e+00, v52  }
0x83d: {  	[tilespmem:v46+s28+$0x0] =	vst.idx.msk $0xffff, v49;
	v58 =	vmul.f32 $8.000000000e+00, v51  }
0x83e: {  	v47 =	vld.idx.msk [tilespmem:v47+s18+$0x0], $0xffff;
	[tilespmem:v60+s28+$0x0] =	vst.idx.msk $0xffff, v52  }
0x83f: {  	v49 =	vld.idx.msk [tilespmem:v55+s18+$0x0], $0xffff;
	[tilespmem:v62+s28+$0x0] =	vst.idx.msk $0xffff, v58  }
0x840: {  	v43 =	vmul.f32 $8.000000000e+00, v43;
	v46 =	vor.u32 v7, v36;
	v59 =	vadd.s32 v19, v35;
	v60 =	vld.idx.msk [tilespmem:v57+s18+$0x0], $0xffff  }
0x841: {  	v53 =	vor.u32 v7, v48;
	v61 =	vadd.s32 v19, v50;
	v51 =	vadd.s32 v8, v59  }
0x842: {  	v63 =	vadd.s32 v19, v54;
	v55 =	vadd.s32 v8, v61;
	v62 =	vor.u32 v7, v38  }
0x843: {  	v47 =	vmul.f32 $8.000000000e+00, v47;
	v57 =	vadd.s32 v8, v63  }
0x844: {  	[tilespmem:v45+s28+$0x0] =	vst.idx.msk $0xffff, v43;
	v59 =	vmul.f32 $8.000000000e+00, v49  }
0x845: {  	[tilespmem:v46+s28+$0x0] =	vst.idx.msk $0xffff, v47;
	v60 =	vmul.f32 $8.000000000e+00, v60  }
0x846: {  	v46 =	vld.idx.msk [tilespmem:v51+s18+$0x0], $0xffff;
	[tilespmem:v53+s28+$0x0] =	vst.idx.msk $0xffff, v59  }
0x847: {  	v43 =	vld.idx.msk [tilespmem:v55+s18+$0x0], $0xffff;
	[tilespmem:v62+s28+$0x0] =	vst.idx.msk $0xffff, v60  }
0x848: {  	v47 =	vor.u32 v9, v36;
	v61 =	vadd.s32 v18, v35;
	v51 =	vld.idx.msk [tilespmem:v57+s18+$0x0], $0xffff  }
0x849: {  	v44 =	vld.idx.msk [tilespmem:v44+s18+$0x0], $0xffff;
	v52 =	vor.u32 v9, v48;
	v49 =	vadd.s32 v10, v61;
	v62 =	vadd.s32 v18, v50  }
0x84a: {  	v63 =	vor.u32 v9, v38;
	v60 =	vadd.s32 v18, v54;
	v53 =	vadd.s32 v10, v62  }
0x84b: {  	v45 =	vor.u32 v3, v41;
	v46 =	vmul.f32 $8.000000000e+00, v46;
	v56 =	vadd.s32 v10, v60  }
0x84c: {  	v61 =	vadd.s32 v21, v40;
	v43 =	vmul.f32 $8.000000000e+00, v43  }
0x84d: {  	v57 =	vadd.s32 v4, v61;
	[tilespmem:v47+s28+$0x0] =	vst.idx.msk $0xffff, v46;
	v62 =	vmul.f32 $8.000000000e+00, v51  }
0x84e: {  	v44 =	vmul.f32 $8.000000000e+00, v44;
	v47 =	vld.idx.msk [tilespmem:v49+s18+$0x0], $0xffff;
	[tilespmem:v52+s28+$0x0] =	vst.idx.msk $0xffff, v43  }
0x84f: {  	v43 =	vld.idx.msk [tilespmem:v53+s18+$0x0], $0xffff;
	[tilespmem:v63+s28+$0x0] =	vst.idx.msk $0xffff, v62  }
0x850: {  	[tilespmem:v45+s28+$0x0] =	vst.idx.msk $0xffff, v44;
	v58 =	vadd.s32 v17, v35;
	v63 =	vor.u32 v11, v36;
	v46 =	vld.idx.msk [tilespmem:v56+s18+$0x0], $0xffff  }
0x851: {  	v45 =	vadd.s32 v12, v58;
	v59 =	vadd.s32 v17, v50;
	v51 =	vor.u32 v11, v48  }
0x852: {  	v60 =	vadd.s32 v17, v54;
	v49 =	vld.idx.msk [tilespmem:v57+s18+$0x0], $0xffff;
	v52 =	vadd.s32 v12, v59;
	v53 =	vor.u32 v11, v38  }
0x853: {  	v55 =	vadd.s32 v12, v60;
	v47 =	vmul.f32 $8.000000000e+00, v47  }
0x854: {  	v61 =	vor.u32 v5, v41;
	v62 =	vadd.s32 v20, v40;
	v43 =	vmul.f32 $8.000000000e+00, v43  }
0x855: {  	[tilespmem:v63+s28+$0x0] =	vst.idx.msk $0xffff, v47;
	v63 =	vadd.s32 v6, v62;
	v46 =	vmul.f32 $8.000000000e+00, v46  }
0x856: {  	v45 =	vld.idx.msk [tilespmem:v45+s18+$0x0], $0xffff;
	[tilespmem:v51+s28+$0x0] =	vst.idx.msk $0xffff, v43  }
0x857: {  	v58 =	vadd.s32 v16, v35;
	v49 =	vmul.f32 $8.000000000e+00, v49;
	v43 =	vld.idx.msk [tilespmem:v52+s18+$0x0], $0xffff;
	[tilespmem:v53+s28+$0x0] =	vst.idx.msk $0xffff, v46  }
0x858: {  	v35 =	vadd.s32 v14, v58;
	v57 =	vor.u32 v13, v36;
	v59 =	vld.idx.msk [tilespmem:v55+s18+$0x0], $0xffff  }
0x859: {  	v50 =	vadd.s32 v16, v50;
	v60 =	vor.u32 v13, v48;
	[tilespmem:v61+s28+$0x0] =	vst.idx.msk $0xffff, v49  }
0x85a: {  	v50 =	vadd.s32 v14, v50;
	v61 =	vor.u32 v13, v38;
	v62 =	vadd.s32 v16, v54;
	v44 =	vld.idx.msk [tilespmem:v63+s18+$0x0], $0xffff  }
0x85b: {  	v52 =	vadd.s32 v14, v62;
	v45 =	vmul.f32 $8.000000000e+00, v45  }
0x85c: {  	v53 =	vor.u32 v7, v41;
	v43 =	vmul.f32 $8.000000000e+00, v43  }
0x85d: {  	v42 =	vmul.f32 $8.000000000e+00, v42;
	v33 =	vor.u32 $0x20, v33;
	[tilespmem:v57+s28+$0x0] =	vst.idx.msk $0xffff, v45;
	v57 =	vmul.f32 $8.000000000e+00, v59  }
0x85e: {  	v56 =	vor.u32 v13, v31;
	v63 =	vadd.s32 v19, v40;
	v46 =	vld.idx.msk [tilespmem:v35+s18+$0x0], $0xffff;
	[tilespmem:v60+s28+$0x0] =	vst.idx.msk $0xffff, v43  }
0x85f: {  	v54 =	vadd.s32 v8, v63;
	v35 =	vor.u32 $0x20, v30;
	v58 =	vmul.f32 $8.000000000e+00, v44;
	v60 =	vld.idx.msk [tilespmem:v50+s18+$0x0], $0xffff;
	[tilespmem:v61+s28+$0x0] =	vst.idx.msk $0xffff, v57  }
0x860: {  	v63 =	vor.u32 v15, v48;
	v59 =	vadd.s32 v23, v35;
	v61 =	vor.u32 v15, v36;
	v62 =	vld.idx.msk [tilespmem:v52+s18+$0x0], $0xffff  }
0x861: {  	v43 =	vadd.s32 v1, v59;
	v36 =	vor.u32 $0x20, v39;
	[tilespmem:v53+s28+$0x0] =	vst.idx.msk $0xffff, v58;
	v53 =	vadd.s32 v23, v33  }
0x862: {  	v38 =	vor.u32 v15, v38;
	v55 =	vadd.s32 v23, v36;
	v48 =	vadd.s32 v1, v53  }
0x863: {  	v49 =	vadd.s32 v1, v55;
	v46 =	vmul.f32 $8.000000000e+00, v46  }
0x864: {  	v32 =	vadd.s32 v16, v32;
	[tilespmem:v56+s28+$0x0] =	vst.idx.msk $0xffff, v42;
	v44 =	vmul.f32 $8.000000000e+00, v60  }
0x865: {  	v57 =	vadd.s32 v14, v32;
	[tilespmem:v61+s28+$0x0] =	vst.idx.msk $0xffff, v46;
	v58 =	vmul.f32 $8.000000000e+00, v62  }
0x866: {  	v56 =	vadd.s32 v22, v33;
	v43 =	vld.idx.msk [tilespmem:v43+s18+$0x0], $0xffff;
	[tilespmem:v63+s28+$0x0] =	vst.idx.msk $0xffff, v44  }
0x867: {  	v45 =	vor.u32 v9, v41;
	v39 =	vshll.u32 v35, $0x7;
	v60 =	vld.idx.msk [tilespmem:v48+s18+$0x0], $0xffff;
	[tilespmem:v38+s28+$0x0] =	vst.idx.msk $0xffff, v58  }
0x868: {  	v59 =	vadd.s32 v22, v35;
	v32 =	vshll.u32 v33, $0x7;
	v61 =	vor.u32 v0, v39;
	v62 =	vld.idx.msk [tilespmem:v49+s18+$0x0], $0xffff  }
0x869: {  	v54 =	vld.idx.msk [tilespmem:v54+s18+$0x0], $0xffff;
	v44 =	vadd.s32 v2, v59;
	v63 =	vor.u32 v0, v32;
	v38 =	vshll.u32 v36, $0x7  }
0x86a: {  	v50 =	vld.idx.msk [tilespmem:v57+s18+$0x0], $0xffff;
	v58 =	vadd.s32 v22, v36;
	v49 =	vadd.s32 v2, v56;
	v57 =	vor.u32 v0, v38  }
0x86b: {  	v59 =	vadd.s32 v18, v40;
	v52 =	vadd.s32 v2, v58;
	v43 =	vmul.f32 $8.000000000e+00, v43  }
0x86c: {  	v53 =	vadd.s32 v10, v59;
	v60 =	vmul.f32 $8.000000000e+00, v60  }
0x86d: {  	[tilespmem:v61+s28+$0x0] =	vst.idx.msk $0xffff, v43;
	v61 =	vmul.f32 $8.000000000e+00, v62  }
0x86e: {  	v30 =	vmul.f32 $8.000000000e+00, v54;
	v44 =	vld.idx.msk [tilespmem:v44+s18+$0x0], $0xffff;
	[tilespmem:v63+s28+$0x0] =	vst.idx.msk $0xffff, v60  }
0x86f: {  	v55 =	vadd.s32 v21, v35;
	v62 =	vor.u32 v15, v31;
	v42 =	vld.idx.msk [tilespmem:v49+s18+$0x0], $0xffff;
	[tilespmem:v57+s28+$0x0] =	vst.idx.msk $0xffff, v61  }
0x870: {  	v46 =	vadd.s32 v4, v55;
	[tilespmem:v45+s28+$0x0] =	vst.idx.msk $0xffff, v30;
	v45 =	vor.u32 v3, v39;
	v47 =	vld.idx.msk [tilespmem:v52+s18+$0x0], $0xffff  }
0x871: {  	v56 =	vadd.s32 v21, v33;
	v58 =	vadd.s32 v21, v36;
	v48 =	vld.idx.msk [tilespmem:v53+s18+$0x0], $0xffff;
	v49 =	vor.u32 v3, v32  }
0x872: {  	v63 =	vmul.f32 $8.000000000e+00, v50;
	v50 =	vadd.s32 v4, v56;
	v57 =	vor.u32 v3, v38  }
0x873: {  	v43 =	vor.u32 v11, v41;
	v52 =	vadd.s32 v4, v58;
	v44 =	vmul.f32 $8.000000000e+00, v44  }
0x874: {  	v27 =	vor.u32 $0x30, v27;
	v59 =	vadd.s32 v17, v40;
	[tilespmem:v62+s28+$0x0] =	vst.idx.msk $0xffff, v63;
	v62 =	vmul.f32 $8.000000000e+00, v42  }
0x875: {  	v60 =	vadd.s32 v23, v27;
	v61 =	vadd.s32 v12, v59;
	[tilespmem:v45+s28+$0x0] =	vst.idx.msk $0xffff, v44;
	v53 =	vmul.f32 $8.000000000e+00, v47  }
0x876: {  	v54 =	vmul.f32 $8.000000000e+00, v48;
	v63 =	vadd.s32 v1, v60;
	v46 =	vld.idx.msk [tilespmem:v46+s18+$0x0], $0xffff;
	[tilespmem:v49+s28+$0x0] =	vst.idx.msk $0xffff, v62  }
0x877: {  	v31 =	vld.idx.msk [tilespmem:v50+s18+$0x0], $0xffff;
	[tilespmem:v57+s28+$0x0] =	vst.idx.msk $0xffff, v53  }
0x878: {  	v55 =	vadd.s32 v20, v35;
	[tilespmem:v43+s28+$0x0] =	vst.idx.msk $0xffff, v54;
	v43 =	vor.u32 v5, v39;
	v56 =	vld.idx.msk [tilespmem:v52+s18+$0x0], $0xffff  }
0x879: {  	v48 =	vor.u32 v5, v32;
	v58 =	vadd.s32 v20, v33;
	v44 =	vadd.s32 v6, v55  }
0x87a: {  	v59 =	vadd.s32 v6, v58;
	v60 =	vor.u32 v5, v38;
	v57 =	vld.idx.msk [tilespmem:v61+s18+$0x0], $0xffff;
	v61 =	vadd.s32 v20, v36  }
0x87b: {  	v42 =	vld.idx.msk [tilespmem:v63+s18+$0x0], $0xffff;
	v63 =	vadd.s32 v6, v61;
	v46 =	vmul.f32 $8.000000000e+00, v46  }
0x87c: {  	v62 =	vor.u32 v13, v41;
	v31 =	vmul.f32 $8.000000000e+00, v31  }
0x87d: {  	[tilespmem:v43+s28+$0x0] =	vst.idx.msk $0xffff, v46;
	v56 =	vmul.f32 $8.000000000e+00, v56  }
0x87e: {  	v55 =	vadd.s32 v16, v40;
	v44 =	vld.idx.msk [tilespmem:v44+s18+$0x0], $0xffff;
	[tilespmem:v48+s28+$0x0] =	vst.idx.msk $0xffff, v31  }
0x87f: {  	v40 =	vadd.s32 v14, v55;
	v57 =	vmul.f32 $8.000000000e+00, v57;
	v58 =	vld.idx.msk [tilespmem:v59+s18+$0x0], $0xffff;
	[tilespmem:v60+s28+$0x0] =	vst.idx.msk $0xffff, v56  }
0x880: {  	v61 =	vor.u32 v7, v32;
	v43 =	vor.u32 v7, v39;
	v59 =	vadd.s32 v19, v35;
	v60 =	vld.idx.msk [tilespmem:v63+s18+$0x0], $0xffff  }
0x881: {  	[tilespmem:v62+s28+$0x0] =	vst.idx.msk $0xffff, v57;
	v62 =	vadd.s32 v19, v33;
	v45 =	vadd.s32 v8, v59  }
0x882: {  	v49 =	vadd.s32 v8, v62;
	v56 =	vadd.s32 v19, v36;
	v63 =	vor.u32 v7, v38  }
0x883: {  	v30 =	vshll.u32 v27, $0x7;
	v51 =	vadd.s32 v8, v56;
	v44 =	vmul.f32 $8.000000000e+00, v44  }
0x884: {  	v31 =	vor.u32 v0, v30;
	v58 =	vmul.f32 $8.000000000e+00, v58  }
0x885: {  	v57 =	vadd.s32 v22, v27;
	v40 =	vld.idx.msk [tilespmem:v40+s18+$0x0], $0xffff;
	[tilespmem:v43+s28+$0x0] =	vst.idx.msk $0xffff, v44;
	v60 =	vmul.f32 $8.000000000e+00, v60  }
0x886: {  	v55 =	vor.u32 v9, v32;
	v59 =	vadd.s32 v2, v57;
	v44 =	vld.idx.msk [tilespmem:v45+s18+$0x0], $0xffff;
	[tilespmem:v61+s28+$0x0] =	vst.idx.msk $0xffff, v58  }
0x887: {  	v53 =	vadd.s32 v18, v35;
	v61 =	vor.u32 v15, v41;
	v62 =	vld.idx.msk [tilespmem:v49+s18+$0x0], $0xffff;
	[tilespmem:v63+s28+$0x0] =	vst.idx.msk $0xffff, v60  }
0x888: {  	v42 =	vmul.f32 $8.000000000e+00, v42;
	v56 =	vadd.s32 v18, v33;
	v63 =	vor.u32 v9, v39;
	v54 =	vld.idx.msk [tilespmem:v51+s18+$0x0], $0xffff  }
0x889: {  	v57 =	vor.u32 v9, v38;
	v48 =	vadd.s32 v10, v56;
	v45 =	vadd.s32 v10, v53  }
0x88a: {  	[tilespmem:v31+s28+$0x0] =	vst.idx.msk $0xffff, v42;
	v31 =	vor.u32 $0x30, v25;
	v40 =	vmul.f32 $8.000000000e+00, v40;
	v58 =	vadd.s32 v18, v36  }
0x88b: {  	v42 =	vld.idx.msk [tilespmem:v59+s18+$0x0], $0xffff;
	v59 =	vadd.s32 v23, v31;
	v50 =	vadd.s32 v10, v58;
	v44 =	vmul.f32 $8.000000000e+00, v44  }
0x88c: {  	v51 =	vadd.s32 v1, v59;
	[tilespmem:v61+s28+$0x0] =	vst.idx.msk $0xffff, v40;
	v60 =	vmul.f32 $8.000000000e+00, v62  }
0x88d: {  	[tilespmem:v63+s28+$0x0] =	vst.idx.msk $0xffff, v44;
	v61 =	vmul.f32 $8.000000000e+00, v54  }
0x88e: {  	v43 =	vld.idx.msk [tilespmem:v45+s18+$0x0], $0xffff;
	[tilespmem:v55+s28+$0x0] =	vst.idx.msk $0xffff, v60  }
0x88f: {  	v41 =	vor.u32 v3, v30;
	v63 =	vld.idx.msk [tilespmem:v48+s18+$0x0], $0xffff;
	[tilespmem:v57+s28+$0x0] =	vst.idx.msk $0xffff, v61  }
0x890: {  	v58 =	vadd.s32 v17, v33;
	v40 =	vor.u32 v11, v39;
	v55 =	vadd.s32 v17, v35;
	v47 =	vld.idx.msk [tilespmem:v50+s18+$0x0], $0xffff  }
0x891: {  	v59 =	vor.u32 v11, v38;
	v56 =	vld.idx.msk [tilespmem:v51+s18+$0x0], $0xffff;
	v46 =	vadd.s32 v12, v55;
	v57 =	vor.u32 v11, v32  }
0x892: {  	v42 =	vmul.f32 $8.000000000e+00, v42;
	v60 =	vadd.s32 v17, v36;
	v50 =	vadd.s32 v12, v58  }
0x893: {  	v52 =	vadd.s32 v12, v60;
	v43 =	vmul.f32 $8.000000000e+00, v43  }
0x894: {  	[tilespmem:v41+s28+$0x0] =	vst.idx.msk $0xffff, v42;
	v63 =	vmul.f32 $8.000000000e+00, v63  }
0x895: {  	v62 =	vadd.s32 v21, v27;
	[tilespmem:v40+s28+$0x0] =	vst.idx.msk $0xffff, v43;
	v54 =	vmul.f32 $8.000000000e+00, v47  }
0x896: {  	v25 =	vshll.u32 v31, $0x7;
	v44 =	vadd.s32 v4, v62;
	v55 =	vmul.f32 $8.000000000e+00, v56;
	v56 =	vld.idx.msk [tilespmem:v46+s18+$0x0], $0xffff;
	[tilespmem:v57+s28+$0x0] =	vst.idx.msk $0xffff, v63  }
0x897: {  	v61 =	vor.u32 v0, v25;
	v42 =	vld.idx.msk [tilespmem:v50+s18+$0x0], $0xffff;
	[tilespmem:v59+s28+$0x0] =	vst.idx.msk $0xffff, v54  }
0x898: {  	v35 =	vadd.s32 v16, v35;
	v57 =	vor.u32 v13, v39;
	v58 =	vld.idx.msk [tilespmem:v52+s18+$0x0], $0xffff  }
0x899: {  	v33 =	vadd.s32 v16, v33;
	v35 =	vadd.s32 v14, v35;
	v59 =	vor.u32 v13, v32  }
0x89a: {  	v33 =	vadd.s32 v14, v33;
	v36 =	vadd.s32 v16, v36;
	v60 =	vor.u32 v13, v38  }
0x89b: {  	v36 =	vadd.s32 v14, v36;
	v44 =	vld.idx.msk [tilespmem:v44+s18+$0x0], $0xffff;
	v45 =	vmul.f32 $8.000000000e+00, v56  }
0x89c: {  	v28 =	vor.u32 $0x30, v28;
	v62 =	vadd.s32 v22, v31;
	[tilespmem:v61+s28+$0x0] =	vst.idx.msk $0xffff, v55;
	v42 =	vmul.f32 $8.000000000e+00, v42  }
0x89d: {  	v29 =	vor.u32 $0x30, v29;
	v41 =	vadd.s32 v2, v62;
	[tilespmem:v57+s28+$0x0] =	vst.idx.msk $0xffff, v45;
	v63 =	vmul.f32 $8.000000000e+00, v58  }
0x89e: {  	v62 =	vadd.s32 v20, v27;
	v61 =	vor.u32 v5, v30;
	v35 =	vld.idx.msk [tilespmem:v35+s18+$0x0], $0xffff;
	[tilespmem:v59+s28+$0x0] =	vst.idx.msk $0xffff, v42  }
0x89f: {  	v49 =	vadd.s32 v6, v62;
	v55 =	vor.u32 v15, v32;
	v33 =	vld.idx.msk [tilespmem:v33+s18+$0x0], $0xffff;
	[tilespmem:v60+s28+$0x0] =	vst.idx.msk $0xffff, v63  }
0x8a0: {  	v39 =	vor.u32 v15, v39;
	v51 =	vmul.f32 $8.000000000e+00, v44;
	v52 =	vadd.s32 v23, v28;
	v36 =	vld.idx.msk [tilespmem:v36+s18+$0x0], $0xffff  }
0x8a1: {  	v54 =	vadd.s32 v23, v29;
	v32 =	vor.u32 $0x30, v34;
	v53 =	vadd.s32 v1, v52  }
0x8a2: {  	v38 =	vor.u32 v15, v38;
	v41 =	vld.idx.msk [tilespmem:v41+s18+$0x0], $0xffff;
	v57 =	vadd.s32 v23, v32;
	v42 =	vadd.s32 v1, v54  }
0x8a3: {  	[tilespmem:v61+s28+$0x0] =	vst.idx.msk $0xffff, v51;
	v59 =	vadd.s32 v1, v57;
	v35 =	vmul.f32 $8.000000000e+00, v35  }
0x8a4: {  	v50 =	vor.u32 v3, v25;
	v56 =	vld.idx.msk [tilespmem:v49+s18+$0x0], $0xffff;
	v58 =	vadd.s32 v21, v31;
	v60 =	vmul.f32 $8.000000000e+00, v33  }
0x8a5: {  	v45 =	vadd.s32 v4, v58;
	[tilespmem:v39+s28+$0x0] =	vst.idx.msk $0xffff, v35;
	v61 =	vmul.f32 $8.000000000e+00, v36  }
0x8a6: {  	v34 =	vshll.u32 v32, $0x7;
	v51 =	vadd.s32 v22, v28;
	v62 =	vld.idx.msk [tilespmem:v53+s18+$0x0], $0xffff;
	[tilespmem:v55+s28+$0x0] =	vst.idx.msk $0xffff, v60  }
0x8a7: {  	v41 =	vmul.f32 $8.000000000e+00, v41;
	v23 =	vshll.u32 v28, $0x7;
	v35 =	vor.u32 v7, v30;
	v52 =	vld.idx.msk [tilespmem:v42+s18+$0x0], $0xffff;
	[tilespmem:v38+s28+$0x0] =	vst.idx.msk $0xffff, v61  }
0x8a8: {  	v54 =	vadd.s32 v2, v51;
	v33 =	vshll.u32 v29, $0x7;
	v53 =	vor.u32 v0, v23;
	v55 =	vld.idx.msk [tilespmem:v59+s18+$0x0], $0xffff  }
0x8a9: {  	[tilespmem:v50+s28+$0x0] =	vst.idx.msk $0xffff, v41;
	v57 =	vadd.s32 v22, v29;
	v63 =	vmul.f32 $8.000000000e+00, v56;
	v56 =	vor.u32 v0, v33  }
0x8aa: {  	v58 =	vor.u32 v0, v34;
	v43 =	vld.idx.msk [tilespmem:v45+s18+$0x0], $0xffff;
	v45 =	vadd.s32 v2, v57;
	v59 =	vadd.s32 v22, v32  }
0x8ab: {  	v22 =	vadd.s32 v2, v59;
	v36 =	vmul.f32 $8.000000000e+00, v62  }
0x8ac: {  	[tilespmem:v35+s28+$0x0] =	vst.idx.msk $0xffff, v63;
	v62 =	vmul.f32 $8.000000000e+00, v52  }
0x8ad: {  	v48 =	vadd.s32 v20, v31;
	[tilespmem:v53+s28+$0x0] =	vst.idx.msk $0xffff, v36;
	v49 =	vmul.f32 $8.000000000e+00, v55  }
0x8ae: {  	v50 =	vadd.s32 v6, v48;
	v60 =	vor.u32 v5, v25;
	v41 =	vld.idx.msk [tilespmem:v54+s18+$0x0], $0xffff;
	[tilespmem:v56+s28+$0x0] =	vst.idx.msk $0xffff, v62  }
0x8af: {  	v57 =	vadd.s32 v21, v29;
	v61 =	vadd.s32 v19, v27;
	v53 =	vld.idx.msk [tilespmem:v45+s18+$0x0], $0xffff;
	[tilespmem:v58+s28+$0x0] =	vst.idx.msk $0xffff, v49  }
0x8b0: {  	v63 =	vadd.s32 v8, v61;
	v54 =	vor.u32 v3, v23;
	v55 =	vadd.s32 v21, v28;
	v22 =	vld.idx.msk [tilespmem:v22+s18+$0x0], $0xffff  }
0x8b1: {  	v51 =	vmul.f32 $8.000000000e+00, v43;
	v56 =	vor.u32 v3, v33;
	v40 =	vadd.s32 v4, v55  }
0x8b2: {  	v44 =	vadd.s32 v4, v57;
	v59 =	vadd.s32 v21, v32;
	v58 =	vor.u32 v3, v34  }
0x8b3: {  	[tilespmem:v60+s28+$0x0] =	vst.idx.msk $0xffff, v51;
	v52 =	vor.u32 v9, v26;
	v21 =	vadd.s32 v4, v59;
	v41 =	vmul.f32 $8.000000000e+00, v41  }
0x8b4: {  	v57 =	vadd.s32 v20, v32;
	v38 =	vld.idx.msk [tilespmem:v50+s18+$0x0], $0xffff;
	v61 =	vmul.f32 $8.000000000e+00, v53  }
0x8b5: {  	v37 =	vmul.f32 $8.000000000e+00, v37;
	v60 =	vadd.s32 v18, v24;
	v39 =	vld.idx.msk [tilespmem:v63+s18+$0x0], $0xffff;
	[tilespmem:v54+s28+$0x0] =	vst.idx.msk $0xffff, v41;
	v22 =	vmul.f32 $8.000000000e+00, v22  }
0x8b6: {  	v62 =	vadd.s32 v10, v60;
	v49 =	vor.u32 v7, v25;
	v40 =	vld.idx.msk [tilespmem:v40+s18+$0x0], $0xffff;
	[tilespmem:v56+s28+$0x0] =	vst.idx.msk $0xffff, v61  }
0x8b7: {  	v63 =	vor.u32 v9, v30;
	v55 =	vadd.s32 v20, v29;
	v50 =	vld.idx.msk [tilespmem:v44+s18+$0x0], $0xffff;
	[tilespmem:v58+s28+$0x0] =	vst.idx.msk $0xffff, v22  }
0x8b8: {  	[tilespmem:v52+s28+$0x0] =	vst.idx.msk $0xffff, v37;
	v52 =	vor.u32 v5, v23;
	v53 =	vadd.s32 v20, v28;
	v21 =	vld.idx.msk [tilespmem:v21+s18+$0x0], $0xffff  }
0x8b9: {  	v51 =	vmul.f32 $8.000000000e+00, v38;
	v42 =	vadd.s32 v6, v53;
	v54 =	vor.u32 v5, v33  }
0x8ba: {  	v48 =	vmul.f32 $8.000000000e+00, v39;
	v56 =	vor.u32 v5, v34;
	v44 =	vadd.s32 v6, v55  }
0x8bb: {  	v20 =	vadd.s32 v6, v57;
	[tilespmem:v49+s28+$0x0] =	vst.idx.msk $0xffff, v51;
	v59 =	vmul.f32 $8.000000000e+00, v40  }
0x8bc: {  	v47 =	vadd.s32 v18, v28;
	v46 =	vor.u32 v13, v30;
	[tilespmem:v63+s28+$0x0] =	vst.idx.msk $0xffff, v48;
	v61 =	vmul.f32 $8.000000000e+00, v50  }
0x8bd: {  	v60 =	vadd.s32 v18, v27;
	v37 =	vld.idx.msk [tilespmem:v62+s18+$0x0], $0xffff;
	[tilespmem:v52+s28+$0x0] =	vst.idx.msk $0xffff, v59;
	v21 =	vmul.f32 $8.000000000e+00, v21  }
0x8be: {  	v62 =	vadd.s32 v10, v60;
	v58 =	vadd.s32 v19, v31;
	v36 =	vld.idx.msk [tilespmem:v42+s18+$0x0], $0xffff;
	[tilespmem:v54+s28+$0x0] =	vst.idx.msk $0xffff, v61  }
0x8bf: {  	v63 =	vor.u32 v11, v26;
	v35 =	vadd.s32 v8, v58;
	v48 =	vld.idx.msk [tilespmem:v44+s18+$0x0], $0xffff;
	[tilespmem:v56+s28+$0x0] =	vst.idx.msk $0xffff, v21  }
0x8c0: {  	v51 =	vadd.s32 v19, v28;
	v53 =	vadd.s32 v19, v29;
	v50 =	vor.u32 v7, v23;
	v20 =	vld.idx.msk [tilespmem:v20+s18+$0x0], $0xffff  }
0x8c1: {  	v41 =	vadd.s32 v8, v51;
	v43 =	vadd.s32 v8, v53;
	v52 =	vor.u32 v7, v33  }
0x8c2: {  	v55 =	vadd.s32 v19, v32;
	v37 =	vmul.f32 $8.000000000e+00, v37;
	v54 =	vor.u32 v7, v34  }
0x8c3: {  	v60 =	vadd.s32 v17, v27;
	v19 =	vadd.s32 v8, v55;
	v36 =	vmul.f32 $8.000000000e+00, v36  }
0x8c4: {  	v57 =	vadd.s32 v17, v24;
	[tilespmem:v63+s28+$0x0] =	vst.idx.msk $0xffff, v37;
	v35 =	vld.idx.msk [tilespmem:v35+s18+$0x0], $0xffff;
	v58 =	vmul.f32 $8.000000000e+00, v48  }
0x8c5: {  	v49 =	vadd.s32 v18, v31;
	v39 =	vld.idx.msk [tilespmem:v62+s18+$0x0], $0xffff;
	[tilespmem:v50+s28+$0x0] =	vst.idx.msk $0xffff, v36;
	v20 =	vmul.f32 $8.000000000e+00, v20  }
0x8c6: {  	v51 =	vadd.s32 v18, v32;
	v56 =	vor.u32 v9, v25;
	v61 =	vld.idx.msk [tilespmem:v41+s18+$0x0], $0xffff;
	[tilespmem:v52+s28+$0x0] =	vst.idx.msk $0xffff, v58  }
0x8c7: {  	v62 =	vor.u32 v11, v30;
	v21 =	vadd.s32 v10, v49;
	v63 =	vld.idx.msk [tilespmem:v43+s18+$0x0], $0xffff;
	[tilespmem:v54+s28+$0x0] =	vst.idx.msk $0xffff, v20  }
0x8c8: {  	v59 =	vadd.s32 v12, v57;
	v49 =	vadd.s32 v18, v29;
	v48 =	vor.u32 v9, v23;
	v19 =	vld.idx.msk [tilespmem:v19+s18+$0x0], $0xffff  }
0x8c9: {  	v35 =	vmul.f32 $8.000000000e+00, v35;
	v50 =	vor.u32 v9, v33;
	v20 =	vadd.s32 v10, v47  }
0x8ca: {  	v39 =	vmul.f32 $8.000000000e+00, v39;
	v41 =	vadd.s32 v10, v49;
	v52 =	vor.u32 v9, v34  }
0x8cb: {  	v53 =	vor.u32 v11, v25;
	v18 =	vadd.s32 v10, v51;
	[tilespmem:v56+s28+$0x0] =	vst.idx.msk $0xffff, v35;
	v38 =	vmul.f32 $8.000000000e+00, v61  }
0x8cc: {  	v55 =	vadd.s32 v17, v31;
	[tilespmem:v62+s28+$0x0] =	vst.idx.msk $0xffff, v39;
	v21 =	vld.idx.msk [tilespmem:v21+s18+$0x0], $0xffff;
	v54 =	vmul.f32 $8.000000000e+00, v63  }
0x8cd: {  	v57 =	vor.u32 v13, v26;
	v37 =	vld.idx.msk [tilespmem:v59+s18+$0x0], $0xffff;
	[tilespmem:v48+s28+$0x0] =	vst.idx.msk $0xffff, v38;
	v19 =	vmul.f32 $8.000000000e+00, v19  }
0x8ce: {  	v62 =	vor.u32 v11, v33;
	v44 =	vadd.s32 v16, v27;
	v20 =	vld.idx.msk [tilespmem:v20+s18+$0x0], $0xffff;
	[tilespmem:v50+s28+$0x0] =	vst.idx.msk $0xffff, v54  }
0x8cf: {  	v22 =	vadd.s32 v14, v44;
	v36 =	vadd.s32 v12, v60;
	v58 =	vld.idx.msk [tilespmem:v41+s18+$0x0], $0xffff;
	[tilespmem:v52+s28+$0x0] =	vst.idx.msk $0xffff, v19  }
0x8d0: {  	v59 =	vadd.s32 v17, v28;
	v56 =	vadd.s32 v12, v55;
	v60 =	vor.u32 v11, v23;
	v18 =	vld.idx.msk [tilespmem:v18+s18+$0x0], $0xffff  }
0x8d1: {  	v21 =	vmul.f32 $8.000000000e+00, v21;
	v61 =	vadd.s32 v17, v29;
	v19 =	vadd.s32 v12, v59  }
0x8d2: {  	v17 =	vadd.s32 v17, v32;
	v39 =	vadd.s32 v12, v61;
	v63 =	vor.u32 v11, v34  }
0x8d3: {  	v28 =	vadd.s32 v16, v28;
	v17 =	vadd.s32 v12, v17;
	v20 =	vmul.f32 $8.000000000e+00, v20  }
0x8d4: {  	v28 =	vadd.s32 v14, v28;
	v36 =	vld.idx.msk [tilespmem:v36+s18+$0x0], $0xffff;
	[tilespmem:v53+s28+$0x0] =	vst.idx.msk $0xffff, v21;
	v45 =	vmul.f32 $8.000000000e+00, v58  }
0x8d5: {  	v43 =	vadd.s32 v16, v24;
	v35 =	vld.idx.msk [tilespmem:v56+s18+$0x0], $0xffff;
	[tilespmem:v60+s28+$0x0] =	vst.idx.msk $0xffff, v20;
	v18 =	vmul.f32 $8.000000000e+00, v18  }
0x8d6: {  	v49 =	vor.u32 v13, v25;
	v24 =	vadd.s32 v14, v43;
	v19 =	vld.idx.msk [tilespmem:v19+s18+$0x0], $0xffff;
	[tilespmem:v62+s28+$0x0] =	vst.idx.msk $0xffff, v45  }
0x8d7: {  	v37 =	vmul.f32 $8.000000000e+00, v37;
	v48 =	vadd.s32 v16, v31;
	v50 =	vld.idx.msk [tilespmem:v39+s18+$0x0], $0xffff;
	[tilespmem:v63+s28+$0x0] =	vst.idx.msk $0xffff, v18  }
0x8d8: {  	v29 =	vadd.s32 v16, v29;
	v21 =	vadd.s32 v14, v48;
	v52 =	vor.u32 v13, v23;
	v17 =	vld.idx.msk [tilespmem:v17+s18+$0x0], $0xffff  }
0x8d9: {  	v29 =	vadd.s32 v14, v29;
	v53 =	vor.u32 v13, v33;
	v47 =	vmul.f32 $8.000000000e+00, v36  }
0x8da: {  	[tilespmem:v57+s28+$0x0] =	vst.idx.msk $0xffff, v37;
	v16 =	vadd.s32 v16, v32;
	v54 =	vor.u32 v13, v34;
	v51 =	vmul.f32 $8.000000000e+00, v35  }
0x8db: {  	v24 =	vld.idx.msk [tilespmem:v24+s18+$0x0], $0xffff;
	v16 =	vadd.s32 v14, v16;
	[tilespmem:v46+s28+$0x0] =	vst.idx.msk $0xffff, v47;
	v19 =	vmul.f32 $8.000000000e+00, v19  }
0x8dc: {  	v20 =	vld.idx.msk [tilespmem:v22+s18+$0x0], $0xffff;
	[tilespmem:v49+s28+$0x0] =	vst.idx.msk $0xffff, v51;
	v55 =	vmul.f32 $8.000000000e+00, v50  }
0x8dd: {  	v56 =	vor.u32 v15, v26;
	v21 =	vld.idx.msk [tilespmem:v21+s18+$0x0], $0xffff;
	[tilespmem:v52+s28+$0x0] =	vst.idx.msk $0xffff, v19;
	v17 =	vmul.f32 $8.000000000e+00, v17  }
0x8de: {  	v57 =	vor.u32 v15, v30;
	v58 =	vld.idx.msk [tilespmem:v28+s18+$0x0], $0xffff;
	[tilespmem:v53+s28+$0x0] =	vst.idx.msk $0xffff, v55  }
0x8df: {  	v59 =	vor.u32 v15, v25;
	v60 =	vld.idx.msk [tilespmem:v29+s18+$0x0], $0xffff;
	[tilespmem:v54+s28+$0x0] =	vst.idx.msk $0xffff, v17  }
0x8e0: {  	v23 =	vor.u32 v15, v23;
	v17 =	vmul.f32 $8.000000000e+00, v24;
	v16 =	vld.idx.msk [tilespmem:v16+s18+$0x0], $0xffff  }
0x8e1: {  	v61 =	vor.u32 v15, v33;
	v20 =	vmul.f32 $8.000000000e+00, v20  }
0x8e2: {  	v62 =	vor.u32 v15, v34;
	[tilespmem:v56+s28+$0x0] =	vst.idx.msk $0xffff, v17;
	v17 =	vmul.f32 $8.000000000e+00, v21  }
0x8e3: {  	[tilespmem:v57+s28+$0x0] =	vst.idx.msk $0xffff, v20;
	v63 =	vmul.f32 $8.000000000e+00, v58  }
.Ltmp14:
0x8e4: {  	s6 =	sshll.u32 s6, $0x12;
	[tilespmem:v59+s28+$0x0] =	vst.idx.msk $0xffff, v17;
	v17 =	vmul.f32 $8.000000000e+00, v60;
	(pc) =	sbr.rel .LBB2_2-.Ltmp14, $4  }
0x8e5: {  	s6 =	sor.u32 s4, s6;
	[tilespmem:v23+s28+$0x0] =	vst.idx.msk $0xffff, v63;
	v16 =	vmul.f32 $8.000000000e+00, v16  }
0x8e6: {  	s6 =	sshrl.u32 s6, $0x3;
	[tilespmem:v61+s28+$0x0] =	vst.idx.msk $0xffff, v17  }
0x8e7: {  	s3 =	sadd.s32 $0x1, s3;
	s6 =	sadd.s32 s1, s6;
	[tilespmem:v62+s28+$0x0] =	vst.idx.msk $0xffff, v16  }
0x8e8: {  	[hbm4b:s6+s8] =	stream.strided.scatter [tilespmem:s28], [sflag:$0x6], $0x2000, s9, s8, $0x38;
	[tilespmem:$0x1E800] =	vst v63  }
.LBB2_25:
0x8e9: {  	_ =	sfence.sel $0x180000  }
0x8ea: {  	[bflag:$0x0] =	sbarrier.arrive $0xFFFF  }
0x8eb: {  	_ =	strace $0x90000047  }
0x8ec: {  	s0 =	stileid.u32;
	[bflag:$0x2] =	sbarrier.arrive $0xFFFF  }
0x8ed: {  	p0 =	sne.s32 s0, $0x0;
	s0 =	rddreg [dreg:$0x3]  }
0x8ee: {  	s0 =	sadd.s32 @!p0 $0x100000, s0  }
0x8ef: {  	[sflag:s0] =	ssyncadd.tile.s32 @!p0 $0x1;
	_ =	shalt  }
.Lfunc_end2:
_tile_overlayer_lowered:
.L_overlay_start_2:
0x8f0: {  	(tag) =	ssettag $0x2  }
0x8f1: {  	s0 =	rddreg [dreg:$0x0];
	s2 =	stileid.u32  }
0x8f2: {  	s1 =	rddreg [dreg:$0x1];
	p0 =	sne.s32 s2, $0x0  }
0x8f3: {  	s3 =	rddreg [dreg:$0x2];
	[bflag:$0x3] =	sbarrier.arrive $0xFFFF;
	s2 =	simm.s32 @!p0 $0x1C09  }
0x8f4: {  	[timem:s3], [sflag:s2] =	dma.local @!p0 [hbm:s0], s1  }
0x8f5: {  	s0 =	simm.s32 @!p0 $0x9  }
0x8f6: {  	_ =	swait.ge @!p0 [sflag:s0], s1  }
0x8f7: {  	s1 =	ssub.s32 @!p0 $0x0, s1;
	[sflag:s0] =	ssyncset.done @!p0 $0x0  }
0x8f8: {  	[sflag:s0] =	ssyncadd.s32 @!p0 s1  }
0x8f9: {  	[bflag:$0x3] =	sbarrier.arrive $0xFFFF  }
0x8fa: {  	_ =	shalt  }

</sc_bundles>
